<compile_context>
chip_gen: v7x
topology: tpu7x:2x2x1
jax: 0.10.2.dev20260603
libtpu: 0.0.44.dev20260713+nightly
codegen_flags: <defaults>
</compile_context>

<pallas_src>
import functools

import jax
import jax.numpy as jnp
from jax import lax
from jax.experimental import pallas as pl
from jax.experimental.pallas import tpu as pltpu
from jax.experimental.pallas import tpu_sc as plsc

_NUM_CORES = 2
_NUM_SUBCORES = 16
_NW = _NUM_CORES * _NUM_SUBCORES

_V = 1000000
_D = 32
_K = 512
_NCHUNK = _V // _K
_TAIL = _V - _NCHUNK * _K
_B = 16384
_C = 26
_BW = _B // _NW


def _mesh():
    return plsc.VectorSubcoreMesh(
        core_axis_name="c", subcore_axis_name="s", num_cores=_NUM_CORES
    )


def _wid():
    return lax.axis_index("s") * _NUM_CORES + lax.axis_index("c")


@functools.lru_cache(maxsize=None)
def _build_relayout():
    n_iter = (_NCHUNK + _NW - 1) // _NW
    assert n_iter % 2 == 0

    @functools.partial(
        pl.kernel,
        mesh=_mesh(),
        out_type=jax.ShapeDtypeStruct((_V * _D,), jnp.float32),
        scratch_types=[
            pltpu.VMEM((_D, _K), jnp.float32),
            pltpu.VMEM((_D, _K), jnp.float32),
            pltpu.VMEM((_D * _K,), jnp.float32),
            pltpu.VMEM((_D * _K,), jnp.float32),
            pltpu.VMEM((_D, _TAIL), jnp.float32),
            pltpu.SemaphoreType.DMA,
            pltpu.SemaphoreType.DMA,
            pltpu.SemaphoreType.DMA,
            pltpu.SemaphoreType.DMA,
        ],
        compiler_params=pltpu.CompilerParams(
            use_tc_tiling_on_sc=True, needs_layout_passes=False
        ),
    )
    def relayout(wt_hbm, wlin_hbm, src0_v, src1_v, dst0_v, dst1_v, tail_v, l0s, l1s, w0s, w1s):
        wid = _wid()
        iota = lax.iota(jnp.int32, 16)
        stride32 = iota * _D
        lsem = (l0s, l1s)
        wsem = (w0s, w1s)
        srcs = (src0_v, src1_v)
        dsts = (dst0_v, dst1_v)

        def chunk_of(k):
            return jnp.minimum(k * _NW + wid, _NCHUNK - 1)

        def start_load(k, b):
            pltpu.async_copy(
                wt_hbm.at[:, pl.ds(chunk_of(k) * _K, _K)], srcs[b], lsem[b]
            )

        def transpose(src, dst, n_lanes):
            def body(j, c2):
                f0 = jnp.bitwise_and(j, _D - 1)
                l0 = lax.shift_right_logical(j, 5) * 16
                f = jnp.bitwise_and(f0 + iota, _D - 1)
                l = l0 + iota
                v = plsc.load_gather(src, [f, l])
                plsc.store_scatter(dst, [l0 * _D + stride32 + f], v)
                return c2

            lax.fori_loop(0, _D * (n_lanes // 16), body, 0, unroll=16)

        start_load(0, 0)
        start_load(1, 1)

        def outer(t, carry):
            for b in range(2):
                k = 2 * t + b
                pltpu.make_async_copy(
                    wt_hbm.at[:, pl.ds(chunk_of(k) * _K, _K)],
                    srcs[b],
                    lsem[b],
                ).wait()

                @pl.when(k >= 2)
                def _drain():
                    pltpu.make_async_copy(
                        dsts[b],
                        wlin_hbm.at[pl.ds(chunk_of(k - 2) * _D * _K, _D * _K)],
                        wsem[b],
                    ).wait()

                transpose(srcs[b], dsts[b], _K)
                pltpu.async_copy(
                    dsts[b],
                    wlin_hbm.at[pl.ds(chunk_of(k) * _D * _K, _D * _K)],
                    wsem[b],
                )

                @pl.when(k + 2 < n_iter)
                def _next():
                    start_load(k + 2, b)

            return carry

        lax.fori_loop(0, n_iter // 2, outer, 0)
        for b in range(2):
            pltpu.make_async_copy(
                dsts[b],
                wlin_hbm.at[pl.ds(chunk_of(n_iter - 2 + b) * _D * _K, _D * _K)],
                wsem[b],
            ).wait()

        @pl.when(wid == 0)
        def _tail():
            base = _NCHUNK * _K
            pltpu.sync_copy(wt_hbm.at[:, pl.ds(base, _TAIL)], tail_v)
            transpose(tail_v, dst0_v, _TAIL)
            pltpu.sync_copy(
                dst0_v.at[pl.ds(0, _D * _TAIL)],
                wlin_hbm.at[pl.ds(base * _D, _D * _TAIL)],
            )

    return relayout


@functools.lru_cache(maxsize=None)
def _build_embed():
    assert _C % 2 == 0

    @functools.partial(
        pl.kernel,
        mesh=_mesh(),
        out_type=jax.ShapeDtypeStruct((_C * _D * _B,), jnp.float32),
        scratch_types=[
            pltpu.VMEM((_C, _BW), jnp.int32),
            pltpu.VMEM((_BW, _D), jnp.float32),
            pltpu.VMEM((_BW, _D), jnp.float32),
            pltpu.VMEM((_BW * _D,), jnp.float32),
            pltpu.VMEM((_BW * _D,), jnp.float32),
            pltpu.SemaphoreType.DMA,
            pltpu.SemaphoreType.DMA,
            pltpu.SemaphoreType.DMA,
            pltpu.SemaphoreType.DMA,
        ],
        compiler_params=pltpu.CompilerParams(
            use_tc_tiling_on_sc=False, needs_layout_passes=False
        ),
    )
    def embed(wlin_hbm, idx_hbm, out_hbm, idx_v, rows0_v, rows1_v, obuf0_v, obuf1_v, g0, g1, o0, o1):
        wid = _wid()
        iota = lax.iota(jnp.int32, 16)
        gsem = (g0, g1)
        osem = (o0, o1)
        rows = (rows0_v, rows1_v)
        obufs = (obuf0_v, obuf1_v)

        pltpu.sync_copy(idx_hbm.at[:, pl.ds(wid * _BW, _BW)], idx_v)

        def start_gather(c, b):
            pltpu.async_copy(wlin_hbm.at[idx_v.at[c]], rows[b], gsem[b])

        def store_out(c, b):
            for ft in range(4):
                pltpu.async_copy(
                    obufs[b].at[pl.ds(ft * 4096, 4096)],
                    out_hbm.at[
                        pl.ds(c * (_D * _B) + ft * (8 * _B) + wid * 4096, 4096)
                    ],
                    osem[b],
                )

        def drain_out(c, b):
            for ft in range(4):
                pltpu.make_async_copy(
                    obufs[b].at[pl.ds(ft * 4096, 4096)],
                    out_hbm.at[
                        pl.ds(c * (_D * _B) + ft * (8 * _B) + wid * 4096, 4096)
                    ],
                    osem[b],
                ).wait()

        start_gather(0, 0)
        start_gather(1, 1)

        def outer(t, carry):
            for b in range(2):
                c = 2 * t + b
                pltpu.make_async_copy(
                    wlin_hbm.at[idx_v.at[c]], rows[b], gsem[b]
                ).wait()

                @pl.when(c >= 2)
                def _drain():
                    drain_out(c - 2, b)

                def tr_body(j, c2):
                    f0 = jnp.bitwise_and(j, 31)
                    r0 = lax.shift_right_logical(j, 5) * 16
                    f = jnp.bitwise_and(f0 + iota, 31)
                    r = r0 + iota
                    v = plsc.load_gather(rows[b], [r, f])
                    rb = (
                        lax.shift_right_logical(r0, 7) * 1024
                        + jnp.bitwise_and(r0, 127)
                    )
                    dst = (
                        lax.shift_right_logical(f, 3) * 4096
                        + jnp.bitwise_and(f, 7) * 128
                        + rb
                        + iota
                    )
                    plsc.store_scatter(obufs[b], [dst], v)
                    return c2

                lax.fori_loop(0, (_BW * _D) // 16, tr_body, 0, unroll=16)
                store_out(c, b)

                @pl.when(c + 2 < _C)
                def _next():
                    start_gather(c + 2, b)

            return carry

        lax.fori_loop(0, _C // 2, outer, 0)
        for b in range(2):
            drain_out(_C - 2 + b, b)

    return embed


def kernel(x, W):
    w_t = W.T
    w_lin = _build_relayout()(w_t)
    idx2 = x.T.astype(jnp.int32)
    out1d = _build_embed()(w_lin.reshape(_V, _D), idx2)
    out5 = out1d.reshape(_C, 4, 128, 8, 128)
    return out5.transpose(2, 4, 0, 1, 3).reshape(_B, _C, _D)

# --- scband reference (transcript-rebuilt; emitter-appended) ---
"""Pipeline reference for scband-embed-module-52802327937224 (READ-ONLY COPY).

The authoritative reference and input builder live on the scoring server;
editing this copy changes nothing except your own understanding.
"""

import jax, jax.numpy as jnp
import numpy as np

NUM_EMBEDDINGS = 1000000
FEATURES = 32

def setup_inputs(seed: int = 0) -> dict:
    key = jax.random.key(seed)
    k1, k2 = jax.random.split(key)
    x = jax.random.randint(k1, (16384, 26), 0, NUM_EMBEDDINGS, dtype=jnp.int64)
    # flax nn.Embed default init: variance_scaling(1.0, 'fan_in', 'normal', out_axis=0)
    # fan_in for embedding = features -> std = 1/sqrt(features)
    W = jax.random.normal(k2, (NUM_EMBEDDINGS, FEATURES), dtype=jnp.float32) / jnp.sqrt(FEATURES)
    return {"x": x, "W": W}

def reference(x, W):
    idx = x.astype(jnp.int32)
    return jnp.take(W, idx, axis=0)

if __name__ == "__main__":
    import jax
    _d = setup_inputs()
    print(jax.jit(kernel)(*tuple(_d.values())))

</pallas_src>

<mosaic_0001>
#map = affine_map<(d0, d1) -> (0, 0)>
#map1 = affine_map<(d0, d1) -> (0)>
module attributes {stable_mosaic.version = 14 : i64} {
  func.func @relayout(%arg0: i32, %arg1: i32, %arg2: memref<32x1000000xf32, #tpu.memory_space<hbm>>, %arg3: memref<32000000xf32, #tpu.memory_space<hbm>>, %arg4: memref<32x512xf32, #tpu.memory_space<vmem>>, %arg5: memref<32x512xf32, #tpu.memory_space<vmem>>, %arg6: memref<16384xf32, #tpu.memory_space<vmem>>, %arg7: memref<16384xf32, #tpu.memory_space<vmem>>, %arg8: memref<32x64xf32, #tpu.memory_space<vmem>>, %arg9: memref<!tpu.dma_semaphore, #tpu.memory_space<semaphore_mem>>, %arg10: memref<!tpu.dma_semaphore, #tpu.memory_space<semaphore_mem>>, %arg11: memref<!tpu.dma_semaphore, #tpu.memory_space<semaphore_mem>>, %arg12: memref<!tpu.dma_semaphore, #tpu.memory_space<semaphore_mem>>) attributes {dimension_semantics = [#tpu.dimension_semantics<core_parallel>, #tpu.dimension_semantics<subcore_parallel>], iteration_bounds = array<i64: 2, 16>, scalar_prefetch = 0 : i64, scratch_operands = 9 : i64, tpu.core_type = #tpu.core_type<sc_vector_subcore>, window_params = [{transform_indices = #map}, {transform_indices = #map1}]} {
    %mul3A = arith.constant 2 : i32
    %mul3A_0 = arith.muli %arg1, %mul3A : i32
    %add3A = arith.addi %mul3A_0, %arg0 : i32
    %iota3A = tpu.iota {dimensions = array<i32: 0>} : vector<16xi32>
    %mul3A_1 = arith.constant 32 : i32
    %mul3A_2 = vector.broadcast %mul3A_1 : i32 to vector<16xi32>
    %mul3A_3 = arith.muli %iota3A, %mul3A_2 : vector<16xi32>
    %add3A_4 = arith.constant 0 : i32
    %add3A_5 = arith.addi %add3A_4, %add3A : i32
    %min3A = arith.constant 1952 : i32
    %min3A_6 = arith.minsi %add3A_5, %min3A : i32
    %mul3A_7 = arith.constant 512 : i32
    %mul3A_8 = arith.muli %min3A_6, %mul3A_7 : i32
    %dma_start3A = arith.constant 0 : i32
    %dma_start3A_9 = tpu.memref_slice %arg2[%dma_start3A, %mul3A_8] : memref<32x1000000xf32, #tpu.memory_space<hbm>> -> memref<32x512xf32, #tpu.memory_space<hbm>>
    %dma_start3A_10 = arith.constant 0 : i32
    %dma_start3A_11 = tpu.memref_slice %arg2[%dma_start3A_10, %mul3A_8] : memref<32x1000000xf32, #tpu.memory_space<hbm>> -> memref<32x512xf32, #tpu.memory_space<hbm>>
    tpu.enqueue_dma source(%dma_start3A_11 : memref<32x512xf32, #tpu.memory_space<hbm>>) target(%arg4 : memref<32x512xf32, #tpu.memory_space<vmem>>) target_semaphore(%arg9 : memref<!tpu.dma_semaphore, #tpu.memory_space<semaphore_mem>>)
    %add3A_12 = arith.constant 32 : i32
    %add3A_13 = arith.addi %add3A_12, %add3A : i32
    %min3A_14 = arith.constant 1952 : i32
    %min3A_15 = arith.minsi %add3A_13, %min3A_14 : i32
    %mul3A_16 = arith.constant 512 : i32
    %mul3A_17 = arith.muli %min3A_15, %mul3A_16 : i32
    %dma_start3A_18 = arith.constant 0 : i32
    %dma_start3A_19 = tpu.memref_slice %arg2[%dma_start3A_18, %mul3A_17] : memref<32x1000000xf32, #tpu.memory_space<hbm>> -> memref<32x512xf32, #tpu.memory_space<hbm>>
    %dma_start3A_20 = arith.constant 0 : i32
    %dma_start3A_21 = tpu.memref_slice %arg2[%dma_start3A_20, %mul3A_17] : memref<32x1000000xf32, #tpu.memory_space<hbm>> -> memref<32x512xf32, #tpu.memory_space<hbm>>
    tpu.enqueue_dma source(%dma_start3A_21 : memref<32x512xf32, #tpu.memory_space<hbm>>) target(%arg5 : memref<32x512xf32, #tpu.memory_space<vmem>>) target_semaphore(%arg10 : memref<!tpu.dma_semaphore, #tpu.memory_space<semaphore_mem>>)
    %scan3A = arith.constant 0 : i32
    %scan3A_22 = arith.constant 0 : i32
    %scan3A_23 = arith.constant 31 : i32
    %scan3A_24 = arith.addi %scan3A_22, %scan3A_23 : i32
    %scan3A_25 = arith.constant 1 : i32
    scf.for %scan3A_48 = %scan3A_22 to %scan3A_24 step %scan3A_25  : i32 {
      %mul3A_49 = arith.constant 2 : i32
      %mul3A_50 = arith.muli %mul3A_49, %scan3A_48 : i32
      %add3A_51 = arith.constant 0 : i32
      %add3A_52 = arith.addi %mul3A_50, %add3A_51 : i32
      %mul3A_53 = arith.constant 32 : i32
      %mul3A_54 = arith.muli %add3A_52, %mul3A_53 : i32
      %add3A_55 = arith.addi %mul3A_54, %add3A : i32
      %min3A_56 = arith.constant 1952 : i32
      %min3A_57 = arith.minsi %add3A_55, %min3A_56 : i32
      %mul3A_58 = arith.constant 512 : i32
      %mul3A_59 = arith.muli %min3A_57, %mul3A_58 : i32
      %dma_wait3A_60 = arith.constant 0 : i32
      %dma_wait3A_61 = tpu.memref_slice %arg2[%dma_wait3A_60, %mul3A_59] : memref<32x1000000xf32, #tpu.memory_space<hbm>> -> memref<32x512xf32, #tpu.memory_space<hbm>>
      %dma_wait3A_62 = arith.constant 0 : i32
      %dma_wait3A_63 = tpu.memref_slice %arg2[%dma_wait3A_62, %mul3A_59] : memref<32x1000000xf32, #tpu.memory_space<hbm>> -> memref<32x512xf32, #tpu.memory_space<hbm>>
      tpu.wait_dma2 semaphore(%arg9 : memref<!tpu.dma_semaphore, #tpu.memory_space<semaphore_mem>>) src(%dma_wait3A_63 : memref<32x512xf32, #tpu.memory_space<hbm>>) dst(%arg4 : memref<32x512xf32, #tpu.memory_space<vmem>>)
      %ge3A = arith.constant 2 : i32
      %ge3A_64 = arith.cmpi sge, %add3A_52, %ge3A : i32
      %convert_element_type3A_65 = arith.extui %ge3A_64 : i1 to i32
      %cond3A_66 = arith.constant 0 : i32
      %cond3A_67 = arith.cmpi ne, %convert_element_type3A_65, %cond3A_66 : i32
      scf.if %cond3A_67 {
        %sub3A = arith.constant 2 : i32
        %sub3A_135 = arith.subi %add3A_52, %sub3A : i32
        %mul3A_136 = arith.constant 32 : i32
        %mul3A_137 = arith.muli %sub3A_135, %mul3A_136 : i32
        %add3A_138 = arith.addi %mul3A_137, %add3A : i32
        %min3A_139 = arith.constant 1952 : i32
        %min3A_140 = arith.minsi %add3A_138, %min3A_139 : i32
        %mul3A_141 = arith.constant 32 : i32
        %mul3A_142 = arith.muli %min3A_140, %mul3A_141 : i32
        %mul3A_143 = arith.constant 512 : i32
        %mul3A_144 = arith.muli %mul3A_142, %mul3A_143 : i32
        %dma_wait3A_145 = tpu.memref_slice %arg3[%mul3A_144] : memref<32000000xf32, #tpu.memory_space<hbm>> -> memref<16384xf32, #tpu.memory_space<hbm>>
        %dma_wait3A_146 = tpu.memref_slice %arg3[%mul3A_144] : memref<32000000xf32, #tpu.memory_space<hbm>> -> memref<16384xf32, #tpu.memory_space<hbm>>
        tpu.wait_dma2 semaphore(%arg11 : memref<!tpu.dma_semaphore, #tpu.memory_space<semaphore_mem>>) src(%arg6 : memref<16384xf32, #tpu.memory_space<vmem>>) dst(%dma_wait3A_146 : memref<16384xf32, #tpu.memory_space<hbm>>)
      } else {
      }
      %scan3A_68 = arith.constant 0 : i32
      %scan3A_69 = arith.constant 0 : i32
      %scan3A_70 = arith.constant 1024 : i32
      %scan3A_71 = arith.addi %scan3A_69, %scan3A_70 : i32
      %scan3A_72 = arith.constant 16 : i32
      scf.for %scan3A_135 = %scan3A_69 to %scan3A_71 step %scan3A_72  : i32 {
        %and3A = arith.constant 31 : i32
        %and3A_136 = arith.andi %scan3A_135, %and3A : i32
        %shift_right_logical3A = arith.constant 5 : i32
        %shift_right_logical3A_137 = arith.shrui %scan3A_135, %shift_right_logical3A : i32
        %mul3A_138 = arith.constant 16 : i32
        %mul3A_139 = arith.muli %shift_right_logical3A_137, %mul3A_138 : i32
        %add3A_140 = vector.broadcast %and3A_136 : i32 to vector<16xi32>
        %add3A_141 = arith.addi %add3A_140, %iota3A : vector<16xi32>
        %and3A_142 = arith.constant 31 : i32
        %and3A_143 = vector.broadcast %and3A_142 : i32 to vector<16xi32>
        %and3A_144 = arith.andi %add3A_141, %and3A_143 : vector<16xi32>
        %add3A_145 = vector.broadcast %mul3A_139 : i32 to vector<16xi32>
        %add3A_146 = arith.addi %add3A_145, %iota3A : vector<16xi32>
        %gather3A = tpu.vector_load_idx %arg4[%and3A_144, %add3A_146] : memref<32x512xf32, #tpu.memory_space<vmem>>[vector<16xi32>, vector<16xi32>], vector<16xf32>,
        %mul3A_147 = arith.constant 32 : i32
        %mul3A_148 = arith.muli %mul3A_139, %mul3A_147 : i32
        %add3A_149 = vector.broadcast %mul3A_148 : i32 to vector<16xi32>
        %add3A_150 = arith.addi %add3A_149, %mul3A_3 : vector<16xi32>
        %add3A_151 = arith.addi %add3A_150, %and3A_144 : vector<16xi32>
        tpu.vector_store_idx %arg6[%add3A_151], %gather3A : memref<16384xf32, #tpu.memory_space<vmem>>[vector<16xi32>], vector<16xf32>,
        %scan3A_152 = arith.constant 1 : i32
        %scan3A_153 = arith.addi %scan3A_135, %scan3A_152 : i32
        %and3A_154 = arith.constant 31 : i32
        %and3A_155 = arith.andi %scan3A_153, %and3A_154 : i32
        %shift_right_logical3A_156 = arith.constant 5 : i32
        %shift_right_logical3A_157 = arith.shrui %scan3A_153, %shift_right_logical3A_156 : i32
        %mul3A_158 = arith.constant 16 : i32
        %mul3A_159 = arith.muli %shift_right_logical3A_157, %mul3A_158 : i32
        %add3A_160 = vector.broadcast %and3A_155 : i32 to vector<16xi32>
        %add3A_161 = arith.addi %add3A_160, %iota3A : vector<16xi32>
        %and3A_162 = arith.constant 31 : i32
        %and3A_163 = vector.broadcast %and3A_162 : i32 to vector<16xi32>
        %and3A_164 = arith.andi %add3A_161, %and3A_163 : vector<16xi32>
        %add3A_165 = vector.broadcast %mul3A_159 : i32 to vector<16xi32>
        %add3A_166 = arith.addi %add3A_165, %iota3A : vector<16xi32>
        %gather3A_167 = tpu.vector_load_idx %arg4[%and3A_164, %add3A_166] : memref<32x512xf32, #tpu.memory_space<vmem>>[vector<16xi32>, vector<16xi32>], vector<16xf32>,
        %mul3A_168 = arith.constant 32 : i32
        %mul3A_169 = arith.muli %mul3A_159, %mul3A_168 : i32
        %add3A_170 = vector.broadcast %mul3A_169 : i32 to vector<16xi32>
        %add3A_171 = arith.addi %add3A_170, %mul3A_3 : vector<16xi32>
        %add3A_172 = arith.addi %add3A_171, %and3A_164 : vector<16xi32>
        tpu.vector_store_idx %arg6[%add3A_172], %gather3A_167 : memref<16384xf32, #tpu.memory_space<vmem>>[vector<16xi32>], vector<16xf32>,
        %scan3A_173 = arith.constant 2 : i32
        %scan3A_174 = arith.addi %scan3A_135, %scan3A_173 : i32
        %and3A_175 = arith.constant 31 : i32
        %and3A_176 = arith.andi %scan3A_174, %and3A_175 : i32
        %shift_right_logical3A_177 = arith.constant 5 : i32
        %shift_right_logical3A_178 = arith.shrui %scan3A_174, %shift_right_logical3A_177 : i32
        %mul3A_179 = arith.constant 16 : i32
        %mul3A_180 = arith.muli %shift_right_logical3A_178, %mul3A_179 : i32
        %add3A_181 = vector.broadcast %and3A_176 : i32 to vector<16xi32>
        %add3A_182 = arith.addi %add3A_181, %iota3A : vector<16xi32>
        %and3A_183 = arith.constant 31 : i32
        %and3A_184 = vector.broadcast %and3A_183 : i32 to vector<16xi32>
        %and3A_185 = arith.andi %add3A_182, %and3A_184 : vector<16xi32>
        %add3A_186 = vector.broadcast %mul3A_180 : i32 to vector<16xi32>
        %add3A_187 = arith.addi %add3A_186, %iota3A : vector<16xi32>
        %gather3A_188 = tpu.vector_load_idx %arg4[%and3A_185, %add3A_187] : memref<32x512xf32, #tpu.memory_space<vmem>>[vector<16xi32>, vector<16xi32>], vector<16xf32>,
        %mul3A_189 = arith.constant 32 : i32
        %mul3A_190 = arith.muli %mul3A_180, %mul3A_189 : i32
        %add3A_191 = vector.broadcast %mul3A_190 : i32 to vector<16xi32>
        %add3A_192 = arith.addi %add3A_191, %mul3A_3 : vector<16xi32>
        %add3A_193 = arith.addi %add3A_192, %and3A_185 : vector<16xi32>
        tpu.vector_store_idx %arg6[%add3A_193], %gather3A_188 : memref<16384xf32, #tpu.memory_space<vmem>>[vector<16xi32>], vector<16xf32>,
        %scan3A_194 = arith.constant 3 : i32
        %scan3A_195 = arith.addi %scan3A_135, %scan3A_194 : i32
        %and3A_196 = arith.constant 31 : i32
        %and3A_197 = arith.andi %scan3A_195, %and3A_196 : i32
        %shift_right_logical3A_198 = arith.constant 5 : i32
        %shift_right_logical3A_199 = arith.shrui %scan3A_195, %shift_right_logical3A_198 : i32
        %mul3A_200 = arith.constant 16 : i32
        %mul3A_201 = arith.muli %shift_right_logical3A_199, %mul3A_200 : i32
        %add3A_202 = vector.broadcast %and3A_197 : i32 to vector<16xi32>
        %add3A_203 = arith.addi %add3A_202, %iota3A : vector<16xi32>
        %and3A_204 = arith.constant 31 : i32
        %and3A_205 = vector.broadcast %and3A_204 : i32 to vector<16xi32>
        %and3A_206 = arith.andi %add3A_203, %and3A_205 : vector<16xi32>
        %add3A_207 = vector.broadcast %mul3A_201 : i32 to vector<16xi32>
        %add3A_208 = arith.addi %add3A_207, %iota3A : vector<16xi32>
        %gather3A_209 = tpu.vector_load_idx %arg4[%and3A_206, %add3A_208] : memref<32x512xf32, #tpu.memory_space<vmem>>[vector<16xi32>, vector<16xi32>], vector<16xf32>,
        %mul3A_210 = arith.constant 32 : i32
        %mul3A_211 = arith.muli %mul3A_201, %mul3A_210 : i32
        %add3A_212 = vector.broadcast %mul3A_211 : i32 to vector<16xi32>
        %add3A_213 = arith.addi %add3A_212, %mul3A_3 : vector<16xi32>
        %add3A_214 = arith.addi %add3A_213, %and3A_206 : vector<16xi32>
        tpu.vector_store_idx %arg6[%add3A_214], %gather3A_209 : memref<16384xf32, #tpu.memory_space<vmem>>[vector<16xi32>], vector<16xf32>,
        %scan3A_215 = arith.constant 4 : i32
        %scan3A_216 = arith.addi %scan3A_135, %scan3A_215 : i32
        %and3A_217 = arith.constant 31 : i32
        %and3A_218 = arith.andi %scan3A_216, %and3A_217 : i32
        %shift_right_logical3A_219 = arith.constant 5 : i32
        %shift_right_logical3A_220 = arith.shrui %scan3A_216, %shift_right_logical3A_219 : i32
        %mul3A_221 = arith.constant 16 : i32
        %mul3A_222 = arith.muli %shift_right_logical3A_220, %mul3A_221 : i32
        %add3A_223 = vector.broadcast %and3A_218 : i32 to vector<16xi32>
        %add3A_224 = arith.addi %add3A_223, %iota3A : vector<16xi32>
        %and3A_225 = arith.constant 31 : i32
        %and3A_226 = vector.broadcast %and3A_225 : i32 to vector<16xi32>
        %and3A_227 = arith.andi %add3A_224, %and3A_226 : vector<16xi32>
        %add3A_228 = vector.broadcast %mul3A_222 : i32 to vector<16xi32>
        %add3A_229 = arith.addi %add3A_228, %iota3A : vector<16xi32>
        %gather3A_230 = tpu.vector_load_idx %arg4[%and3A_227, %add3A_229] : memref<32x512xf32, #tpu.memory_space<vmem>>[vector<16xi32>, vector<16xi32>], vector<16xf32>,
        %mul3A_231 = arith.constant 32 : i32
        %mul3A_232 = arith.muli %mul3A_222, %mul3A_231 : i32
        %add3A_233 = vector.broadcast %mul3A_232 : i32 to vector<16xi32>
        %add3A_234 = arith.addi %add3A_233, %mul3A_3 : vector<16xi32>
        %add3A_235 = arith.addi %add3A_234, %and3A_227 : vector<16xi32>
        tpu.vector_store_idx %arg6[%add3A_235], %gather3A_230 : memref<16384xf32, #tpu.memory_space<vmem>>[vector<16xi32>], vector<16xf32>,
        %scan3A_236 = arith.constant 5 : i32
        %scan3A_237 = arith.addi %scan3A_135, %scan3A_236 : i32
        %and3A_238 = arith.constant 31 : i32
        %and3A_239 = arith.andi %scan3A_237, %and3A_238 : i32
        %shift_right_logical3A_240 = arith.constant 5 : i32
        %shift_right_logical3A_241 = arith.shrui %scan3A_237, %shift_right_logical3A_240 : i32
        %mul3A_242 = arith.constant 16 : i32
        %mul3A_243 = arith.muli %shift_right_logical3A_241, %mul3A_242 : i32
        %add3A_244 = vector.broadcast %and3A_239 : i32 to vector<16xi32>
        %add3A_245 = arith.addi %add3A_244, %iota3A : vector<16xi32>
        %and3A_246 = arith.constant 31 : i32
        %and3A_247 = vector.broadcast %and3A_246 : i32 to vector<16xi32>
        %and3A_248 = arith.andi %add3A_245, %and3A_247 : vector<16xi32>
        %add3A_249 = vector.broadcast %mul3A_243 : i32 to vector<16xi32>
        %add3A_250 = arith.addi %add3A_249, %iota3A : vector<16xi32>
        %gather3A_251 = tpu.vector_load_idx %arg4[%and3A_248, %add3A_250] : memref<32x512xf32, #tpu.memory_space<vmem>>[vector<16xi32>, vector<16xi32>], vector<16xf32>,
        %mul3A_252 = arith.constant 32 : i32
        %mul3A_253 = arith.muli %mul3A_243, %mul3A_252 : i32
        %add3A_254 = vector.broadcast %mul3A_253 : i32 to vector<16xi32>
        %add3A_255 = arith.addi %add3A_254, %mul3A_3 : vector<16xi32>
        %add3A_256 = arith.addi %add3A_255, %and3A_248 : vector<16xi32>
        tpu.vector_store_idx %arg6[%add3A_256], %gather3A_251 : memref<16384xf32, #tpu.memory_space<vmem>>[vector<16xi32>], vector<16xf32>,
        %scan3A_257 = arith.constant 6 : i32
        %scan3A_258 = arith.addi %scan3A_135, %scan3A_257 : i32
        %and3A_259 = arith.constant 31 : i32
        %and3A_260 = arith.andi %scan3A_258, %and3A_259 : i32
        %shift_right_logical3A_261 = arith.constant 5 : i32
        %shift_right_logical3A_262 = arith.shrui %scan3A_258, %shift_right_logical3A_261 : i32
        %mul3A_263 = arith.constant 16 : i32
        %mul3A_264 = arith.muli %shift_right_logical3A_262, %mul3A_263 : i32
        %add3A_265 = vector.broadcast %and3A_260 : i32 to vector<16xi32>
        %add3A_266 = arith.addi %add3A_265, %iota3A : vector<16xi32>
        %and3A_267 = arith.constant 31 : i32
        %and3A_268 = vector.broadcast %and3A_267 : i32 to vector<16xi32>
        %and3A_269 = arith.andi %add3A_266, %and3A_268 : vector<16xi32>
        %add3A_270 = vector.broadcast %mul3A_264 : i32 to vector<16xi32>
        %add3A_271 = arith.addi %add3A_270, %iota3A : vector<16xi32>
        %gather3A_272 = tpu.vector_load_idx %arg4[%and3A_269, %add3A_271] : memref<32x512xf32, #tpu.memory_space<vmem>>[vector<16xi32>, vector<16xi32>], vector<16xf32>,
        %mul3A_273 = arith.constant 32 : i32
        %mul3A_274 = arith.muli %mul3A_264, %mul3A_273 : i32
        %add3A_275 = vector.broadcast %mul3A_274 : i32 to vector<16xi32>
        %add3A_276 = arith.addi %add3A_275, %mul3A_3 : vector<16xi32>
        %add3A_277 = arith.addi %add3A_276, %and3A_269 : vector<16xi32>
        tpu.vector_store_idx %arg6[%add3A_277], %gather3A_272 : memref<16384xf32, #tpu.memory_space<vmem>>[vector<16xi32>], vector<16xf32>,
        %scan3A_278 = arith.constant 7 : i32
        %scan3A_279 = arith.addi %scan3A_135, %scan3A_278 : i32
        %and3A_280 = arith.constant 31 : i32
        %and3A_281 = arith.andi %scan3A_279, %and3A_280 : i32
        %shift_right_logical3A_282 = arith.constant 5 : i32
        %shift_right_logical3A_283 = arith.shrui %scan3A_279, %shift_right_logical3A_282 : i32
        %mul3A_284 = arith.constant 16 : i32
        %mul3A_285 = arith.muli %shift_right_logical3A_283, %mul3A_284 : i32
        %add3A_286 = vector.broadcast %and3A_281 : i32 to vector<16xi32>
        %add3A_287 = arith.addi %add3A_286, %iota3A : vector<16xi32>
        %and3A_288 = arith.constant 31 : i32
        %and3A_289 = vector.broadcast %and3A_288 : i32 to vector<16xi32>
        %and3A_290 = arith.andi %add3A_287, %and3A_289 : vector<16xi32>
        %add3A_291 = vector.broadcast %mul3A_285 : i32 to vector<16xi32>
        %add3A_292 = arith.addi %add3A_291, %iota3A : vector<16xi32>
        %gather3A_293 = tpu.vector_load_idx %arg4[%and3A_290, %add3A_292] : memref<32x512xf32, #tpu.memory_space<vmem>>[vector<16xi32>, vector<16xi32>], vector<16xf32>,
        %mul3A_294 = arith.constant 32 : i32
        %mul3A_295 = arith.muli %mul3A_285, %mul3A_294 : i32
        %add3A_296 = vector.broadcast %mul3A_295 : i32 to vector<16xi32>
        %add3A_297 = arith.addi %add3A_296, %mul3A_3 : vector<16xi32>
        %add3A_298 = arith.addi %add3A_297, %and3A_290 : vector<16xi32>
        tpu.vector_store_idx %arg6[%add3A_298], %gather3A_293 : memref<16384xf32, #tpu.memory_space<vmem>>[vector<16xi32>], vector<16xf32>,
        %scan3A_299 = arith.constant 8 : i32
        %scan3A_300 = arith.addi %scan3A_135, %scan3A_299 : i32
        %and3A_301 = arith.constant 31 : i32
        %and3A_302 = arith.andi %scan3A_300, %and3A_301 : i32
        %shift_right_logical3A_303 = arith.constant 5 : i32
        %shift_right_logical3A_304 = arith.shrui %scan3A_300, %shift_right_logical3A_303 : i32
        %mul3A_305 = arith.constant 16 : i32
        %mul3A_306 = arith.muli %shift_right_logical3A_304, %mul3A_305 : i32
        %add3A_307 = vector.broadcast %and3A_302 : i32 to vector<16xi32>
        %add3A_308 = arith.addi %add3A_307, %iota3A : vector<16xi32>
        %and3A_309 = arith.constant 31 : i32
        %and3A_310 = vector.broadcast %and3A_309 : i32 to vector<16xi32>
        %and3A_311 = arith.andi %add3A_308, %and3A_310 : vector<16xi32>
        %add3A_312 = vector.broadcast %mul3A_306 : i32 to vector<16xi32>
        %add3A_313 = arith.addi %add3A_312, %iota3A : vector<16xi32>
        %gather3A_314 = tpu.vector_load_idx %arg4[%and3A_311, %add3A_313] : memref<32x512xf32, #tpu.memory_space<vmem>>[vector<16xi32>, vector<16xi32>], vector<16xf32>,
        %mul3A_315 = arith.constant 32 : i32
        %mul3A_316 = arith.muli %mul3A_306, %mul3A_315 : i32
        %add3A_317 = vector.broadcast %mul3A_316 : i32 to vector<16xi32>
        %add3A_318 = arith.addi %add3A_317, %mul3A_3 : vector<16xi32>
        %add3A_319 = arith.addi %add3A_318, %and3A_311 : vector<16xi32>
        tpu.vector_store_idx %arg6[%add3A_319], %gather3A_314 : memref<16384xf32, #tpu.memory_space<vmem>>[vector<16xi32>], vector<16xf32>,
        %scan3A_320 = arith.constant 9 : i32
        %scan3A_321 = arith.addi %scan3A_135, %scan3A_320 : i32
        %and3A_322 = arith.constant 31 : i32
        %and3A_323 = arith.andi %scan3A_321, %and3A_322 : i32
        %shift_right_logical3A_324 = arith.constant 5 : i32
        %shift_right_logical3A_325 = arith.shrui %scan3A_321, %shift_right_logical3A_324 : i32
        %mul3A_326 = arith.constant 16 : i32
        %mul3A_327 = arith.muli %shift_right_logical3A_325, %mul3A_326 : i32
        %add3A_328 = vector.broadcast %and3A_323 : i32 to vector<16xi32>
        %add3A_329 = arith.addi %add3A_328, %iota3A : vector<16xi32>
        %and3A_330 = arith.constant 31 : i32
        %and3A_331 = vector.broadcast %and3A_330 : i32 to vector<16xi32>
        %and3A_332 = arith.andi %add3A_329, %and3A_331 : vector<16xi32>
        %add3A_333 = vector.broadcast %mul3A_327 : i32 to vector<16xi32>
        %add3A_334 = arith.addi %add3A_333, %iota3A : vector<16xi32>
        %gather3A_335 = tpu.vector_load_idx %arg4[%and3A_332, %add3A_334] : memref<32x512xf32, #tpu.memory_space<vmem>>[vector<16xi32>, vector<16xi32>], vector<16xf32>,
        %mul3A_336 = arith.constant 32 : i32
        %mul3A_337 = arith.muli %mul3A_327, %mul3A_336 : i32
        %add3A_338 = vector.broadcast %mul3A_337 : i32 to vector<16xi32>
        %add3A_339 = arith.addi %add3A_338, %mul3A_3 : vector<16xi32>
        %add3A_340 = arith.addi %add3A_339, %and3A_332 : vector<16xi32>
        tpu.vector_store_idx %arg6[%add3A_340], %gather3A_335 : memref<16384xf32, #tpu.memory_space<vmem>>[vector<16xi32>], vector<16xf32>,
        %scan3A_341 = arith.constant 10 : i32
        %scan3A_342 = arith.addi %scan3A_135, %scan3A_341 : i32
        %and3A_343 = arith.constant 31 : i32
        %and3A_344 = arith.andi %scan3A_342, %and3A_343 : i32
        %shift_right_logical3A_345 = arith.constant 5 : i32
        %shift_right_logical3A_346 = arith.shrui %scan3A_342, %shift_right_logical3A_345 : i32
        %mul3A_347 = arith.constant 16 : i32
        %mul3A_348 = arith.muli %shift_right_logical3A_346, %mul3A_347 : i32
        %add3A_349 = vector.broadcast %and3A_344 : i32 to vector<16xi32>
        %add3A_350 = arith.addi %add3A_349, %iota3A : vector<16xi32>
        %and3A_351 = arith.constant 31 : i32
        %and3A_352 = vector.broadcast %and3A_351 : i32 to vector<16xi32>
        %and3A_353 = arith.andi %add3A_350, %and3A_352 : vector<16xi32>
        %add3A_354 = vector.broadcast %mul3A_348 : i32 to vector<16xi32>
        %add3A_355 = arith.addi %add3A_354, %iota3A : vector<16xi32>
        %gather3A_356 = tpu.vector_load_idx %arg4[%and3A_353, %add3A_355] : memref<32x512xf32, #tpu.memory_space<vmem>>[vector<16xi32>, vector<16xi32>], vector<16xf32>,
        %mul3A_357 = arith.constant 32 : i32
        %mul3A_358 = arith.muli %mul3A_348, %mul3A_357 : i32
        %add3A_359 = vector.broadcast %mul3A_358 : i32 to vector<16xi32>
        %add3A_360 = arith.addi %add3A_359, %mul3A_3 : vector<16xi32>
        %add3A_361 = arith.addi %add3A_360, %and3A_353 : vector<16xi32>
        tpu.vector_store_idx %arg6[%add3A_361], %gather3A_356 : memref<16384xf32, #tpu.memory_space<vmem>>[vector<16xi32>], vector<16xf32>,
        %scan3A_362 = arith.constant 11 : i32
        %scan3A_363 = arith.addi %scan3A_135, %scan3A_362 : i32
        %and3A_364 = arith.constant 31 : i32
        %and3A_365 = arith.andi %scan3A_363, %and3A_364 : i32
        %shift_right_logical3A_366 = arith.constant 5 : i32
        %shift_right_logical3A_367 = arith.shrui %scan3A_363, %shift_right_logical3A_366 : i32
        %mul3A_368 = arith.constant 16 : i32
        %mul3A_369 = arith.muli %shift_right_logical3A_367, %mul3A_368 : i32
        %add3A_370 = vector.broadcast %and3A_365 : i32 to vector<16xi32>
        %add3A_371 = arith.addi %add3A_370, %iota3A : vector<16xi32>
        %and3A_372 = arith.constant 31 : i32
        %and3A_373 = vector.broadcast %and3A_372 : i32 to vector<16xi32>
        %and3A_374 = arith.andi %add3A_371, %and3A_373 : vector<16xi32>
        %add3A_375 = vector.broadcast %mul3A_369 : i32 to vector<16xi32>
        %add3A_376 = arith.addi %add3A_375, %iota3A : vector<16xi32>
        %gather3A_377 = tpu.vector_load_idx %arg4[%and3A_374, %add3A_376] : memref<32x512xf32, #tpu.memory_space<vmem>>[vector<16xi32>, vector<16xi32>], vector<16xf32>,
        %mul3A_378 = arith.constant 32 : i32
        %mul3A_379 = arith.muli %mul3A_369, %mul3A_378 : i32
        %add3A_380 = vector.broadcast %mul3A_379 : i32 to vector<16xi32>
        %add3A_381 = arith.addi %add3A_380, %mul3A_3 : vector<16xi32>
        %add3A_382 = arith.addi %add3A_381, %and3A_374 : vector<16xi32>
        tpu.vector_store_idx %arg6[%add3A_382], %gather3A_377 : memref<16384xf32, #tpu.memory_space<vmem>>[vector<16xi32>], vector<16xf32>,
        %scan3A_383 = arith.constant 12 : i32
        %scan3A_384 = arith.addi %scan3A_135, %scan3A_383 : i32
        %and3A_385 = arith.constant 31 : i32
        %and3A_386 = arith.andi %scan3A_384, %and3A_385 : i32
        %shift_right_logical3A_387 = arith.constant 5 : i32
        %shift_right_logical3A_388 = arith.shrui %scan3A_384, %shift_right_logical3A_387 : i32
        %mul3A_389 = arith.constant 16 : i32
        %mul3A_390 = arith.muli %shift_right_logical3A_388, %mul3A_389 : i32
        %add3A_391 = vector.broadcast %and3A_386 : i32 to vector<16xi32>
        %add3A_392 = arith.addi %add3A_391, %iota3A : vector<16xi32>
        %and3A_393 = arith.constant 31 : i32
        %and3A_394 = vector.broadcast %and3A_393 : i32 to vector<16xi32>
        %and3A_395 = arith.andi %add3A_392, %and3A_394 : vector<16xi32>
        %add3A_396 = vector.broadcast %mul3A_390 : i32 to vector<16xi32>
        %add3A_397 = arith.addi %add3A_396, %iota3A : vector<16xi32>
        %gather3A_398 = tpu.vector_load_idx %arg4[%and3A_395, %add3A_397] : memref<32x512xf32, #tpu.memory_space<vmem>>[vector<16xi32>, vector<16xi32>], vector<16xf32>,
        %mul3A_399 = arith.constant 32 : i32
        %mul3A_400 = arith.muli %mul3A_390, %mul3A_399 : i32
        %add3A_401 = vector.broadcast %mul3A_400 : i32 to vector<16xi32>
        %add3A_402 = arith.addi %add3A_401, %mul3A_3 : vector<16xi32>
        %add3A_403 = arith.addi %add3A_402, %and3A_395 : vector<16xi32>
        tpu.vector_store_idx %arg6[%add3A_403], %gather3A_398 : memref<16384xf32, #tpu.memory_space<vmem>>[vector<16xi32>], vector<16xf32>,
        %scan3A_404 = arith.constant 13 : i32
        %scan3A_405 = arith.addi %scan3A_135, %scan3A_404 : i32
        %and3A_406 = arith.constant 31 : i32
        %and3A_407 = arith.andi %scan3A_405, %and3A_406 : i32
        %shift_right_logical3A_408 = arith.constant 5 : i32
        %shift_right_logical3A_409 = arith.shrui %scan3A_405, %shift_right_logical3A_408 : i32
        %mul3A_410 = arith.constant 16 : i32
        %mul3A_411 = arith.muli %shift_right_logical3A_409, %mul3A_410 : i32
        %add3A_412 = vector.broadcast %and3A_407 : i32 to vector<16xi32>
        %add3A_413 = arith.addi %add3A_412, %iota3A : vector<16xi32>
        %and3A_414 = arith.constant 31 : i32
        %and3A_415 = vector.broadcast %and3A_414 : i32 to vector<16xi32>
        %and3A_416 = arith.andi %add3A_413, %and3A_415 : vector<16xi32>
        %add3A_417 = vector.broadcast %mul3A_411 : i32 to vector<16xi32>
        %add3A_418 = arith.addi %add3A_417, %iota3A : vector<16xi32>
        %gather3A_419 = tpu.vector_load_idx %arg4[%and3A_416, %add3A_418] : memref<32x512xf32, #tpu.memory_space<vmem>>[vector<16xi32>, vector<16xi32>], vector<16xf32>,
        %mul3A_420 = arith.constant 32 : i32
        %mul3A_421 = arith.muli %mul3A_411, %mul3A_420 : i32
        %add3A_422 = vector.broadcast %mul3A_421 : i32 to vector<16xi32>
        %add3A_423 = arith.addi %add3A_422, %mul3A_3 : vector<16xi32>
        %add3A_424 = arith.addi %add3A_423, %and3A_416 : vector<16xi32>
        tpu.vector_store_idx %arg6[%add3A_424], %gather3A_419 : memref<16384xf32, #tpu.memory_space<vmem>>[vector<16xi32>], vector<16xf32>,
        %scan3A_425 = arith.constant 14 : i32
        %scan3A_426 = arith.addi %scan3A_135, %scan3A_425 : i32
        %and3A_427 = arith.constant 31 : i32
        %and3A_428 = arith.andi %scan3A_426, %and3A_427 : i32
        %shift_right_logical3A_429 = arith.constant 5 : i32
        %shift_right_logical3A_430 = arith.shrui %scan3A_426, %shift_right_logical3A_429 : i32
        %mul3A_431 = arith.constant 16 : i32
        %mul3A_432 = arith.muli %shift_right_logical3A_430, %mul3A_431 : i32
        %add3A_433 = vector.broadcast %and3A_428 : i32 to vector<16xi32>
        %add3A_434 = arith.addi %add3A_433, %iota3A : vector<16xi32>
        %and3A_435 = arith.constant 31 : i32
        %and3A_436 = vector.broadcast %and3A_435 : i32 to vector<16xi32>
        %and3A_437 = arith.andi %add3A_434, %and3A_436 : vector<16xi32>
        %add3A_438 = vector.broadcast %mul3A_432 : i32 to vector<16xi32>
        %add3A_439 = arith.addi %add3A_438, %iota3A : vector<16xi32>
        %gather3A_440 = tpu.vector_load_idx %arg4[%and3A_437, %add3A_439] : memref<32x512xf32, #tpu.memory_space<vmem>>[vector<16xi32>, vector<16xi32>], vector<16xf32>,
        %mul3A_441 = arith.constant 32 : i32
        %mul3A_442 = arith.muli %mul3A_432, %mul3A_441 : i32
        %add3A_443 = vector.broadcast %mul3A_442 : i32 to vector<16xi32>
        %add3A_444 = arith.addi %add3A_443, %mul3A_3 : vector<16xi32>
        %add3A_445 = arith.addi %add3A_444, %and3A_437 : vector<16xi32>
        tpu.vector_store_idx %arg6[%add3A_445], %gather3A_440 : memref<16384xf32, #tpu.memory_space<vmem>>[vector<16xi32>], vector<16xf32>,
        %scan3A_446 = arith.constant 15 : i32
        %scan3A_447 = arith.addi %scan3A_135, %scan3A_446 : i32
        %and3A_448 = arith.constant 31 : i32
        %and3A_449 = arith.andi %scan3A_447, %and3A_448 : i32
        %shift_right_logical3A_450 = arith.constant 5 : i32
        %shift_right_logical3A_451 = arith.shrui %scan3A_447, %shift_right_logical3A_450 : i32
        %mul3A_452 = arith.constant 16 : i32
        %mul3A_453 = arith.muli %shift_right_logical3A_451, %mul3A_452 : i32
        %add3A_454 = vector.broadcast %and3A_449 : i32 to vector<16xi32>
        %add3A_455 = arith.addi %add3A_454, %iota3A : vector<16xi32>
        %and3A_456 = arith.constant 31 : i32
        %and3A_457 = vector.broadcast %and3A_456 : i32 to vector<16xi32>
        %and3A_458 = arith.andi %add3A_455, %and3A_457 : vector<16xi32>
        %add3A_459 = vector.broadcast %mul3A_453 : i32 to vector<16xi32>
        %add3A_460 = arith.addi %add3A_459, %iota3A : vector<16xi32>
        %gather3A_461 = tpu.vector_load_idx %arg4[%and3A_458, %add3A_460] : memref<32x512xf32, #tpu.memory_space<vmem>>[vector<16xi32>, vector<16xi32>], vector<16xf32>,
        %mul3A_462 = arith.constant 32 : i32
        %mul3A_463 = arith.muli %mul3A_453, %mul3A_462 : i32
        %add3A_464 = vector.broadcast %mul3A_463 : i32 to vector<16xi32>
        %add3A_465 = arith.addi %add3A_464, %mul3A_3 : vector<16xi32>
        %add3A_466 = arith.addi %add3A_465, %and3A_458 : vector<16xi32>
        tpu.vector_store_idx %arg6[%add3A_466], %gather3A_461 : memref<16384xf32, #tpu.memory_space<vmem>>[vector<16xi32>], vector<16xf32>,
      }
      %scan3A_73 = arith.constant 1024 : i32
      %mul3A_74 = arith.constant 32 : i32
      %mul3A_75 = arith.muli %add3A_52, %mul3A_74 : i32
      %add3A_76 = arith.addi %mul3A_75, %add3A : i32
      %min3A_77 = arith.constant 1952 : i32
      %min3A_78 = arith.minsi %add3A_76, %min3A_77 : i32
      %mul3A_79 = arith.constant 32 : i32
      %mul3A_80 = arith.muli %min3A_78, %mul3A_79 : i32
      %mul3A_81 = arith.constant 512 : i32
      %mul3A_82 = arith.muli %mul3A_80, %mul3A_81 : i32
      %dma_start3A_83 = tpu.memref_slice %arg3[%mul3A_82] : memref<32000000xf32, #tpu.memory_space<hbm>> -> memref<16384xf32, #tpu.memory_space<hbm>>
      %dma_start3A_84 = tpu.memref_slice %arg3[%mul3A_82] : memref<32000000xf32, #tpu.memory_space<hbm>> -> memref<16384xf32, #tpu.memory_space<hbm>>
      tpu.enqueue_dma source(%arg6 : memref<16384xf32, #tpu.memory_space<vmem>>) target(%dma_start3A_84 : memref<16384xf32, #tpu.memory_space<hbm>>) target_semaphore(%arg11 : memref<!tpu.dma_semaphore, #tpu.memory_space<semaphore_mem>>)
      %add3A_85 = arith.constant 2 : i32
      %add3A_86 = arith.addi %add3A_52, %add3A_85 : i32
      %lt3A = arith.constant 62 : i32
      %lt3A_87 = arith.cmpi slt, %add3A_86, %lt3A : i32
      %convert_element_type3A_88 = arith.extui %lt3A_87 : i1 to i32
      %cond3A_89 = arith.constant 0 : i32
      %cond3A_90 = arith.cmpi ne, %convert_element_type3A_88, %cond3A_89 : i32
      scf.if %cond3A_90 {
        %add3A_135 = arith.constant 2 : i32
        %add3A_136 = arith.addi %add3A_52, %add3A_135 : i32
        %mul3A_137 = arith.constant 32 : i32
        %mul3A_138 = arith.muli %add3A_136, %mul3A_137 : i32
        %add3A_139 = arith.addi %mul3A_138, %add3A : i32
        %min3A_140 = arith.constant 1952 : i32
        %min3A_141 = arith.minsi %add3A_139, %min3A_140 : i32
        %mul3A_142 = arith.constant 512 : i32
        %mul3A_143 = arith.muli %min3A_141, %mul3A_142 : i32
        %dma_start3A_144 = arith.constant 0 : i32
        %dma_start3A_145 = tpu.memref_slice %arg2[%dma_start3A_144, %mul3A_143] : memref<32x1000000xf32, #tpu.memory_space<hbm>> -> memref<32x512xf32, #tpu.memory_space<hbm>>
        %dma_start3A_146 = arith.constant 0 : i32
        %dma_start3A_147 = tpu.memref_slice %arg2[%dma_start3A_146, %mul3A_143] : memref<32x1000000xf32, #tpu.memory_space<hbm>> -> memref<32x512xf32, #tpu.memory_space<hbm>>
        tpu.enqueue_dma source(%dma_start3A_147 : memref<32x512xf32, #tpu.memory_space<hbm>>) target(%arg4 : memref<32x512xf32, #tpu.memory_space<vmem>>) target_semaphore(%arg9 : memref<!tpu.dma_semaphore, #tpu.memory_space<semaphore_mem>>)
      } else {
      }
      %mul3A_91 = arith.constant 2 : i32
      %mul3A_92 = arith.muli %mul3A_91, %scan3A_48 : i32
      %add3A_93 = arith.constant 1 : i32
      %add3A_94 = arith.addi %mul3A_92, %add3A_93 : i32
      %mul3A_95 = arith.constant 32 : i32
      %mul3A_96 = arith.muli %add3A_94, %mul3A_95 : i32
      %add3A_97 = arith.addi %mul3A_96, %add3A : i32
      %min3A_98 = arith.constant 1952 : i32
      %min3A_99 = arith.minsi %add3A_97, %min3A_98 : i32
      %mul3A_100 = arith.constant 512 : i32
      %mul3A_101 = arith.muli %min3A_99, %mul3A_100 : i32
      %dma_wait3A_102 = arith.constant 0 : i32
      %dma_wait3A_103 = tpu.memref_slice %arg2[%dma_wait3A_102, %mul3A_101] : memref<32x1000000xf32, #tpu.memory_space<hbm>> -> memref<32x512xf32, #tpu.memory_space<hbm>>
      %dma_wait3A_104 = arith.constant 0 : i32
      %dma_wait3A_105 = tpu.memref_slice %arg2[%dma_wait3A_104, %mul3A_101] : memref<32x1000000xf32, #tpu.memory_space<hbm>> -> memref<32x512xf32, #tpu.memory_space<hbm>>
      tpu.wait_dma2 semaphore(%arg10 : memref<!tpu.dma_semaphore, #tpu.memory_space<semaphore_mem>>) src(%dma_wait3A_105 : memref<32x512xf32, #tpu.memory_space<hbm>>) dst(%arg5 : memref<32x512xf32, #tpu.memory_space<vmem>>)
      %ge3A_106 = arith.constant 2 : i32
      %ge3A_107 = arith.cmpi sge, %add3A_94, %ge3A_106 : i32
      %convert_element_type3A_108 = arith.extui %ge3A_107 : i1 to i32
      %cond3A_109 = arith.constant 0 : i32
      %cond3A_110 = arith.cmpi ne, %convert_element_type3A_108, %cond3A_109 : i32
      scf.if %cond3A_110 {
        %sub3A = arith.constant 2 : i32
        %sub3A_135 = arith.subi %add3A_94, %sub3A : i32
        %mul3A_136 = arith.constant 32 : i32
        %mul3A_137 = arith.muli %sub3A_135, %mul3A_136 : i32
        %add3A_138 = arith.addi %mul3A_137, %add3A : i32
        %min3A_139 = arith.constant 1952 : i32
        %min3A_140 = arith.minsi %add3A_138, %min3A_139 : i32
        %mul3A_141 = arith.constant 32 : i32
        %mul3A_142 = arith.muli %min3A_140, %mul3A_141 : i32
        %mul3A_143 = arith.constant 512 : i32
        %mul3A_144 = arith.muli %mul3A_142, %mul3A_143 : i32
        %dma_wait3A_145 = tpu.memref_slice %arg3[%mul3A_144] : memref<32000000xf32, #tpu.memory_space<hbm>> -> memref<16384xf32, #tpu.memory_space<hbm>>
        %dma_wait3A_146 = tpu.memref_slice %arg3[%mul3A_144] : memref<32000000xf32, #tpu.memory_space<hbm>> -> memref<16384xf32, #tpu.memory_space<hbm>>
        tpu.wait_dma2 semaphore(%arg12 : memref<!tpu.dma_semaphore, #tpu.memory_space<semaphore_mem>>) src(%arg7 : memref<16384xf32, #tpu.memory_space<vmem>>) dst(%dma_wait3A_146 : memref<16384xf32, #tpu.memory_space<hbm>>)
      } else {
      }
      %scan3A_111 = arith.constant 0 : i32
      %scan3A_112 = arith.constant 0 : i32
      %scan3A_113 = arith.constant 1024 : i32
      %scan3A_114 = arith.addi %scan3A_112, %scan3A_113 : i32
      %scan3A_115 = arith.constant 16 : i32
      scf.for %scan3A_135 = %scan3A_112 to %scan3A_114 step %scan3A_115  : i32 {
        %and3A = arith.constant 31 : i32
        %and3A_136 = arith.andi %scan3A_135, %and3A : i32
        %shift_right_logical3A = arith.constant 5 : i32
        %shift_right_logical3A_137 = arith.shrui %scan3A_135, %shift_right_logical3A : i32
        %mul3A_138 = arith.constant 16 : i32
        %mul3A_139 = arith.muli %shift_right_logical3A_137, %mul3A_138 : i32
        %add3A_140 = vector.broadcast %and3A_136 : i32 to vector<16xi32>
        %add3A_141 = arith.addi %add3A_140, %iota3A : vector<16xi32>
        %and3A_142 = arith.constant 31 : i32
        %and3A_143 = vector.broadcast %and3A_142 : i32 to vector<16xi32>
        %and3A_144 = arith.andi %add3A_141, %and3A_143 : vector<16xi32>
        %add3A_145 = vector.broadcast %mul3A_139 : i32 to vector<16xi32>
        %add3A_146 = arith.addi %add3A_145, %iota3A : vector<16xi32>
        %gather3A = tpu.vector_load_idx %arg5[%and3A_144, %add3A_146] : memref<32x512xf32, #tpu.memory_space<vmem>>[vector<16xi32>, vector<16xi32>], vector<16xf32>,
        %mul3A_147 = arith.constant 32 : i32
        %mul3A_148 = arith.muli %mul3A_139, %mul3A_147 : i32
        %add3A_149 = vector.broadcast %mul3A_148 : i32 to vector<16xi32>
        %add3A_150 = arith.addi %add3A_149, %mul3A_3 : vector<16xi32>
        %add3A_151 = arith.addi %add3A_150, %and3A_144 : vector<16xi32>
        tpu.vector_store_idx %arg7[%add3A_151], %gather3A : memref<16384xf32, #tpu.memory_space<vmem>>[vector<16xi32>], vector<16xf32>,
        %scan3A_152 = arith.constant 1 : i32
        %scan3A_153 = arith.addi %scan3A_135, %scan3A_152 : i32
        %and3A_154 = arith.constant 31 : i32
        %and3A_155 = arith.andi %scan3A_153, %and3A_154 : i32
        %shift_right_logical3A_156 = arith.constant 5 : i32
        %shift_right_logical3A_157 = arith.shrui %scan3A_153, %shift_right_logical3A_156 : i32
        %mul3A_158 = arith.constant 16 : i32
        %mul3A_159 = arith.muli %shift_right_logical3A_157, %mul3A_158 : i32
        %add3A_160 = vector.broadcast %and3A_155 : i32 to vector<16xi32>
        %add3A_161 = arith.addi %add3A_160, %iota3A : vector<16xi32>
        %and3A_162 = arith.constant 31 : i32
        %and3A_163 = vector.broadcast %and3A_162 : i32 to vector<16xi32>
        %and3A_164 = arith.andi %add3A_161, %and3A_163 : vector<16xi32>
        %add3A_165 = vector.broadcast %mul3A_159 : i32 to vector<16xi32>
        %add3A_166 = arith.addi %add3A_165, %iota3A : vector<16xi32>
        %gather3A_167 = tpu.vector_load_idx %arg5[%and3A_164, %add3A_166] : memref<32x512xf32, #tpu.memory_space<vmem>>[vector<16xi32>, vector<16xi32>], vector<16xf32>,
        %mul3A_168 = arith.constant 32 : i32
        %mul3A_169 = arith.muli %mul3A_159, %mul3A_168 : i32
        %add3A_170 = vector.broadcast %mul3A_169 : i32 to vector<16xi32>
        %add3A_171 = arith.addi %add3A_170, %mul3A_3 : vector<16xi32>
        %add3A_172 = arith.addi %add3A_171, %and3A_164 : vector<16xi32>
        tpu.vector_store_idx %arg7[%add3A_172], %gather3A_167 : memref<16384xf32, #tpu.memory_space<vmem>>[vector<16xi32>], vector<16xf32>,
        %scan3A_173 = arith.constant 2 : i32
        %scan3A_174 = arith.addi %scan3A_135, %scan3A_173 : i32
        %and3A_175 = arith.constant 31 : i32
        %and3A_176 = arith.andi %scan3A_174, %and3A_175 : i32
        %shift_right_logical3A_177 = arith.constant 5 : i32
        %shift_right_logical3A_178 = arith.shrui %scan3A_174, %shift_right_logical3A_177 : i32
        %mul3A_179 = arith.constant 16 : i32
        %mul3A_180 = arith.muli %shift_right_logical3A_178, %mul3A_179 : i32
        %add3A_181 = vector.broadcast %and3A_176 : i32 to vector<16xi32>
        %add3A_182 = arith.addi %add3A_181, %iota3A : vector<16xi32>
        %and3A_183 = arith.constant 31 : i32
        %and3A_184 = vector.broadcast %and3A_183 : i32 to vector<16xi32>
        %and3A_185 = arith.andi %add3A_182, %and3A_184 : vector<16xi32>
        %add3A_186 = vector.broadcast %mul3A_180 : i32 to vector<16xi32>
        %add3A_187 = arith.addi %add3A_186, %iota3A : vector<16xi32>
        %gather3A_188 = tpu.vector_load_idx %arg5[%and3A_185, %add3A_187] : memref<32x512xf32, #tpu.memory_space<vmem>>[vector<16xi32>, vector<16xi32>], vector<16xf32>,
        %mul3A_189 = arith.constant 32 : i32
        %mul3A_190 = arith.muli %mul3A_180, %mul3A_189 : i32
        %add3A_191 = vector.broadcast %mul3A_190 : i32 to vector<16xi32>
        %add3A_192 = arith.addi %add3A_191, %mul3A_3 : vector<16xi32>
        %add3A_193 = arith.addi %add3A_192, %and3A_185 : vector<16xi32>
        tpu.vector_store_idx %arg7[%add3A_193], %gather3A_188 : memref<16384xf32, #tpu.memory_space<vmem>>[vector<16xi32>], vector<16xf32>,
        %scan3A_194 = arith.constant 3 : i32
        %scan3A_195 = arith.addi %scan3A_135, %scan3A_194 : i32
        %and3A_196 = arith.constant 31 : i32
        %and3A_197 = arith.andi %scan3A_195, %and3A_196 : i32
        %shift_right_logical3A_198 = arith.constant 5 : i32
        %shift_right_logical3A_199 = arith.shrui %scan3A_195, %shift_right_logical3A_198 : i32
        %mul3A_200 = arith.constant 16 : i32
        %mul3A_201 = arith.muli %shift_right_logical3A_199, %mul3A_200 : i32
        %add3A_202 = vector.broadcast %and3A_197 : i32 to vector<16xi32>
        %add3A_203 = arith.addi %add3A_202, %iota3A : vector<16xi32>
        %and3A_204 = arith.constant 31 : i32
        %and3A_205 = vector.broadcast %and3A_204 : i32 to vector<16xi32>
        %and3A_206 = arith.andi %add3A_203, %and3A_205 : vector<16xi32>
        %add3A_207 = vector.broadcast %mul3A_201 : i32 to vector<16xi32>
        %add3A_208 = arith.addi %add3A_207, %iota3A : vector<16xi32>
        %gather3A_209 = tpu.vector_load_idx %arg5[%and3A_206, %add3A_208] : memref<32x512xf32, #tpu.memory_space<vmem>>[vector<16xi32>, vector<16xi32>], vector<16xf32>,
        %mul3A_210 = arith.constant 32 : i32
        %mul3A_211 = arith.muli %mul3A_201, %mul3A_210 : i32
        %add3A_212 = vector.broadcast %mul3A_211 : i32 to vector<16xi32>
        %add3A_213 = arith.addi %add3A_212, %mul3A_3 : vector<16xi32>
        %add3A_214 = arith.addi %add3A_213, %and3A_206 : vector<16xi32>
        tpu.vector_store_idx %arg7[%add3A_214], %gather3A_209 : memref<16384xf32, #tpu.memory_space<vmem>>[vector<16xi32>], vector<16xf32>,
        %scan3A_215 = arith.constant 4 : i32
        %scan3A_216 = arith.addi %scan3A_135, %scan3A_215 : i32
        %and3A_217 = arith.constant 31 : i32
        %and3A_218 = arith.andi %scan3A_216, %and3A_217 : i32
        %shift_right_logical3A_219 = arith.constant 5 : i32
        %shift_right_logical3A_220 = arith.shrui %scan3A_216, %shift_right_logical3A_219 : i32
        %mul3A_221 = arith.constant 16 : i32
        %mul3A_222 = arith.muli %shift_right_logical3A_220, %mul3A_221 : i32
        %add3A_223 = vector.broadcast %and3A_218 : i32 to vector<16xi32>
        %add3A_224 = arith.addi %add3A_223, %iota3A : vector<16xi32>
        %and3A_225 = arith.constant 31 : i32
        %and3A_226 = vector.broadcast %and3A_225 : i32 to vector<16xi32>
        %and3A_227 = arith.andi %add3A_224, %and3A_226 : vector<16xi32>
        %add3A_228 = vector.broadcast %mul3A_222 : i32 to vector<16xi32>
        %add3A_229 = arith.addi %add3A_228, %iota3A : vector<16xi32>
        %gather3A_230 = tpu.vector_load_idx %arg5[%and3A_227, %add3A_229] : memref<32x512xf32, #tpu.memory_space<vmem>>[vector<16xi32>, vector<16xi32>], vector<16xf32>,
        %mul3A_231 = arith.constant 32 : i32
        %mul3A_232 = arith.muli %mul3A_222, %mul3A_231 : i32
        %add3A_233 = vector.broadcast %mul3A_232 : i32 to vector<16xi32>
        %add3A_234 = arith.addi %add3A_233, %mul3A_3 : vector<16xi32>
        %add3A_235 = arith.addi %add3A_234, %and3A_227 : vector<16xi32>
        tpu.vector_store_idx %arg7[%add3A_235], %gather3A_230 : memref<16384xf32, #tpu.memory_space<vmem>>[vector<16xi32>], vector<16xf32>,
        %scan3A_236 = arith.constant 5 : i32
        %scan3A_237 = arith.addi %scan3A_135, %scan3A_236 : i32
        %and3A_238 = arith.constant 31 : i32
        %and3A_239 = arith.andi %scan3A_237, %and3A_238 : i32
        %shift_right_logical3A_240 = arith.constant 5 : i32
        %shift_right_logical3A_241 = arith.shrui %scan3A_237, %shift_right_logical3A_240 : i32
        %mul3A_242 = arith.constant 16 : i32
        %mul3A_243 = arith.muli %shift_right_logical3A_241, %mul3A_242 : i32
        %add3A_244 = vector.broadcast %and3A_239 : i32 to vector<16xi32>
        %add3A_245 = arith.addi %add3A_244, %iota3A : vector<16xi32>
        %and3A_246 = arith.constant 31 : i32
        %and3A_247 = vector.broadcast %and3A_246 : i32 to vector<16xi32>
        %and3A_248 = arith.andi %add3A_245, %and3A_247 : vector<16xi32>
        %add3A_249 = vector.broadcast %mul3A_243 : i32 to vector<16xi32>
        %add3A_250 = arith.addi %add3A_249, %iota3A : vector<16xi32>
        %gather3A_251 = tpu.vector_load_idx %arg5[%and3A_248, %add3A_250] : memref<32x512xf32, #tpu.memory_space<vmem>>[vector<16xi32>, vector<16xi32>], vector<16xf32>,
        %mul3A_252 = arith.constant 32 : i32
        %mul3A_253 = arith.muli %mul3A_243, %mul3A_252 : i32
        %add3A_254 = vector.broadcast %mul3A_253 : i32 to vector<16xi32>
        %add3A_255 = arith.addi %add3A_254, %mul3A_3 : vector<16xi32>
        %add3A_256 = arith.addi %add3A_255, %and3A_248 : vector<16xi32>
        tpu.vector_store_idx %arg7[%add3A_256], %gather3A_251 : memref<16384xf32, #tpu.memory_space<vmem>>[vector<16xi32>], vector<16xf32>,
        %scan3A_257 = arith.constant 6 : i32
        %scan3A_258 = arith.addi %scan3A_135, %scan3A_257 : i32
        %and3A_259 = arith.constant 31 : i32
        %and3A_260 = arith.andi %scan3A_258, %and3A_259 : i32
        %shift_right_logical3A_261 = arith.constant 5 : i32
        %shift_right_logical3A_262 = arith.shrui %scan3A_258, %shift_right_logical3A_261 : i32
        %mul3A_263 = arith.constant 16 : i32
        %mul3A_264 = arith.muli %shift_right_logical3A_262, %mul3A_263 : i32
        %add3A_265 = vector.broadcast %and3A_260 : i32 to vector<16xi32>
        %add3A_266 = arith.addi %add3A_265, %iota3A : vector<16xi32>
        %and3A_267 = arith.constant 31 : i32
        %and3A_268 = vector.broadcast %and3A_267 : i32 to vector<16xi32>
        %and3A_269 = arith.andi %add3A_266, %and3A_268 : vector<16xi32>
        %add3A_270 = vector.broadcast %mul3A_264 : i32 to vector<16xi32>
        %add3A_271 = arith.addi %add3A_270, %iota3A : vector<16xi32>
        %gather3A_272 = tpu.vector_load_idx %arg5[%and3A_269, %add3A_271] : memref<32x512xf32, #tpu.memory_space<vmem>>[vector<16xi32>, vector<16xi32>], vector<16xf32>,
        %mul3A_273 = arith.constant 32 : i32
        %mul3A_274 = arith.muli %mul3A_264, %mul3A_273 : i32
        %add3A_275 = vector.broadcast %mul3A_274 : i32 to vector<16xi32>
        %add3A_276 = arith.addi %add3A_275, %mul3A_3 : vector<16xi32>
        %add3A_277 = arith.addi %add3A_276, %and3A_269 : vector<16xi32>
        tpu.vector_store_idx %arg7[%add3A_277], %gather3A_272 : memref<16384xf32, #tpu.memory_space<vmem>>[vector<16xi32>], vector<16xf32>,
        %scan3A_278 = arith.constant 7 : i32
        %scan3A_279 = arith.addi %scan3A_135, %scan3A_278 : i32
        %and3A_280 = arith.constant 31 : i32
        %and3A_281 = arith.andi %scan3A_279, %and3A_280 : i32
        %shift_right_logical3A_282 = arith.constant 5 : i32
        %shift_right_logical3A_283 = arith.shrui %scan3A_279, %shift_right_logical3A_282 : i32
        %mul3A_284 = arith.constant 16 : i32
        %mul3A_285 = arith.muli %shift_right_logical3A_283, %mul3A_284 : i32
        %add3A_286 = vector.broadcast %and3A_281 : i32 to vector<16xi32>
        %add3A_287 = arith.addi %add3A_286, %iota3A : vector<16xi32>
        %and3A_288 = arith.constant 31 : i32
        %and3A_289 = vector.broadcast %and3A_288 : i32 to vector<16xi32>
        %and3A_290 = arith.andi %add3A_287, %and3A_289 : vector<16xi32>
        %add3A_291 = vector.broadcast %mul3A_285 : i32 to vector<16xi32>
        %add3A_292 = arith.addi %add3A_291, %iota3A : vector<16xi32>
        %gather3A_293 = tpu.vector_load_idx %arg5[%and3A_290, %add3A_292] : memref<32x512xf32, #tpu.memory_space<vmem>>[vector<16xi32>, vector<16xi32>], vector<16xf32>,
        %mul3A_294 = arith.constant 32 : i32
        %mul3A_295 = arith.muli %mul3A_285, %mul3A_294 : i32
        %add3A_296 = vector.broadcast %mul3A_295 : i32 to vector<16xi32>
        %add3A_297 = arith.addi %add3A_296, %mul3A_3 : vector<16xi32>
        %add3A_298 = arith.addi %add3A_297, %and3A_290 : vector<16xi32>
        tpu.vector_store_idx %arg7[%add3A_298], %gather3A_293 : memref<16384xf32, #tpu.memory_space<vmem>>[vector<16xi32>], vector<16xf32>,
        %scan3A_299 = arith.constant 8 : i32
        %scan3A_300 = arith.addi %scan3A_135, %scan3A_299 : i32
        %and3A_301 = arith.constant 31 : i32
        %and3A_302 = arith.andi %scan3A_300, %and3A_301 : i32
        %shift_right_logical3A_303 = arith.constant 5 : i32
        %shift_right_logical3A_304 = arith.shrui %scan3A_300, %shift_right_logical3A_303 : i32
        %mul3A_305 = arith.constant 16 : i32
        %mul3A_306 = arith.muli %shift_right_logical3A_304, %mul3A_305 : i32
        %add3A_307 = vector.broadcast %and3A_302 : i32 to vector<16xi32>
        %add3A_308 = arith.addi %add3A_307, %iota3A : vector<16xi32>
        %and3A_309 = arith.constant 31 : i32
        %and3A_310 = vector.broadcast %and3A_309 : i32 to vector<16xi32>
        %and3A_311 = arith.andi %add3A_308, %and3A_310 : vector<16xi32>
        %add3A_312 = vector.broadcast %mul3A_306 : i32 to vector<16xi32>
        %add3A_313 = arith.addi %add3A_312, %iota3A : vector<16xi32>
        %gather3A_314 = tpu.vector_load_idx %arg5[%and3A_311, %add3A_313] : memref<32x512xf32, #tpu.memory_space<vmem>>[vector<16xi32>, vector<16xi32>], vector<16xf32>,
        %mul3A_315 = arith.constant 32 : i32
        %mul3A_316 = arith.muli %mul3A_306, %mul3A_315 : i32
        %add3A_317 = vector.broadcast %mul3A_316 : i32 to vector<16xi32>
        %add3A_318 = arith.addi %add3A_317, %mul3A_3 : vector<16xi32>
        %add3A_319 = arith.addi %add3A_318, %and3A_311 : vector<16xi32>
        tpu.vector_store_idx %arg7[%add3A_319], %gather3A_314 : memref<16384xf32, #tpu.memory_space<vmem>>[vector<16xi32>], vector<16xf32>,
        %scan3A_320 = arith.constant 9 : i32
        %scan3A_321 = arith.addi %scan3A_135, %scan3A_320 : i32
        %and3A_322 = arith.constant 31 : i32
        %and3A_323 = arith.andi %scan3A_321, %and3A_322 : i32
        %shift_right_logical3A_324 = arith.constant 5 : i32
        %shift_right_logical3A_325 = arith.shrui %scan3A_321, %shift_right_logical3A_324 : i32
        %mul3A_326 = arith.constant 16 : i32
        %mul3A_327 = arith.muli %shift_right_logical3A_325, %mul3A_326 : i32
        %add3A_328 = vector.broadcast %and3A_323 : i32 to vector<16xi32>
        %add3A_329 = arith.addi %add3A_328, %iota3A : vector<16xi32>
        %and3A_330 = arith.constant 31 : i32
        %and3A_331 = vector.broadcast %and3A_330 : i32 to vector<16xi32>
        %and3A_332 = arith.andi %add3A_329, %and3A_331 : vector<16xi32>
        %add3A_333 = vector.broadcast %mul3A_327 : i32 to vector<16xi32>
        %add3A_334 = arith.addi %add3A_333, %iota3A : vector<16xi32>
        %gather3A_335 = tpu.vector_load_idx %arg5[%and3A_332, %add3A_334] : memref<32x512xf32, #tpu.memory_space<vmem>>[vector<16xi32>, vector<16xi32>], vector<16xf32>,
        %mul3A_336 = arith.constant 32 : i32
        %mul3A_337 = arith.muli %mul3A_327, %mul3A_336 : i32
        %add3A_338 = vector.broadcast %mul3A_337 : i32 to vector<16xi32>
        %add3A_339 = arith.addi %add3A_338, %mul3A_3 : vector<16xi32>
        %add3A_340 = arith.addi %add3A_339, %and3A_332 : vector<16xi32>
        tpu.vector_store_idx %arg7[%add3A_340], %gather3A_335 : memref<16384xf32, #tpu.memory_space<vmem>>[vector<16xi32>], vector<16xf32>,
        %scan3A_341 = arith.constant 10 : i32
        %scan3A_342 = arith.addi %scan3A_135, %scan3A_341 : i32
        %and3A_343 = arith.constant 31 : i32
        %and3A_344 = arith.andi %scan3A_342, %and3A_343 : i32
        %shift_right_logical3A_345 = arith.constant 5 : i32
        %shift_right_logical3A_346 = arith.shrui %scan3A_342, %shift_right_logical3A_345 : i32
        %mul3A_347 = arith.constant 16 : i32
        %mul3A_348 = arith.muli %shift_right_logical3A_346, %mul3A_347 : i32
        %add3A_349 = vector.broadcast %and3A_344 : i32 to vector<16xi32>
        %add3A_350 = arith.addi %add3A_349, %iota3A : vector<16xi32>
        %and3A_351 = arith.constant 31 : i32
        %and3A_352 = vector.broadcast %and3A_351 : i32 to vector<16xi32>
        %and3A_353 = arith.andi %add3A_350, %and3A_352 : vector<16xi32>
        %add3A_354 = vector.broadcast %mul3A_348 : i32 to vector<16xi32>
        %add3A_355 = arith.addi %add3A_354, %iota3A : vector<16xi32>
        %gather3A_356 = tpu.vector_load_idx %arg5[%and3A_353, %add3A_355] : memref<32x512xf32, #tpu.memory_space<vmem>>[vector<16xi32>, vector<16xi32>], vector<16xf32>,
        %mul3A_357 = arith.constant 32 : i32
        %mul3A_358 = arith.muli %mul3A_348, %mul3A_357 : i32
        %add3A_359 = vector.broadcast %mul3A_358 : i32 to vector<16xi32>
        %add3A_360 = arith.addi %add3A_359, %mul3A_3 : vector<16xi32>
        %add3A_361 = arith.addi %add3A_360, %and3A_353 : vector<16xi32>
        tpu.vector_store_idx %arg7[%add3A_361], %gather3A_356 : memref<16384xf32, #tpu.memory_space<vmem>>[vector<16xi32>], vector<16xf32>,
        %scan3A_362 = arith.constant 11 : i32
        %scan3A_363 = arith.addi %scan3A_135, %scan3A_362 : i32
        %and3A_364 = arith.constant 31 : i32
        %and3A_365 = arith.andi %scan3A_363, %and3A_364 : i32
        %shift_right_logical3A_366 = arith.constant 5 : i32
        %shift_right_logical3A_367 = arith.shrui %scan3A_363, %shift_right_logical3A_366 : i32
        %mul3A_368 = arith.constant 16 : i32
        %mul3A_369 = arith.muli %shift_right_logical3A_367, %mul3A_368 : i32
        %add3A_370 = vector.broadcast %and3A_365 : i32 to vector<16xi32>
        %add3A_371 = arith.addi %add3A_370, %iota3A : vector<16xi32>
        %and3A_372 = arith.constant 31 : i32
        %and3A_373 = vector.broadcast %and3A_372 : i32 to vector<16xi32>
        %and3A_374 = arith.andi %add3A_371, %and3A_373 : vector<16xi32>
        %add3A_375 = vector.broadcast %mul3A_369 : i32 to vector<16xi32>
        %add3A_376 = arith.addi %add3A_375, %iota3A : vector<16xi32>
        %gather3A_377 = tpu.vector_load_idx %arg5[%and3A_374, %add3A_376] : memref<32x512xf32, #tpu.memory_space<vmem>>[vector<16xi32>, vector<16xi32>], vector<16xf32>,
        %mul3A_378 = arith.constant 32 : i32
        %mul3A_379 = arith.muli %mul3A_369, %mul3A_378 : i32
        %add3A_380 = vector.broadcast %mul3A_379 : i32 to vector<16xi32>
        %add3A_381 = arith.addi %add3A_380, %mul3A_3 : vector<16xi32>
        %add3A_382 = arith.addi %add3A_381, %and3A_374 : vector<16xi32>
        tpu.vector_store_idx %arg7[%add3A_382], %gather3A_377 : memref<16384xf32, #tpu.memory_space<vmem>>[vector<16xi32>], vector<16xf32>,
        %scan3A_383 = arith.constant 12 : i32
        %scan3A_384 = arith.addi %scan3A_135, %scan3A_383 : i32
        %and3A_385 = arith.constant 31 : i32
        %and3A_386 = arith.andi %scan3A_384, %and3A_385 : i32
        %shift_right_logical3A_387 = arith.constant 5 : i32
        %shift_right_logical3A_388 = arith.shrui %scan3A_384, %shift_right_logical3A_387 : i32
        %mul3A_389 = arith.constant 16 : i32
        %mul3A_390 = arith.muli %shift_right_logical3A_388, %mul3A_389 : i32
        %add3A_391 = vector.broadcast %and3A_386 : i32 to vector<16xi32>
        %add3A_392 = arith.addi %add3A_391, %iota3A : vector<16xi32>
        %and3A_393 = arith.constant 31 : i32
        %and3A_394 = vector.broadcast %and3A_393 : i32 to vector<16xi32>
        %and3A_395 = arith.andi %add3A_392, %and3A_394 : vector<16xi32>
        %add3A_396 = vector.broadcast %mul3A_390 : i32 to vector<16xi32>
        %add3A_397 = arith.addi %add3A_396, %iota3A : vector<16xi32>
        %gather3A_398 = tpu.vector_load_idx %arg5[%and3A_395, %add3A_397] : memref<32x512xf32, #tpu.memory_space<vmem>>[vector<16xi32>, vector<16xi32>], vector<16xf32>,
        %mul3A_399 = arith.constant 32 : i32
        %mul3A_400 = arith.muli %mul3A_390, %mul3A_399 : i32
        %add3A_401 = vector.broadcast %mul3A_400 : i32 to vector<16xi32>
        %add3A_402 = arith.addi %add3A_401, %mul3A_3 : vector<16xi32>
        %add3A_403 = arith.addi %add3A_402, %and3A_395 : vector<16xi32>
        tpu.vector_store_idx %arg7[%add3A_403], %gather3A_398 : memref<16384xf32, #tpu.memory_space<vmem>>[vector<16xi32>], vector<16xf32>,
        %scan3A_404 = arith.constant 13 : i32
        %scan3A_405 = arith.addi %scan3A_135, %scan3A_404 : i32
        %and3A_406 = arith.constant 31 : i32
        %and3A_407 = arith.andi %scan3A_405, %and3A_406 : i32
        %shift_right_logical3A_408 = arith.constant 5 : i32
        %shift_right_logical3A_409 = arith.shrui %scan3A_405, %shift_right_logical3A_408 : i32
        %mul3A_410 = arith.constant 16 : i32
        %mul3A_411 = arith.muli %shift_right_logical3A_409, %mul3A_410 : i32
        %add3A_412 = vector.broadcast %and3A_407 : i32 to vector<16xi32>
        %add3A_413 = arith.addi %add3A_412, %iota3A : vector<16xi32>
        %and3A_414 = arith.constant 31 : i32
        %and3A_415 = vector.broadcast %and3A_414 : i32 to vector<16xi32>
        %and3A_416 = arith.andi %add3A_413, %and3A_415 : vector<16xi32>
        %add3A_417 = vector.broadcast %mul3A_411 : i32 to vector<16xi32>
        %add3A_418 = arith.addi %add3A_417, %iota3A : vector<16xi32>
        %gather3A_419 = tpu.vector_load_idx %arg5[%and3A_416, %add3A_418] : memref<32x512xf32, #tpu.memory_space<vmem>>[vector<16xi32>, vector<16xi32>], vector<16xf32>,
        %mul3A_420 = arith.constant 32 : i32
        %mul3A_421 = arith.muli %mul3A_411, %mul3A_420 : i32
        %add3A_422 = vector.broadcast %mul3A_421 : i32 to vector<16xi32>
        %add3A_423 = arith.addi %add3A_422, %mul3A_3 : vector<16xi32>
        %add3A_424 = arith.addi %add3A_423, %and3A_416 : vector<16xi32>
        tpu.vector_store_idx %arg7[%add3A_424], %gather3A_419 : memref<16384xf32, #tpu.memory_space<vmem>>[vector<16xi32>], vector<16xf32>,
        %scan3A_425 = arith.constant 14 : i32
        %scan3A_426 = arith.addi %scan3A_135, %scan3A_425 : i32
        %and3A_427 = arith.constant 31 : i32
        %and3A_428 = arith.andi %scan3A_426, %and3A_427 : i32
        %shift_right_logical3A_429 = arith.constant 5 : i32
        %shift_right_logical3A_430 = arith.shrui %scan3A_426, %shift_right_logical3A_429 : i32
        %mul3A_431 = arith.constant 16 : i32
        %mul3A_432 = arith.muli %shift_right_logical3A_430, %mul3A_431 : i32
        %add3A_433 = vector.broadcast %and3A_428 : i32 to vector<16xi32>
        %add3A_434 = arith.addi %add3A_433, %iota3A : vector<16xi32>
        %and3A_435 = arith.constant 31 : i32
        %and3A_436 = vector.broadcast %and3A_435 : i32 to vector<16xi32>
        %and3A_437 = arith.andi %add3A_434, %and3A_436 : vector<16xi32>
        %add3A_438 = vector.broadcast %mul3A_432 : i32 to vector<16xi32>
        %add3A_439 = arith.addi %add3A_438, %iota3A : vector<16xi32>
        %gather3A_440 = tpu.vector_load_idx %arg5[%and3A_437, %add3A_439] : memref<32x512xf32, #tpu.memory_space<vmem>>[vector<16xi32>, vector<16xi32>], vector<16xf32>,
        %mul3A_441 = arith.constant 32 : i32
        %mul3A_442 = arith.muli %mul3A_432, %mul3A_441 : i32
        %add3A_443 = vector.broadcast %mul3A_442 : i32 to vector<16xi32>
        %add3A_444 = arith.addi %add3A_443, %mul3A_3 : vector<16xi32>
        %add3A_445 = arith.addi %add3A_444, %and3A_437 : vector<16xi32>
        tpu.vector_store_idx %arg7[%add3A_445], %gather3A_440 : memref<16384xf32, #tpu.memory_space<vmem>>[vector<16xi32>], vector<16xf32>,
        %scan3A_446 = arith.constant 15 : i32
        %scan3A_447 = arith.addi %scan3A_135, %scan3A_446 : i32
        %and3A_448 = arith.constant 31 : i32
        %and3A_449 = arith.andi %scan3A_447, %and3A_448 : i32
        %shift_right_logical3A_450 = arith.constant 5 : i32
        %shift_right_logical3A_451 = arith.shrui %scan3A_447, %shift_right_logical3A_450 : i32
        %mul3A_452 = arith.constant 16 : i32
        %mul3A_453 = arith.muli %shift_right_logical3A_451, %mul3A_452 : i32
        %add3A_454 = vector.broadcast %and3A_449 : i32 to vector<16xi32>
        %add3A_455 = arith.addi %add3A_454, %iota3A : vector<16xi32>
        %and3A_456 = arith.constant 31 : i32
        %and3A_457 = vector.broadcast %and3A_456 : i32 to vector<16xi32>
        %and3A_458 = arith.andi %add3A_455, %and3A_457 : vector<16xi32>
        %add3A_459 = vector.broadcast %mul3A_453 : i32 to vector<16xi32>
        %add3A_460 = arith.addi %add3A_459, %iota3A : vector<16xi32>
        %gather3A_461 = tpu.vector_load_idx %arg5[%and3A_458, %add3A_460] : memref<32x512xf32, #tpu.memory_space<vmem>>[vector<16xi32>, vector<16xi32>], vector<16xf32>,
        %mul3A_462 = arith.constant 32 : i32
        %mul3A_463 = arith.muli %mul3A_453, %mul3A_462 : i32
        %add3A_464 = vector.broadcast %mul3A_463 : i32 to vector<16xi32>
        %add3A_465 = arith.addi %add3A_464, %mul3A_3 : vector<16xi32>
        %add3A_466 = arith.addi %add3A_465, %and3A_458 : vector<16xi32>
        tpu.vector_store_idx %arg7[%add3A_466], %gather3A_461 : memref<16384xf32, #tpu.memory_space<vmem>>[vector<16xi32>], vector<16xf32>,
      }
      %scan3A_116 = arith.constant 1024 : i32
      %mul3A_117 = arith.constant 32 : i32
      %mul3A_118 = arith.muli %add3A_94, %mul3A_117 : i32
      %add3A_119 = arith.addi %mul3A_118, %add3A : i32
      %min3A_120 = arith.constant 1952 : i32
      %min3A_121 = arith.minsi %add3A_119, %min3A_120 : i32
      %mul3A_122 = arith.constant 32 : i32
      %mul3A_123 = arith.muli %min3A_121, %mul3A_122 : i32
      %mul3A_124 = arith.constant 512 : i32
      %mul3A_125 = arith.muli %mul3A_123, %mul3A_124 : i32
      %dma_start3A_126 = tpu.memref_slice %arg3[%mul3A_125] : memref<32000000xf32, #tpu.memory_space<hbm>> -> memref<16384xf32, #tpu.memory_space<hbm>>
      %dma_start3A_127 = tpu.memref_slice %arg3[%mul3A_125] : memref<32000000xf32, #tpu.memory_space<hbm>> -> memref<16384xf32, #tpu.memory_space<hbm>>
      tpu.enqueue_dma source(%arg7 : memref<16384xf32, #tpu.memory_space<vmem>>) target(%dma_start3A_127 : memref<16384xf32, #tpu.memory_space<hbm>>) target_semaphore(%arg12 : memref<!tpu.dma_semaphore, #tpu.memory_space<semaphore_mem>>)
      %add3A_128 = arith.constant 2 : i32
      %add3A_129 = arith.addi %add3A_94, %add3A_128 : i32
      %lt3A_130 = arith.constant 62 : i32
      %lt3A_131 = arith.cmpi slt, %add3A_129, %lt3A_130 : i32
      %convert_element_type3A_132 = arith.extui %lt3A_131 : i1 to i32
      %cond3A_133 = arith.constant 0 : i32
      %cond3A_134 = arith.cmpi ne, %convert_element_type3A_132, %cond3A_133 : i32
      scf.if %cond3A_134 {
        %add3A_135 = arith.constant 2 : i32
        %add3A_136 = arith.addi %add3A_94, %add3A_135 : i32
        %mul3A_137 = arith.constant 32 : i32
        %mul3A_138 = arith.muli %add3A_136, %mul3A_137 : i32
        %add3A_139 = arith.addi %mul3A_138, %add3A : i32
        %min3A_140 = arith.constant 1952 : i32
        %min3A_141 = arith.minsi %add3A_139, %min3A_140 : i32
        %mul3A_142 = arith.constant 512 : i32
        %mul3A_143 = arith.muli %min3A_141, %mul3A_142 : i32
        %dma_start3A_144 = arith.constant 0 : i32
        %dma_start3A_145 = tpu.memref_slice %arg2[%dma_start3A_144, %mul3A_143] : memref<32x1000000xf32, #tpu.memory_space<hbm>> -> memref<32x512xf32, #tpu.memory_space<hbm>>
        %dma_start3A_146 = arith.constant 0 : i32
        %dma_start3A_147 = tpu.memref_slice %arg2[%dma_start3A_146, %mul3A_143] : memref<32x1000000xf32, #tpu.memory_space<hbm>> -> memref<32x512xf32, #tpu.memory_space<hbm>>
        tpu.enqueue_dma source(%dma_start3A_147 : memref<32x512xf32, #tpu.memory_space<hbm>>) target(%arg5 : memref<32x512xf32, #tpu.memory_space<vmem>>) target_semaphore(%arg10 : memref<!tpu.dma_semaphore, #tpu.memory_space<semaphore_mem>>)
      } else {
      }
    }
    %scan3A_26 = arith.constant 31 : i32
    %add3A_27 = arith.constant 1920 : i32
    %add3A_28 = arith.addi %add3A_27, %add3A : i32
    %min3A_29 = arith.constant 1952 : i32
    %min3A_30 = arith.minsi %add3A_28, %min3A_29 : i32
    %mul3A_31 = arith.constant 32 : i32
    %mul3A_32 = arith.muli %min3A_30, %mul3A_31 : i32
    %mul3A_33 = arith.constant 512 : i32
    %mul3A_34 = arith.muli %mul3A_32, %mul3A_33 : i32
    %dma_wait3A = tpu.memref_slice %arg3[%mul3A_34] : memref<32000000xf32, #tpu.memory_space<hbm>> -> memref<16384xf32, #tpu.memory_space<hbm>>
    %dma_wait3A_35 = tpu.memref_slice %arg3[%mul3A_34] : memref<32000000xf32, #tpu.memory_space<hbm>> -> memref<16384xf32, #tpu.memory_space<hbm>>
    tpu.wait_dma2 semaphore(%arg11 : memref<!tpu.dma_semaphore, #tpu.memory_space<semaphore_mem>>) src(%arg6 : memref<16384xf32, #tpu.memory_space<vmem>>) dst(%dma_wait3A_35 : memref<16384xf32, #tpu.memory_space<hbm>>)
    %add3A_36 = arith.constant 1952 : i32
    %add3A_37 = arith.addi %add3A_36, %add3A : i32
    %min3A_38 = arith.constant 1952 : i32
    %min3A_39 = arith.minsi %add3A_37, %min3A_38 : i32
    %mul3A_40 = arith.constant 32 : i32
    %mul3A_41 = arith.muli %min3A_39, %mul3A_40 : i32
    %mul3A_42 = arith.constant 512 : i32
    %mul3A_43 = arith.muli %mul3A_41, %mul3A_42 : i32
    %dma_wait3A_44 = tpu.memref_slice %arg3[%mul3A_43] : memref<32000000xf32, #tpu.memory_space<hbm>> -> memref<16384xf32, #tpu.memory_space<hbm>>
    %dma_wait3A_45 = tpu.memref_slice %arg3[%mul3A_43] : memref<32000000xf32, #tpu.memory_space<hbm>> -> memref<16384xf32, #tpu.memory_space<hbm>>
    tpu.wait_dma2 semaphore(%arg12 : memref<!tpu.dma_semaphore, #tpu.memory_space<semaphore_mem>>) src(%arg7 : memref<16384xf32, #tpu.memory_space<vmem>>) dst(%dma_wait3A_45 : memref<16384xf32, #tpu.memory_space<hbm>>)
    %eq3A = arith.constant 0 : i32
    %eq3A_46 = arith.cmpi eq, %add3A, %eq3A : i32
    %convert_element_type3A = arith.extui %eq3A_46 : i1 to i32
    %cond3A = arith.constant 0 : i32
    %cond3A_47 = arith.cmpi ne, %convert_element_type3A, %cond3A : i32
    scf.if %cond3A_47 {
      "tpu.region"() ({
        %run_scoped3A = tpu.sem_alloc : memref<!tpu.dma_semaphore, #tpu.memory_space<semaphore_mem>>
        %dma_start3A_54 = arith.constant 0 : i32
        %dma_start3A_55 = arith.constant 999936 : i32
        %dma_start3A_56 = tpu.memref_slice %arg2[%dma_start3A_54, %dma_start3A_55] : memref<32x1000000xf32, #tpu.memory_space<hbm>> -> memref<32x64xf32, #tpu.memory_space<hbm>>
        %dma_start3A_57 = arith.constant 0 : i32
        %dma_start3A_58 = arith.constant 999936 : i32
        %dma_start3A_59 = tpu.memref_slice %arg2[%dma_start3A_57, %dma_start3A_58] : memref<32x1000000xf32, #tpu.memory_space<hbm>> -> memref<32x64xf32, #tpu.memory_space<hbm>>
        tpu.enqueue_dma source(%dma_start3A_59 : memref<32x64xf32, #tpu.memory_space<hbm>>) target(%arg8 : memref<32x64xf32, #tpu.memory_space<vmem>>) target_semaphore(%run_scoped3A : memref<!tpu.dma_semaphore, #tpu.memory_space<semaphore_mem>>)
        %dma_wait3A_60 = arith.constant 0 : i32
        %dma_wait3A_61 = arith.constant 999936 : i32
        %dma_wait3A_62 = tpu.memref_slice %arg2[%dma_wait3A_60, %dma_wait3A_61] : memref<32x1000000xf32, #tpu.memory_space<hbm>> -> memref<32x64xf32, #tpu.memory_space<hbm>>
        %dma_wait3A_63 = arith.constant 0 : i32
        %dma_wait3A_64 = arith.constant 999936 : i32
        %dma_wait3A_65 = tpu.memref_slice %arg2[%dma_wait3A_63, %dma_wait3A_64] : memref<32x1000000xf32, #tpu.memory_space<hbm>> -> memref<32x64xf32, #tpu.memory_space<hbm>>
        tpu.wait_dma2 semaphore(%run_scoped3A : memref<!tpu.dma_semaphore, #tpu.memory_space<semaphore_mem>>) src(%dma_wait3A_65 : memref<32x64xf32, #tpu.memory_space<hbm>>) dst(%arg8 : memref<32x64xf32, #tpu.memory_space<vmem>>)
        tpu.yield
      }) : () -> ()
      %scan3A_48 = arith.constant 0 : i32
      %scan3A_49 = arith.constant 0 : i32
      %scan3A_50 = arith.constant 128 : i32
      %scan3A_51 = arith.addi %scan3A_49, %scan3A_50 : i32
      %scan3A_52 = arith.constant 16 : i32
      scf.for %scan3A_54 = %scan3A_49 to %scan3A_51 step %scan3A_52  : i32 {
        %and3A = arith.constant 31 : i32
        %and3A_55 = arith.andi %scan3A_54, %and3A : i32
        %shift_right_logical3A = arith.constant 5 : i32
        %shift_right_logical3A_56 = arith.shrui %scan3A_54, %shift_right_logical3A : i32
        %mul3A_57 = arith.constant 16 : i32
        %mul3A_58 = arith.muli %shift_right_logical3A_56, %mul3A_57 : i32
        %add3A_59 = vector.broadcast %and3A_55 : i32 to vector<16xi32>
        %add3A_60 = arith.addi %add3A_59, %iota3A : vector<16xi32>
        %and3A_61 = arith.constant 31 : i32
        %and3A_62 = vector.broadcast %and3A_61 : i32 to vector<16xi32>
        %and3A_63 = arith.andi %add3A_60, %and3A_62 : vector<16xi32>
        %add3A_64 = vector.broadcast %mul3A_58 : i32 to vector<16xi32>
        %add3A_65 = arith.addi %add3A_64, %iota3A : vector<16xi32>
        %gather3A = tpu.vector_load_idx %arg8[%and3A_63, %add3A_65] : memref<32x64xf32, #tpu.memory_space<vmem>>[vector<16xi32>, vector<16xi32>], vector<16xf32>,
        %mul3A_66 = arith.constant 32 : i32
        %mul3A_67 = arith.muli %mul3A_58, %mul3A_66 : i32
        %add3A_68 = vector.broadcast %mul3A_67 : i32 to vector<16xi32>
        %add3A_69 = arith.addi %add3A_68, %mul3A_3 : vector<16xi32>
        %add3A_70 = arith.addi %add3A_69, %and3A_63 : vector<16xi32>
        tpu.vector_store_idx %arg6[%add3A_70], %gather3A : memref<16384xf32, #tpu.memory_space<vmem>>[vector<16xi32>], vector<16xf32>,
        %scan3A_71 = arith.constant 1 : i32
        %scan3A_72 = arith.addi %scan3A_54, %scan3A_71 : i32
        %and3A_73 = arith.constant 31 : i32
        %and3A_74 = arith.andi %scan3A_72, %and3A_73 : i32
        %shift_right_logical3A_75 = arith.constant 5 : i32
        %shift_right_logical3A_76 = arith.shrui %scan3A_72, %shift_right_logical3A_75 : i32
        %mul3A_77 = arith.constant 16 : i32
        %mul3A_78 = arith.muli %shift_right_logical3A_76, %mul3A_77 : i32
        %add3A_79 = vector.broadcast %and3A_74 : i32 to vector<16xi32>
        %add3A_80 = arith.addi %add3A_79, %iota3A : vector<16xi32>
        %and3A_81 = arith.constant 31 : i32
        %and3A_82 = vector.broadcast %and3A_81 : i32 to vector<16xi32>
        %and3A_83 = arith.andi %add3A_80, %and3A_82 : vector<16xi32>
        %add3A_84 = vector.broadcast %mul3A_78 : i32 to vector<16xi32>
        %add3A_85 = arith.addi %add3A_84, %iota3A : vector<16xi32>
        %gather3A_86 = tpu.vector_load_idx %arg8[%and3A_83, %add3A_85] : memref<32x64xf32, #tpu.memory_space<vmem>>[vector<16xi32>, vector<16xi32>], vector<16xf32>,
        %mul3A_87 = arith.constant 32 : i32
        %mul3A_88 = arith.muli %mul3A_78, %mul3A_87 : i32
        %add3A_89 = vector.broadcast %mul3A_88 : i32 to vector<16xi32>
        %add3A_90 = arith.addi %add3A_89, %mul3A_3 : vector<16xi32>
        %add3A_91 = arith.addi %add3A_90, %and3A_83 : vector<16xi32>
        tpu.vector_store_idx %arg6[%add3A_91], %gather3A_86 : memref<16384xf32, #tpu.memory_space<vmem>>[vector<16xi32>], vector<16xf32>,
        %scan3A_92 = arith.constant 2 : i32
        %scan3A_93 = arith.addi %scan3A_54, %scan3A_92 : i32
        %and3A_94 = arith.constant 31 : i32
        %and3A_95 = arith.andi %scan3A_93, %and3A_94 : i32
        %shift_right_logical3A_96 = arith.constant 5 : i32
        %shift_right_logical3A_97 = arith.shrui %scan3A_93, %shift_right_logical3A_96 : i32
        %mul3A_98 = arith.constant 16 : i32
        %mul3A_99 = arith.muli %shift_right_logical3A_97, %mul3A_98 : i32
        %add3A_100 = vector.broadcast %and3A_95 : i32 to vector<16xi32>
        %add3A_101 = arith.addi %add3A_100, %iota3A : vector<16xi32>
        %and3A_102 = arith.constant 31 : i32
        %and3A_103 = vector.broadcast %and3A_102 : i32 to vector<16xi32>
        %and3A_104 = arith.andi %add3A_101, %and3A_103 : vector<16xi32>
        %add3A_105 = vector.broadcast %mul3A_99 : i32 to vector<16xi32>
        %add3A_106 = arith.addi %add3A_105, %iota3A : vector<16xi32>
        %gather3A_107 = tpu.vector_load_idx %arg8[%and3A_104, %add3A_106] : memref<32x64xf32, #tpu.memory_space<vmem>>[vector<16xi32>, vector<16xi32>], vector<16xf32>,
        %mul3A_108 = arith.constant 32 : i32
        %mul3A_109 = arith.muli %mul3A_99, %mul3A_108 : i32
        %add3A_110 = vector.broadcast %mul3A_109 : i32 to vector<16xi32>
        %add3A_111 = arith.addi %add3A_110, %mul3A_3 : vector<16xi32>
        %add3A_112 = arith.addi %add3A_111, %and3A_104 : vector<16xi32>
        tpu.vector_store_idx %arg6[%add3A_112], %gather3A_107 : memref<16384xf32, #tpu.memory_space<vmem>>[vector<16xi32>], vector<16xf32>,
        %scan3A_113 = arith.constant 3 : i32
        %scan3A_114 = arith.addi %scan3A_54, %scan3A_113 : i32
        %and3A_115 = arith.constant 31 : i32
        %and3A_116 = arith.andi %scan3A_114, %and3A_115 : i32
        %shift_right_logical3A_117 = arith.constant 5 : i32
        %shift_right_logical3A_118 = arith.shrui %scan3A_114, %shift_right_logical3A_117 : i32
        %mul3A_119 = arith.constant 16 : i32
        %mul3A_120 = arith.muli %shift_right_logical3A_118, %mul3A_119 : i32
        %add3A_121 = vector.broadcast %and3A_116 : i32 to vector<16xi32>
        %add3A_122 = arith.addi %add3A_121, %iota3A : vector<16xi32>
        %and3A_123 = arith.constant 31 : i32
        %and3A_124 = vector.broadcast %and3A_123 : i32 to vector<16xi32>
        %and3A_125 = arith.andi %add3A_122, %and3A_124 : vector<16xi32>
        %add3A_126 = vector.broadcast %mul3A_120 : i32 to vector<16xi32>
        %add3A_127 = arith.addi %add3A_126, %iota3A : vector<16xi32>
        %gather3A_128 = tpu.vector_load_idx %arg8[%and3A_125, %add3A_127] : memref<32x64xf32, #tpu.memory_space<vmem>>[vector<16xi32>, vector<16xi32>], vector<16xf32>,
        %mul3A_129 = arith.constant 32 : i32
        %mul3A_130 = arith.muli %mul3A_120, %mul3A_129 : i32
        %add3A_131 = vector.broadcast %mul3A_130 : i32 to vector<16xi32>
        %add3A_132 = arith.addi %add3A_131, %mul3A_3 : vector<16xi32>
        %add3A_133 = arith.addi %add3A_132, %and3A_125 : vector<16xi32>
        tpu.vector_store_idx %arg6[%add3A_133], %gather3A_128 : memref<16384xf32, #tpu.memory_space<vmem>>[vector<16xi32>], vector<16xf32>,
        %scan3A_134 = arith.constant 4 : i32
        %scan3A_135 = arith.addi %scan3A_54, %scan3A_134 : i32
        %and3A_136 = arith.constant 31 : i32
        %and3A_137 = arith.andi %scan3A_135, %and3A_136 : i32
        %shift_right_logical3A_138 = arith.constant 5 : i32
        %shift_right_logical3A_139 = arith.shrui %scan3A_135, %shift_right_logical3A_138 : i32
        %mul3A_140 = arith.constant 16 : i32
        %mul3A_141 = arith.muli %shift_right_logical3A_139, %mul3A_140 : i32
        %add3A_142 = vector.broadcast %and3A_137 : i32 to vector<16xi32>
        %add3A_143 = arith.addi %add3A_142, %iota3A : vector<16xi32>
        %and3A_144 = arith.constant 31 : i32
        %and3A_145 = vector.broadcast %and3A_144 : i32 to vector<16xi32>
        %and3A_146 = arith.andi %add3A_143, %and3A_145 : vector<16xi32>
        %add3A_147 = vector.broadcast %mul3A_141 : i32 to vector<16xi32>
        %add3A_148 = arith.addi %add3A_147, %iota3A : vector<16xi32>
        %gather3A_149 = tpu.vector_load_idx %arg8[%and3A_146, %add3A_148] : memref<32x64xf32, #tpu.memory_space<vmem>>[vector<16xi32>, vector<16xi32>], vector<16xf32>,
        %mul3A_150 = arith.constant 32 : i32
        %mul3A_151 = arith.muli %mul3A_141, %mul3A_150 : i32
        %add3A_152 = vector.broadcast %mul3A_151 : i32 to vector<16xi32>
        %add3A_153 = arith.addi %add3A_152, %mul3A_3 : vector<16xi32>
        %add3A_154 = arith.addi %add3A_153, %and3A_146 : vector<16xi32>
        tpu.vector_store_idx %arg6[%add3A_154], %gather3A_149 : memref<16384xf32, #tpu.memory_space<vmem>>[vector<16xi32>], vector<16xf32>,
        %scan3A_155 = arith.constant 5 : i32
        %scan3A_156 = arith.addi %scan3A_54, %scan3A_155 : i32
        %and3A_157 = arith.constant 31 : i32
        %and3A_158 = arith.andi %scan3A_156, %and3A_157 : i32
        %shift_right_logical3A_159 = arith.constant 5 : i32
        %shift_right_logical3A_160 = arith.shrui %scan3A_156, %shift_right_logical3A_159 : i32
        %mul3A_161 = arith.constant 16 : i32
        %mul3A_162 = arith.muli %shift_right_logical3A_160, %mul3A_161 : i32
        %add3A_163 = vector.broadcast %and3A_158 : i32 to vector<16xi32>
        %add3A_164 = arith.addi %add3A_163, %iota3A : vector<16xi32>
        %and3A_165 = arith.constant 31 : i32
        %and3A_166 = vector.broadcast %and3A_165 : i32 to vector<16xi32>
        %and3A_167 = arith.andi %add3A_164, %and3A_166 : vector<16xi32>
        %add3A_168 = vector.broadcast %mul3A_162 : i32 to vector<16xi32>
        %add3A_169 = arith.addi %add3A_168, %iota3A : vector<16xi32>
        %gather3A_170 = tpu.vector_load_idx %arg8[%and3A_167, %add3A_169] : memref<32x64xf32, #tpu.memory_space<vmem>>[vector<16xi32>, vector<16xi32>], vector<16xf32>,
        %mul3A_171 = arith.constant 32 : i32
        %mul3A_172 = arith.muli %mul3A_162, %mul3A_171 : i32
        %add3A_173 = vector.broadcast %mul3A_172 : i32 to vector<16xi32>
        %add3A_174 = arith.addi %add3A_173, %mul3A_3 : vector<16xi32>
        %add3A_175 = arith.addi %add3A_174, %and3A_167 : vector<16xi32>
        tpu.vector_store_idx %arg6[%add3A_175], %gather3A_170 : memref<16384xf32, #tpu.memory_space<vmem>>[vector<16xi32>], vector<16xf32>,
        %scan3A_176 = arith.constant 6 : i32
        %scan3A_177 = arith.addi %scan3A_54, %scan3A_176 : i32
        %and3A_178 = arith.constant 31 : i32
        %and3A_179 = arith.andi %scan3A_177, %and3A_178 : i32
        %shift_right_logical3A_180 = arith.constant 5 : i32
        %shift_right_logical3A_181 = arith.shrui %scan3A_177, %shift_right_logical3A_180 : i32
        %mul3A_182 = arith.constant 16 : i32
        %mul3A_183 = arith.muli %shift_right_logical3A_181, %mul3A_182 : i32
        %add3A_184 = vector.broadcast %and3A_179 : i32 to vector<16xi32>
        %add3A_185 = arith.addi %add3A_184, %iota3A : vector<16xi32>
        %and3A_186 = arith.constant 31 : i32
        %and3A_187 = vector.broadcast %and3A_186 : i32 to vector<16xi32>
        %and3A_188 = arith.andi %add3A_185, %and3A_187 : vector<16xi32>
        %add3A_189 = vector.broadcast %mul3A_183 : i32 to vector<16xi32>
        %add3A_190 = arith.addi %add3A_189, %iota3A : vector<16xi32>
        %gather3A_191 = tpu.vector_load_idx %arg8[%and3A_188, %add3A_190] : memref<32x64xf32, #tpu.memory_space<vmem>>[vector<16xi32>, vector<16xi32>], vector<16xf32>,
        %mul3A_192 = arith.constant 32 : i32
        %mul3A_193 = arith.muli %mul3A_183, %mul3A_192 : i32
        %add3A_194 = vector.broadcast %mul3A_193 : i32 to vector<16xi32>
        %add3A_195 = arith.addi %add3A_194, %mul3A_3 : vector<16xi32>
        %add3A_196 = arith.addi %add3A_195, %and3A_188 : vector<16xi32>
        tpu.vector_store_idx %arg6[%add3A_196], %gather3A_191 : memref<16384xf32, #tpu.memory_space<vmem>>[vector<16xi32>], vector<16xf32>,
        %scan3A_197 = arith.constant 7 : i32
        %scan3A_198 = arith.addi %scan3A_54, %scan3A_197 : i32
        %and3A_199 = arith.constant 31 : i32
        %and3A_200 = arith.andi %scan3A_198, %and3A_199 : i32
        %shift_right_logical3A_201 = arith.constant 5 : i32
        %shift_right_logical3A_202 = arith.shrui %scan3A_198, %shift_right_logical3A_201 : i32
        %mul3A_203 = arith.constant 16 : i32
        %mul3A_204 = arith.muli %shift_right_logical3A_202, %mul3A_203 : i32
        %add3A_205 = vector.broadcast %and3A_200 : i32 to vector<16xi32>
        %add3A_206 = arith.addi %add3A_205, %iota3A : vector<16xi32>
        %and3A_207 = arith.constant 31 : i32
        %and3A_208 = vector.broadcast %and3A_207 : i32 to vector<16xi32>
        %and3A_209 = arith.andi %add3A_206, %and3A_208 : vector<16xi32>
        %add3A_210 = vector.broadcast %mul3A_204 : i32 to vector<16xi32>
        %add3A_211 = arith.addi %add3A_210, %iota3A : vector<16xi32>
        %gather3A_212 = tpu.vector_load_idx %arg8[%and3A_209, %add3A_211] : memref<32x64xf32, #tpu.memory_space<vmem>>[vector<16xi32>, vector<16xi32>], vector<16xf32>,
        %mul3A_213 = arith.constant 32 : i32
        %mul3A_214 = arith.muli %mul3A_204, %mul3A_213 : i32
        %add3A_215 = vector.broadcast %mul3A_214 : i32 to vector<16xi32>
        %add3A_216 = arith.addi %add3A_215, %mul3A_3 : vector<16xi32>
        %add3A_217 = arith.addi %add3A_216, %and3A_209 : vector<16xi32>
        tpu.vector_store_idx %arg6[%add3A_217], %gather3A_212 : memref<16384xf32, #tpu.memory_space<vmem>>[vector<16xi32>], vector<16xf32>,
        %scan3A_218 = arith.constant 8 : i32
        %scan3A_219 = arith.addi %scan3A_54, %scan3A_218 : i32
        %and3A_220 = arith.constant 31 : i32
        %and3A_221 = arith.andi %scan3A_219, %and3A_220 : i32
        %shift_right_logical3A_222 = arith.constant 5 : i32
        %shift_right_logical3A_223 = arith.shrui %scan3A_219, %shift_right_logical3A_222 : i32
        %mul3A_224 = arith.constant 16 : i32
        %mul3A_225 = arith.muli %shift_right_logical3A_223, %mul3A_224 : i32
        %add3A_226 = vector.broadcast %and3A_221 : i32 to vector<16xi32>
        %add3A_227 = arith.addi %add3A_226, %iota3A : vector<16xi32>
        %and3A_228 = arith.constant 31 : i32
        %and3A_229 = vector.broadcast %and3A_228 : i32 to vector<16xi32>
        %and3A_230 = arith.andi %add3A_227, %and3A_229 : vector<16xi32>
        %add3A_231 = vector.broadcast %mul3A_225 : i32 to vector<16xi32>
        %add3A_232 = arith.addi %add3A_231, %iota3A : vector<16xi32>
        %gather3A_233 = tpu.vector_load_idx %arg8[%and3A_230, %add3A_232] : memref<32x64xf32, #tpu.memory_space<vmem>>[vector<16xi32>, vector<16xi32>], vector<16xf32>,
        %mul3A_234 = arith.constant 32 : i32
        %mul3A_235 = arith.muli %mul3A_225, %mul3A_234 : i32
        %add3A_236 = vector.broadcast %mul3A_235 : i32 to vector<16xi32>
        %add3A_237 = arith.addi %add3A_236, %mul3A_3 : vector<16xi32>
        %add3A_238 = arith.addi %add3A_237, %and3A_230 : vector<16xi32>
        tpu.vector_store_idx %arg6[%add3A_238], %gather3A_233 : memref<16384xf32, #tpu.memory_space<vmem>>[vector<16xi32>], vector<16xf32>,
        %scan3A_239 = arith.constant 9 : i32
        %scan3A_240 = arith.addi %scan3A_54, %scan3A_239 : i32
        %and3A_241 = arith.constant 31 : i32
        %and3A_242 = arith.andi %scan3A_240, %and3A_241 : i32
        %shift_right_logical3A_243 = arith.constant 5 : i32
        %shift_right_logical3A_244 = arith.shrui %scan3A_240, %shift_right_logical3A_243 : i32
        %mul3A_245 = arith.constant 16 : i32
        %mul3A_246 = arith.muli %shift_right_logical3A_244, %mul3A_245 : i32
        %add3A_247 = vector.broadcast %and3A_242 : i32 to vector<16xi32>
        %add3A_248 = arith.addi %add3A_247, %iota3A : vector<16xi32>
        %and3A_249 = arith.constant 31 : i32
        %and3A_250 = vector.broadcast %and3A_249 : i32 to vector<16xi32>
        %and3A_251 = arith.andi %add3A_248, %and3A_250 : vector<16xi32>
        %add3A_252 = vector.broadcast %mul3A_246 : i32 to vector<16xi32>
        %add3A_253 = arith.addi %add3A_252, %iota3A : vector<16xi32>
        %gather3A_254 = tpu.vector_load_idx %arg8[%and3A_251, %add3A_253] : memref<32x64xf32, #tpu.memory_space<vmem>>[vector<16xi32>, vector<16xi32>], vector<16xf32>,
        %mul3A_255 = arith.constant 32 : i32
        %mul3A_256 = arith.muli %mul3A_246, %mul3A_255 : i32
        %add3A_257 = vector.broadcast %mul3A_256 : i32 to vector<16xi32>
        %add3A_258 = arith.addi %add3A_257, %mul3A_3 : vector<16xi32>
        %add3A_259 = arith.addi %add3A_258, %and3A_251 : vector<16xi32>
        tpu.vector_store_idx %arg6[%add3A_259], %gather3A_254 : memref<16384xf32, #tpu.memory_space<vmem>>[vector<16xi32>], vector<16xf32>,
        %scan3A_260 = arith.constant 10 : i32
        %scan3A_261 = arith.addi %scan3A_54, %scan3A_260 : i32
        %and3A_262 = arith.constant 31 : i32
        %and3A_263 = arith.andi %scan3A_261, %and3A_262 : i32
        %shift_right_logical3A_264 = arith.constant 5 : i32
        %shift_right_logical3A_265 = arith.shrui %scan3A_261, %shift_right_logical3A_264 : i32
        %mul3A_266 = arith.constant 16 : i32
        %mul3A_267 = arith.muli %shift_right_logical3A_265, %mul3A_266 : i32
        %add3A_268 = vector.broadcast %and3A_263 : i32 to vector<16xi32>
        %add3A_269 = arith.addi %add3A_268, %iota3A : vector<16xi32>
        %and3A_270 = arith.constant 31 : i32
        %and3A_271 = vector.broadcast %and3A_270 : i32 to vector<16xi32>
        %and3A_272 = arith.andi %add3A_269, %and3A_271 : vector<16xi32>
        %add3A_273 = vector.broadcast %mul3A_267 : i32 to vector<16xi32>
        %add3A_274 = arith.addi %add3A_273, %iota3A : vector<16xi32>
        %gather3A_275 = tpu.vector_load_idx %arg8[%and3A_272, %add3A_274] : memref<32x64xf32, #tpu.memory_space<vmem>>[vector<16xi32>, vector<16xi32>], vector<16xf32>,
        %mul3A_276 = arith.constant 32 : i32
        %mul3A_277 = arith.muli %mul3A_267, %mul3A_276 : i32
        %add3A_278 = vector.broadcast %mul3A_277 : i32 to vector<16xi32>
        %add3A_279 = arith.addi %add3A_278, %mul3A_3 : vector<16xi32>
        %add3A_280 = arith.addi %add3A_279, %and3A_272 : vector<16xi32>
        tpu.vector_store_idx %arg6[%add3A_280], %gather3A_275 : memref<16384xf32, #tpu.memory_space<vmem>>[vector<16xi32>], vector<16xf32>,
        %scan3A_281 = arith.constant 11 : i32
        %scan3A_282 = arith.addi %scan3A_54, %scan3A_281 : i32
        %and3A_283 = arith.constant 31 : i32
        %and3A_284 = arith.andi %scan3A_282, %and3A_283 : i32
        %shift_right_logical3A_285 = arith.constant 5 : i32
        %shift_right_logical3A_286 = arith.shrui %scan3A_282, %shift_right_logical3A_285 : i32
        %mul3A_287 = arith.constant 16 : i32
        %mul3A_288 = arith.muli %shift_right_logical3A_286, %mul3A_287 : i32
        %add3A_289 = vector.broadcast %and3A_284 : i32 to vector<16xi32>
        %add3A_290 = arith.addi %add3A_289, %iota3A : vector<16xi32>
        %and3A_291 = arith.constant 31 : i32
        %and3A_292 = vector.broadcast %and3A_291 : i32 to vector<16xi32>
        %and3A_293 = arith.andi %add3A_290, %and3A_292 : vector<16xi32>
        %add3A_294 = vector.broadcast %mul3A_288 : i32 to vector<16xi32>
        %add3A_295 = arith.addi %add3A_294, %iota3A : vector<16xi32>
        %gather3A_296 = tpu.vector_load_idx %arg8[%and3A_293, %add3A_295] : memref<32x64xf32, #tpu.memory_space<vmem>>[vector<16xi32>, vector<16xi32>], vector<16xf32>,
        %mul3A_297 = arith.constant 32 : i32
        %mul3A_298 = arith.muli %mul3A_288, %mul3A_297 : i32
        %add3A_299 = vector.broadcast %mul3A_298 : i32 to vector<16xi32>
        %add3A_300 = arith.addi %add3A_299, %mul3A_3 : vector<16xi32>
        %add3A_301 = arith.addi %add3A_300, %and3A_293 : vector<16xi32>
        tpu.vector_store_idx %arg6[%add3A_301], %gather3A_296 : memref<16384xf32, #tpu.memory_space<vmem>>[vector<16xi32>], vector<16xf32>,
        %scan3A_302 = arith.constant 12 : i32
        %scan3A_303 = arith.addi %scan3A_54, %scan3A_302 : i32
        %and3A_304 = arith.constant 31 : i32
        %and3A_305 = arith.andi %scan3A_303, %and3A_304 : i32
        %shift_right_logical3A_306 = arith.constant 5 : i32
        %shift_right_logical3A_307 = arith.shrui %scan3A_303, %shift_right_logical3A_306 : i32
        %mul3A_308 = arith.constant 16 : i32
        %mul3A_309 = arith.muli %shift_right_logical3A_307, %mul3A_308 : i32
        %add3A_310 = vector.broadcast %and3A_305 : i32 to vector<16xi32>
        %add3A_311 = arith.addi %add3A_310, %iota3A : vector<16xi32>
        %and3A_312 = arith.constant 31 : i32
        %and3A_313 = vector.broadcast %and3A_312 : i32 to vector<16xi32>
        %and3A_314 = arith.andi %add3A_311, %and3A_313 : vector<16xi32>
        %add3A_315 = vector.broadcast %mul3A_309 : i32 to vector<16xi32>
        %add3A_316 = arith.addi %add3A_315, %iota3A : vector<16xi32>
        %gather3A_317 = tpu.vector_load_idx %arg8[%and3A_314, %add3A_316] : memref<32x64xf32, #tpu.memory_space<vmem>>[vector<16xi32>, vector<16xi32>], vector<16xf32>,
        %mul3A_318 = arith.constant 32 : i32
        %mul3A_319 = arith.muli %mul3A_309, %mul3A_318 : i32
        %add3A_320 = vector.broadcast %mul3A_319 : i32 to vector<16xi32>
        %add3A_321 = arith.addi %add3A_320, %mul3A_3 : vector<16xi32>
        %add3A_322 = arith.addi %add3A_321, %and3A_314 : vector<16xi32>
        tpu.vector_store_idx %arg6[%add3A_322], %gather3A_317 : memref<16384xf32, #tpu.memory_space<vmem>>[vector<16xi32>], vector<16xf32>,
        %scan3A_323 = arith.constant 13 : i32
        %scan3A_324 = arith.addi %scan3A_54, %scan3A_323 : i32
        %and3A_325 = arith.constant 31 : i32
        %and3A_326 = arith.andi %scan3A_324, %and3A_325 : i32
        %shift_right_logical3A_327 = arith.constant 5 : i32
        %shift_right_logical3A_328 = arith.shrui %scan3A_324, %shift_right_logical3A_327 : i32
        %mul3A_329 = arith.constant 16 : i32
        %mul3A_330 = arith.muli %shift_right_logical3A_328, %mul3A_329 : i32
        %add3A_331 = vector.broadcast %and3A_326 : i32 to vector<16xi32>
        %add3A_332 = arith.addi %add3A_331, %iota3A : vector<16xi32>
        %and3A_333 = arith.constant 31 : i32
        %and3A_334 = vector.broadcast %and3A_333 : i32 to vector<16xi32>
        %and3A_335 = arith.andi %add3A_332, %and3A_334 : vector<16xi32>
        %add3A_336 = vector.broadcast %mul3A_330 : i32 to vector<16xi32>
        %add3A_337 = arith.addi %add3A_336, %iota3A : vector<16xi32>
        %gather3A_338 = tpu.vector_load_idx %arg8[%and3A_335, %add3A_337] : memref<32x64xf32, #tpu.memory_space<vmem>>[vector<16xi32>, vector<16xi32>], vector<16xf32>,
        %mul3A_339 = arith.constant 32 : i32
        %mul3A_340 = arith.muli %mul3A_330, %mul3A_339 : i32
        %add3A_341 = vector.broadcast %mul3A_340 : i32 to vector<16xi32>
        %add3A_342 = arith.addi %add3A_341, %mul3A_3 : vector<16xi32>
        %add3A_343 = arith.addi %add3A_342, %and3A_335 : vector<16xi32>
        tpu.vector_store_idx %arg6[%add3A_343], %gather3A_338 : memref<16384xf32, #tpu.memory_space<vmem>>[vector<16xi32>], vector<16xf32>,
        %scan3A_344 = arith.constant 14 : i32
        %scan3A_345 = arith.addi %scan3A_54, %scan3A_344 : i32
        %and3A_346 = arith.constant 31 : i32
        %and3A_347 = arith.andi %scan3A_345, %and3A_346 : i32
        %shift_right_logical3A_348 = arith.constant 5 : i32
        %shift_right_logical3A_349 = arith.shrui %scan3A_345, %shift_right_logical3A_348 : i32
        %mul3A_350 = arith.constant 16 : i32
        %mul3A_351 = arith.muli %shift_right_logical3A_349, %mul3A_350 : i32
        %add3A_352 = vector.broadcast %and3A_347 : i32 to vector<16xi32>
        %add3A_353 = arith.addi %add3A_352, %iota3A : vector<16xi32>
        %and3A_354 = arith.constant 31 : i32
        %and3A_355 = vector.broadcast %and3A_354 : i32 to vector<16xi32>
        %and3A_356 = arith.andi %add3A_353, %and3A_355 : vector<16xi32>
        %add3A_357 = vector.broadcast %mul3A_351 : i32 to vector<16xi32>
        %add3A_358 = arith.addi %add3A_357, %iota3A : vector<16xi32>
        %gather3A_359 = tpu.vector_load_idx %arg8[%and3A_356, %add3A_358] : memref<32x64xf32, #tpu.memory_space<vmem>>[vector<16xi32>, vector<16xi32>], vector<16xf32>,
        %mul3A_360 = arith.constant 32 : i32
        %mul3A_361 = arith.muli %mul3A_351, %mul3A_360 : i32
        %add3A_362 = vector.broadcast %mul3A_361 : i32 to vector<16xi32>
        %add3A_363 = arith.addi %add3A_362, %mul3A_3 : vector<16xi32>
        %add3A_364 = arith.addi %add3A_363, %and3A_356 : vector<16xi32>
        tpu.vector_store_idx %arg6[%add3A_364], %gather3A_359 : memref<16384xf32, #tpu.memory_space<vmem>>[vector<16xi32>], vector<16xf32>,
        %scan3A_365 = arith.constant 15 : i32
        %scan3A_366 = arith.addi %scan3A_54, %scan3A_365 : i32
        %and3A_367 = arith.constant 31 : i32
        %and3A_368 = arith.andi %scan3A_366, %and3A_367 : i32
        %shift_right_logical3A_369 = arith.constant 5 : i32
        %shift_right_logical3A_370 = arith.shrui %scan3A_366, %shift_right_logical3A_369 : i32
        %mul3A_371 = arith.constant 16 : i32
        %mul3A_372 = arith.muli %shift_right_logical3A_370, %mul3A_371 : i32
        %add3A_373 = vector.broadcast %and3A_368 : i32 to vector<16xi32>
        %add3A_374 = arith.addi %add3A_373, %iota3A : vector<16xi32>
        %and3A_375 = arith.constant 31 : i32
        %and3A_376 = vector.broadcast %and3A_375 : i32 to vector<16xi32>
        %and3A_377 = arith.andi %add3A_374, %and3A_376 : vector<16xi32>
        %add3A_378 = vector.broadcast %mul3A_372 : i32 to vector<16xi32>
        %add3A_379 = arith.addi %add3A_378, %iota3A : vector<16xi32>
        %gather3A_380 = tpu.vector_load_idx %arg8[%and3A_377, %add3A_379] : memref<32x64xf32, #tpu.memory_space<vmem>>[vector<16xi32>, vector<16xi32>], vector<16xf32>,
        %mul3A_381 = arith.constant 32 : i32
        %mul3A_382 = arith.muli %mul3A_372, %mul3A_381 : i32
        %add3A_383 = vector.broadcast %mul3A_382 : i32 to vector<16xi32>
        %add3A_384 = arith.addi %add3A_383, %mul3A_3 : vector<16xi32>
        %add3A_385 = arith.addi %add3A_384, %and3A_377 : vector<16xi32>
        tpu.vector_store_idx %arg6[%add3A_385], %gather3A_380 : memref<16384xf32, #tpu.memory_space<vmem>>[vector<16xi32>], vector<16xf32>,
      }
      %scan3A_53 = arith.constant 128 : i32
      "tpu.region"() ({
        %run_scoped3A = tpu.sem_alloc : memref<!tpu.dma_semaphore, #tpu.memory_space<semaphore_mem>>
        %dma_start3A_54 = arith.constant 0 : i32
        %dma_start3A_55 = tpu.memref_slice %arg6[%dma_start3A_54] : memref<16384xf32, #tpu.memory_space<vmem>> -> memref<2048xf32, #tpu.memory_space<vmem>>
        %dma_start3A_56 = arith.constant 31997952 : i32
        %dma_start3A_57 = tpu.memref_slice %arg3[%dma_start3A_56] : memref<32000000xf32, #tpu.memory_space<hbm>> -> memref<2048xf32, #tpu.memory_space<hbm>>
        %dma_start3A_58 = arith.constant 31997952 : i32
        %dma_start3A_59 = tpu.memref_slice %arg3[%dma_start3A_58] : memref<32000000xf32, #tpu.memory_space<hbm>> -> memref<2048xf32, #tpu.memory_space<hbm>>
        %dma_start3A_60 = arith.constant 0 : i32
        %dma_start3A_61 = tpu.memref_slice %arg6[%dma_start3A_60] : memref<16384xf32, #tpu.memory_space<vmem>> -> memref<2048xf32, #tpu.memory_space<vmem>>
        tpu.enqueue_dma source(%dma_start3A_61 : memref<2048xf32, #tpu.memory_space<vmem>>) target(%dma_start3A_59 : memref<2048xf32, #tpu.memory_space<hbm>>) target_semaphore(%run_scoped3A : memref<!tpu.dma_semaphore, #tpu.memory_space<semaphore_mem>>)
        %dma_wait3A_62 = arith.constant 0 : i32
        %dma_wait3A_63 = tpu.memref_slice %arg6[%dma_wait3A_62] : memref<16384xf32, #tpu.memory_space<vmem>> -> memref<2048xf32, #tpu.memory_space<vmem>>
        %dma_wait3A_64 = arith.constant 31997952 : i32
        %dma_wait3A_65 = tpu.memref_slice %arg3[%dma_wait3A_64] : memref<32000000xf32, #tpu.memory_space<hbm>> -> memref<2048xf32, #tpu.memory_space<hbm>>
        %dma_wait3A_66 = arith.constant 31997952 : i32
        %dma_wait3A_67 = tpu.memref_slice %arg3[%dma_wait3A_66] : memref<32000000xf32, #tpu.memory_space<hbm>> -> memref<2048xf32, #tpu.memory_space<hbm>>
        %dma_wait3A_68 = arith.constant 0 : i32
        %dma_wait3A_69 = tpu.memref_slice %arg6[%dma_wait3A_68] : memref<16384xf32, #tpu.memory_space<vmem>> -> memref<2048xf32, #tpu.memory_space<vmem>>
        tpu.wait_dma2 semaphore(%run_scoped3A : memref<!tpu.dma_semaphore, #tpu.memory_space<semaphore_mem>>) src(%dma_wait3A_69 : memref<2048xf32, #tpu.memory_space<vmem>>) dst(%dma_wait3A_67 : memref<2048xf32, #tpu.memory_space<hbm>>)
        tpu.yield
      }) : () -> ()
    } else {
    }
    return
  }
}

#map = affine_map<(d0, d1) -> (0, 0)>
#map1 = affine_map<(d0, d1) -> (0)>
module attributes {stable_mosaic.version = 14 : i64} {
  func.func @embed(%arg0: i32, %arg1: i32, %arg2: memref<1000000x32xf32, #tpu.memory_space<hbm>>, %arg3: memref<26x16384xi32, #tpu.memory_space<hbm>>, %arg4: memref<13631488xf32, #tpu.memory_space<hbm>>, %arg5: memref<26x512xi32, #tpu.memory_space<vmem>>, %arg6: memref<512x32xf32, #tpu.memory_space<vmem>>, %arg7: memref<512x32xf32, #tpu.memory_space<vmem>>, %arg8: memref<16384xf32, #tpu.memory_space<vmem>>, %arg9: memref<16384xf32, #tpu.memory_space<vmem>>, %arg10: memref<!tpu.dma_semaphore, #tpu.memory_space<semaphore_mem>>, %arg11: memref<!tpu.dma_semaphore, #tpu.memory_space<semaphore_mem>>, %arg12: memref<!tpu.dma_semaphore, #tpu.memory_space<semaphore_mem>>, %arg13: memref<!tpu.dma_semaphore, #tpu.memory_space<semaphore_mem>>) attributes {dimension_semantics = [#tpu.dimension_semantics<core_parallel>, #tpu.dimension_semantics<subcore_parallel>], iteration_bounds = array<i64: 2, 16>, scalar_prefetch = 0 : i64, scratch_operands = 9 : i64, tpu.core_type = #tpu.core_type<sc_vector_subcore>, window_params = [{transform_indices = #map}, {transform_indices = #map}, {transform_indices = #map1}]} {
    %mul3A = arith.constant 2 : i32
    %mul3A_0 = arith.muli %arg1, %mul3A : i32
    %add3A = arith.addi %mul3A_0, %arg0 : i32
    %iota3A = tpu.iota {dimensions = array<i32: 0>} : vector<16xi32>
    %mul3A_1 = arith.constant 512 : i32
    %mul3A_2 = arith.muli %add3A, %mul3A_1 : i32
    "tpu.region"() ({
      %run_scoped3A = tpu.sem_alloc : memref<!tpu.dma_semaphore, #tpu.memory_space<semaphore_mem>>
      %dma_start3A_100 = arith.constant 0 : i32
      %dma_start3A_101 = tpu.memref_slice %arg3[%dma_start3A_100, %mul3A_2] : memref<26x16384xi32, #tpu.memory_space<hbm>> -> memref<26x512xi32, #tpu.memory_space<hbm>>
      %dma_start3A_102 = arith.constant 0 : i32
      %dma_start3A_103 = tpu.memref_slice %arg3[%dma_start3A_102, %mul3A_2] : memref<26x16384xi32, #tpu.memory_space<hbm>> -> memref<26x512xi32, #tpu.memory_space<hbm>>
      tpu.enqueue_dma source(%dma_start3A_103 : memref<26x512xi32, #tpu.memory_space<hbm>>) target(%arg5 : memref<26x512xi32, #tpu.memory_space<vmem>>) target_semaphore(%run_scoped3A : memref<!tpu.dma_semaphore, #tpu.memory_space<semaphore_mem>>)
      %dma_wait3A_104 = arith.constant 0 : i32
      %dma_wait3A_105 = tpu.memref_slice %arg3[%dma_wait3A_104, %mul3A_2] : memref<26x16384xi32, #tpu.memory_space<hbm>> -> memref<26x512xi32, #tpu.memory_space<hbm>>
      %dma_wait3A_106 = arith.constant 0 : i32
      %dma_wait3A_107 = tpu.memref_slice %arg3[%dma_wait3A_106, %mul3A_2] : memref<26x16384xi32, #tpu.memory_space<hbm>> -> memref<26x512xi32, #tpu.memory_space<hbm>>
      tpu.wait_dma2 semaphore(%run_scoped3A : memref<!tpu.dma_semaphore, #tpu.memory_space<semaphore_mem>>) src(%dma_wait3A_107 : memref<26x512xi32, #tpu.memory_space<hbm>>) dst(%arg5 : memref<26x512xi32, #tpu.memory_space<vmem>>)
      tpu.yield
    }) : () -> ()
    %dma_start3A = arith.constant 0 : i32
    %dma_start3A_3 = arith.constant 0 : i32
    %dma_start3A_4 = tpu.memref_slice %arg5[%dma_start3A, %dma_start3A_3] : memref<26x512xi32, #tpu.memory_space<vmem>> -> memref<1x512xi32, #tpu.memory_space<vmem>>
    %dma_start3A_5 = tpu.memref_squeeze %dma_start3A_4 : memref<1x512xi32, #tpu.memory_space<vmem>> -> memref<512xi32, #tpu.memory_space<vmem>>
    %dma_start3A_6 = arith.constant 0 : i32
    %dma_start3A_7 = arith.constant 0 : i32
    %dma_start3A_8 = tpu.memref_slice %arg2[%dma_start3A_6, %dma_start3A_7] : memref<1000000x32xf32, #tpu.memory_space<hbm>> -> memref<1000000x32xf32, #tpu.memory_space<hbm>>
    tpu.enqueue_indirect_dma source(%dma_start3A_8 : memref<1000000x32xf32, #tpu.memory_space<hbm>>) target(%arg6 : memref<512x32xf32, #tpu.memory_space<vmem>>) offsets(%dma_start3A_5 : memref<512xi32, #tpu.memory_space<vmem>>) semaphore(%arg10 : memref<!tpu.dma_semaphore, #tpu.memory_space<semaphore_mem>>)
    %dma_start3A_9 = arith.constant 1 : i32
    %dma_start3A_10 = arith.constant 0 : i32
    %dma_start3A_11 = tpu.memref_slice %arg5[%dma_start3A_9, %dma_start3A_10] : memref<26x512xi32, #tpu.memory_space<vmem>> -> memref<1x512xi32, #tpu.memory_space<vmem>>
    %dma_start3A_12 = tpu.memref_squeeze %dma_start3A_11 : memref<1x512xi32, #tpu.memory_space<vmem>> -> memref<512xi32, #tpu.memory_space<vmem>>
    %dma_start3A_13 = arith.constant 0 : i32
    %dma_start3A_14 = arith.constant 0 : i32
    %dma_start3A_15 = tpu.memref_slice %arg2[%dma_start3A_13, %dma_start3A_14] : memref<1000000x32xf32, #tpu.memory_space<hbm>> -> memref<1000000x32xf32, #tpu.memory_space<hbm>>
    tpu.enqueue_indirect_dma source(%dma_start3A_15 : memref<1000000x32xf32, #tpu.memory_space<hbm>>) target(%arg7 : memref<512x32xf32, #tpu.memory_space<vmem>>) offsets(%dma_start3A_12 : memref<512xi32, #tpu.memory_space<vmem>>) semaphore(%arg11 : memref<!tpu.dma_semaphore, #tpu.memory_space<semaphore_mem>>)
    %scan3A = arith.constant 0 : i32
    %scan3A_16 = arith.constant 0 : i32
    %scan3A_17 = arith.constant 13 : i32
    %scan3A_18 = arith.addi %scan3A_16, %scan3A_17 : i32
    %scan3A_19 = arith.constant 1 : i32
    scf.for %scan3A_100 = %scan3A_16 to %scan3A_18 step %scan3A_19  : i32 {
      %mul3A_101 = arith.constant 2 : i32
      %mul3A_102 = arith.muli %mul3A_101, %scan3A_100 : i32
      %add3A_103 = arith.constant 0 : i32
      %add3A_104 = arith.addi %mul3A_102, %add3A_103 : i32
      %dma_wait3A_105 = arith.constant 0 : i32
      %dma_wait3A_106 = tpu.memref_slice %arg5[%add3A_104, %dma_wait3A_105] : memref<26x512xi32, #tpu.memory_space<vmem>> -> memref<1x512xi32, #tpu.memory_space<vmem>>
      %dma_wait3A_107 = tpu.memref_squeeze %dma_wait3A_106 : memref<1x512xi32, #tpu.memory_space<vmem>> -> memref<512xi32, #tpu.memory_space<vmem>>
      %dma_wait3A_108 = arith.constant 0 : i32
      %dma_wait3A_109 = arith.constant 0 : i32
      %dma_wait3A_110 = tpu.memref_slice %arg2[%dma_wait3A_108, %dma_wait3A_109] : memref<1000000x32xf32, #tpu.memory_space<hbm>> -> memref<1000000x32xf32, #tpu.memory_space<hbm>>
      tpu.wait_indirect_dma semaphore(%arg10 : memref<!tpu.dma_semaphore, #tpu.memory_space<semaphore_mem>>) src(%dma_wait3A_110 : memref<1000000x32xf32, #tpu.memory_space<hbm>>) dst(%arg6 : memref<512x32xf32, #tpu.memory_space<vmem>>)
      %ge3A = arith.constant 2 : i32
      %ge3A_111 = arith.cmpi sge, %add3A_104, %ge3A : i32
      %convert_element_type3A = arith.extui %ge3A_111 : i1 to i32
      %cond3A = arith.constant 0 : i32
      %cond3A_112 = arith.cmpi ne, %convert_element_type3A, %cond3A : i32
      scf.if %cond3A_112 {
        %sub3A = arith.constant 2 : i32
        %sub3A_257 = arith.subi %add3A_104, %sub3A : i32
        %mul3A_258 = arith.constant 524288 : i32
        %mul3A_259 = arith.muli %sub3A_257, %mul3A_258 : i32
        %add3A_260 = arith.constant 0 : i32
        %add3A_261 = arith.addi %mul3A_259, %add3A_260 : i32
        %mul3A_262 = arith.constant 4096 : i32
        %mul3A_263 = arith.muli %add3A, %mul3A_262 : i32
        %add3A_264 = arith.addi %add3A_261, %mul3A_263 : i32
        %dma_wait3A_265 = arith.constant 0 : i32
        %dma_wait3A_266 = tpu.memref_slice %arg8[%dma_wait3A_265] : memref<16384xf32, #tpu.memory_space<vmem>> -> memref<4096xf32, #tpu.memory_space<vmem>>
        %dma_wait3A_267 = tpu.memref_slice %arg4[%add3A_264] : memref<13631488xf32, #tpu.memory_space<hbm>> -> memref<4096xf32, #tpu.memory_space<hbm>>
        %dma_wait3A_268 = tpu.memref_slice %arg4[%add3A_264] : memref<13631488xf32, #tpu.memory_space<hbm>> -> memref<4096xf32, #tpu.memory_space<hbm>>
        %dma_wait3A_269 = arith.constant 0 : i32
        %dma_wait3A_270 = tpu.memref_slice %arg8[%dma_wait3A_269] : memref<16384xf32, #tpu.memory_space<vmem>> -> memref<4096xf32, #tpu.memory_space<vmem>>
        tpu.wait_dma2 semaphore(%arg12 : memref<!tpu.dma_semaphore, #tpu.memory_space<semaphore_mem>>) src(%dma_wait3A_270 : memref<4096xf32, #tpu.memory_space<vmem>>) dst(%dma_wait3A_268 : memref<4096xf32, #tpu.memory_space<hbm>>)
        %mul3A_271 = arith.constant 524288 : i32
        %mul3A_272 = arith.muli %sub3A_257, %mul3A_271 : i32
        %add3A_273 = arith.constant 131072 : i32
        %add3A_274 = arith.addi %mul3A_272, %add3A_273 : i32
        %mul3A_275 = arith.constant 4096 : i32
        %mul3A_276 = arith.muli %add3A, %mul3A_275 : i32
        %add3A_277 = arith.addi %add3A_274, %mul3A_276 : i32
        %dma_wait3A_278 = arith.constant 4096 : i32
        %dma_wait3A_279 = tpu.memref_slice %arg8[%dma_wait3A_278] : memref<16384xf32, #tpu.memory_space<vmem>> -> memref<4096xf32, #tpu.memory_space<vmem>>
        %dma_wait3A_280 = tpu.memref_slice %arg4[%add3A_277] : memref<13631488xf32, #tpu.memory_space<hbm>> -> memref<4096xf32, #tpu.memory_space<hbm>>
        %dma_wait3A_281 = tpu.memref_slice %arg4[%add3A_277] : memref<13631488xf32, #tpu.memory_space<hbm>> -> memref<4096xf32, #tpu.memory_space<hbm>>
        %dma_wait3A_282 = arith.constant 4096 : i32
        %dma_wait3A_283 = tpu.memref_slice %arg8[%dma_wait3A_282] : memref<16384xf32, #tpu.memory_space<vmem>> -> memref<4096xf32, #tpu.memory_space<vmem>>
        tpu.wait_dma2 semaphore(%arg12 : memref<!tpu.dma_semaphore, #tpu.memory_space<semaphore_mem>>) src(%dma_wait3A_283 : memref<4096xf32, #tpu.memory_space<vmem>>) dst(%dma_wait3A_281 : memref<4096xf32, #tpu.memory_space<hbm>>)
        %mul3A_284 = arith.constant 524288 : i32
        %mul3A_285 = arith.muli %sub3A_257, %mul3A_284 : i32
        %add3A_286 = arith.constant 262144 : i32
        %add3A_287 = arith.addi %mul3A_285, %add3A_286 : i32
        %mul3A_288 = arith.constant 4096 : i32
        %mul3A_289 = arith.muli %add3A, %mul3A_288 : i32
        %add3A_290 = arith.addi %add3A_287, %mul3A_289 : i32
        %dma_wait3A_291 = arith.constant 8192 : i32
        %dma_wait3A_292 = tpu.memref_slice %arg8[%dma_wait3A_291] : memref<16384xf32, #tpu.memory_space<vmem>> -> memref<4096xf32, #tpu.memory_space<vmem>>
        %dma_wait3A_293 = tpu.memref_slice %arg4[%add3A_290] : memref<13631488xf32, #tpu.memory_space<hbm>> -> memref<4096xf32, #tpu.memory_space<hbm>>
        %dma_wait3A_294 = tpu.memref_slice %arg4[%add3A_290] : memref<13631488xf32, #tpu.memory_space<hbm>> -> memref<4096xf32, #tpu.memory_space<hbm>>
        %dma_wait3A_295 = arith.constant 8192 : i32
        %dma_wait3A_296 = tpu.memref_slice %arg8[%dma_wait3A_295] : memref<16384xf32, #tpu.memory_space<vmem>> -> memref<4096xf32, #tpu.memory_space<vmem>>
        tpu.wait_dma2 semaphore(%arg12 : memref<!tpu.dma_semaphore, #tpu.memory_space<semaphore_mem>>) src(%dma_wait3A_296 : memref<4096xf32, #tpu.memory_space<vmem>>) dst(%dma_wait3A_294 : memref<4096xf32, #tpu.memory_space<hbm>>)
        %mul3A_297 = arith.constant 524288 : i32
        %mul3A_298 = arith.muli %sub3A_257, %mul3A_297 : i32
        %add3A_299 = arith.constant 393216 : i32
        %add3A_300 = arith.addi %mul3A_298, %add3A_299 : i32
        %mul3A_301 = arith.constant 4096 : i32
        %mul3A_302 = arith.muli %add3A, %mul3A_301 : i32
        %add3A_303 = arith.addi %add3A_300, %mul3A_302 : i32
        %dma_wait3A_304 = arith.constant 12288 : i32
        %dma_wait3A_305 = tpu.memref_slice %arg8[%dma_wait3A_304] : memref<16384xf32, #tpu.memory_space<vmem>> -> memref<4096xf32, #tpu.memory_space<vmem>>
        %dma_wait3A_306 = tpu.memref_slice %arg4[%add3A_303] : memref<13631488xf32, #tpu.memory_space<hbm>> -> memref<4096xf32, #tpu.memory_space<hbm>>
        %dma_wait3A_307 = tpu.memref_slice %arg4[%add3A_303] : memref<13631488xf32, #tpu.memory_space<hbm>> -> memref<4096xf32, #tpu.memory_space<hbm>>
        %dma_wait3A_308 = arith.constant 12288 : i32
        %dma_wait3A_309 = tpu.memref_slice %arg8[%dma_wait3A_308] : memref<16384xf32, #tpu.memory_space<vmem>> -> memref<4096xf32, #tpu.memory_space<vmem>>
        tpu.wait_dma2 semaphore(%arg12 : memref<!tpu.dma_semaphore, #tpu.memory_space<semaphore_mem>>) src(%dma_wait3A_309 : memref<4096xf32, #tpu.memory_space<vmem>>) dst(%dma_wait3A_307 : memref<4096xf32, #tpu.memory_space<hbm>>)
      } else {
      }
      %scan3A_113 = arith.constant 0 : i32
      %scan3A_114 = arith.constant 0 : i32
      %scan3A_115 = arith.constant 1024 : i32
      %scan3A_116 = arith.addi %scan3A_114, %scan3A_115 : i32
      %scan3A_117 = arith.constant 16 : i32
      scf.for %scan3A_257 = %scan3A_114 to %scan3A_116 step %scan3A_117  : i32 {
        %and3A = arith.constant 31 : i32
        %and3A_258 = arith.andi %scan3A_257, %and3A : i32
        %shift_right_logical3A = arith.constant 5 : i32
        %shift_right_logical3A_259 = arith.shrui %scan3A_257, %shift_right_logical3A : i32
        %mul3A_260 = arith.constant 16 : i32
        %mul3A_261 = arith.muli %shift_right_logical3A_259, %mul3A_260 : i32
        %add3A_262 = vector.broadcast %and3A_258 : i32 to vector<16xi32>
        %add3A_263 = arith.addi %add3A_262, %iota3A : vector<16xi32>
        %and3A_264 = arith.constant 31 : i32
        %and3A_265 = vector.broadcast %and3A_264 : i32 to vector<16xi32>
        %and3A_266 = arith.andi %add3A_263, %and3A_265 : vector<16xi32>
        %add3A_267 = vector.broadcast %mul3A_261 : i32 to vector<16xi32>
        %add3A_268 = arith.addi %add3A_267, %iota3A : vector<16xi32>
        %gather3A = tpu.vector_load_idx %arg6[%add3A_268, %and3A_266] : memref<512x32xf32, #tpu.memory_space<vmem>>[vector<16xi32>, vector<16xi32>], vector<16xf32>,
        %shift_right_logical3A_269 = arith.constant 7 : i32
        %shift_right_logical3A_270 = arith.shrui %mul3A_261, %shift_right_logical3A_269 : i32
        %mul3A_271 = arith.constant 1024 : i32
        %mul3A_272 = arith.muli %shift_right_logical3A_270, %mul3A_271 : i32
        %and3A_273 = arith.constant 127 : i32
        %and3A_274 = arith.andi %mul3A_261, %and3A_273 : i32
        %add3A_275 = arith.addi %mul3A_272, %and3A_274 : i32
        %shift_right_logical3A_276 = arith.constant 3 : i32
        %shift_right_logical3A_277 = vector.broadcast %shift_right_logical3A_276 : i32 to vector<16xi32>
        %shift_right_logical3A_278 = arith.shrui %and3A_266, %shift_right_logical3A_277 : vector<16xi32>
        %mul3A_279 = arith.constant 4096 : i32
        %mul3A_280 = vector.broadcast %mul3A_279 : i32 to vector<16xi32>
        %mul3A_281 = arith.muli %shift_right_logical3A_278, %mul3A_280 : vector<16xi32>
        %and3A_282 = arith.constant 7 : i32
        %and3A_283 = vector.broadcast %and3A_282 : i32 to vector<16xi32>
        %and3A_284 = arith.andi %and3A_266, %and3A_283 : vector<16xi32>
        %mul3A_285 = arith.constant 128 : i32
        %mul3A_286 = vector.broadcast %mul3A_285 : i32 to vector<16xi32>
        %mul3A_287 = arith.muli %and3A_284, %mul3A_286 : vector<16xi32>
        %add3A_288 = arith.addi %mul3A_281, %mul3A_287 : vector<16xi32>
        %add3A_289 = vector.broadcast %add3A_275 : i32 to vector<16xi32>
        %add3A_290 = arith.addi %add3A_288, %add3A_289 : vector<16xi32>
        %add3A_291 = arith.addi %add3A_290, %iota3A : vector<16xi32>
        tpu.vector_store_idx %arg8[%add3A_291], %gather3A : memref<16384xf32, #tpu.memory_space<vmem>>[vector<16xi32>], vector<16xf32>,
        %scan3A_292 = arith.constant 1 : i32
        %scan3A_293 = arith.addi %scan3A_257, %scan3A_292 : i32
        %and3A_294 = arith.constant 31 : i32
        %and3A_295 = arith.andi %scan3A_293, %and3A_294 : i32
        %shift_right_logical3A_296 = arith.constant 5 : i32
        %shift_right_logical3A_297 = arith.shrui %scan3A_293, %shift_right_logical3A_296 : i32
        %mul3A_298 = arith.constant 16 : i32
        %mul3A_299 = arith.muli %shift_right_logical3A_297, %mul3A_298 : i32
        %add3A_300 = vector.broadcast %and3A_295 : i32 to vector<16xi32>
        %add3A_301 = arith.addi %add3A_300, %iota3A : vector<16xi32>
        %and3A_302 = arith.constant 31 : i32
        %and3A_303 = vector.broadcast %and3A_302 : i32 to vector<16xi32>
        %and3A_304 = arith.andi %add3A_301, %and3A_303 : vector<16xi32>
        %add3A_305 = vector.broadcast %mul3A_299 : i32 to vector<16xi32>
        %add3A_306 = arith.addi %add3A_305, %iota3A : vector<16xi32>
        %gather3A_307 = tpu.vector_load_idx %arg6[%add3A_306, %and3A_304] : memref<512x32xf32, #tpu.memory_space<vmem>>[vector<16xi32>, vector<16xi32>], vector<16xf32>,
        %shift_right_logical3A_308 = arith.constant 7 : i32
        %shift_right_logical3A_309 = arith.shrui %mul3A_299, %shift_right_logical3A_308 : i32
        %mul3A_310 = arith.constant 1024 : i32
        %mul3A_311 = arith.muli %shift_right_logical3A_309, %mul3A_310 : i32
        %and3A_312 = arith.constant 127 : i32
        %and3A_313 = arith.andi %mul3A_299, %and3A_312 : i32
        %add3A_314 = arith.addi %mul3A_311, %and3A_313 : i32
        %shift_right_logical3A_315 = arith.constant 3 : i32
        %shift_right_logical3A_316 = vector.broadcast %shift_right_logical3A_315 : i32 to vector<16xi32>
        %shift_right_logical3A_317 = arith.shrui %and3A_304, %shift_right_logical3A_316 : vector<16xi32>
        %mul3A_318 = arith.constant 4096 : i32
        %mul3A_319 = vector.broadcast %mul3A_318 : i32 to vector<16xi32>
        %mul3A_320 = arith.muli %shift_right_logical3A_317, %mul3A_319 : vector<16xi32>
        %and3A_321 = arith.constant 7 : i32
        %and3A_322 = vector.broadcast %and3A_321 : i32 to vector<16xi32>
        %and3A_323 = arith.andi %and3A_304, %and3A_322 : vector<16xi32>
        %mul3A_324 = arith.constant 128 : i32
        %mul3A_325 = vector.broadcast %mul3A_324 : i32 to vector<16xi32>
        %mul3A_326 = arith.muli %and3A_323, %mul3A_325 : vector<16xi32>
        %add3A_327 = arith.addi %mul3A_320, %mul3A_326 : vector<16xi32>
        %add3A_328 = vector.broadcast %add3A_314 : i32 to vector<16xi32>
        %add3A_329 = arith.addi %add3A_327, %add3A_328 : vector<16xi32>
        %add3A_330 = arith.addi %add3A_329, %iota3A : vector<16xi32>
        tpu.vector_store_idx %arg8[%add3A_330], %gather3A_307 : memref<16384xf32, #tpu.memory_space<vmem>>[vector<16xi32>], vector<16xf32>,
        %scan3A_331 = arith.constant 2 : i32
        %scan3A_332 = arith.addi %scan3A_257, %scan3A_331 : i32
        %and3A_333 = arith.constant 31 : i32
        %and3A_334 = arith.andi %scan3A_332, %and3A_333 : i32
        %shift_right_logical3A_335 = arith.constant 5 : i32
        %shift_right_logical3A_336 = arith.shrui %scan3A_332, %shift_right_logical3A_335 : i32
        %mul3A_337 = arith.constant 16 : i32
        %mul3A_338 = arith.muli %shift_right_logical3A_336, %mul3A_337 : i32
        %add3A_339 = vector.broadcast %and3A_334 : i32 to vector<16xi32>
        %add3A_340 = arith.addi %add3A_339, %iota3A : vector<16xi32>
        %and3A_341 = arith.constant 31 : i32
        %and3A_342 = vector.broadcast %and3A_341 : i32 to vector<16xi32>
        %and3A_343 = arith.andi %add3A_340, %and3A_342 : vector<16xi32>
        %add3A_344 = vector.broadcast %mul3A_338 : i32 to vector<16xi32>
        %add3A_345 = arith.addi %add3A_344, %iota3A : vector<16xi32>
        %gather3A_346 = tpu.vector_load_idx %arg6[%add3A_345, %and3A_343] : memref<512x32xf32, #tpu.memory_space<vmem>>[vector<16xi32>, vector<16xi32>], vector<16xf32>,
        %shift_right_logical3A_347 = arith.constant 7 : i32
        %shift_right_logical3A_348 = arith.shrui %mul3A_338, %shift_right_logical3A_347 : i32
        %mul3A_349 = arith.constant 1024 : i32
        %mul3A_350 = arith.muli %shift_right_logical3A_348, %mul3A_349 : i32
        %and3A_351 = arith.constant 127 : i32
        %and3A_352 = arith.andi %mul3A_338, %and3A_351 : i32
        %add3A_353 = arith.addi %mul3A_350, %and3A_352 : i32
        %shift_right_logical3A_354 = arith.constant 3 : i32
        %shift_right_logical3A_355 = vector.broadcast %shift_right_logical3A_354 : i32 to vector<16xi32>
        %shift_right_logical3A_356 = arith.shrui %and3A_343, %shift_right_logical3A_355 : vector<16xi32>
        %mul3A_357 = arith.constant 4096 : i32
        %mul3A_358 = vector.broadcast %mul3A_357 : i32 to vector<16xi32>
        %mul3A_359 = arith.muli %shift_right_logical3A_356, %mul3A_358 : vector<16xi32>
        %and3A_360 = arith.constant 7 : i32
        %and3A_361 = vector.broadcast %and3A_360 : i32 to vector<16xi32>
        %and3A_362 = arith.andi %and3A_343, %and3A_361 : vector<16xi32>
        %mul3A_363 = arith.constant 128 : i32
        %mul3A_364 = vector.broadcast %mul3A_363 : i32 to vector<16xi32>
        %mul3A_365 = arith.muli %and3A_362, %mul3A_364 : vector<16xi32>
        %add3A_366 = arith.addi %mul3A_359, %mul3A_365 : vector<16xi32>
        %add3A_367 = vector.broadcast %add3A_353 : i32 to vector<16xi32>
        %add3A_368 = arith.addi %add3A_366, %add3A_367 : vector<16xi32>
        %add3A_369 = arith.addi %add3A_368, %iota3A : vector<16xi32>
        tpu.vector_store_idx %arg8[%add3A_369], %gather3A_346 : memref<16384xf32, #tpu.memory_space<vmem>>[vector<16xi32>], vector<16xf32>,
        %scan3A_370 = arith.constant 3 : i32
        %scan3A_371 = arith.addi %scan3A_257, %scan3A_370 : i32
        %and3A_372 = arith.constant 31 : i32
        %and3A_373 = arith.andi %scan3A_371, %and3A_372 : i32
        %shift_right_logical3A_374 = arith.constant 5 : i32
        %shift_right_logical3A_375 = arith.shrui %scan3A_371, %shift_right_logical3A_374 : i32
        %mul3A_376 = arith.constant 16 : i32
        %mul3A_377 = arith.muli %shift_right_logical3A_375, %mul3A_376 : i32
        %add3A_378 = vector.broadcast %and3A_373 : i32 to vector<16xi32>
        %add3A_379 = arith.addi %add3A_378, %iota3A : vector<16xi32>
        %and3A_380 = arith.constant 31 : i32
        %and3A_381 = vector.broadcast %and3A_380 : i32 to vector<16xi32>
        %and3A_382 = arith.andi %add3A_379, %and3A_381 : vector<16xi32>
        %add3A_383 = vector.broadcast %mul3A_377 : i32 to vector<16xi32>
        %add3A_384 = arith.addi %add3A_383, %iota3A : vector<16xi32>
        %gather3A_385 = tpu.vector_load_idx %arg6[%add3A_384, %and3A_382] : memref<512x32xf32, #tpu.memory_space<vmem>>[vector<16xi32>, vector<16xi32>], vector<16xf32>,
        %shift_right_logical3A_386 = arith.constant 7 : i32
        %shift_right_logical3A_387 = arith.shrui %mul3A_377, %shift_right_logical3A_386 : i32
        %mul3A_388 = arith.constant 1024 : i32
        %mul3A_389 = arith.muli %shift_right_logical3A_387, %mul3A_388 : i32
        %and3A_390 = arith.constant 127 : i32
        %and3A_391 = arith.andi %mul3A_377, %and3A_390 : i32
        %add3A_392 = arith.addi %mul3A_389, %and3A_391 : i32
        %shift_right_logical3A_393 = arith.constant 3 : i32
        %shift_right_logical3A_394 = vector.broadcast %shift_right_logical3A_393 : i32 to vector<16xi32>
        %shift_right_logical3A_395 = arith.shrui %and3A_382, %shift_right_logical3A_394 : vector<16xi32>
        %mul3A_396 = arith.constant 4096 : i32
        %mul3A_397 = vector.broadcast %mul3A_396 : i32 to vector<16xi32>
        %mul3A_398 = arith.muli %shift_right_logical3A_395, %mul3A_397 : vector<16xi32>
        %and3A_399 = arith.constant 7 : i32
        %and3A_400 = vector.broadcast %and3A_399 : i32 to vector<16xi32>
        %and3A_401 = arith.andi %and3A_382, %and3A_400 : vector<16xi32>
        %mul3A_402 = arith.constant 128 : i32
        %mul3A_403 = vector.broadcast %mul3A_402 : i32 to vector<16xi32>
        %mul3A_404 = arith.muli %and3A_401, %mul3A_403 : vector<16xi32>
        %add3A_405 = arith.addi %mul3A_398, %mul3A_404 : vector<16xi32>
        %add3A_406 = vector.broadcast %add3A_392 : i32 to vector<16xi32>
        %add3A_407 = arith.addi %add3A_405, %add3A_406 : vector<16xi32>
        %add3A_408 = arith.addi %add3A_407, %iota3A : vector<16xi32>
        tpu.vector_store_idx %arg8[%add3A_408], %gather3A_385 : memref<16384xf32, #tpu.memory_space<vmem>>[vector<16xi32>], vector<16xf32>,
        %scan3A_409 = arith.constant 4 : i32
        %scan3A_410 = arith.addi %scan3A_257, %scan3A_409 : i32
        %and3A_411 = arith.constant 31 : i32
        %and3A_412 = arith.andi %scan3A_410, %and3A_411 : i32
        %shift_right_logical3A_413 = arith.constant 5 : i32
        %shift_right_logical3A_414 = arith.shrui %scan3A_410, %shift_right_logical3A_413 : i32
        %mul3A_415 = arith.constant 16 : i32
        %mul3A_416 = arith.muli %shift_right_logical3A_414, %mul3A_415 : i32
        %add3A_417 = vector.broadcast %and3A_412 : i32 to vector<16xi32>
        %add3A_418 = arith.addi %add3A_417, %iota3A : vector<16xi32>
        %and3A_419 = arith.constant 31 : i32
        %and3A_420 = vector.broadcast %and3A_419 : i32 to vector<16xi32>
        %and3A_421 = arith.andi %add3A_418, %and3A_420 : vector<16xi32>
        %add3A_422 = vector.broadcast %mul3A_416 : i32 to vector<16xi32>
        %add3A_423 = arith.addi %add3A_422, %iota3A : vector<16xi32>
        %gather3A_424 = tpu.vector_load_idx %arg6[%add3A_423, %and3A_421] : memref<512x32xf32, #tpu.memory_space<vmem>>[vector<16xi32>, vector<16xi32>], vector<16xf32>,
        %shift_right_logical3A_425 = arith.constant 7 : i32
        %shift_right_logical3A_426 = arith.shrui %mul3A_416, %shift_right_logical3A_425 : i32
        %mul3A_427 = arith.constant 1024 : i32
        %mul3A_428 = arith.muli %shift_right_logical3A_426, %mul3A_427 : i32
        %and3A_429 = arith.constant 127 : i32
        %and3A_430 = arith.andi %mul3A_416, %and3A_429 : i32
        %add3A_431 = arith.addi %mul3A_428, %and3A_430 : i32
        %shift_right_logical3A_432 = arith.constant 3 : i32
        %shift_right_logical3A_433 = vector.broadcast %shift_right_logical3A_432 : i32 to vector<16xi32>
        %shift_right_logical3A_434 = arith.shrui %and3A_421, %shift_right_logical3A_433 : vector<16xi32>
        %mul3A_435 = arith.constant 4096 : i32
        %mul3A_436 = vector.broadcast %mul3A_435 : i32 to vector<16xi32>
        %mul3A_437 = arith.muli %shift_right_logical3A_434, %mul3A_436 : vector<16xi32>
        %and3A_438 = arith.constant 7 : i32
        %and3A_439 = vector.broadcast %and3A_438 : i32 to vector<16xi32>
        %and3A_440 = arith.andi %and3A_421, %and3A_439 : vector<16xi32>
        %mul3A_441 = arith.constant 128 : i32
        %mul3A_442 = vector.broadcast %mul3A_441 : i32 to vector<16xi32>
        %mul3A_443 = arith.muli %and3A_440, %mul3A_442 : vector<16xi32>
        %add3A_444 = arith.addi %mul3A_437, %mul3A_443 : vector<16xi32>
        %add3A_445 = vector.broadcast %add3A_431 : i32 to vector<16xi32>
        %add3A_446 = arith.addi %add3A_444, %add3A_445 : vector<16xi32>
        %add3A_447 = arith.addi %add3A_446, %iota3A : vector<16xi32>
        tpu.vector_store_idx %arg8[%add3A_447], %gather3A_424 : memref<16384xf32, #tpu.memory_space<vmem>>[vector<16xi32>], vector<16xf32>,
        %scan3A_448 = arith.constant 5 : i32
        %scan3A_449 = arith.addi %scan3A_257, %scan3A_448 : i32
        %and3A_450 = arith.constant 31 : i32
        %and3A_451 = arith.andi %scan3A_449, %and3A_450 : i32
        %shift_right_logical3A_452 = arith.constant 5 : i32
        %shift_right_logical3A_453 = arith.shrui %scan3A_449, %shift_right_logical3A_452 : i32
        %mul3A_454 = arith.constant 16 : i32
        %mul3A_455 = arith.muli %shift_right_logical3A_453, %mul3A_454 : i32
        %add3A_456 = vector.broadcast %and3A_451 : i32 to vector<16xi32>
        %add3A_457 = arith.addi %add3A_456, %iota3A : vector<16xi32>
        %and3A_458 = arith.constant 31 : i32
        %and3A_459 = vector.broadcast %and3A_458 : i32 to vector<16xi32>
        %and3A_460 = arith.andi %add3A_457, %and3A_459 : vector<16xi32>
        %add3A_461 = vector.broadcast %mul3A_455 : i32 to vector<16xi32>
        %add3A_462 = arith.addi %add3A_461, %iota3A : vector<16xi32>
        %gather3A_463 = tpu.vector_load_idx %arg6[%add3A_462, %and3A_460] : memref<512x32xf32, #tpu.memory_space<vmem>>[vector<16xi32>, vector<16xi32>], vector<16xf32>,
        %shift_right_logical3A_464 = arith.constant 7 : i32
        %shift_right_logical3A_465 = arith.shrui %mul3A_455, %shift_right_logical3A_464 : i32
        %mul3A_466 = arith.constant 1024 : i32
        %mul3A_467 = arith.muli %shift_right_logical3A_465, %mul3A_466 : i32
        %and3A_468 = arith.constant 127 : i32
        %and3A_469 = arith.andi %mul3A_455, %and3A_468 : i32
        %add3A_470 = arith.addi %mul3A_467, %and3A_469 : i32
        %shift_right_logical3A_471 = arith.constant 3 : i32
        %shift_right_logical3A_472 = vector.broadcast %shift_right_logical3A_471 : i32 to vector<16xi32>
        %shift_right_logical3A_473 = arith.shrui %and3A_460, %shift_right_logical3A_472 : vector<16xi32>
        %mul3A_474 = arith.constant 4096 : i32
        %mul3A_475 = vector.broadcast %mul3A_474 : i32 to vector<16xi32>
        %mul3A_476 = arith.muli %shift_right_logical3A_473, %mul3A_475 : vector<16xi32>
        %and3A_477 = arith.constant 7 : i32
        %and3A_478 = vector.broadcast %and3A_477 : i32 to vector<16xi32>
        %and3A_479 = arith.andi %and3A_460, %and3A_478 : vector<16xi32>
        %mul3A_480 = arith.constant 128 : i32
        %mul3A_481 = vector.broadcast %mul3A_480 : i32 to vector<16xi32>
        %mul3A_482 = arith.muli %and3A_479, %mul3A_481 : vector<16xi32>
        %add3A_483 = arith.addi %mul3A_476, %mul3A_482 : vector<16xi32>
        %add3A_484 = vector.broadcast %add3A_470 : i32 to vector<16xi32>
        %add3A_485 = arith.addi %add3A_483, %add3A_484 : vector<16xi32>
        %add3A_486 = arith.addi %add3A_485, %iota3A : vector<16xi32>
        tpu.vector_store_idx %arg8[%add3A_486], %gather3A_463 : memref<16384xf32, #tpu.memory_space<vmem>>[vector<16xi32>], vector<16xf32>,
        %scan3A_487 = arith.constant 6 : i32
        %scan3A_488 = arith.addi %scan3A_257, %scan3A_487 : i32
        %and3A_489 = arith.constant 31 : i32
        %and3A_490 = arith.andi %scan3A_488, %and3A_489 : i32
        %shift_right_logical3A_491 = arith.constant 5 : i32
        %shift_right_logical3A_492 = arith.shrui %scan3A_488, %shift_right_logical3A_491 : i32
        %mul3A_493 = arith.constant 16 : i32
        %mul3A_494 = arith.muli %shift_right_logical3A_492, %mul3A_493 : i32
        %add3A_495 = vector.broadcast %and3A_490 : i32 to vector<16xi32>
        %add3A_496 = arith.addi %add3A_495, %iota3A : vector<16xi32>
        %and3A_497 = arith.constant 31 : i32
        %and3A_498 = vector.broadcast %and3A_497 : i32 to vector<16xi32>
        %and3A_499 = arith.andi %add3A_496, %and3A_498 : vector<16xi32>
        %add3A_500 = vector.broadcast %mul3A_494 : i32 to vector<16xi32>
        %add3A_501 = arith.addi %add3A_500, %iota3A : vector<16xi32>
        %gather3A_502 = tpu.vector_load_idx %arg6[%add3A_501, %and3A_499] : memref<512x32xf32, #tpu.memory_space<vmem>>[vector<16xi32>, vector<16xi32>], vector<16xf32>,
        %shift_right_logical3A_503 = arith.constant 7 : i32
        %shift_right_logical3A_504 = arith.shrui %mul3A_494, %shift_right_logical3A_503 : i32
        %mul3A_505 = arith.constant 1024 : i32
        %mul3A_506 = arith.muli %shift_right_logical3A_504, %mul3A_505 : i32
        %and3A_507 = arith.constant 127 : i32
        %and3A_508 = arith.andi %mul3A_494, %and3A_507 : i32
        %add3A_509 = arith.addi %mul3A_506, %and3A_508 : i32
        %shift_right_logical3A_510 = arith.constant 3 : i32
        %shift_right_logical3A_511 = vector.broadcast %shift_right_logical3A_510 : i32 to vector<16xi32>
        %shift_right_logical3A_512 = arith.shrui %and3A_499, %shift_right_logical3A_511 : vector<16xi32>
        %mul3A_513 = arith.constant 4096 : i32
        %mul3A_514 = vector.broadcast %mul3A_513 : i32 to vector<16xi32>
        %mul3A_515 = arith.muli %shift_right_logical3A_512, %mul3A_514 : vector<16xi32>
        %and3A_516 = arith.constant 7 : i32
        %and3A_517 = vector.broadcast %and3A_516 : i32 to vector<16xi32>
        %and3A_518 = arith.andi %and3A_499, %and3A_517 : vector<16xi32>
        %mul3A_519 = arith.constant 128 : i32
        %mul3A_520 = vector.broadcast %mul3A_519 : i32 to vector<16xi32>
        %mul3A_521 = arith.muli %and3A_518, %mul3A_520 : vector<16xi32>
        %add3A_522 = arith.addi %mul3A_515, %mul3A_521 : vector<16xi32>
        %add3A_523 = vector.broadcast %add3A_509 : i32 to vector<16xi32>
        %add3A_524 = arith.addi %add3A_522, %add3A_523 : vector<16xi32>
        %add3A_525 = arith.addi %add3A_524, %iota3A : vector<16xi32>
        tpu.vector_store_idx %arg8[%add3A_525], %gather3A_502 : memref<16384xf32, #tpu.memory_space<vmem>>[vector<16xi32>], vector<16xf32>,
        %scan3A_526 = arith.constant 7 : i32
        %scan3A_527 = arith.addi %scan3A_257, %scan3A_526 : i32
        %and3A_528 = arith.constant 31 : i32
        %and3A_529 = arith.andi %scan3A_527, %and3A_528 : i32
        %shift_right_logical3A_530 = arith.constant 5 : i32
        %shift_right_logical3A_531 = arith.shrui %scan3A_527, %shift_right_logical3A_530 : i32
        %mul3A_532 = arith.constant 16 : i32
        %mul3A_533 = arith.muli %shift_right_logical3A_531, %mul3A_532 : i32
        %add3A_534 = vector.broadcast %and3A_529 : i32 to vector<16xi32>
        %add3A_535 = arith.addi %add3A_534, %iota3A : vector<16xi32>
        %and3A_536 = arith.constant 31 : i32
        %and3A_537 = vector.broadcast %and3A_536 : i32 to vector<16xi32>
        %and3A_538 = arith.andi %add3A_535, %and3A_537 : vector<16xi32>
        %add3A_539 = vector.broadcast %mul3A_533 : i32 to vector<16xi32>
        %add3A_540 = arith.addi %add3A_539, %iota3A : vector<16xi32>
        %gather3A_541 = tpu.vector_load_idx %arg6[%add3A_540, %and3A_538] : memref<512x32xf32, #tpu.memory_space<vmem>>[vector<16xi32>, vector<16xi32>], vector<16xf32>,
        %shift_right_logical3A_542 = arith.constant 7 : i32
        %shift_right_logical3A_543 = arith.shrui %mul3A_533, %shift_right_logical3A_542 : i32
        %mul3A_544 = arith.constant 1024 : i32
        %mul3A_545 = arith.muli %shift_right_logical3A_543, %mul3A_544 : i32
        %and3A_546 = arith.constant 127 : i32
        %and3A_547 = arith.andi %mul3A_533, %and3A_546 : i32
        %add3A_548 = arith.addi %mul3A_545, %and3A_547 : i32
        %shift_right_logical3A_549 = arith.constant 3 : i32
        %shift_right_logical3A_550 = vector.broadcast %shift_right_logical3A_549 : i32 to vector<16xi32>
        %shift_right_logical3A_551 = arith.shrui %and3A_538, %shift_right_logical3A_550 : vector<16xi32>
        %mul3A_552 = arith.constant 4096 : i32
        %mul3A_553 = vector.broadcast %mul3A_552 : i32 to vector<16xi32>
        %mul3A_554 = arith.muli %shift_right_logical3A_551, %mul3A_553 : vector<16xi32>
        %and3A_555 = arith.constant 7 : i32
        %and3A_556 = vector.broadcast %and3A_555 : i32 to vector<16xi32>
        %and3A_557 = arith.andi %and3A_538, %and3A_556 : vector<16xi32>
        %mul3A_558 = arith.constant 128 : i32
        %mul3A_559 = vector.broadcast %mul3A_558 : i32 to vector<16xi32>
        %mul3A_560 = arith.muli %and3A_557, %mul3A_559 : vector<16xi32>
        %add3A_561 = arith.addi %mul3A_554, %mul3A_560 : vector<16xi32>
        %add3A_562 = vector.broadcast %add3A_548 : i32 to vector<16xi32>
        %add3A_563 = arith.addi %add3A_561, %add3A_562 : vector<16xi32>
        %add3A_564 = arith.addi %add3A_563, %iota3A : vector<16xi32>
        tpu.vector_store_idx %arg8[%add3A_564], %gather3A_541 : memref<16384xf32, #tpu.memory_space<vmem>>[vector<16xi32>], vector<16xf32>,
        %scan3A_565 = arith.constant 8 : i32
        %scan3A_566 = arith.addi %scan3A_257, %scan3A_565 : i32
        %and3A_567 = arith.constant 31 : i32
        %and3A_568 = arith.andi %scan3A_566, %and3A_567 : i32
        %shift_right_logical3A_569 = arith.constant 5 : i32
        %shift_right_logical3A_570 = arith.shrui %scan3A_566, %shift_right_logical3A_569 : i32
        %mul3A_571 = arith.constant 16 : i32
        %mul3A_572 = arith.muli %shift_right_logical3A_570, %mul3A_571 : i32
        %add3A_573 = vector.broadcast %and3A_568 : i32 to vector<16xi32>
        %add3A_574 = arith.addi %add3A_573, %iota3A : vector<16xi32>
        %and3A_575 = arith.constant 31 : i32
        %and3A_576 = vector.broadcast %and3A_575 : i32 to vector<16xi32>
        %and3A_577 = arith.andi %add3A_574, %and3A_576 : vector<16xi32>
        %add3A_578 = vector.broadcast %mul3A_572 : i32 to vector<16xi32>
        %add3A_579 = arith.addi %add3A_578, %iota3A : vector<16xi32>
        %gather3A_580 = tpu.vector_load_idx %arg6[%add3A_579, %and3A_577] : memref<512x32xf32, #tpu.memory_space<vmem>>[vector<16xi32>, vector<16xi32>], vector<16xf32>,
        %shift_right_logical3A_581 = arith.constant 7 : i32
        %shift_right_logical3A_582 = arith.shrui %mul3A_572, %shift_right_logical3A_581 : i32
        %mul3A_583 = arith.constant 1024 : i32
        %mul3A_584 = arith.muli %shift_right_logical3A_582, %mul3A_583 : i32
        %and3A_585 = arith.constant 127 : i32
        %and3A_586 = arith.andi %mul3A_572, %and3A_585 : i32
        %add3A_587 = arith.addi %mul3A_584, %and3A_586 : i32
        %shift_right_logical3A_588 = arith.constant 3 : i32
        %shift_right_logical3A_589 = vector.broadcast %shift_right_logical3A_588 : i32 to vector<16xi32>
        %shift_right_logical3A_590 = arith.shrui %and3A_577, %shift_right_logical3A_589 : vector<16xi32>
        %mul3A_591 = arith.constant 4096 : i32
        %mul3A_592 = vector.broadcast %mul3A_591 : i32 to vector<16xi32>
        %mul3A_593 = arith.muli %shift_right_logical3A_590, %mul3A_592 : vector<16xi32>
        %and3A_594 = arith.constant 7 : i32
        %and3A_595 = vector.broadcast %and3A_594 : i32 to vector<16xi32>
        %and3A_596 = arith.andi %and3A_577, %and3A_595 : vector<16xi32>
        %mul3A_597 = arith.constant 128 : i32
        %mul3A_598 = vector.broadcast %mul3A_597 : i32 to vector<16xi32>
        %mul3A_599 = arith.muli %and3A_596, %mul3A_598 : vector<16xi32>
        %add3A_600 = arith.addi %mul3A_593, %mul3A_599 : vector<16xi32>
        %add3A_601 = vector.broadcast %add3A_587 : i32 to vector<16xi32>
        %add3A_602 = arith.addi %add3A_600, %add3A_601 : vector<16xi32>
        %add3A_603 = arith.addi %add3A_602, %iota3A : vector<16xi32>
        tpu.vector_store_idx %arg8[%add3A_603], %gather3A_580 : memref<16384xf32, #tpu.memory_space<vmem>>[vector<16xi32>], vector<16xf32>,
        %scan3A_604 = arith.constant 9 : i32
        %scan3A_605 = arith.addi %scan3A_257, %scan3A_604 : i32
        %and3A_606 = arith.constant 31 : i32
        %and3A_607 = arith.andi %scan3A_605, %and3A_606 : i32
        %shift_right_logical3A_608 = arith.constant 5 : i32
        %shift_right_logical3A_609 = arith.shrui %scan3A_605, %shift_right_logical3A_608 : i32
        %mul3A_610 = arith.constant 16 : i32
        %mul3A_611 = arith.muli %shift_right_logical3A_609, %mul3A_610 : i32
        %add3A_612 = vector.broadcast %and3A_607 : i32 to vector<16xi32>
        %add3A_613 = arith.addi %add3A_612, %iota3A : vector<16xi32>
        %and3A_614 = arith.constant 31 : i32
        %and3A_615 = vector.broadcast %and3A_614 : i32 to vector<16xi32>
        %and3A_616 = arith.andi %add3A_613, %and3A_615 : vector<16xi32>
        %add3A_617 = vector.broadcast %mul3A_611 : i32 to vector<16xi32>
        %add3A_618 = arith.addi %add3A_617, %iota3A : vector<16xi32>
        %gather3A_619 = tpu.vector_load_idx %arg6[%add3A_618, %and3A_616] : memref<512x32xf32, #tpu.memory_space<vmem>>[vector<16xi32>, vector<16xi32>], vector<16xf32>,
        %shift_right_logical3A_620 = arith.constant 7 : i32
        %shift_right_logical3A_621 = arith.shrui %mul3A_611, %shift_right_logical3A_620 : i32
        %mul3A_622 = arith.constant 1024 : i32
        %mul3A_623 = arith.muli %shift_right_logical3A_621, %mul3A_622 : i32
        %and3A_624 = arith.constant 127 : i32
        %and3A_625 = arith.andi %mul3A_611, %and3A_624 : i32
        %add3A_626 = arith.addi %mul3A_623, %and3A_625 : i32
        %shift_right_logical3A_627 = arith.constant 3 : i32
        %shift_right_logical3A_628 = vector.broadcast %shift_right_logical3A_627 : i32 to vector<16xi32>
        %shift_right_logical3A_629 = arith.shrui %and3A_616, %shift_right_logical3A_628 : vector<16xi32>
        %mul3A_630 = arith.constant 4096 : i32
        %mul3A_631 = vector.broadcast %mul3A_630 : i32 to vector<16xi32>
        %mul3A_632 = arith.muli %shift_right_logical3A_629, %mul3A_631 : vector<16xi32>
        %and3A_633 = arith.constant 7 : i32
        %and3A_634 = vector.broadcast %and3A_633 : i32 to vector<16xi32>
        %and3A_635 = arith.andi %and3A_616, %and3A_634 : vector<16xi32>
        %mul3A_636 = arith.constant 128 : i32
        %mul3A_637 = vector.broadcast %mul3A_636 : i32 to vector<16xi32>
        %mul3A_638 = arith.muli %and3A_635, %mul3A_637 : vector<16xi32>
        %add3A_639 = arith.addi %mul3A_632, %mul3A_638 : vector<16xi32>
        %add3A_640 = vector.broadcast %add3A_626 : i32 to vector<16xi32>
        %add3A_641 = arith.addi %add3A_639, %add3A_640 : vector<16xi32>
        %add3A_642 = arith.addi %add3A_641, %iota3A : vector<16xi32>
        tpu.vector_store_idx %arg8[%add3A_642], %gather3A_619 : memref<16384xf32, #tpu.memory_space<vmem>>[vector<16xi32>], vector<16xf32>,
        %scan3A_643 = arith.constant 10 : i32
        %scan3A_644 = arith.addi %scan3A_257, %scan3A_643 : i32
        %and3A_645 = arith.constant 31 : i32
        %and3A_646 = arith.andi %scan3A_644, %and3A_645 : i32
        %shift_right_logical3A_647 = arith.constant 5 : i32
        %shift_right_logical3A_648 = arith.shrui %scan3A_644, %shift_right_logical3A_647 : i32
        %mul3A_649 = arith.constant 16 : i32
        %mul3A_650 = arith.muli %shift_right_logical3A_648, %mul3A_649 : i32
        %add3A_651 = vector.broadcast %and3A_646 : i32 to vector<16xi32>
        %add3A_652 = arith.addi %add3A_651, %iota3A : vector<16xi32>
        %and3A_653 = arith.constant 31 : i32
        %and3A_654 = vector.broadcast %and3A_653 : i32 to vector<16xi32>
        %and3A_655 = arith.andi %add3A_652, %and3A_654 : vector<16xi32>
        %add3A_656 = vector.broadcast %mul3A_650 : i32 to vector<16xi32>
        %add3A_657 = arith.addi %add3A_656, %iota3A : vector<16xi32>
        %gather3A_658 = tpu.vector_load_idx %arg6[%add3A_657, %and3A_655] : memref<512x32xf32, #tpu.memory_space<vmem>>[vector<16xi32>, vector<16xi32>], vector<16xf32>,
        %shift_right_logical3A_659 = arith.constant 7 : i32
        %shift_right_logical3A_660 = arith.shrui %mul3A_650, %shift_right_logical3A_659 : i32
        %mul3A_661 = arith.constant 1024 : i32
        %mul3A_662 = arith.muli %shift_right_logical3A_660, %mul3A_661 : i32
        %and3A_663 = arith.constant 127 : i32
        %and3A_664 = arith.andi %mul3A_650, %and3A_663 : i32
        %add3A_665 = arith.addi %mul3A_662, %and3A_664 : i32
        %shift_right_logical3A_666 = arith.constant 3 : i32
        %shift_right_logical3A_667 = vector.broadcast %shift_right_logical3A_666 : i32 to vector<16xi32>
        %shift_right_logical3A_668 = arith.shrui %and3A_655, %shift_right_logical3A_667 : vector<16xi32>
        %mul3A_669 = arith.constant 4096 : i32
        %mul3A_670 = vector.broadcast %mul3A_669 : i32 to vector<16xi32>
        %mul3A_671 = arith.muli %shift_right_logical3A_668, %mul3A_670 : vector<16xi32>
        %and3A_672 = arith.constant 7 : i32
        %and3A_673 = vector.broadcast %and3A_672 : i32 to vector<16xi32>
        %and3A_674 = arith.andi %and3A_655, %and3A_673 : vector<16xi32>
        %mul3A_675 = arith.constant 128 : i32
        %mul3A_676 = vector.broadcast %mul3A_675 : i32 to vector<16xi32>
        %mul3A_677 = arith.muli %and3A_674, %mul3A_676 : vector<16xi32>
        %add3A_678 = arith.addi %mul3A_671, %mul3A_677 : vector<16xi32>
        %add3A_679 = vector.broadcast %add3A_665 : i32 to vector<16xi32>
        %add3A_680 = arith.addi %add3A_678, %add3A_679 : vector<16xi32>
        %add3A_681 = arith.addi %add3A_680, %iota3A : vector<16xi32>
        tpu.vector_store_idx %arg8[%add3A_681], %gather3A_658 : memref<16384xf32, #tpu.memory_space<vmem>>[vector<16xi32>], vector<16xf32>,
        %scan3A_682 = arith.constant 11 : i32
        %scan3A_683 = arith.addi %scan3A_257, %scan3A_682 : i32
        %and3A_684 = arith.constant 31 : i32
        %and3A_685 = arith.andi %scan3A_683, %and3A_684 : i32
        %shift_right_logical3A_686 = arith.constant 5 : i32
        %shift_right_logical3A_687 = arith.shrui %scan3A_683, %shift_right_logical3A_686 : i32
        %mul3A_688 = arith.constant 16 : i32
        %mul3A_689 = arith.muli %shift_right_logical3A_687, %mul3A_688 : i32
        %add3A_690 = vector.broadcast %and3A_685 : i32 to vector<16xi32>
        %add3A_691 = arith.addi %add3A_690, %iota3A : vector<16xi32>
        %and3A_692 = arith.constant 31 : i32
        %and3A_693 = vector.broadcast %and3A_692 : i32 to vector<16xi32>
        %and3A_694 = arith.andi %add3A_691, %and3A_693 : vector<16xi32>
        %add3A_695 = vector.broadcast %mul3A_689 : i32 to vector<16xi32>
        %add3A_696 = arith.addi %add3A_695, %iota3A : vector<16xi32>
        %gather3A_697 = tpu.vector_load_idx %arg6[%add3A_696, %and3A_694] : memref<512x32xf32, #tpu.memory_space<vmem>>[vector<16xi32>, vector<16xi32>], vector<16xf32>,
        %shift_right_logical3A_698 = arith.constant 7 : i32
        %shift_right_logical3A_699 = arith.shrui %mul3A_689, %shift_right_logical3A_698 : i32
        %mul3A_700 = arith.constant 1024 : i32
        %mul3A_701 = arith.muli %shift_right_logical3A_699, %mul3A_700 : i32
        %and3A_702 = arith.constant 127 : i32
        %and3A_703 = arith.andi %mul3A_689, %and3A_702 : i32
        %add3A_704 = arith.addi %mul3A_701, %and3A_703 : i32
        %shift_right_logical3A_705 = arith.constant 3 : i32
        %shift_right_logical3A_706 = vector.broadcast %shift_right_logical3A_705 : i32 to vector<16xi32>
        %shift_right_logical3A_707 = arith.shrui %and3A_694, %shift_right_logical3A_706 : vector<16xi32>
        %mul3A_708 = arith.constant 4096 : i32
        %mul3A_709 = vector.broadcast %mul3A_708 : i32 to vector<16xi32>
        %mul3A_710 = arith.muli %shift_right_logical3A_707, %mul3A_709 : vector<16xi32>
        %and3A_711 = arith.constant 7 : i32
        %and3A_712 = vector.broadcast %and3A_711 : i32 to vector<16xi32>
        %and3A_713 = arith.andi %and3A_694, %and3A_712 : vector<16xi32>
        %mul3A_714 = arith.constant 128 : i32
        %mul3A_715 = vector.broadcast %mul3A_714 : i32 to vector<16xi32>
        %mul3A_716 = arith.muli %and3A_713, %mul3A_715 : vector<16xi32>
        %add3A_717 = arith.addi %mul3A_710, %mul3A_716 : vector<16xi32>
        %add3A_718 = vector.broadcast %add3A_704 : i32 to vector<16xi32>
        %add3A_719 = arith.addi %add3A_717, %add3A_718 : vector<16xi32>
        %add3A_720 = arith.addi %add3A_719, %iota3A : vector<16xi32>
        tpu.vector_store_idx %arg8[%add3A_720], %gather3A_697 : memref<16384xf32, #tpu.memory_space<vmem>>[vector<16xi32>], vector<16xf32>,
        %scan3A_721 = arith.constant 12 : i32
        %scan3A_722 = arith.addi %scan3A_257, %scan3A_721 : i32
        %and3A_723 = arith.constant 31 : i32
        %and3A_724 = arith.andi %scan3A_722, %and3A_723 : i32
        %shift_right_logical3A_725 = arith.constant 5 : i32
        %shift_right_logical3A_726 = arith.shrui %scan3A_722, %shift_right_logical3A_725 : i32
        %mul3A_727 = arith.constant 16 : i32
        %mul3A_728 = arith.muli %shift_right_logical3A_726, %mul3A_727 : i32
        %add3A_729 = vector.broadcast %and3A_724 : i32 to vector<16xi32>
        %add3A_730 = arith.addi %add3A_729, %iota3A : vector<16xi32>
        %and3A_731 = arith.constant 31 : i32
        %and3A_732 = vector.broadcast %and3A_731 : i32 to vector<16xi32>
        %and3A_733 = arith.andi %add3A_730, %and3A_732 : vector<16xi32>
        %add3A_734 = vector.broadcast %mul3A_728 : i32 to vector<16xi32>
        %add3A_735 = arith.addi %add3A_734, %iota3A : vector<16xi32>
        %gather3A_736 = tpu.vector_load_idx %arg6[%add3A_735, %and3A_733] : memref<512x32xf32, #tpu.memory_space<vmem>>[vector<16xi32>, vector<16xi32>], vector<16xf32>,
        %shift_right_logical3A_737 = arith.constant 7 : i32
        %shift_right_logical3A_738 = arith.shrui %mul3A_728, %shift_right_logical3A_737 : i32
        %mul3A_739 = arith.constant 1024 : i32
        %mul3A_740 = arith.muli %shift_right_logical3A_738, %mul3A_739 : i32
        %and3A_741 = arith.constant 127 : i32
        %and3A_742 = arith.andi %mul3A_728, %and3A_741 : i32
        %add3A_743 = arith.addi %mul3A_740, %and3A_742 : i32
        %shift_right_logical3A_744 = arith.constant 3 : i32
        %shift_right_logical3A_745 = vector.broadcast %shift_right_logical3A_744 : i32 to vector<16xi32>
        %shift_right_logical3A_746 = arith.shrui %and3A_733, %shift_right_logical3A_745 : vector<16xi32>
        %mul3A_747 = arith.constant 4096 : i32
        %mul3A_748 = vector.broadcast %mul3A_747 : i32 to vector<16xi32>
        %mul3A_749 = arith.muli %shift_right_logical3A_746, %mul3A_748 : vector<16xi32>
        %and3A_750 = arith.constant 7 : i32
        %and3A_751 = vector.broadcast %and3A_750 : i32 to vector<16xi32>
        %and3A_752 = arith.andi %and3A_733, %and3A_751 : vector<16xi32>
        %mul3A_753 = arith.constant 128 : i32
        %mul3A_754 = vector.broadcast %mul3A_753 : i32 to vector<16xi32>
        %mul3A_755 = arith.muli %and3A_752, %mul3A_754 : vector<16xi32>
        %add3A_756 = arith.addi %mul3A_749, %mul3A_755 : vector<16xi32>
        %add3A_757 = vector.broadcast %add3A_743 : i32 to vector<16xi32>
        %add3A_758 = arith.addi %add3A_756, %add3A_757 : vector<16xi32>
        %add3A_759 = arith.addi %add3A_758, %iota3A : vector<16xi32>
        tpu.vector_store_idx %arg8[%add3A_759], %gather3A_736 : memref<16384xf32, #tpu.memory_space<vmem>>[vector<16xi32>], vector<16xf32>,
        %scan3A_760 = arith.constant 13 : i32
        %scan3A_761 = arith.addi %scan3A_257, %scan3A_760 : i32
        %and3A_762 = arith.constant 31 : i32
        %and3A_763 = arith.andi %scan3A_761, %and3A_762 : i32
        %shift_right_logical3A_764 = arith.constant 5 : i32
        %shift_right_logical3A_765 = arith.shrui %scan3A_761, %shift_right_logical3A_764 : i32
        %mul3A_766 = arith.constant 16 : i32
        %mul3A_767 = arith.muli %shift_right_logical3A_765, %mul3A_766 : i32
        %add3A_768 = vector.broadcast %and3A_763 : i32 to vector<16xi32>
        %add3A_769 = arith.addi %add3A_768, %iota3A : vector<16xi32>
        %and3A_770 = arith.constant 31 : i32
        %and3A_771 = vector.broadcast %and3A_770 : i32 to vector<16xi32>
        %and3A_772 = arith.andi %add3A_769, %and3A_771 : vector<16xi32>
        %add3A_773 = vector.broadcast %mul3A_767 : i32 to vector<16xi32>
        %add3A_774 = arith.addi %add3A_773, %iota3A : vector<16xi32>
        %gather3A_775 = tpu.vector_load_idx %arg6[%add3A_774, %and3A_772] : memref<512x32xf32, #tpu.memory_space<vmem>>[vector<16xi32>, vector<16xi32>], vector<16xf32>,
        %shift_right_logical3A_776 = arith.constant 7 : i32
        %shift_right_logical3A_777 = arith.shrui %mul3A_767, %shift_right_logical3A_776 : i32
        %mul3A_778 = arith.constant 1024 : i32
        %mul3A_779 = arith.muli %shift_right_logical3A_777, %mul3A_778 : i32
        %and3A_780 = arith.constant 127 : i32
        %and3A_781 = arith.andi %mul3A_767, %and3A_780 : i32
        %add3A_782 = arith.addi %mul3A_779, %and3A_781 : i32
        %shift_right_logical3A_783 = arith.constant 3 : i32
        %shift_right_logical3A_784 = vector.broadcast %shift_right_logical3A_783 : i32 to vector<16xi32>
        %shift_right_logical3A_785 = arith.shrui %and3A_772, %shift_right_logical3A_784 : vector<16xi32>
        %mul3A_786 = arith.constant 4096 : i32
        %mul3A_787 = vector.broadcast %mul3A_786 : i32 to vector<16xi32>
        %mul3A_788 = arith.muli %shift_right_logical3A_785, %mul3A_787 : vector<16xi32>
        %and3A_789 = arith.constant 7 : i32
        %and3A_790 = vector.broadcast %and3A_789 : i32 to vector<16xi32>
        %and3A_791 = arith.andi %and3A_772, %and3A_790 : vector<16xi32>
        %mul3A_792 = arith.constant 128 : i32
        %mul3A_793 = vector.broadcast %mul3A_792 : i32 to vector<16xi32>
        %mul3A_794 = arith.muli %and3A_791, %mul3A_793 : vector<16xi32>
        %add3A_795 = arith.addi %mul3A_788, %mul3A_794 : vector<16xi32>
        %add3A_796 = vector.broadcast %add3A_782 : i32 to vector<16xi32>
        %add3A_797 = arith.addi %add3A_795, %add3A_796 : vector<16xi32>
        %add3A_798 = arith.addi %add3A_797, %iota3A : vector<16xi32>
        tpu.vector_store_idx %arg8[%add3A_798], %gather3A_775 : memref<16384xf32, #tpu.memory_space<vmem>>[vector<16xi32>], vector<16xf32>,
        %scan3A_799 = arith.constant 14 : i32
        %scan3A_800 = arith.addi %scan3A_257, %scan3A_799 : i32
        %and3A_801 = arith.constant 31 : i32
        %and3A_802 = arith.andi %scan3A_800, %and3A_801 : i32
        %shift_right_logical3A_803 = arith.constant 5 : i32
        %shift_right_logical3A_804 = arith.shrui %scan3A_800, %shift_right_logical3A_803 : i32
        %mul3A_805 = arith.constant 16 : i32
        %mul3A_806 = arith.muli %shift_right_logical3A_804, %mul3A_805 : i32
        %add3A_807 = vector.broadcast %and3A_802 : i32 to vector<16xi32>
        %add3A_808 = arith.addi %add3A_807, %iota3A : vector<16xi32>
        %and3A_809 = arith.constant 31 : i32
        %and3A_810 = vector.broadcast %and3A_809 : i32 to vector<16xi32>
        %and3A_811 = arith.andi %add3A_808, %and3A_810 : vector<16xi32>
        %add3A_812 = vector.broadcast %mul3A_806 : i32 to vector<16xi32>
        %add3A_813 = arith.addi %add3A_812, %iota3A : vector<16xi32>
        %gather3A_814 = tpu.vector_load_idx %arg6[%add3A_813, %and3A_811] : memref<512x32xf32, #tpu.memory_space<vmem>>[vector<16xi32>, vector<16xi32>], vector<16xf32>,
        %shift_right_logical3A_815 = arith.constant 7 : i32
        %shift_right_logical3A_816 = arith.shrui %mul3A_806, %shift_right_logical3A_815 : i32
        %mul3A_817 = arith.constant 1024 : i32
        %mul3A_818 = arith.muli %shift_right_logical3A_816, %mul3A_817 : i32
        %and3A_819 = arith.constant 127 : i32
        %and3A_820 = arith.andi %mul3A_806, %and3A_819 : i32
        %add3A_821 = arith.addi %mul3A_818, %and3A_820 : i32
        %shift_right_logical3A_822 = arith.constant 3 : i32
        %shift_right_logical3A_823 = vector.broadcast %shift_right_logical3A_822 : i32 to vector<16xi32>
        %shift_right_logical3A_824 = arith.shrui %and3A_811, %shift_right_logical3A_823 : vector<16xi32>
        %mul3A_825 = arith.constant 4096 : i32
        %mul3A_826 = vector.broadcast %mul3A_825 : i32 to vector<16xi32>
        %mul3A_827 = arith.muli %shift_right_logical3A_824, %mul3A_826 : vector<16xi32>
        %and3A_828 = arith.constant 7 : i32
        %and3A_829 = vector.broadcast %and3A_828 : i32 to vector<16xi32>
        %and3A_830 = arith.andi %and3A_811, %and3A_829 : vector<16xi32>
        %mul3A_831 = arith.constant 128 : i32
        %mul3A_832 = vector.broadcast %mul3A_831 : i32 to vector<16xi32>
        %mul3A_833 = arith.muli %and3A_830, %mul3A_832 : vector<16xi32>
        %add3A_834 = arith.addi %mul3A_827, %mul3A_833 : vector<16xi32>
        %add3A_835 = vector.broadcast %add3A_821 : i32 to vector<16xi32>
        %add3A_836 = arith.addi %add3A_834, %add3A_835 : vector<16xi32>
        %add3A_837 = arith.addi %add3A_836, %iota3A : vector<16xi32>
        tpu.vector_store_idx %arg8[%add3A_837], %gather3A_814 : memref<16384xf32, #tpu.memory_space<vmem>>[vector<16xi32>], vector<16xf32>,
        %scan3A_838 = arith.constant 15 : i32
        %scan3A_839 = arith.addi %scan3A_257, %scan3A_838 : i32
        %and3A_840 = arith.constant 31 : i32
        %and3A_841 = arith.andi %scan3A_839, %and3A_840 : i32
        %shift_right_logical3A_842 = arith.constant 5 : i32
        %shift_right_logical3A_843 = arith.shrui %scan3A_839, %shift_right_logical3A_842 : i32
        %mul3A_844 = arith.constant 16 : i32
        %mul3A_845 = arith.muli %shift_right_logical3A_843, %mul3A_844 : i32
        %add3A_846 = vector.broadcast %and3A_841 : i32 to vector<16xi32>
        %add3A_847 = arith.addi %add3A_846, %iota3A : vector<16xi32>
        %and3A_848 = arith.constant 31 : i32
        %and3A_849 = vector.broadcast %and3A_848 : i32 to vector<16xi32>
        %and3A_850 = arith.andi %add3A_847, %and3A_849 : vector<16xi32>
        %add3A_851 = vector.broadcast %mul3A_845 : i32 to vector<16xi32>
        %add3A_852 = arith.addi %add3A_851, %iota3A : vector<16xi32>
        %gather3A_853 = tpu.vector_load_idx %arg6[%add3A_852, %and3A_850] : memref<512x32xf32, #tpu.memory_space<vmem>>[vector<16xi32>, vector<16xi32>], vector<16xf32>,
        %shift_right_logical3A_854 = arith.constant 7 : i32
        %shift_right_logical3A_855 = arith.shrui %mul3A_845, %shift_right_logical3A_854 : i32
        %mul3A_856 = arith.constant 1024 : i32
        %mul3A_857 = arith.muli %shift_right_logical3A_855, %mul3A_856 : i32
        %and3A_858 = arith.constant 127 : i32
        %and3A_859 = arith.andi %mul3A_845, %and3A_858 : i32
        %add3A_860 = arith.addi %mul3A_857, %and3A_859 : i32
        %shift_right_logical3A_861 = arith.constant 3 : i32
        %shift_right_logical3A_862 = vector.broadcast %shift_right_logical3A_861 : i32 to vector<16xi32>
        %shift_right_logical3A_863 = arith.shrui %and3A_850, %shift_right_logical3A_862 : vector<16xi32>
        %mul3A_864 = arith.constant 4096 : i32
        %mul3A_865 = vector.broadcast %mul3A_864 : i32 to vector<16xi32>
        %mul3A_866 = arith.muli %shift_right_logical3A_863, %mul3A_865 : vector<16xi32>
        %and3A_867 = arith.constant 7 : i32
        %and3A_868 = vector.broadcast %and3A_867 : i32 to vector<16xi32>
        %and3A_869 = arith.andi %and3A_850, %and3A_868 : vector<16xi32>
        %mul3A_870 = arith.constant 128 : i32
        %mul3A_871 = vector.broadcast %mul3A_870 : i32 to vector<16xi32>
        %mul3A_872 = arith.muli %and3A_869, %mul3A_871 : vector<16xi32>
        %add3A_873 = arith.addi %mul3A_866, %mul3A_872 : vector<16xi32>
        %add3A_874 = vector.broadcast %add3A_860 : i32 to vector<16xi32>
        %add3A_875 = arith.addi %add3A_873, %add3A_874 : vector<16xi32>
        %add3A_876 = arith.addi %add3A_875, %iota3A : vector<16xi32>
        tpu.vector_store_idx %arg8[%add3A_876], %gather3A_853 : memref<16384xf32, #tpu.memory_space<vmem>>[vector<16xi32>], vector<16xf32>,
      }
      %scan3A_118 = arith.constant 1024 : i32
      %mul3A_119 = arith.constant 524288 : i32
      %mul3A_120 = arith.muli %add3A_104, %mul3A_119 : i32
      %add3A_121 = arith.constant 0 : i32
      %add3A_122 = arith.addi %mul3A_120, %add3A_121 : i32
      %mul3A_123 = arith.constant 4096 : i32
      %mul3A_124 = arith.muli %add3A, %mul3A_123 : i32
      %add3A_125 = arith.addi %add3A_122, %mul3A_124 : i32
      %dma_start3A_126 = arith.constant 0 : i32
      %dma_start3A_127 = tpu.memref_slice %arg8[%dma_start3A_126] : memref<16384xf32, #tpu.memory_space<vmem>> -> memref<4096xf32, #tpu.memory_space<vmem>>
      %dma_start3A_128 = tpu.memref_slice %arg4[%add3A_125] : memref<13631488xf32, #tpu.memory_space<hbm>> -> memref<4096xf32, #tpu.memory_space<hbm>>
      %dma_start3A_129 = tpu.memref_slice %arg4[%add3A_125] : memref<13631488xf32, #tpu.memory_space<hbm>> -> memref<4096xf32, #tpu.memory_space<hbm>>
      %dma_start3A_130 = arith.constant 0 : i32
      %dma_start3A_131 = tpu.memref_slice %arg8[%dma_start3A_130] : memref<16384xf32, #tpu.memory_space<vmem>> -> memref<4096xf32, #tpu.memory_space<vmem>>
      tpu.enqueue_dma source(%dma_start3A_131 : memref<4096xf32, #tpu.memory_space<vmem>>) target(%dma_start3A_129 : memref<4096xf32, #tpu.memory_space<hbm>>) target_semaphore(%arg12 : memref<!tpu.dma_semaphore, #tpu.memory_space<semaphore_mem>>)
      %mul3A_132 = arith.constant 524288 : i32
      %mul3A_133 = arith.muli %add3A_104, %mul3A_132 : i32
      %add3A_134 = arith.constant 131072 : i32
      %add3A_135 = arith.addi %mul3A_133, %add3A_134 : i32
      %mul3A_136 = arith.constant 4096 : i32
      %mul3A_137 = arith.muli %add3A, %mul3A_136 : i32
      %add3A_138 = arith.addi %add3A_135, %mul3A_137 : i32
      %dma_start3A_139 = arith.constant 4096 : i32
      %dma_start3A_140 = tpu.memref_slice %arg8[%dma_start3A_139] : memref<16384xf32, #tpu.memory_space<vmem>> -> memref<4096xf32, #tpu.memory_space<vmem>>
      %dma_start3A_141 = tpu.memref_slice %arg4[%add3A_138] : memref<13631488xf32, #tpu.memory_space<hbm>> -> memref<4096xf32, #tpu.memory_space<hbm>>
      %dma_start3A_142 = tpu.memref_slice %arg4[%add3A_138] : memref<13631488xf32, #tpu.memory_space<hbm>> -> memref<4096xf32, #tpu.memory_space<hbm>>
      %dma_start3A_143 = arith.constant 4096 : i32
      %dma_start3A_144 = tpu.memref_slice %arg8[%dma_start3A_143] : memref<16384xf32, #tpu.memory_space<vmem>> -> memref<4096xf32, #tpu.memory_space<vmem>>
      tpu.enqueue_dma source(%dma_start3A_144 : memref<4096xf32, #tpu.memory_space<vmem>>) target(%dma_start3A_142 : memref<4096xf32, #tpu.memory_space<hbm>>) target_semaphore(%arg12 : memref<!tpu.dma_semaphore, #tpu.memory_space<semaphore_mem>>)
      %mul3A_145 = arith.constant 524288 : i32
      %mul3A_146 = arith.muli %add3A_104, %mul3A_145 : i32
      %add3A_147 = arith.constant 262144 : i32
      %add3A_148 = arith.addi %mul3A_146, %add3A_147 : i32
      %mul3A_149 = arith.constant 4096 : i32
      %mul3A_150 = arith.muli %add3A, %mul3A_149 : i32
      %add3A_151 = arith.addi %add3A_148, %mul3A_150 : i32
      %dma_start3A_152 = arith.constant 8192 : i32
      %dma_start3A_153 = tpu.memref_slice %arg8[%dma_start3A_152] : memref<16384xf32, #tpu.memory_space<vmem>> -> memref<4096xf32, #tpu.memory_space<vmem>>
      %dma_start3A_154 = tpu.memref_slice %arg4[%add3A_151] : memref<13631488xf32, #tpu.memory_space<hbm>> -> memref<4096xf32, #tpu.memory_space<hbm>>
      %dma_start3A_155 = tpu.memref_slice %arg4[%add3A_151] : memref<13631488xf32, #tpu.memory_space<hbm>> -> memref<4096xf32, #tpu.memory_space<hbm>>
      %dma_start3A_156 = arith.constant 8192 : i32
      %dma_start3A_157 = tpu.memref_slice %arg8[%dma_start3A_156] : memref<16384xf32, #tpu.memory_space<vmem>> -> memref<4096xf32, #tpu.memory_space<vmem>>
      tpu.enqueue_dma source(%dma_start3A_157 : memref<4096xf32, #tpu.memory_space<vmem>>) target(%dma_start3A_155 : memref<4096xf32, #tpu.memory_space<hbm>>) target_semaphore(%arg12 : memref<!tpu.dma_semaphore, #tpu.memory_space<semaphore_mem>>)
      %mul3A_158 = arith.constant 524288 : i32
      %mul3A_159 = arith.muli %add3A_104, %mul3A_158 : i32
      %add3A_160 = arith.constant 393216 : i32
      %add3A_161 = arith.addi %mul3A_159, %add3A_160 : i32
      %mul3A_162 = arith.constant 4096 : i32
      %mul3A_163 = arith.muli %add3A, %mul3A_162 : i32
      %add3A_164 = arith.addi %add3A_161, %mul3A_163 : i32
      %dma_start3A_165 = arith.constant 12288 : i32
      %dma_start3A_166 = tpu.memref_slice %arg8[%dma_start3A_165] : memref<16384xf32, #tpu.memory_space<vmem>> -> memref<4096xf32, #tpu.memory_space<vmem>>
      %dma_start3A_167 = tpu.memref_slice %arg4[%add3A_164] : memref<13631488xf32, #tpu.memory_space<hbm>> -> memref<4096xf32, #tpu.memory_space<hbm>>
      %dma_start3A_168 = tpu.memref_slice %arg4[%add3A_164] : memref<13631488xf32, #tpu.memory_space<hbm>> -> memref<4096xf32, #tpu.memory_space<hbm>>
      %dma_start3A_169 = arith.constant 12288 : i32
      %dma_start3A_170 = tpu.memref_slice %arg8[%dma_start3A_169] : memref<16384xf32, #tpu.memory_space<vmem>> -> memref<4096xf32, #tpu.memory_space<vmem>>
      tpu.enqueue_dma source(%dma_start3A_170 : memref<4096xf32, #tpu.memory_space<vmem>>) target(%dma_start3A_168 : memref<4096xf32, #tpu.memory_space<hbm>>) target_semaphore(%arg12 : memref<!tpu.dma_semaphore, #tpu.memory_space<semaphore_mem>>)
      %add3A_171 = arith.constant 2 : i32
      %add3A_172 = arith.addi %add3A_104, %add3A_171 : i32
      %lt3A = arith.constant 26 : i32
      %lt3A_173 = arith.cmpi slt, %add3A_172, %lt3A : i32
      %convert_element_type3A_174 = arith.extui %lt3A_173 : i1 to i32
      %cond3A_175 = arith.constant 0 : i32
      %cond3A_176 = arith.cmpi ne, %convert_element_type3A_174, %cond3A_175 : i32
      scf.if %cond3A_176 {
        %add3A_257 = arith.constant 2 : i32
        %add3A_258 = arith.addi %add3A_104, %add3A_257 : i32
        %dma_start3A_259 = arith.constant 0 : i32
        %dma_start3A_260 = tpu.memref_slice %arg5[%add3A_258, %dma_start3A_259] : memref<26x512xi32, #tpu.memory_space<vmem>> -> memref<1x512xi32, #tpu.memory_space<vmem>>
        %dma_start3A_261 = tpu.memref_squeeze %dma_start3A_260 : memref<1x512xi32, #tpu.memory_space<vmem>> -> memref<512xi32, #tpu.memory_space<vmem>>
        %dma_start3A_262 = arith.constant 0 : i32
        %dma_start3A_263 = arith.constant 0 : i32
        %dma_start3A_264 = tpu.memref_slice %arg2[%dma_start3A_262, %dma_start3A_263] : memref<1000000x32xf32, #tpu.memory_space<hbm>> -> memref<1000000x32xf32, #tpu.memory_space<hbm>>
        tpu.enqueue_indirect_dma source(%dma_start3A_264 : memref<1000000x32xf32, #tpu.memory_space<hbm>>) target(%arg6 : memref<512x32xf32, #tpu.memory_space<vmem>>) offsets(%dma_start3A_261 : memref<512xi32, #tpu.memory_space<vmem>>) semaphore(%arg10 : memref<!tpu.dma_semaphore, #tpu.memory_space<semaphore_mem>>)
      } else {
      }
      %mul3A_177 = arith.constant 2 : i32
      %mul3A_178 = arith.muli %mul3A_177, %scan3A_100 : i32
      %add3A_179 = arith.constant 1 : i32
      %add3A_180 = arith.addi %mul3A_178, %add3A_179 : i32
      %dma_wait3A_181 = arith.constant 0 : i32
      %dma_wait3A_182 = tpu.memref_slice %arg5[%add3A_180, %dma_wait3A_181] : memref<26x512xi32, #tpu.memory_space<vmem>> -> memref<1x512xi32, #tpu.memory_space<vmem>>
      %dma_wait3A_183 = tpu.memref_squeeze %dma_wait3A_182 : memref<1x512xi32, #tpu.memory_space<vmem>> -> memref<512xi32, #tpu.memory_space<vmem>>
      %dma_wait3A_184 = arith.constant 0 : i32
      %dma_wait3A_185 = arith.constant 0 : i32
      %dma_wait3A_186 = tpu.memref_slice %arg2[%dma_wait3A_184, %dma_wait3A_185] : memref<1000000x32xf32, #tpu.memory_space<hbm>> -> memref<1000000x32xf32, #tpu.memory_space<hbm>>
      tpu.wait_indirect_dma semaphore(%arg11 : memref<!tpu.dma_semaphore, #tpu.memory_space<semaphore_mem>>) src(%dma_wait3A_186 : memref<1000000x32xf32, #tpu.memory_space<hbm>>) dst(%arg7 : memref<512x32xf32, #tpu.memory_space<vmem>>)
      %ge3A_187 = arith.constant 2 : i32
      %ge3A_188 = arith.cmpi sge, %add3A_180, %ge3A_187 : i32
      %convert_element_type3A_189 = arith.extui %ge3A_188 : i1 to i32
      %cond3A_190 = arith.constant 0 : i32
      %cond3A_191 = arith.cmpi ne, %convert_element_type3A_189, %cond3A_190 : i32
      scf.if %cond3A_191 {
        %sub3A = arith.constant 2 : i32
        %sub3A_257 = arith.subi %add3A_180, %sub3A : i32
        %mul3A_258 = arith.constant 524288 : i32
        %mul3A_259 = arith.muli %sub3A_257, %mul3A_258 : i32
        %add3A_260 = arith.constant 0 : i32
        %add3A_261 = arith.addi %mul3A_259, %add3A_260 : i32
        %mul3A_262 = arith.constant 4096 : i32
        %mul3A_263 = arith.muli %add3A, %mul3A_262 : i32
        %add3A_264 = arith.addi %add3A_261, %mul3A_263 : i32
        %dma_wait3A_265 = arith.constant 0 : i32
        %dma_wait3A_266 = tpu.memref_slice %arg9[%dma_wait3A_265] : memref<16384xf32, #tpu.memory_space<vmem>> -> memref<4096xf32, #tpu.memory_space<vmem>>
        %dma_wait3A_267 = tpu.memref_slice %arg4[%add3A_264] : memref<13631488xf32, #tpu.memory_space<hbm>> -> memref<4096xf32, #tpu.memory_space<hbm>>
        %dma_wait3A_268 = tpu.memref_slice %arg4[%add3A_264] : memref<13631488xf32, #tpu.memory_space<hbm>> -> memref<4096xf32, #tpu.memory_space<hbm>>
        %dma_wait3A_269 = arith.constant 0 : i32
        %dma_wait3A_270 = tpu.memref_slice %arg9[%dma_wait3A_269] : memref<16384xf32, #tpu.memory_space<vmem>> -> memref<4096xf32, #tpu.memory_space<vmem>>
        tpu.wait_dma2 semaphore(%arg13 : memref<!tpu.dma_semaphore, #tpu.memory_space<semaphore_mem>>) src(%dma_wait3A_270 : memref<4096xf32, #tpu.memory_space<vmem>>) dst(%dma_wait3A_268 : memref<4096xf32, #tpu.memory_space<hbm>>)
        %mul3A_271 = arith.constant 524288 : i32
        %mul3A_272 = arith.muli %sub3A_257, %mul3A_271 : i32
        %add3A_273 = arith.constant 131072 : i32
        %add3A_274 = arith.addi %mul3A_272, %add3A_273 : i32
        %mul3A_275 = arith.constant 4096 : i32
        %mul3A_276 = arith.muli %add3A, %mul3A_275 : i32
        %add3A_277 = arith.addi %add3A_274, %mul3A_276 : i32
        %dma_wait3A_278 = arith.constant 4096 : i32
        %dma_wait3A_279 = tpu.memref_slice %arg9[%dma_wait3A_278] : memref<16384xf32, #tpu.memory_space<vmem>> -> memref<4096xf32, #tpu.memory_space<vmem>>
        %dma_wait3A_280 = tpu.memref_slice %arg4[%add3A_277] : memref<13631488xf32, #tpu.memory_space<hbm>> -> memref<4096xf32, #tpu.memory_space<hbm>>
        %dma_wait3A_281 = tpu.memref_slice %arg4[%add3A_277] : memref<13631488xf32, #tpu.memory_space<hbm>> -> memref<4096xf32, #tpu.memory_space<hbm>>
        %dma_wait3A_282 = arith.constant 4096 : i32
        %dma_wait3A_283 = tpu.memref_slice %arg9[%dma_wait3A_282] : memref<16384xf32, #tpu.memory_space<vmem>> -> memref<4096xf32, #tpu.memory_space<vmem>>
        tpu.wait_dma2 semaphore(%arg13 : memref<!tpu.dma_semaphore, #tpu.memory_space<semaphore_mem>>) src(%dma_wait3A_283 : memref<4096xf32, #tpu.memory_space<vmem>>) dst(%dma_wait3A_281 : memref<4096xf32, #tpu.memory_space<hbm>>)
        %mul3A_284 = arith.constant 524288 : i32
        %mul3A_285 = arith.muli %sub3A_257, %mul3A_284 : i32
        %add3A_286 = arith.constant 262144 : i32
        %add3A_287 = arith.addi %mul3A_285, %add3A_286 : i32
        %mul3A_288 = arith.constant 4096 : i32
        %mul3A_289 = arith.muli %add3A, %mul3A_288 : i32
        %add3A_290 = arith.addi %add3A_287, %mul3A_289 : i32
        %dma_wait3A_291 = arith.constant 8192 : i32
        %dma_wait3A_292 = tpu.memref_slice %arg9[%dma_wait3A_291] : memref<16384xf32, #tpu.memory_space<vmem>> -> memref<4096xf32, #tpu.memory_space<vmem>>
        %dma_wait3A_293 = tpu.memref_slice %arg4[%add3A_290] : memref<13631488xf32, #tpu.memory_space<hbm>> -> memref<4096xf32, #tpu.memory_space<hbm>>
        %dma_wait3A_294 = tpu.memref_slice %arg4[%add3A_290] : memref<13631488xf32, #tpu.memory_space<hbm>> -> memref<4096xf32, #tpu.memory_space<hbm>>
        %dma_wait3A_295 = arith.constant 8192 : i32
        %dma_wait3A_296 = tpu.memref_slice %arg9[%dma_wait3A_295] : memref<16384xf32, #tpu.memory_space<vmem>> -> memref<4096xf32, #tpu.memory_space<vmem>>
        tpu.wait_dma2 semaphore(%arg13 : memref<!tpu.dma_semaphore, #tpu.memory_space<semaphore_mem>>) src(%dma_wait3A_296 : memref<4096xf32, #tpu.memory_space<vmem>>) dst(%dma_wait3A_294 : memref<4096xf32, #tpu.memory_space<hbm>>)
        %mul3A_297 = arith.constant 524288 : i32
        %mul3A_298 = arith.muli %sub3A_257, %mul3A_297 : i32
        %add3A_299 = arith.constant 393216 : i32
        %add3A_300 = arith.addi %mul3A_298, %add3A_299 : i32
        %mul3A_301 = arith.constant 4096 : i32
        %mul3A_302 = arith.muli %add3A, %mul3A_301 : i32
        %add3A_303 = arith.addi %add3A_300, %mul3A_302 : i32
        %dma_wait3A_304 = arith.constant 12288 : i32
        %dma_wait3A_305 = tpu.memref_slice %arg9[%dma_wait3A_304] : memref<16384xf32, #tpu.memory_space<vmem>> -> memref<4096xf32, #tpu.memory_space<vmem>>
        %dma_wait3A_306 = tpu.memref_slice %arg4[%add3A_303] : memref<13631488xf32, #tpu.memory_space<hbm>> -> memref<4096xf32, #tpu.memory_space<hbm>>
        %dma_wait3A_307 = tpu.memref_slice %arg4[%add3A_303] : memref<13631488xf32, #tpu.memory_space<hbm>> -> memref<4096xf32, #tpu.memory_space<hbm>>
        %dma_wait3A_308 = arith.constant 12288 : i32
        %dma_wait3A_309 = tpu.memref_slice %arg9[%dma_wait3A_308] : memref<16384xf32, #tpu.memory_space<vmem>> -> memref<4096xf32, #tpu.memory_space<vmem>>
        tpu.wait_dma2 semaphore(%arg13 : memref<!tpu.dma_semaphore, #tpu.memory_space<semaphore_mem>>) src(%dma_wait3A_309 : memref<4096xf32, #tpu.memory_space<vmem>>) dst(%dma_wait3A_307 : memref<4096xf32, #tpu.memory_space<hbm>>)
      } else {
      }
      %scan3A_192 = arith.constant 0 : i32
      %scan3A_193 = arith.constant 0 : i32
      %scan3A_194 = arith.constant 1024 : i32
      %scan3A_195 = arith.addi %scan3A_193, %scan3A_194 : i32
      %scan3A_196 = arith.constant 16 : i32
      scf.for %scan3A_257 = %scan3A_193 to %scan3A_195 step %scan3A_196  : i32 {
        %and3A = arith.constant 31 : i32
        %and3A_258 = arith.andi %scan3A_257, %and3A : i32
        %shift_right_logical3A = arith.constant 5 : i32
        %shift_right_logical3A_259 = arith.shrui %scan3A_257, %shift_right_logical3A : i32
        %mul3A_260 = arith.constant 16 : i32
        %mul3A_261 = arith.muli %shift_right_logical3A_259, %mul3A_260 : i32
        %add3A_262 = vector.broadcast %and3A_258 : i32 to vector<16xi32>
        %add3A_263 = arith.addi %add3A_262, %iota3A : vector<16xi32>
        %and3A_264 = arith.constant 31 : i32
        %and3A_265 = vector.broadcast %and3A_264 : i32 to vector<16xi32>
        %and3A_266 = arith.andi %add3A_263, %and3A_265 : vector<16xi32>
        %add3A_267 = vector.broadcast %mul3A_261 : i32 to vector<16xi32>
        %add3A_268 = arith.addi %add3A_267, %iota3A : vector<16xi32>
        %gather3A = tpu.vector_load_idx %arg7[%add3A_268, %and3A_266] : memref<512x32xf32, #tpu.memory_space<vmem>>[vector<16xi32>, vector<16xi32>], vector<16xf32>,
        %shift_right_logical3A_269 = arith.constant 7 : i32
        %shift_right_logical3A_270 = arith.shrui %mul3A_261, %shift_right_logical3A_269 : i32
        %mul3A_271 = arith.constant 1024 : i32
        %mul3A_272 = arith.muli %shift_right_logical3A_270, %mul3A_271 : i32
        %and3A_273 = arith.constant 127 : i32
        %and3A_274 = arith.andi %mul3A_261, %and3A_273 : i32
        %add3A_275 = arith.addi %mul3A_272, %and3A_274 : i32
        %shift_right_logical3A_276 = arith.constant 3 : i32
        %shift_right_logical3A_277 = vector.broadcast %shift_right_logical3A_276 : i32 to vector<16xi32>
        %shift_right_logical3A_278 = arith.shrui %and3A_266, %shift_right_logical3A_277 : vector<16xi32>
        %mul3A_279 = arith.constant 4096 : i32
        %mul3A_280 = vector.broadcast %mul3A_279 : i32 to vector<16xi32>
        %mul3A_281 = arith.muli %shift_right_logical3A_278, %mul3A_280 : vector<16xi32>
        %and3A_282 = arith.constant 7 : i32
        %and3A_283 = vector.broadcast %and3A_282 : i32 to vector<16xi32>
        %and3A_284 = arith.andi %and3A_266, %and3A_283 : vector<16xi32>
        %mul3A_285 = arith.constant 128 : i32
        %mul3A_286 = vector.broadcast %mul3A_285 : i32 to vector<16xi32>
        %mul3A_287 = arith.muli %and3A_284, %mul3A_286 : vector<16xi32>
        %add3A_288 = arith.addi %mul3A_281, %mul3A_287 : vector<16xi32>
        %add3A_289 = vector.broadcast %add3A_275 : i32 to vector<16xi32>
        %add3A_290 = arith.addi %add3A_288, %add3A_289 : vector<16xi32>
        %add3A_291 = arith.addi %add3A_290, %iota3A : vector<16xi32>
        tpu.vector_store_idx %arg9[%add3A_291], %gather3A : memref<16384xf32, #tpu.memory_space<vmem>>[vector<16xi32>], vector<16xf32>,
        %scan3A_292 = arith.constant 1 : i32
        %scan3A_293 = arith.addi %scan3A_257, %scan3A_292 : i32
        %and3A_294 = arith.constant 31 : i32
        %and3A_295 = arith.andi %scan3A_293, %and3A_294 : i32
        %shift_right_logical3A_296 = arith.constant 5 : i32
        %shift_right_logical3A_297 = arith.shrui %scan3A_293, %shift_right_logical3A_296 : i32
        %mul3A_298 = arith.constant 16 : i32
        %mul3A_299 = arith.muli %shift_right_logical3A_297, %mul3A_298 : i32
        %add3A_300 = vector.broadcast %and3A_295 : i32 to vector<16xi32>
        %add3A_301 = arith.addi %add3A_300, %iota3A : vector<16xi32>
        %and3A_302 = arith.constant 31 : i32
        %and3A_303 = vector.broadcast %and3A_302 : i32 to vector<16xi32>
        %and3A_304 = arith.andi %add3A_301, %and3A_303 : vector<16xi32>
        %add3A_305 = vector.broadcast %mul3A_299 : i32 to vector<16xi32>
        %add3A_306 = arith.addi %add3A_305, %iota3A : vector<16xi32>
        %gather3A_307 = tpu.vector_load_idx %arg7[%add3A_306, %and3A_304] : memref<512x32xf32, #tpu.memory_space<vmem>>[vector<16xi32>, vector<16xi32>], vector<16xf32>,
        %shift_right_logical3A_308 = arith.constant 7 : i32
        %shift_right_logical3A_309 = arith.shrui %mul3A_299, %shift_right_logical3A_308 : i32
        %mul3A_310 = arith.constant 1024 : i32
        %mul3A_311 = arith.muli %shift_right_logical3A_309, %mul3A_310 : i32
        %and3A_312 = arith.constant 127 : i32
        %and3A_313 = arith.andi %mul3A_299, %and3A_312 : i32
        %add3A_314 = arith.addi %mul3A_311, %and3A_313 : i32
        %shift_right_logical3A_315 = arith.constant 3 : i32
        %shift_right_logical3A_316 = vector.broadcast %shift_right_logical3A_315 : i32 to vector<16xi32>
        %shift_right_logical3A_317 = arith.shrui %and3A_304, %shift_right_logical3A_316 : vector<16xi32>
        %mul3A_318 = arith.constant 4096 : i32
        %mul3A_319 = vector.broadcast %mul3A_318 : i32 to vector<16xi32>
        %mul3A_320 = arith.muli %shift_right_logical3A_317, %mul3A_319 : vector<16xi32>
        %and3A_321 = arith.constant 7 : i32
        %and3A_322 = vector.broadcast %and3A_321 : i32 to vector<16xi32>
        %and3A_323 = arith.andi %and3A_304, %and3A_322 : vector<16xi32>
        %mul3A_324 = arith.constant 128 : i32
        %mul3A_325 = vector.broadcast %mul3A_324 : i32 to vector<16xi32>
        %mul3A_326 = arith.muli %and3A_323, %mul3A_325 : vector<16xi32>
        %add3A_327 = arith.addi %mul3A_320, %mul3A_326 : vector<16xi32>
        %add3A_328 = vector.broadcast %add3A_314 : i32 to vector<16xi32>
        %add3A_329 = arith.addi %add3A_327, %add3A_328 : vector<16xi32>
        %add3A_330 = arith.addi %add3A_329, %iota3A : vector<16xi32>
        tpu.vector_store_idx %arg9[%add3A_330], %gather3A_307 : memref<16384xf32, #tpu.memory_space<vmem>>[vector<16xi32>], vector<16xf32>,
        %scan3A_331 = arith.constant 2 : i32
        %scan3A_332 = arith.addi %scan3A_257, %scan3A_331 : i32
        %and3A_333 = arith.constant 31 : i32
        %and3A_334 = arith.andi %scan3A_332, %and3A_333 : i32
        %shift_right_logical3A_335 = arith.constant 5 : i32
        %shift_right_logical3A_336 = arith.shrui %scan3A_332, %shift_right_logical3A_335 : i32
        %mul3A_337 = arith.constant 16 : i32
        %mul3A_338 = arith.muli %shift_right_logical3A_336, %mul3A_337 : i32
        %add3A_339 = vector.broadcast %and3A_334 : i32 to vector<16xi32>
        %add3A_340 = arith.addi %add3A_339, %iota3A : vector<16xi32>
        %and3A_341 = arith.constant 31 : i32
        %and3A_342 = vector.broadcast %and3A_341 : i32 to vector<16xi32>
        %and3A_343 = arith.andi %add3A_340, %and3A_342 : vector<16xi32>
        %add3A_344 = vector.broadcast %mul3A_338 : i32 to vector<16xi32>
        %add3A_345 = arith.addi %add3A_344, %iota3A : vector<16xi32>
        %gather3A_346 = tpu.vector_load_idx %arg7[%add3A_345, %and3A_343] : memref<512x32xf32, #tpu.memory_space<vmem>>[vector<16xi32>, vector<16xi32>], vector<16xf32>,
        %shift_right_logical3A_347 = arith.constant 7 : i32
        %shift_right_logical3A_348 = arith.shrui %mul3A_338, %shift_right_logical3A_347 : i32
        %mul3A_349 = arith.constant 1024 : i32
        %mul3A_350 = arith.muli %shift_right_logical3A_348, %mul3A_349 : i32
        %and3A_351 = arith.constant 127 : i32
        %and3A_352 = arith.andi %mul3A_338, %and3A_351 : i32
        %add3A_353 = arith.addi %mul3A_350, %and3A_352 : i32
        %shift_right_logical3A_354 = arith.constant 3 : i32
        %shift_right_logical3A_355 = vector.broadcast %shift_right_logical3A_354 : i32 to vector<16xi32>
        %shift_right_logical3A_356 = arith.shrui %and3A_343, %shift_right_logical3A_355 : vector<16xi32>
        %mul3A_357 = arith.constant 4096 : i32
        %mul3A_358 = vector.broadcast %mul3A_357 : i32 to vector<16xi32>
        %mul3A_359 = arith.muli %shift_right_logical3A_356, %mul3A_358 : vector<16xi32>
        %and3A_360 = arith.constant 7 : i32
        %and3A_361 = vector.broadcast %and3A_360 : i32 to vector<16xi32>
        %and3A_362 = arith.andi %and3A_343, %and3A_361 : vector<16xi32>
        %mul3A_363 = arith.constant 128 : i32
        %mul3A_364 = vector.broadcast %mul3A_363 : i32 to vector<16xi32>
        %mul3A_365 = arith.muli %and3A_362, %mul3A_364 : vector<16xi32>
        %add3A_366 = arith.addi %mul3A_359, %mul3A_365 : vector<16xi32>
        %add3A_367 = vector.broadcast %add3A_353 : i32 to vector<16xi32>
        %add3A_368 = arith.addi %add3A_366, %add3A_367 : vector<16xi32>
        %add3A_369 = arith.addi %add3A_368, %iota3A : vector<16xi32>
        tpu.vector_store_idx %arg9[%add3A_369], %gather3A_346 : memref<16384xf32, #tpu.memory_space<vmem>>[vector<16xi32>], vector<16xf32>,
        %scan3A_370 = arith.constant 3 : i32
        %scan3A_371 = arith.addi %scan3A_257, %scan3A_370 : i32
        %and3A_372 = arith.constant 31 : i32
        %and3A_373 = arith.andi %scan3A_371, %and3A_372 : i32
        %shift_right_logical3A_374 = arith.constant 5 : i32
        %shift_right_logical3A_375 = arith.shrui %scan3A_371, %shift_right_logical3A_374 : i32
        %mul3A_376 = arith.constant 16 : i32
        %mul3A_377 = arith.muli %shift_right_logical3A_375, %mul3A_376 : i32
        %add3A_378 = vector.broadcast %and3A_373 : i32 to vector<16xi32>
        %add3A_379 = arith.addi %add3A_378, %iota3A : vector<16xi32>
        %and3A_380 = arith.constant 31 : i32
        %and3A_381 = vector.broadcast %and3A_380 : i32 to vector<16xi32>
        %and3A_382 = arith.andi %add3A_379, %and3A_381 : vector<16xi32>
        %add3A_383 = vector.broadcast %mul3A_377 : i32 to vector<16xi32>
        %add3A_384 = arith.addi %add3A_383, %iota3A : vector<16xi32>
        %gather3A_385 = tpu.vector_load_idx %arg7[%add3A_384, %and3A_382] : memref<512x32xf32, #tpu.memory_space<vmem>>[vector<16xi32>, vector<16xi32>], vector<16xf32>,
        %shift_right_logical3A_386 = arith.constant 7 : i32
        %shift_right_logical3A_387 = arith.shrui %mul3A_377, %shift_right_logical3A_386 : i32
        %mul3A_388 = arith.constant 1024 : i32
        %mul3A_389 = arith.muli %shift_right_logical3A_387, %mul3A_388 : i32
        %and3A_390 = arith.constant 127 : i32
        %and3A_391 = arith.andi %mul3A_377, %and3A_390 : i32
        %add3A_392 = arith.addi %mul3A_389, %and3A_391 : i32
        %shift_right_logical3A_393 = arith.constant 3 : i32
        %shift_right_logical3A_394 = vector.broadcast %shift_right_logical3A_393 : i32 to vector<16xi32>
        %shift_right_logical3A_395 = arith.shrui %and3A_382, %shift_right_logical3A_394 : vector<16xi32>
        %mul3A_396 = arith.constant 4096 : i32
        %mul3A_397 = vector.broadcast %mul3A_396 : i32 to vector<16xi32>
        %mul3A_398 = arith.muli %shift_right_logical3A_395, %mul3A_397 : vector<16xi32>
        %and3A_399 = arith.constant 7 : i32
        %and3A_400 = vector.broadcast %and3A_399 : i32 to vector<16xi32>
        %and3A_401 = arith.andi %and3A_382, %and3A_400 : vector<16xi32>
        %mul3A_402 = arith.constant 128 : i32
        %mul3A_403 = vector.broadcast %mul3A_402 : i32 to vector<16xi32>
        %mul3A_404 = arith.muli %and3A_401, %mul3A_403 : vector<16xi32>
        %add3A_405 = arith.addi %mul3A_398, %mul3A_404 : vector<16xi32>
        %add3A_406 = vector.broadcast %add3A_392 : i32 to vector<16xi32>
        %add3A_407 = arith.addi %add3A_405, %add3A_406 : vector<16xi32>
        %add3A_408 = arith.addi %add3A_407, %iota3A : vector<16xi32>
        tpu.vector_store_idx %arg9[%add3A_408], %gather3A_385 : memref<16384xf32, #tpu.memory_space<vmem>>[vector<16xi32>], vector<16xf32>,
        %scan3A_409 = arith.constant 4 : i32
        %scan3A_410 = arith.addi %scan3A_257, %scan3A_409 : i32
        %and3A_411 = arith.constant 31 : i32
        %and3A_412 = arith.andi %scan3A_410, %and3A_411 : i32
        %shift_right_logical3A_413 = arith.constant 5 : i32
        %shift_right_logical3A_414 = arith.shrui %scan3A_410, %shift_right_logical3A_413 : i32
        %mul3A_415 = arith.constant 16 : i32
        %mul3A_416 = arith.muli %shift_right_logical3A_414, %mul3A_415 : i32
        %add3A_417 = vector.broadcast %and3A_412 : i32 to vector<16xi32>
        %add3A_418 = arith.addi %add3A_417, %iota3A : vector<16xi32>
        %and3A_419 = arith.constant 31 : i32
        %and3A_420 = vector.broadcast %and3A_419 : i32 to vector<16xi32>
        %and3A_421 = arith.andi %add3A_418, %and3A_420 : vector<16xi32>
        %add3A_422 = vector.broadcast %mul3A_416 : i32 to vector<16xi32>
        %add3A_423 = arith.addi %add3A_422, %iota3A : vector<16xi32>
        %gather3A_424 = tpu.vector_load_idx %arg7[%add3A_423, %and3A_421] : memref<512x32xf32, #tpu.memory_space<vmem>>[vector<16xi32>, vector<16xi32>], vector<16xf32>,
        %shift_right_logical3A_425 = arith.constant 7 : i32
        %shift_right_logical3A_426 = arith.shrui %mul3A_416, %shift_right_logical3A_425 : i32
        %mul3A_427 = arith.constant 1024 : i32
        %mul3A_428 = arith.muli %shift_right_logical3A_426, %mul3A_427 : i32
        %and3A_429 = arith.constant 127 : i32
        %and3A_430 = arith.andi %mul3A_416, %and3A_429 : i32
        %add3A_431 = arith.addi %mul3A_428, %and3A_430 : i32
        %shift_right_logical3A_432 = arith.constant 3 : i32
        %shift_right_logical3A_433 = vector.broadcast %shift_right_logical3A_432 : i32 to vector<16xi32>
        %shift_right_logical3A_434 = arith.shrui %and3A_421, %shift_right_logical3A_433 : vector<16xi32>
        %mul3A_435 = arith.constant 4096 : i32
        %mul3A_436 = vector.broadcast %mul3A_435 : i32 to vector<16xi32>
        %mul3A_437 = arith.muli %shift_right_logical3A_434, %mul3A_436 : vector<16xi32>
        %and3A_438 = arith.constant 7 : i32
        %and3A_439 = vector.broadcast %and3A_438 : i32 to vector<16xi32>
        %and3A_440 = arith.andi %and3A_421, %and3A_439 : vector<16xi32>
        %mul3A_441 = arith.constant 128 : i32
        %mul3A_442 = vector.broadcast %mul3A_441 : i32 to vector<16xi32>
        %mul3A_443 = arith.muli %and3A_440, %mul3A_442 : vector<16xi32>
        %add3A_444 = arith.addi %mul3A_437, %mul3A_443 : vector<16xi32>
        %add3A_445 = vector.broadcast %add3A_431 : i32 to vector<16xi32>
        %add3A_446 = arith.addi %add3A_444, %add3A_445 : vector<16xi32>
        %add3A_447 = arith.addi %add3A_446, %iota3A : vector<16xi32>
        tpu.vector_store_idx %arg9[%add3A_447], %gather3A_424 : memref<16384xf32, #tpu.memory_space<vmem>>[vector<16xi32>], vector<16xf32>,
        %scan3A_448 = arith.constant 5 : i32
        %scan3A_449 = arith.addi %scan3A_257, %scan3A_448 : i32
        %and3A_450 = arith.constant 31 : i32
        %and3A_451 = arith.andi %scan3A_449, %and3A_450 : i32
        %shift_right_logical3A_452 = arith.constant 5 : i32
        %shift_right_logical3A_453 = arith.shrui %scan3A_449, %shift_right_logical3A_452 : i32
        %mul3A_454 = arith.constant 16 : i32
        %mul3A_455 = arith.muli %shift_right_logical3A_453, %mul3A_454 : i32
        %add3A_456 = vector.broadcast %and3A_451 : i32 to vector<16xi32>
        %add3A_457 = arith.addi %add3A_456, %iota3A : vector<16xi32>
        %and3A_458 = arith.constant 31 : i32
        %and3A_459 = vector.broadcast %and3A_458 : i32 to vector<16xi32>
        %and3A_460 = arith.andi %add3A_457, %and3A_459 : vector<16xi32>
        %add3A_461 = vector.broadcast %mul3A_455 : i32 to vector<16xi32>
        %add3A_462 = arith.addi %add3A_461, %iota3A : vector<16xi32>
        %gather3A_463 = tpu.vector_load_idx %arg7[%add3A_462, %and3A_460] : memref<512x32xf32, #tpu.memory_space<vmem>>[vector<16xi32>, vector<16xi32>], vector<16xf32>,
        %shift_right_logical3A_464 = arith.constant 7 : i32
        %shift_right_logical3A_465 = arith.shrui %mul3A_455, %shift_right_logical3A_464 : i32
        %mul3A_466 = arith.constant 1024 : i32
        %mul3A_467 = arith.muli %shift_right_logical3A_465, %mul3A_466 : i32
        %and3A_468 = arith.constant 127 : i32
        %and3A_469 = arith.andi %mul3A_455, %and3A_468 : i32
        %add3A_470 = arith.addi %mul3A_467, %and3A_469 : i32
        %shift_right_logical3A_471 = arith.constant 3 : i32
        %shift_right_logical3A_472 = vector.broadcast %shift_right_logical3A_471 : i32 to vector<16xi32>
        %shift_right_logical3A_473 = arith.shrui %and3A_460, %shift_right_logical3A_472 : vector<16xi32>
        %mul3A_474 = arith.constant 4096 : i32
        %mul3A_475 = vector.broadcast %mul3A_474 : i32 to vector<16xi32>
        %mul3A_476 = arith.muli %shift_right_logical3A_473, %mul3A_475 : vector<16xi32>
        %and3A_477 = arith.constant 7 : i32
        %and3A_478 = vector.broadcast %and3A_477 : i32 to vector<16xi32>
        %and3A_479 = arith.andi %and3A_460, %and3A_478 : vector<16xi32>
        %mul3A_480 = arith.constant 128 : i32
        %mul3A_481 = vector.broadcast %mul3A_480 : i32 to vector<16xi32>
        %mul3A_482 = arith.muli %and3A_479, %mul3A_481 : vector<16xi32>
        %add3A_483 = arith.addi %mul3A_476, %mul3A_482 : vector<16xi32>
        %add3A_484 = vector.broadcast %add3A_470 : i32 to vector<16xi32>
        %add3A_485 = arith.addi %add3A_483, %add3A_484 : vector<16xi32>
        %add3A_486 = arith.addi %add3A_485, %iota3A : vector<16xi32>
        tpu.vector_store_idx %arg9[%add3A_486], %gather3A_463 : memref<16384xf32, #tpu.memory_space<vmem>>[vector<16xi32>], vector<16xf32>,
        %scan3A_487 = arith.constant 6 : i32
        %scan3A_488 = arith.addi %scan3A_257, %scan3A_487 : i32
        %and3A_489 = arith.constant 31 : i32
        %and3A_490 = arith.andi %scan3A_488, %and3A_489 : i32
        %shift_right_logical3A_491 = arith.constant 5 : i32
        %shift_right_logical3A_492 = arith.shrui %scan3A_488, %shift_right_logical3A_491 : i32
        %mul3A_493 = arith.constant 16 : i32
        %mul3A_494 = arith.muli %shift_right_logical3A_492, %mul3A_493 : i32
        %add3A_495 = vector.broadcast %and3A_490 : i32 to vector<16xi32>
        %add3A_496 = arith.addi %add3A_495, %iota3A : vector<16xi32>
        %and3A_497 = arith.constant 31 : i32
        %and3A_498 = vector.broadcast %and3A_497 : i32 to vector<16xi32>
        %and3A_499 = arith.andi %add3A_496, %and3A_498 : vector<16xi32>
        %add3A_500 = vector.broadcast %mul3A_494 : i32 to vector<16xi32>
        %add3A_501 = arith.addi %add3A_500, %iota3A : vector<16xi32>
        %gather3A_502 = tpu.vector_load_idx %arg7[%add3A_501, %and3A_499] : memref<512x32xf32, #tpu.memory_space<vmem>>[vector<16xi32>, vector<16xi32>], vector<16xf32>,
        %shift_right_logical3A_503 = arith.constant 7 : i32
        %shift_right_logical3A_504 = arith.shrui %mul3A_494, %shift_right_logical3A_503 : i32
        %mul3A_505 = arith.constant 1024 : i32
        %mul3A_506 = arith.muli %shift_right_logical3A_504, %mul3A_505 : i32
        %and3A_507 = arith.constant 127 : i32
        %and3A_508 = arith.andi %mul3A_494, %and3A_507 : i32
        %add3A_509 = arith.addi %mul3A_506, %and3A_508 : i32
        %shift_right_logical3A_510 = arith.constant 3 : i32
        %shift_right_logical3A_511 = vector.broadcast %shift_right_logical3A_510 : i32 to vector<16xi32>
        %shift_right_logical3A_512 = arith.shrui %and3A_499, %shift_right_logical3A_511 : vector<16xi32>
        %mul3A_513 = arith.constant 4096 : i32
        %mul3A_514 = vector.broadcast %mul3A_513 : i32 to vector<16xi32>
        %mul3A_515 = arith.muli %shift_right_logical3A_512, %mul3A_514 : vector<16xi32>
        %and3A_516 = arith.constant 7 : i32
        %and3A_517 = vector.broadcast %and3A_516 : i32 to vector<16xi32>
        %and3A_518 = arith.andi %and3A_499, %and3A_517 : vector<16xi32>
        %mul3A_519 = arith.constant 128 : i32
        %mul3A_520 = vector.broadcast %mul3A_519 : i32 to vector<16xi32>
        %mul3A_521 = arith.muli %and3A_518, %mul3A_520 : vector<16xi32>
        %add3A_522 = arith.addi %mul3A_515, %mul3A_521 : vector<16xi32>
        %add3A_523 = vector.broadcast %add3A_509 : i32 to vector<16xi32>
        %add3A_524 = arith.addi %add3A_522, %add3A_523 : vector<16xi32>
        %add3A_525 = arith.addi %add3A_524, %iota3A : vector<16xi32>
        tpu.vector_store_idx %arg9[%add3A_525], %gather3A_502 : memref<16384xf32, #tpu.memory_space<vmem>>[vector<16xi32>], vector<16xf32>,
        %scan3A_526 = arith.constant 7 : i32
        %scan3A_527 = arith.addi %scan3A_257, %scan3A_526 : i32
        %and3A_528 = arith.constant 31 : i32
        %and3A_529 = arith.andi %scan3A_527, %and3A_528 : i32
        %shift_right_logical3A_530 = arith.constant 5 : i32
        %shift_right_logical3A_531 = arith.shrui %scan3A_527, %shift_right_logical3A_530 : i32
        %mul3A_532 = arith.constant 16 : i32
        %mul3A_533 = arith.muli %shift_right_logical3A_531, %mul3A_532 : i32
        %add3A_534 = vector.broadcast %and3A_529 : i32 to vector<16xi32>
        %add3A_535 = arith.addi %add3A_534, %iota3A : vector<16xi32>
        %and3A_536 = arith.constant 31 : i32
        %and3A_537 = vector.broadcast %and3A_536 : i32 to vector<16xi32>
        %and3A_538 = arith.andi %add3A_535, %and3A_537 : vector<16xi32>
        %add3A_539 = vector.broadcast %mul3A_533 : i32 to vector<16xi32>
        %add3A_540 = arith.addi %add3A_539, %iota3A : vector<16xi32>
        %gather3A_541 = tpu.vector_load_idx %arg7[%add3A_540, %and3A_538] : memref<512x32xf32, #tpu.memory_space<vmem>>[vector<16xi32>, vector<16xi32>], vector<16xf32>,
        %shift_right_logical3A_542 = arith.constant 7 : i32
        %shift_right_logical3A_543 = arith.shrui %mul3A_533, %shift_right_logical3A_542 : i32
        %mul3A_544 = arith.constant 1024 : i32
        %mul3A_545 = arith.muli %shift_right_logical3A_543, %mul3A_544 : i32
        %and3A_546 = arith.constant 127 : i32
        %and3A_547 = arith.andi %mul3A_533, %and3A_546 : i32
        %add3A_548 = arith.addi %mul3A_545, %and3A_547 : i32
        %shift_right_logical3A_549 = arith.constant 3 : i32
        %shift_right_logical3A_550 = vector.broadcast %shift_right_logical3A_549 : i32 to vector<16xi32>
        %shift_right_logical3A_551 = arith.shrui %and3A_538, %shift_right_logical3A_550 : vector<16xi32>
        %mul3A_552 = arith.constant 4096 : i32
        %mul3A_553 = vector.broadcast %mul3A_552 : i32 to vector<16xi32>
        %mul3A_554 = arith.muli %shift_right_logical3A_551, %mul3A_553 : vector<16xi32>
        %and3A_555 = arith.constant 7 : i32
        %and3A_556 = vector.broadcast %and3A_555 : i32 to vector<16xi32>
        %and3A_557 = arith.andi %and3A_538, %and3A_556 : vector<16xi32>
        %mul3A_558 = arith.constant 128 : i32
        %mul3A_559 = vector.broadcast %mul3A_558 : i32 to vector<16xi32>
        %mul3A_560 = arith.muli %and3A_557, %mul3A_559 : vector<16xi32>
        %add3A_561 = arith.addi %mul3A_554, %mul3A_560 : vector<16xi32>
        %add3A_562 = vector.broadcast %add3A_548 : i32 to vector<16xi32>
        %add3A_563 = arith.addi %add3A_561, %add3A_562 : vector<16xi32>
        %add3A_564 = arith.addi %add3A_563, %iota3A : vector<16xi32>
        tpu.vector_store_idx %arg9[%add3A_564], %gather3A_541 : memref<16384xf32, #tpu.memory_space<vmem>>[vector<16xi32>], vector<16xf32>,
        %scan3A_565 = arith.constant 8 : i32
        %scan3A_566 = arith.addi %scan3A_257, %scan3A_565 : i32
        %and3A_567 = arith.constant 31 : i32
        %and3A_568 = arith.andi %scan3A_566, %and3A_567 : i32
        %shift_right_logical3A_569 = arith.constant 5 : i32
        %shift_right_logical3A_570 = arith.shrui %scan3A_566, %shift_right_logical3A_569 : i32
        %mul3A_571 = arith.constant 16 : i32
        %mul3A_572 = arith.muli %shift_right_logical3A_570, %mul3A_571 : i32
        %add3A_573 = vector.broadcast %and3A_568 : i32 to vector<16xi32>
        %add3A_574 = arith.addi %add3A_573, %iota3A : vector<16xi32>
        %and3A_575 = arith.constant 31 : i32
        %and3A_576 = vector.broadcast %and3A_575 : i32 to vector<16xi32>
        %and3A_577 = arith.andi %add3A_574, %and3A_576 : vector<16xi32>
        %add3A_578 = vector.broadcast %mul3A_572 : i32 to vector<16xi32>
        %add3A_579 = arith.addi %add3A_578, %iota3A : vector<16xi32>
        %gather3A_580 = tpu.vector_load_idx %arg7[%add3A_579, %and3A_577] : memref<512x32xf32, #tpu.memory_space<vmem>>[vector<16xi32>, vector<16xi32>], vector<16xf32>,
        %shift_right_logical3A_581 = arith.constant 7 : i32
        %shift_right_logical3A_582 = arith.shrui %mul3A_572, %shift_right_logical3A_581 : i32
        %mul3A_583 = arith.constant 1024 : i32
        %mul3A_584 = arith.muli %shift_right_logical3A_582, %mul3A_583 : i32
        %and3A_585 = arith.constant 127 : i32
        %and3A_586 = arith.andi %mul3A_572, %and3A_585 : i32
        %add3A_587 = arith.addi %mul3A_584, %and3A_586 : i32
        %shift_right_logical3A_588 = arith.constant 3 : i32
        %shift_right_logical3A_589 = vector.broadcast %shift_right_logical3A_588 : i32 to vector<16xi32>
        %shift_right_logical3A_590 = arith.shrui %and3A_577, %shift_right_logical3A_589 : vector<16xi32>
        %mul3A_591 = arith.constant 4096 : i32
        %mul3A_592 = vector.broadcast %mul3A_591 : i32 to vector<16xi32>
        %mul3A_593 = arith.muli %shift_right_logical3A_590, %mul3A_592 : vector<16xi32>
        %and3A_594 = arith.constant 7 : i32
        %and3A_595 = vector.broadcast %and3A_594 : i32 to vector<16xi32>
        %and3A_596 = arith.andi %and3A_577, %and3A_595 : vector<16xi32>
        %mul3A_597 = arith.constant 128 : i32
        %mul3A_598 = vector.broadcast %mul3A_597 : i32 to vector<16xi32>
        %mul3A_599 = arith.muli %and3A_596, %mul3A_598 : vector<16xi32>
        %add3A_600 = arith.addi %mul3A_593, %mul3A_599 : vector<16xi32>
        %add3A_601 = vector.broadcast %add3A_587 : i32 to vector<16xi32>
        %add3A_602 = arith.addi %add3A_600, %add3A_601 : vector<16xi32>
        %add3A_603 = arith.addi %add3A_602, %iota3A : vector<16xi32>
        tpu.vector_store_idx %arg9[%add3A_603], %gather3A_580 : memref<16384xf32, #tpu.memory_space<vmem>>[vector<16xi32>], vector<16xf32>,
        %scan3A_604 = arith.constant 9 : i32
        %scan3A_605 = arith.addi %scan3A_257, %scan3A_604 : i32
        %and3A_606 = arith.constant 31 : i32
        %and3A_607 = arith.andi %scan3A_605, %and3A_606 : i32
        %shift_right_logical3A_608 = arith.constant 5 : i32
        %shift_right_logical3A_609 = arith.shrui %scan3A_605, %shift_right_logical3A_608 : i32
        %mul3A_610 = arith.constant 16 : i32
        %mul3A_611 = arith.muli %shift_right_logical3A_609, %mul3A_610 : i32
        %add3A_612 = vector.broadcast %and3A_607 : i32 to vector<16xi32>
        %add3A_613 = arith.addi %add3A_612, %iota3A : vector<16xi32>
        %and3A_614 = arith.constant 31 : i32
        %and3A_615 = vector.broadcast %and3A_614 : i32 to vector<16xi32>
        %and3A_616 = arith.andi %add3A_613, %and3A_615 : vector<16xi32>
        %add3A_617 = vector.broadcast %mul3A_611 : i32 to vector<16xi32>
        %add3A_618 = arith.addi %add3A_617, %iota3A : vector<16xi32>
        %gather3A_619 = tpu.vector_load_idx %arg7[%add3A_618, %and3A_616] : memref<512x32xf32, #tpu.memory_space<vmem>>[vector<16xi32>, vector<16xi32>], vector<16xf32>,
        %shift_right_logical3A_620 = arith.constant 7 : i32
        %shift_right_logical3A_621 = arith.shrui %mul3A_611, %shift_right_logical3A_620 : i32
        %mul3A_622 = arith.constant 1024 : i32
        %mul3A_623 = arith.muli %shift_right_logical3A_621, %mul3A_622 : i32
        %and3A_624 = arith.constant 127 : i32
        %and3A_625 = arith.andi %mul3A_611, %and3A_624 : i32
        %add3A_626 = arith.addi %mul3A_623, %and3A_625 : i32
        %shift_right_logical3A_627 = arith.constant 3 : i32
        %shift_right_logical3A_628 = vector.broadcast %shift_right_logical3A_627 : i32 to vector<16xi32>
        %shift_right_logical3A_629 = arith.shrui %and3A_616, %shift_right_logical3A_628 : vector<16xi32>
        %mul3A_630 = arith.constant 4096 : i32
        %mul3A_631 = vector.broadcast %mul3A_630 : i32 to vector<16xi32>
        %mul3A_632 = arith.muli %shift_right_logical3A_629, %mul3A_631 : vector<16xi32>
        %and3A_633 = arith.constant 7 : i32
        %and3A_634 = vector.broadcast %and3A_633 : i32 to vector<16xi32>
        %and3A_635 = arith.andi %and3A_616, %and3A_634 : vector<16xi32>
        %mul3A_636 = arith.constant 128 : i32
        %mul3A_637 = vector.broadcast %mul3A_636 : i32 to vector<16xi32>
        %mul3A_638 = arith.muli %and3A_635, %mul3A_637 : vector<16xi32>
        %add3A_639 = arith.addi %mul3A_632, %mul3A_638 : vector<16xi32>
        %add3A_640 = vector.broadcast %add3A_626 : i32 to vector<16xi32>
        %add3A_641 = arith.addi %add3A_639, %add3A_640 : vector<16xi32>
        %add3A_642 = arith.addi %add3A_641, %iota3A : vector<16xi32>
        tpu.vector_store_idx %arg9[%add3A_642], %gather3A_619 : memref<16384xf32, #tpu.memory_space<vmem>>[vector<16xi32>], vector<16xf32>,
        %scan3A_643 = arith.constant 10 : i32
        %scan3A_644 = arith.addi %scan3A_257, %scan3A_643 : i32
        %and3A_645 = arith.constant 31 : i32
        %and3A_646 = arith.andi %scan3A_644, %and3A_645 : i32
        %shift_right_logical3A_647 = arith.constant 5 : i32
        %shift_right_logical3A_648 = arith.shrui %scan3A_644, %shift_right_logical3A_647 : i32
        %mul3A_649 = arith.constant 16 : i32
        %mul3A_650 = arith.muli %shift_right_logical3A_648, %mul3A_649 : i32
        %add3A_651 = vector.broadcast %and3A_646 : i32 to vector<16xi32>
        %add3A_652 = arith.addi %add3A_651, %iota3A : vector<16xi32>
        %and3A_653 = arith.constant 31 : i32
        %and3A_654 = vector.broadcast %and3A_653 : i32 to vector<16xi32>
        %and3A_655 = arith.andi %add3A_652, %and3A_654 : vector<16xi32>
        %add3A_656 = vector.broadcast %mul3A_650 : i32 to vector<16xi32>
        %add3A_657 = arith.addi %add3A_656, %iota3A : vector<16xi32>
        %gather3A_658 = tpu.vector_load_idx %arg7[%add3A_657, %and3A_655] : memref<512x32xf32, #tpu.memory_space<vmem>>[vector<16xi32>, vector<16xi32>], vector<16xf32>,
        %shift_right_logical3A_659 = arith.constant 7 : i32
        %shift_right_logical3A_660 = arith.shrui %mul3A_650, %shift_right_logical3A_659 : i32
        %mul3A_661 = arith.constant 1024 : i32
        %mul3A_662 = arith.muli %shift_right_logical3A_660, %mul3A_661 : i32
        %and3A_663 = arith.constant 127 : i32
        %and3A_664 = arith.andi %mul3A_650, %and3A_663 : i32
        %add3A_665 = arith.addi %mul3A_662, %and3A_664 : i32
        %shift_right_logical3A_666 = arith.constant 3 : i32
        %shift_right_logical3A_667 = vector.broadcast %shift_right_logical3A_666 : i32 to vector<16xi32>
        %shift_right_logical3A_668 = arith.shrui %and3A_655, %shift_right_logical3A_667 : vector<16xi32>
        %mul3A_669 = arith.constant 4096 : i32
        %mul3A_670 = vector.broadcast %mul3A_669 : i32 to vector<16xi32>
        %mul3A_671 = arith.muli %shift_right_logical3A_668, %mul3A_670 : vector<16xi32>
        %and3A_672 = arith.constant 7 : i32
        %and3A_673 = vector.broadcast %and3A_672 : i32 to vector<16xi32>
        %and3A_674 = arith.andi %and3A_655, %and3A_673 : vector<16xi32>
        %mul3A_675 = arith.constant 128 : i32
        %mul3A_676 = vector.broadcast %mul3A_675 : i32 to vector<16xi32>
        %mul3A_677 = arith.muli %and3A_674, %mul3A_676 : vector<16xi32>
        %add3A_678 = arith.addi %mul3A_671, %mul3A_677 : vector<16xi32>
        %add3A_679 = vector.broadcast %add3A_665 : i32 to vector<16xi32>
        %add3A_680 = arith.addi %add3A_678, %add3A_679 : vector<16xi32>
        %add3A_681 = arith.addi %add3A_680, %iota3A : vector<16xi32>
        tpu.vector_store_idx %arg9[%add3A_681], %gather3A_658 : memref<16384xf32, #tpu.memory_space<vmem>>[vector<16xi32>], vector<16xf32>,
        %scan3A_682 = arith.constant 11 : i32
        %scan3A_683 = arith.addi %scan3A_257, %scan3A_682 : i32
        %and3A_684 = arith.constant 31 : i32
        %and3A_685 = arith.andi %scan3A_683, %and3A_684 : i32
        %shift_right_logical3A_686 = arith.constant 5 : i32
        %shift_right_logical3A_687 = arith.shrui %scan3A_683, %shift_right_logical3A_686 : i32
        %mul3A_688 = arith.constant 16 : i32
        %mul3A_689 = arith.muli %shift_right_logical3A_687, %mul3A_688 : i32
        %add3A_690 = vector.broadcast %and3A_685 : i32 to vector<16xi32>
        %add3A_691 = arith.addi %add3A_690, %iota3A : vector<16xi32>
        %and3A_692 = arith.constant 31 : i32
        %and3A_693 = vector.broadcast %and3A_692 : i32 to vector<16xi32>
        %and3A_694 = arith.andi %add3A_691, %and3A_693 : vector<16xi32>
        %add3A_695 = vector.broadcast %mul3A_689 : i32 to vector<16xi32>
        %add3A_696 = arith.addi %add3A_695, %iota3A : vector<16xi32>
        %gather3A_697 = tpu.vector_load_idx %arg7[%add3A_696, %and3A_694] : memref<512x32xf32, #tpu.memory_space<vmem>>[vector<16xi32>, vector<16xi32>], vector<16xf32>,
        %shift_right_logical3A_698 = arith.constant 7 : i32
        %shift_right_logical3A_699 = arith.shrui %mul3A_689, %shift_right_logical3A_698 : i32
        %mul3A_700 = arith.constant 1024 : i32
        %mul3A_701 = arith.muli %shift_right_logical3A_699, %mul3A_700 : i32
        %and3A_702 = arith.constant 127 : i32
        %and3A_703 = arith.andi %mul3A_689, %and3A_702 : i32
        %add3A_704 = arith.addi %mul3A_701, %and3A_703 : i32
        %shift_right_logical3A_705 = arith.constant 3 : i32
        %shift_right_logical3A_706 = vector.broadcast %shift_right_logical3A_705 : i32 to vector<16xi32>
        %shift_right_logical3A_707 = arith.shrui %and3A_694, %shift_right_logical3A_706 : vector<16xi32>
        %mul3A_708 = arith.constant 4096 : i32
        %mul3A_709 = vector.broadcast %mul3A_708 : i32 to vector<16xi32>
        %mul3A_710 = arith.muli %shift_right_logical3A_707, %mul3A_709 : vector<16xi32>
        %and3A_711 = arith.constant 7 : i32
        %and3A_712 = vector.broadcast %and3A_711 : i32 to vector<16xi32>
        %and3A_713 = arith.andi %and3A_694, %and3A_712 : vector<16xi32>
        %mul3A_714 = arith.constant 128 : i32
        %mul3A_715 = vector.broadcast %mul3A_714 : i32 to vector<16xi32>
        %mul3A_716 = arith.muli %and3A_713, %mul3A_715 : vector<16xi32>
        %add3A_717 = arith.addi %mul3A_710, %mul3A_716 : vector<16xi32>
        %add3A_718 = vector.broadcast %add3A_704 : i32 to vector<16xi32>
        %add3A_719 = arith.addi %add3A_717, %add3A_718 : vector<16xi32>
        %add3A_720 = arith.addi %add3A_719, %iota3A : vector<16xi32>
        tpu.vector_store_idx %arg9[%add3A_720], %gather3A_697 : memref<16384xf32, #tpu.memory_space<vmem>>[vector<16xi32>], vector<16xf32>,
        %scan3A_721 = arith.constant 12 : i32
        %scan3A_722 = arith.addi %scan3A_257, %scan3A_721 : i32
        %and3A_723 = arith.constant 31 : i32
        %and3A_724 = arith.andi %scan3A_722, %and3A_723 : i32
        %shift_right_logical3A_725 = arith.constant 5 : i32
        %shift_right_logical3A_726 = arith.shrui %scan3A_722, %shift_right_logical3A_725 : i32
        %mul3A_727 = arith.constant 16 : i32
        %mul3A_728 = arith.muli %shift_right_logical3A_726, %mul3A_727 : i32
        %add3A_729 = vector.broadcast %and3A_724 : i32 to vector<16xi32>
        %add3A_730 = arith.addi %add3A_729, %iota3A : vector<16xi32>
        %and3A_731 = arith.constant 31 : i32
        %and3A_732 = vector.broadcast %and3A_731 : i32 to vector<16xi32>
        %and3A_733 = arith.andi %add3A_730, %and3A_732 : vector<16xi32>
        %add3A_734 = vector.broadcast %mul3A_728 : i32 to vector<16xi32>
        %add3A_735 = arith.addi %add3A_734, %iota3A : vector<16xi32>
        %gather3A_736 = tpu.vector_load_idx %arg7[%add3A_735, %and3A_733] : memref<512x32xf32, #tpu.memory_space<vmem>>[vector<16xi32>, vector<16xi32>], vector<16xf32>,
        %shift_right_logical3A_737 = arith.constant 7 : i32
        %shift_right_logical3A_738 = arith.shrui %mul3A_728, %shift_right_logical3A_737 : i32
        %mul3A_739 = arith.constant 1024 : i32
        %mul3A_740 = arith.muli %shift_right_logical3A_738, %mul3A_739 : i32
        %and3A_741 = arith.constant 127 : i32
        %and3A_742 = arith.andi %mul3A_728, %and3A_741 : i32
        %add3A_743 = arith.addi %mul3A_740, %and3A_742 : i32
        %shift_right_logical3A_744 = arith.constant 3 : i32
        %shift_right_logical3A_745 = vector.broadcast %shift_right_logical3A_744 : i32 to vector<16xi32>
        %shift_right_logical3A_746 = arith.shrui %and3A_733, %shift_right_logical3A_745 : vector<16xi32>
        %mul3A_747 = arith.constant 4096 : i32
        %mul3A_748 = vector.broadcast %mul3A_747 : i32 to vector<16xi32>
        %mul3A_749 = arith.muli %shift_right_logical3A_746, %mul3A_748 : vector<16xi32>
        %and3A_750 = arith.constant 7 : i32
        %and3A_751 = vector.broadcast %and3A_750 : i32 to vector<16xi32>
        %and3A_752 = arith.andi %and3A_733, %and3A_751 : vector<16xi32>
        %mul3A_753 = arith.constant 128 : i32
        %mul3A_754 = vector.broadcast %mul3A_753 : i32 to vector<16xi32>
        %mul3A_755 = arith.muli %and3A_752, %mul3A_754 : vector<16xi32>
        %add3A_756 = arith.addi %mul3A_749, %mul3A_755 : vector<16xi32>
        %add3A_757 = vector.broadcast %add3A_743 : i32 to vector<16xi32>
        %add3A_758 = arith.addi %add3A_756, %add3A_757 : vector<16xi32>
        %add3A_759 = arith.addi %add3A_758, %iota3A : vector<16xi32>
        tpu.vector_store_idx %arg9[%add3A_759], %gather3A_736 : memref<16384xf32, #tpu.memory_space<vmem>>[vector<16xi32>], vector<16xf32>,
        %scan3A_760 = arith.constant 13 : i32
        %scan3A_761 = arith.addi %scan3A_257, %scan3A_760 : i32
        %and3A_762 = arith.constant 31 : i32
        %and3A_763 = arith.andi %scan3A_761, %and3A_762 : i32
        %shift_right_logical3A_764 = arith.constant 5 : i32
        %shift_right_logical3A_765 = arith.shrui %scan3A_761, %shift_right_logical3A_764 : i32
        %mul3A_766 = arith.constant 16 : i32
        %mul3A_767 = arith.muli %shift_right_logical3A_765, %mul3A_766 : i32
        %add3A_768 = vector.broadcast %and3A_763 : i32 to vector<16xi32>
        %add3A_769 = arith.addi %add3A_768, %iota3A : vector<16xi32>
        %and3A_770 = arith.constant 31 : i32
        %and3A_771 = vector.broadcast %and3A_770 : i32 to vector<16xi32>
        %and3A_772 = arith.andi %add3A_769, %and3A_771 : vector<16xi32>
        %add3A_773 = vector.broadcast %mul3A_767 : i32 to vector<16xi32>
        %add3A_774 = arith.addi %add3A_773, %iota3A : vector<16xi32>
        %gather3A_775 = tpu.vector_load_idx %arg7[%add3A_774, %and3A_772] : memref<512x32xf32, #tpu.memory_space<vmem>>[vector<16xi32>, vector<16xi32>], vector<16xf32>,
        %shift_right_logical3A_776 = arith.constant 7 : i32
        %shift_right_logical3A_777 = arith.shrui %mul3A_767, %shift_right_logical3A_776 : i32
        %mul3A_778 = arith.constant 1024 : i32
        %mul3A_779 = arith.muli %shift_right_logical3A_777, %mul3A_778 : i32
        %and3A_780 = arith.constant 127 : i32
        %and3A_781 = arith.andi %mul3A_767, %and3A_780 : i32
        %add3A_782 = arith.addi %mul3A_779, %and3A_781 : i32
        %shift_right_logical3A_783 = arith.constant 3 : i32
        %shift_right_logical3A_784 = vector.broadcast %shift_right_logical3A_783 : i32 to vector<16xi32>
        %shift_right_logical3A_785 = arith.shrui %and3A_772, %shift_right_logical3A_784 : vector<16xi32>
        %mul3A_786 = arith.constant 4096 : i32
        %mul3A_787 = vector.broadcast %mul3A_786 : i32 to vector<16xi32>
        %mul3A_788 = arith.muli %shift_right_logical3A_785, %mul3A_787 : vector<16xi32>
        %and3A_789 = arith.constant 7 : i32
        %and3A_790 = vector.broadcast %and3A_789 : i32 to vector<16xi32>
        %and3A_791 = arith.andi %and3A_772, %and3A_790 : vector<16xi32>
        %mul3A_792 = arith.constant 128 : i32
        %mul3A_793 = vector.broadcast %mul3A_792 : i32 to vector<16xi32>
        %mul3A_794 = arith.muli %and3A_791, %mul3A_793 : vector<16xi32>
        %add3A_795 = arith.addi %mul3A_788, %mul3A_794 : vector<16xi32>
        %add3A_796 = vector.broadcast %add3A_782 : i32 to vector<16xi32>
        %add3A_797 = arith.addi %add3A_795, %add3A_796 : vector<16xi32>
        %add3A_798 = arith.addi %add3A_797, %iota3A : vector<16xi32>
        tpu.vector_store_idx %arg9[%add3A_798], %gather3A_775 : memref<16384xf32, #tpu.memory_space<vmem>>[vector<16xi32>], vector<16xf32>,
        %scan3A_799 = arith.constant 14 : i32
        %scan3A_800 = arith.addi %scan3A_257, %scan3A_799 : i32
        %and3A_801 = arith.constant 31 : i32
        %and3A_802 = arith.andi %scan3A_800, %and3A_801 : i32
        %shift_right_logical3A_803 = arith.constant 5 : i32
        %shift_right_logical3A_804 = arith.shrui %scan3A_800, %shift_right_logical3A_803 : i32
        %mul3A_805 = arith.constant 16 : i32
        %mul3A_806 = arith.muli %shift_right_logical3A_804, %mul3A_805 : i32
        %add3A_807 = vector.broadcast %and3A_802 : i32 to vector<16xi32>
        %add3A_808 = arith.addi %add3A_807, %iota3A : vector<16xi32>
        %and3A_809 = arith.constant 31 : i32
        %and3A_810 = vector.broadcast %and3A_809 : i32 to vector<16xi32>
        %and3A_811 = arith.andi %add3A_808, %and3A_810 : vector<16xi32>
        %add3A_812 = vector.broadcast %mul3A_806 : i32 to vector<16xi32>
        %add3A_813 = arith.addi %add3A_812, %iota3A : vector<16xi32>
        %gather3A_814 = tpu.vector_load_idx %arg7[%add3A_813, %and3A_811] : memref<512x32xf32, #tpu.memory_space<vmem>>[vector<16xi32>, vector<16xi32>], vector<16xf32>,
        %shift_right_logical3A_815 = arith.constant 7 : i32
        %shift_right_logical3A_816 = arith.shrui %mul3A_806, %shift_right_logical3A_815 : i32
        %mul3A_817 = arith.constant 1024 : i32
        %mul3A_818 = arith.muli %shift_right_logical3A_816, %mul3A_817 : i32
        %and3A_819 = arith.constant 127 : i32
        %and3A_820 = arith.andi %mul3A_806, %and3A_819 : i32
        %add3A_821 = arith.addi %mul3A_818, %and3A_820 : i32
        %shift_right_logical3A_822 = arith.constant 3 : i32
        %shift_right_logical3A_823 = vector.broadcast %shift_right_logical3A_822 : i32 to vector<16xi32>
        %shift_right_logical3A_824 = arith.shrui %and3A_811, %shift_right_logical3A_823 : vector<16xi32>
        %mul3A_825 = arith.constant 4096 : i32
        %mul3A_826 = vector.broadcast %mul3A_825 : i32 to vector<16xi32>
        %mul3A_827 = arith.muli %shift_right_logical3A_824, %mul3A_826 : vector<16xi32>
        %and3A_828 = arith.constant 7 : i32
        %and3A_829 = vector.broadcast %and3A_828 : i32 to vector<16xi32>
        %and3A_830 = arith.andi %and3A_811, %and3A_829 : vector<16xi32>
        %mul3A_831 = arith.constant 128 : i32
        %mul3A_832 = vector.broadcast %mul3A_831 : i32 to vector<16xi32>
        %mul3A_833 = arith.muli %and3A_830, %mul3A_832 : vector<16xi32>
        %add3A_834 = arith.addi %mul3A_827, %mul3A_833 : vector<16xi32>
        %add3A_835 = vector.broadcast %add3A_821 : i32 to vector<16xi32>
        %add3A_836 = arith.addi %add3A_834, %add3A_835 : vector<16xi32>
        %add3A_837 = arith.addi %add3A_836, %iota3A : vector<16xi32>
        tpu.vector_store_idx %arg9[%add3A_837], %gather3A_814 : memref<16384xf32, #tpu.memory_space<vmem>>[vector<16xi32>], vector<16xf32>,
        %scan3A_838 = arith.constant 15 : i32
        %scan3A_839 = arith.addi %scan3A_257, %scan3A_838 : i32
        %and3A_840 = arith.constant 31 : i32
        %and3A_841 = arith.andi %scan3A_839, %and3A_840 : i32
        %shift_right_logical3A_842 = arith.constant 5 : i32
        %shift_right_logical3A_843 = arith.shrui %scan3A_839, %shift_right_logical3A_842 : i32
        %mul3A_844 = arith.constant 16 : i32
        %mul3A_845 = arith.muli %shift_right_logical3A_843, %mul3A_844 : i32
        %add3A_846 = vector.broadcast %and3A_841 : i32 to vector<16xi32>
        %add3A_847 = arith.addi %add3A_846, %iota3A : vector<16xi32>
        %and3A_848 = arith.constant 31 : i32
        %and3A_849 = vector.broadcast %and3A_848 : i32 to vector<16xi32>
        %and3A_850 = arith.andi %add3A_847, %and3A_849 : vector<16xi32>
        %add3A_851 = vector.broadcast %mul3A_845 : i32 to vector<16xi32>
        %add3A_852 = arith.addi %add3A_851, %iota3A : vector<16xi32>
        %gather3A_853 = tpu.vector_load_idx %arg7[%add3A_852, %and3A_850] : memref<512x32xf32, #tpu.memory_space<vmem>>[vector<16xi32>, vector<16xi32>], vector<16xf32>,
        %shift_right_logical3A_854 = arith.constant 7 : i32
        %shift_right_logical3A_855 = arith.shrui %mul3A_845, %shift_right_logical3A_854 : i32
        %mul3A_856 = arith.constant 1024 : i32
        %mul3A_857 = arith.muli %shift_right_logical3A_855, %mul3A_856 : i32
        %and3A_858 = arith.constant 127 : i32
        %and3A_859 = arith.andi %mul3A_845, %and3A_858 : i32
        %add3A_860 = arith.addi %mul3A_857, %and3A_859 : i32
        %shift_right_logical3A_861 = arith.constant 3 : i32
        %shift_right_logical3A_862 = vector.broadcast %shift_right_logical3A_861 : i32 to vector<16xi32>
        %shift_right_logical3A_863 = arith.shrui %and3A_850, %shift_right_logical3A_862 : vector<16xi32>
        %mul3A_864 = arith.constant 4096 : i32
        %mul3A_865 = vector.broadcast %mul3A_864 : i32 to vector<16xi32>
        %mul3A_866 = arith.muli %shift_right_logical3A_863, %mul3A_865 : vector<16xi32>
        %and3A_867 = arith.constant 7 : i32
        %and3A_868 = vector.broadcast %and3A_867 : i32 to vector<16xi32>
        %and3A_869 = arith.andi %and3A_850, %and3A_868 : vector<16xi32>
        %mul3A_870 = arith.constant 128 : i32
        %mul3A_871 = vector.broadcast %mul3A_870 : i32 to vector<16xi32>
        %mul3A_872 = arith.muli %and3A_869, %mul3A_871 : vector<16xi32>
        %add3A_873 = arith.addi %mul3A_866, %mul3A_872 : vector<16xi32>
        %add3A_874 = vector.broadcast %add3A_860 : i32 to vector<16xi32>
        %add3A_875 = arith.addi %add3A_873, %add3A_874 : vector<16xi32>
        %add3A_876 = arith.addi %add3A_875, %iota3A : vector<16xi32>
        tpu.vector_store_idx %arg9[%add3A_876], %gather3A_853 : memref<16384xf32, #tpu.memory_space<vmem>>[vector<16xi32>], vector<16xf32>,
      }
      %scan3A_197 = arith.constant 1024 : i32
      %mul3A_198 = arith.constant 524288 : i32
      %mul3A_199 = arith.muli %add3A_180, %mul3A_198 : i32
      %add3A_200 = arith.constant 0 : i32
      %add3A_201 = arith.addi %mul3A_199, %add3A_200 : i32
      %mul3A_202 = arith.constant 4096 : i32
      %mul3A_203 = arith.muli %add3A, %mul3A_202 : i32
      %add3A_204 = arith.addi %add3A_201, %mul3A_203 : i32
      %dma_start3A_205 = arith.constant 0 : i32
      %dma_start3A_206 = tpu.memref_slice %arg9[%dma_start3A_205] : memref<16384xf32, #tpu.memory_space<vmem>> -> memref<4096xf32, #tpu.memory_space<vmem>>
      %dma_start3A_207 = tpu.memref_slice %arg4[%add3A_204] : memref<13631488xf32, #tpu.memory_space<hbm>> -> memref<4096xf32, #tpu.memory_space<hbm>>
      %dma_start3A_208 = tpu.memref_slice %arg4[%add3A_204] : memref<13631488xf32, #tpu.memory_space<hbm>> -> memref<4096xf32, #tpu.memory_space<hbm>>
      %dma_start3A_209 = arith.constant 0 : i32
      %dma_start3A_210 = tpu.memref_slice %arg9[%dma_start3A_209] : memref<16384xf32, #tpu.memory_space<vmem>> -> memref<4096xf32, #tpu.memory_space<vmem>>
      tpu.enqueue_dma source(%dma_start3A_210 : memref<4096xf32, #tpu.memory_space<vmem>>) target(%dma_start3A_208 : memref<4096xf32, #tpu.memory_space<hbm>>) target_semaphore(%arg13 : memref<!tpu.dma_semaphore, #tpu.memory_space<semaphore_mem>>)
      %mul3A_211 = arith.constant 524288 : i32
      %mul3A_212 = arith.muli %add3A_180, %mul3A_211 : i32
      %add3A_213 = arith.constant 131072 : i32
      %add3A_214 = arith.addi %mul3A_212, %add3A_213 : i32
      %mul3A_215 = arith.constant 4096 : i32
      %mul3A_216 = arith.muli %add3A, %mul3A_215 : i32
      %add3A_217 = arith.addi %add3A_214, %mul3A_216 : i32
      %dma_start3A_218 = arith.constant 4096 : i32
      %dma_start3A_219 = tpu.memref_slice %arg9[%dma_start3A_218] : memref<16384xf32, #tpu.memory_space<vmem>> -> memref<4096xf32, #tpu.memory_space<vmem>>
      %dma_start3A_220 = tpu.memref_slice %arg4[%add3A_217] : memref<13631488xf32, #tpu.memory_space<hbm>> -> memref<4096xf32, #tpu.memory_space<hbm>>
      %dma_start3A_221 = tpu.memref_slice %arg4[%add3A_217] : memref<13631488xf32, #tpu.memory_space<hbm>> -> memref<4096xf32, #tpu.memory_space<hbm>>
      %dma_start3A_222 = arith.constant 4096 : i32
      %dma_start3A_223 = tpu.memref_slice %arg9[%dma_start3A_222] : memref<16384xf32, #tpu.memory_space<vmem>> -> memref<4096xf32, #tpu.memory_space<vmem>>
      tpu.enqueue_dma source(%dma_start3A_223 : memref<4096xf32, #tpu.memory_space<vmem>>) target(%dma_start3A_221 : memref<4096xf32, #tpu.memory_space<hbm>>) target_semaphore(%arg13 : memref<!tpu.dma_semaphore, #tpu.memory_space<semaphore_mem>>)
      %mul3A_224 = arith.constant 524288 : i32
      %mul3A_225 = arith.muli %add3A_180, %mul3A_224 : i32
      %add3A_226 = arith.constant 262144 : i32
      %add3A_227 = arith.addi %mul3A_225, %add3A_226 : i32
      %mul3A_228 = arith.constant 4096 : i32
      %mul3A_229 = arith.muli %add3A, %mul3A_228 : i32
      %add3A_230 = arith.addi %add3A_227, %mul3A_229 : i32
      %dma_start3A_231 = arith.constant 8192 : i32
      %dma_start3A_232 = tpu.memref_slice %arg9[%dma_start3A_231] : memref<16384xf32, #tpu.memory_space<vmem>> -> memref<4096xf32, #tpu.memory_space<vmem>>
      %dma_start3A_233 = tpu.memref_slice %arg4[%add3A_230] : memref<13631488xf32, #tpu.memory_space<hbm>> -> memref<4096xf32, #tpu.memory_space<hbm>>
      %dma_start3A_234 = tpu.memref_slice %arg4[%add3A_230] : memref<13631488xf32, #tpu.memory_space<hbm>> -> memref<4096xf32, #tpu.memory_space<hbm>>
      %dma_start3A_235 = arith.constant 8192 : i32
      %dma_start3A_236 = tpu.memref_slice %arg9[%dma_start3A_235] : memref<16384xf32, #tpu.memory_space<vmem>> -> memref<4096xf32, #tpu.memory_space<vmem>>
      tpu.enqueue_dma source(%dma_start3A_236 : memref<4096xf32, #tpu.memory_space<vmem>>) target(%dma_start3A_234 : memref<4096xf32, #tpu.memory_space<hbm>>) target_semaphore(%arg13 : memref<!tpu.dma_semaphore, #tpu.memory_space<semaphore_mem>>)
      %mul3A_237 = arith.constant 524288 : i32
      %mul3A_238 = arith.muli %add3A_180, %mul3A_237 : i32
      %add3A_239 = arith.constant 393216 : i32
      %add3A_240 = arith.addi %mul3A_238, %add3A_239 : i32
      %mul3A_241 = arith.constant 4096 : i32
      %mul3A_242 = arith.muli %add3A, %mul3A_241 : i32
      %add3A_243 = arith.addi %add3A_240, %mul3A_242 : i32
      %dma_start3A_244 = arith.constant 12288 : i32
      %dma_start3A_245 = tpu.memref_slice %arg9[%dma_start3A_244] : memref<16384xf32, #tpu.memory_space<vmem>> -> memref<4096xf32, #tpu.memory_space<vmem>>
      %dma_start3A_246 = tpu.memref_slice %arg4[%add3A_243] : memref<13631488xf32, #tpu.memory_space<hbm>> -> memref<4096xf32, #tpu.memory_space<hbm>>
      %dma_start3A_247 = tpu.memref_slice %arg4[%add3A_243] : memref<13631488xf32, #tpu.memory_space<hbm>> -> memref<4096xf32, #tpu.memory_space<hbm>>
      %dma_start3A_248 = arith.constant 12288 : i32
      %dma_start3A_249 = tpu.memref_slice %arg9[%dma_start3A_248] : memref<16384xf32, #tpu.memory_space<vmem>> -> memref<4096xf32, #tpu.memory_space<vmem>>
      tpu.enqueue_dma source(%dma_start3A_249 : memref<4096xf32, #tpu.memory_space<vmem>>) target(%dma_start3A_247 : memref<4096xf32, #tpu.memory_space<hbm>>) target_semaphore(%arg13 : memref<!tpu.dma_semaphore, #tpu.memory_space<semaphore_mem>>)
      %add3A_250 = arith.constant 2 : i32
      %add3A_251 = arith.addi %add3A_180, %add3A_250 : i32
      %lt3A_252 = arith.constant 26 : i32
      %lt3A_253 = arith.cmpi slt, %add3A_251, %lt3A_252 : i32
      %convert_element_type3A_254 = arith.extui %lt3A_253 : i1 to i32
      %cond3A_255 = arith.constant 0 : i32
      %cond3A_256 = arith.cmpi ne, %convert_element_type3A_254, %cond3A_255 : i32
      scf.if %cond3A_256 {
        %add3A_257 = arith.constant 2 : i32
        %add3A_258 = arith.addi %add3A_180, %add3A_257 : i32
        %dma_start3A_259 = arith.constant 0 : i32
        %dma_start3A_260 = tpu.memref_slice %arg5[%add3A_258, %dma_start3A_259] : memref<26x512xi32, #tpu.memory_space<vmem>> -> memref<1x512xi32, #tpu.memory_space<vmem>>
        %dma_start3A_261 = tpu.memref_squeeze %dma_start3A_260 : memref<1x512xi32, #tpu.memory_space<vmem>> -> memref<512xi32, #tpu.memory_space<vmem>>
        %dma_start3A_262 = arith.constant 0 : i32
        %dma_start3A_263 = arith.constant 0 : i32
        %dma_start3A_264 = tpu.memref_slice %arg2[%dma_start3A_262, %dma_start3A_263] : memref<1000000x32xf32, #tpu.memory_space<hbm>> -> memref<1000000x32xf32, #tpu.memory_space<hbm>>
        tpu.enqueue_indirect_dma source(%dma_start3A_264 : memref<1000000x32xf32, #tpu.memory_space<hbm>>) target(%arg7 : memref<512x32xf32, #tpu.memory_space<vmem>>) offsets(%dma_start3A_261 : memref<512xi32, #tpu.memory_space<vmem>>) semaphore(%arg11 : memref<!tpu.dma_semaphore, #tpu.memory_space<semaphore_mem>>)
      } else {
      }
    }
    %scan3A_20 = arith.constant 13 : i32
    %mul3A_21 = arith.constant 4096 : i32
    %mul3A_22 = arith.muli %add3A, %mul3A_21 : i32
    %add3A_23 = arith.constant 12582912 : i32
    %add3A_24 = arith.addi %add3A_23, %mul3A_22 : i32
    %dma_wait3A = arith.constant 0 : i32
    %dma_wait3A_25 = tpu.memref_slice %arg8[%dma_wait3A] : memref<16384xf32, #tpu.memory_space<vmem>> -> memref<4096xf32, #tpu.memory_space<vmem>>
    %dma_wait3A_26 = tpu.memref_slice %arg4[%add3A_24] : memref<13631488xf32, #tpu.memory_space<hbm>> -> memref<4096xf32, #tpu.memory_space<hbm>>
    %dma_wait3A_27 = tpu.memref_slice %arg4[%add3A_24] : memref<13631488xf32, #tpu.memory_space<hbm>> -> memref<4096xf32, #tpu.memory_space<hbm>>
    %dma_wait3A_28 = arith.constant 0 : i32
    %dma_wait3A_29 = tpu.memref_slice %arg8[%dma_wait3A_28] : memref<16384xf32, #tpu.memory_space<vmem>> -> memref<4096xf32, #tpu.memory_space<vmem>>
    tpu.wait_dma2 semaphore(%arg12 : memref<!tpu.dma_semaphore, #tpu.memory_space<semaphore_mem>>) src(%dma_wait3A_29 : memref<4096xf32, #tpu.memory_space<vmem>>) dst(%dma_wait3A_27 : memref<4096xf32, #tpu.memory_space<hbm>>)
    %mul3A_30 = arith.constant 4096 : i32
    %mul3A_31 = arith.muli %add3A, %mul3A_30 : i32
    %add3A_32 = arith.constant 12713984 : i32
    %add3A_33 = arith.addi %add3A_32, %mul3A_31 : i32
    %dma_wait3A_34 = arith.constant 4096 : i32
    %dma_wait3A_35 = tpu.memref_slice %arg8[%dma_wait3A_34] : memref<16384xf32, #tpu.memory_space<vmem>> -> memref<4096xf32, #tpu.memory_space<vmem>>
    %dma_wait3A_36 = tpu.memref_slice %arg4[%add3A_33] : memref<13631488xf32, #tpu.memory_space<hbm>> -> memref<4096xf32, #tpu.memory_space<hbm>>
    %dma_wait3A_37 = tpu.memref_slice %arg4[%add3A_33] : memref<13631488xf32, #tpu.memory_space<hbm>> -> memref<4096xf32, #tpu.memory_space<hbm>>
    %dma_wait3A_38 = arith.constant 4096 : i32
    %dma_wait3A_39 = tpu.memref_slice %arg8[%dma_wait3A_38] : memref<16384xf32, #tpu.memory_space<vmem>> -> memref<4096xf32, #tpu.memory_space<vmem>>
    tpu.wait_dma2 semaphore(%arg12 : memref<!tpu.dma_semaphore, #tpu.memory_space<semaphore_mem>>) src(%dma_wait3A_39 : memref<4096xf32, #tpu.memory_space<vmem>>) dst(%dma_wait3A_37 : memref<4096xf32, #tpu.memory_space<hbm>>)
    %mul3A_40 = arith.constant 4096 : i32
    %mul3A_41 = arith.muli %add3A, %mul3A_40 : i32
    %add3A_42 = arith.constant 12845056 : i32
    %add3A_43 = arith.addi %add3A_42, %mul3A_41 : i32
    %dma_wait3A_44 = arith.constant 8192 : i32
    %dma_wait3A_45 = tpu.memref_slice %arg8[%dma_wait3A_44] : memref<16384xf32, #tpu.memory_space<vmem>> -> memref<4096xf32, #tpu.memory_space<vmem>>
    %dma_wait3A_46 = tpu.memref_slice %arg4[%add3A_43] : memref<13631488xf32, #tpu.memory_space<hbm>> -> memref<4096xf32, #tpu.memory_space<hbm>>
    %dma_wait3A_47 = tpu.memref_slice %arg4[%add3A_43] : memref<13631488xf32, #tpu.memory_space<hbm>> -> memref<4096xf32, #tpu.memory_space<hbm>>
    %dma_wait3A_48 = arith.constant 8192 : i32
    %dma_wait3A_49 = tpu.memref_slice %arg8[%dma_wait3A_48] : memref<16384xf32, #tpu.memory_space<vmem>> -> memref<4096xf32, #tpu.memory_space<vmem>>
    tpu.wait_dma2 semaphore(%arg12 : memref<!tpu.dma_semaphore, #tpu.memory_space<semaphore_mem>>) src(%dma_wait3A_49 : memref<4096xf32, #tpu.memory_space<vmem>>) dst(%dma_wait3A_47 : memref<4096xf32, #tpu.memory_space<hbm>>)
    %mul3A_50 = arith.constant 4096 : i32
    %mul3A_51 = arith.muli %add3A, %mul3A_50 : i32
    %add3A_52 = arith.constant 12976128 : i32
    %add3A_53 = arith.addi %add3A_52, %mul3A_51 : i32
    %dma_wait3A_54 = arith.constant 12288 : i32
    %dma_wait3A_55 = tpu.memref_slice %arg8[%dma_wait3A_54] : memref<16384xf32, #tpu.memory_space<vmem>> -> memref<4096xf32, #tpu.memory_space<vmem>>
    %dma_wait3A_56 = tpu.memref_slice %arg4[%add3A_53] : memref<13631488xf32, #tpu.memory_space<hbm>> -> memref<4096xf32, #tpu.memory_space<hbm>>
    %dma_wait3A_57 = tpu.memref_slice %arg4[%add3A_53] : memref<13631488xf32, #tpu.memory_space<hbm>> -> memref<4096xf32, #tpu.memory_space<hbm>>
    %dma_wait3A_58 = arith.constant 12288 : i32
    %dma_wait3A_59 = tpu.memref_slice %arg8[%dma_wait3A_58] : memref<16384xf32, #tpu.memory_space<vmem>> -> memref<4096xf32, #tpu.memory_space<vmem>>
    tpu.wait_dma2 semaphore(%arg12 : memref<!tpu.dma_semaphore, #tpu.memory_space<semaphore_mem>>) src(%dma_wait3A_59 : memref<4096xf32, #tpu.memory_space<vmem>>) dst(%dma_wait3A_57 : memref<4096xf32, #tpu.memory_space<hbm>>)
    %mul3A_60 = arith.constant 4096 : i32
    %mul3A_61 = arith.muli %add3A, %mul3A_60 : i32
    %add3A_62 = arith.constant 13107200 : i32
    %add3A_63 = arith.addi %add3A_62, %mul3A_61 : i32
    %dma_wait3A_64 = arith.constant 0 : i32
    %dma_wait3A_65 = tpu.memref_slice %arg9[%dma_wait3A_64] : memref<16384xf32, #tpu.memory_space<vmem>> -> memref<4096xf32, #tpu.memory_space<vmem>>
    %dma_wait3A_66 = tpu.memref_slice %arg4[%add3A_63] : memref<13631488xf32, #tpu.memory_space<hbm>> -> memref<4096xf32, #tpu.memory_space<hbm>>
    %dma_wait3A_67 = tpu.memref_slice %arg4[%add3A_63] : memref<13631488xf32, #tpu.memory_space<hbm>> -> memref<4096xf32, #tpu.memory_space<hbm>>
    %dma_wait3A_68 = arith.constant 0 : i32
    %dma_wait3A_69 = tpu.memref_slice %arg9[%dma_wait3A_68] : memref<16384xf32, #tpu.memory_space<vmem>> -> memref<4096xf32, #tpu.memory_space<vmem>>
    tpu.wait_dma2 semaphore(%arg13 : memref<!tpu.dma_semaphore, #tpu.memory_space<semaphore_mem>>) src(%dma_wait3A_69 : memref<4096xf32, #tpu.memory_space<vmem>>) dst(%dma_wait3A_67 : memref<4096xf32, #tpu.memory_space<hbm>>)
    %mul3A_70 = arith.constant 4096 : i32
    %mul3A_71 = arith.muli %add3A, %mul3A_70 : i32
    %add3A_72 = arith.constant 13238272 : i32
    %add3A_73 = arith.addi %add3A_72, %mul3A_71 : i32
    %dma_wait3A_74 = arith.constant 4096 : i32
    %dma_wait3A_75 = tpu.memref_slice %arg9[%dma_wait3A_74] : memref<16384xf32, #tpu.memory_space<vmem>> -> memref<4096xf32, #tpu.memory_space<vmem>>
    %dma_wait3A_76 = tpu.memref_slice %arg4[%add3A_73] : memref<13631488xf32, #tpu.memory_space<hbm>> -> memref<4096xf32, #tpu.memory_space<hbm>>
    %dma_wait3A_77 = tpu.memref_slice %arg4[%add3A_73] : memref<13631488xf32, #tpu.memory_space<hbm>> -> memref<4096xf32, #tpu.memory_space<hbm>>
    %dma_wait3A_78 = arith.constant 4096 : i32
    %dma_wait3A_79 = tpu.memref_slice %arg9[%dma_wait3A_78] : memref<16384xf32, #tpu.memory_space<vmem>> -> memref<4096xf32, #tpu.memory_space<vmem>>
    tpu.wait_dma2 semaphore(%arg13 : memref<!tpu.dma_semaphore, #tpu.memory_space<semaphore_mem>>) src(%dma_wait3A_79 : memref<4096xf32, #tpu.memory_space<vmem>>) dst(%dma_wait3A_77 : memref<4096xf32, #tpu.memory_space<hbm>>)
    %mul3A_80 = arith.constant 4096 : i32
    %mul3A_81 = arith.muli %add3A, %mul3A_80 : i32
    %add3A_82 = arith.constant 13369344 : i32
    %add3A_83 = arith.addi %add3A_82, %mul3A_81 : i32
    %dma_wait3A_84 = arith.constant 8192 : i32
    %dma_wait3A_85 = tpu.memref_slice %arg9[%dma_wait3A_84] : memref<16384xf32, #tpu.memory_space<vmem>> -> memref<4096xf32, #tpu.memory_space<vmem>>
    %dma_wait3A_86 = tpu.memref_slice %arg4[%add3A_83] : memref<13631488xf32, #tpu.memory_space<hbm>> -> memref<4096xf32, #tpu.memory_space<hbm>>
    %dma_wait3A_87 = tpu.memref_slice %arg4[%add3A_83] : memref<13631488xf32, #tpu.memory_space<hbm>> -> memref<4096xf32, #tpu.memory_space<hbm>>
    %dma_wait3A_88 = arith.constant 8192 : i32
    %dma_wait3A_89 = tpu.memref_slice %arg9[%dma_wait3A_88] : memref<16384xf32, #tpu.memory_space<vmem>> -> memref<4096xf32, #tpu.memory_space<vmem>>
    tpu.wait_dma2 semaphore(%arg13 : memref<!tpu.dma_semaphore, #tpu.memory_space<semaphore_mem>>) src(%dma_wait3A_89 : memref<4096xf32, #tpu.memory_space<vmem>>) dst(%dma_wait3A_87 : memref<4096xf32, #tpu.memory_space<hbm>>)
    %mul3A_90 = arith.constant 4096 : i32
    %mul3A_91 = arith.muli %add3A, %mul3A_90 : i32
    %add3A_92 = arith.constant 13500416 : i32
    %add3A_93 = arith.addi %add3A_92, %mul3A_91 : i32
    %dma_wait3A_94 = arith.constant 12288 : i32
    %dma_wait3A_95 = tpu.memref_slice %arg9[%dma_wait3A_94] : memref<16384xf32, #tpu.memory_space<vmem>> -> memref<4096xf32, #tpu.memory_space<vmem>>
    %dma_wait3A_96 = tpu.memref_slice %arg4[%add3A_93] : memref<13631488xf32, #tpu.memory_space<hbm>> -> memref<4096xf32, #tpu.memory_space<hbm>>
    %dma_wait3A_97 = tpu.memref_slice %arg4[%add3A_93] : memref<13631488xf32, #tpu.memory_space<hbm>> -> memref<4096xf32, #tpu.memory_space<hbm>>
    %dma_wait3A_98 = arith.constant 12288 : i32
    %dma_wait3A_99 = tpu.memref_slice %arg9[%dma_wait3A_98] : memref<16384xf32, #tpu.memory_space<vmem>> -> memref<4096xf32, #tpu.memory_space<vmem>>
    tpu.wait_dma2 semaphore(%arg13 : memref<!tpu.dma_semaphore, #tpu.memory_space<semaphore_mem>>) src(%dma_wait3A_99 : memref<4096xf32, #tpu.memory_space<vmem>>) dst(%dma_wait3A_97 : memref<4096xf32, #tpu.memory_space<hbm>>)
    return
  }
}

</mosaic_0001>

<sc_bundles>
// kernel: kernel.4.cloned.1.call-start
scs
__scs_entry_jumppad:
0x0: {  	(pc) =	sbr.rel $0x88, $3  }
0x1: {  	(tag) =	ssettag $0x0;
	lr =	simm.s32 $0x1  }
0x2: {  	[smem:$0x3F9F] =	sst lr;
	_ =	strace $0xD0000000  }
0x3: {  	_ = 	snop  }
0x4: {  	_ = 	snop  }
0x5: {  	_ = 	snop  }
0x6: {  	_ = 	snop  }
0x7: {  	_ = 	snop  }
__scs_overlays_trampoline_lowered:
0x8: {  	[smem:$0x3FAE] =	sst s0  }
0x9: {  	[smem:$0x3FAF] =	sst s1  }
0xa: {  	[smem:$0x3FB0] =	sst s2  }
0xb: {  	[smem:$0x3FB1] =	sst s3  }
0xc: {  	[smem:$0x3FB2] =	sst s4  }
0xd: {  	[smem:$0x3FB3] =	sst s5  }
0xe: {  	[smem:$0x3FB4] =	sst s6  }
0xf: {  	[smem:$0x3FB5] =	sst s7  }
0x10: {  	[smem:$0x3FB6] =	sst s8  }
0x11: {  	[smem:$0x3FB7] =	sst s9;
	s0 =	simm.s32 @!p0 $0x0  }
0x12: {  	s1 =	sld [smem:$0x3F9D];
	s0 =	simm.s32 @p0 $0x1  }
0x13: {  	[smem:$0x3FB8] =	sst s0;
	s0 =	simm.s32 @!p1 $0x0  }
0x14: {  	s2 =	sld [smem:$0x3F9C];
	s0 =	simm.s32 @p1 $0x1  }
0x15: {  	[smem:$0x3FB9] =	sst s0;
	s0 =	simm.s32 @!p2 $0x0  }
0x16: {  	s3 =	sld [smem:$0x3FDB];
	s0 =	simm.s32 @p2 $0x1  }
0x17: {  	s4 =	simm.s32 $0x1BF5;
	[smem:$0x3FBB] =	sst s0  }
0x18: {  	s0 =	sld [smem:$0x3F9E];
	_ =	swait.ge [sflag:s4], $0x0  }
0x19: {  	s7 =	sld [smem:$0x3F9F]  }
0x1a: {  	s8 =	sadd.s32 $0xFFFFE003, lr  }
0x1b: {  	s9 =	sadd.s32 $0xFFFFFEF7, lr;
	s5 =	simm.s32 $0xFFFFFFFF;
	p2 =	slt.u32 s8, $0xFFFFF086  }
0x1c: {  	p1 =	slt.u32 s9, $0xF7A;
	s5 =	simm.s32 @!p2 $0x0  }
0x1d: {  	s5 =	simm.s32 @p1 $0x1;
	p0 =	seq.s32 s7, s2  }
0x1e: {  	s7 =	smul.u32 @!p0 $0xF7A, s2;
	p2 =	seq.s32 @!p0 s5, $0x0  }
0x1f: {  	s9 =	smul.u32 $0xF7A, s1;
	s8 =	simm.s32 @!p0 $0x1BF5;
	p2 =	por !p2, p0  }
0x20: {  	[sflag:s8] =	ssyncset.s32 @!p0 $0xFFFFF086;
	s6 =	sadd.s32 @!p0 s3, s7;
	s7 =	simm.s32 @!p0 $0x108  }
0x21: {  	s3 =	sadd.s32 s3, s9;
	s6 =	sadd.s32 @!p0 $0x88, s6;
	s7 =	simm.s32 @p2 $0x1082  }
0x22: {  	[simem:s7], [sflag:s8] =	dma.local @!p0 [hbm:s6], $0xF7A  }
0x23: {  	s9 =	sor.u32 $0xD0000000, s2;
	s6 =	simm.s32 $0x108;
	_ =	swait.ge @!p0 [sflag:s8], $0x0  }
0x24: {  	s3 =	sadd.s32 $0x88, s3;
	s6 =	simm.s32 @!p1 $0x1082;
	[sflag:s4] =	ssyncset.s32 $0xFFFFF086  }
0x25: {  	[simem:s6], [sflag:s4] =	dma.local [hbm:s3], $0xF7A  }
0x26: {  	[smem:$0x3F9F] =	sst s1;
	(tag) =	ssettag s2;
	_ =	strace s9  }
0x27: {  	s1 =	sld [smem:$0x3FAF]  }
0x28: {  	s2 =	sld [smem:$0x3FB0]  }
0x29: {  	s4 =	sld [smem:$0x3FB2]  }
0x2a: {  	p0 =	seq.s32 s5, $0x0;
	s5 =	sld [smem:$0x3FB3]  }
0x2b: {  	s6 =	sld [smem:$0x3FB4]  }
0x2c: {  	s7 =	sld [smem:$0x3FB5]  }
0x2d: {  	s3 =	simm.s32 $0x108;
	s8 =	sld [smem:$0x3FB6]  }
0x2e: {  	s3 =	simm.s32 @!p0 $0x1082;
	s9 =	sld [smem:$0x3FB7]  }
0x2f: {  	lr =	sadd.s32 s0, s3;
	s0 =	sld [smem:$0x3FAE]  }
0x30: {  	s3 =	sld [smem:$0x3FB1]  }
0x31: {  	[smem:$0x3FBA] =	sst s10  }
0x32: {  	s10 =	sld [smem:$0x3FB8];
	_ =	sdelay $0x3  }
0x33: {  	p0 =	seq.s32 s10, $0x1;
	s10 =	sld [smem:$0x3FBA];
	_ =	sdelay $0x3  }
0x34: {  	[smem:$0x3FBA] =	sst s10  }
0x35: {  	s10 =	sld [smem:$0x3FB9];
	_ =	sdelay $0x3  }
0x36: {  	p1 =	seq.s32 s10, $0x1;
	s10 =	sld [smem:$0x3FBA];
	_ =	sdelay $0x3  }
0x37: {  	[smem:$0x3FBA] =	sst s10  }
0x38: {  	s10 =	sld [smem:$0x3FBB]  }
0x39: {  	_ = 	snop;
	(pc) =	sbr.ind lr, $3  }
0x3a: {  	_ = 	snop  }
0x3b: {  	_ = 	snop  }
0x3c: {  	p2 =	seq.s32 s10, $0x1;
	s10 =	sld [smem:$0x3FBA]  }
0x3d: {  	_ =	shalt  }
0x3e: {  	_ =	shalt  }
0x3f: {  	_ =	shalt  }
0x40: {  	_ =	shalt  }
0x41: {  	_ =	shalt  }
0x42: {  	_ =	shalt  }
0x43: {  	_ =	shalt  }
0x44: {  	_ =	shalt  }
0x45: {  	_ =	shalt  }
0x46: {  	_ =	shalt  }
0x47: {  	_ =	shalt  }
0x48: {  	_ =	shalt  }
0x49: {  	_ =	shalt  }
0x4a: {  	_ =	shalt  }
0x4b: {  	_ =	shalt  }
0x4c: {  	_ =	shalt  }
0x4d: {  	_ =	shalt  }
0x4e: {  	_ =	shalt  }
0x4f: {  	_ =	shalt  }
0x50: {  	_ =	shalt  }
0x51: {  	_ =	shalt  }
0x52: {  	_ =	shalt  }
0x53: {  	_ =	shalt  }
0x54: {  	_ =	shalt  }
0x55: {  	_ =	shalt  }
0x56: {  	_ =	shalt  }
0x57: {  	_ =	shalt  }
0x58: {  	_ =	shalt  }
0x59: {  	_ =	shalt  }
0x5a: {  	_ =	shalt  }
0x5b: {  	_ =	shalt  }
0x5c: {  	_ =	shalt  }
0x5d: {  	_ =	shalt  }
0x5e: {  	_ =	shalt  }
0x5f: {  	_ =	shalt  }
0x60: {  	_ =	shalt  }
0x61: {  	_ =	shalt  }
0x62: {  	_ =	shalt  }
0x63: {  	_ =	shalt  }
0x64: {  	_ =	shalt  }
0x65: {  	_ =	shalt  }
0x66: {  	_ =	shalt  }
0x67: {  	_ =	shalt  }
0x68: {  	_ =	shalt  }
0x69: {  	_ =	shalt  }
0x6a: {  	_ =	shalt  }
0x6b: {  	_ =	shalt  }
0x6c: {  	_ =	shalt  }
0x6d: {  	_ =	shalt  }
0x6e: {  	_ =	shalt  }
0x6f: {  	_ =	shalt  }
0x70: {  	_ =	shalt  }
0x71: {  	_ =	shalt  }
0x72: {  	_ =	shalt  }
0x73: {  	_ =	shalt  }
0x74: {  	_ =	shalt  }
0x75: {  	_ =	shalt  }
0x76: {  	_ =	shalt  }
0x77: {  	_ =	shalt  }
0x78: {  	_ =	shalt  }
0x79: {  	_ =	shalt  }
0x7a: {  	_ =	shalt  }
0x7b: {  	_ =	shalt  }
0x7c: {  	_ =	shalt  }
0x7d: {  	_ =	shalt  }
0x7e: {  	_ =	shalt  }
0x7f: {  	_ =	shalt  }
0x80: {  	_ =	shalt  }
0x81: {  	_ =	shalt  }
0x82: {  	_ =	shalt  }
0x83: {  	_ =	shalt  }
0x84: {  	_ =	shalt  }
0x85: {  	_ =	shalt  }
0x86: {  	_ =	shalt  }
0x87: {  	_ =	shalt  }
.Lfunc_end0:
.L_simem_size_0:
called_computation_lowered:
.L_overlay_start_0:
0x88: {  	s2 =	sld [smem:$0x3FD9]  }
0x89: {  	s3 =	sld [smem:$0x3FFE];
	_ =	sdelay $0x1  }
0x8a: {  	s1 =	srdreg.scid  }
0x8b: {  	s0 =	sand.u32 $0x1, s1  }
0x8c: {  	s17 =	sshll.u32 s0, $0xA;
	s2 =	sadd.s32 s3, s2  }
0x8d: {  	s2 =	sadd.s32 s2, s17  }
0x8e: {  	[smem:$0x3FC6] =	sst s2  }
0x8f: {  	_ = 	snop  }
0x90: {  	s2 =	sld [smem:$0x3FC8];
	(tm) =	ssettm $0x1  }
0x91: {  	s18 =	sld [smem:$0x3FFB];
	_ =	sdelay $0x3  }
0x92: {  	_ =	strace s18  }
0x93: {  	s3 =	sld [smem:$0x3FFC];
	_ =	sdelay $0x3  }
0x94: {  	_ =	strace s3  }
0x95: {  	s3 =	sld [smem:$0x3FFD];
	_ =	sdelay $0x3  }
0x96: {  	_ =	strace s3  }
0x97: {  	_ =	strace $0x8FFFFFFF  }
0x98: {  	s19 =	sld [smem:$0x3FDB];
	_ =	sdelay $0x1  }
0x99: {  	s4 =	simm.s32 $_scs_section_size  }
0x9a: {  	s5 =	simm.s32 $_size__tile_overlayer_lowered;
	s6 =	simm.s32 $_tile_overlayer_lowered  }
0x9b: {  	s22 =	simm.s32 $0x1BFF;
	s21 =	sshll.u32 s6, $0x1;
	s3 =	sadd.s32 s4, s19  }
0x9c: {  	s7 =	simm.s32 $0x0;
	s20 =	sshll.u32 s5, $0x1;
	s5 =	sadd.s32 s21, s3  }
0x9d: {  	[timem:s7], [sflag:s22] =	dma.local [hbm:s5], s20  }
0x9e: {  	_ =	swait.ge [sflag:s22], s20  }
0x9f: {  	s4 =	ssub.s32 $0x0, s20;
	[sflag:s22] =	ssyncset.done $0x0  }
0xa0: {  	[sflag:s22] =	ssyncadd.s32 s4;
	_ =	sdelay $0x1  }
0xa1: {  	s23 =	simm.s32 $0x1B8B  }
0xa2: {  	_ =	swait.ge [sflag:s23], $0x1  }
0xa3: {  	[sflag:s23] =	ssyncset.done $0x0  }
0xa4: {  	s25 =	simm.s32 $0x1B8E;
	s24 =	sld [smem:$0x3FFE];
	[sflag:s23] =	ssyncadd.s32 $0xFFFFFFFF  }
0xa5: {  	s26 =	simm.s32 $execute0_lowered;
	[smem:$0x3FD2] =	sst s25  }
0xa6: {  	s5 =	sshll.u32 s26, $0x1;
	_ =	strace $0x80000046;
	[dreg:$0x1] =	wrdreg $0xFFFFFFFF  }
0xa7: {  	s28 =	simm.s32 $_size_execute0_lowered;
	s3 =	sadd.s32 s3, s5;
	[dreg:$0x0] =	wrdreg $0x0  }
0xa8: {  	s5 =	sshll.u32 s28, $0x1;
	[dreg:$0x2] =	wrdreg s3  }
0xa9: {  	[dreg:$0x3] =	wrdreg s5  }
0xaa: {  	[dreg:$0x4] =	wrdreg $0xC0  }
0xab: {  	_ =	task [dreg:s7], $0x5FFFF  }
0xac: {  	[dreg:$0x1] =	wrdreg $0xFFFFFFFF  }
0xad: {  	[dreg:$0x0] =	wrdreg $0x60  }
0xae: {  	[dreg:$0x2] =	wrdreg s2  }
0xaf: {  	[dreg:$0x3] =	wrdreg s24  }
0xb0: {  	[dreg:$0x4] =	wrdreg $0x9  }
0xb1: {  	_ =	task.clear_ibuf [dreg:s7], $0x5FFFF;
	_ =	strace $0x90000046  }
0xb2: {  	s29 =	simm.s32 $0x9;
	_ =	strace $0x80000048  }
0xb3: {  	_ =	swait.ge [sflag:s29], $0x1  }
0xb4: {  	[sflag:s29] =	ssyncadd.s32 $0xFFFFFFFF  }
0xb5: {  	_ =	strace $0x90000048  }
0xb6: {  	_ =	sfence  }
0xb7: {  	s30 =	sld [smem:$0x0];
	_ =	sdelay $0x2  }
0xb8: {  	s31 =	sshll.u32 s1, $0xD;
	s1 =	sshrl.u32 s1, $0x2  }
0xb9: {  	s3 =	sand.u32 $0x4000, s31;
	s1 =	sadd.s32 s1, s30  }
0xba: {  	s0 =	sor.u32 s3, s0;
	s1 =	sshll.u32 s1, $0x11  }
0xbb: {  	s0 =	sor.u32 s1, s0  }
0xbc: {  	s0 =	sadd.s32 $0x8F2B, s0  }
0xbd: {  	[sflag:s0] =	ssyncadd.remote.s32 $0x1  }
0xbe: {  	_ =	sfence.sel $0xFFFF  }
0xbf: {  	[dreg:$0x0] =	wrdreg $0xFFFFFFFF;
	(pc) =	sbr.abs _section_cstart, $3  }
0xc0: {  	[dreg:$0x1] =	wrdreg $0xFFFFFFFF  }
0xc1: {  	_ =	task.clear_ibuf [dreg:s7], $0x2FFFF;
	_ =	strace $0x9FFFFFFF  }
0xc2: {  	(tm) =	ssettm $0x7FFFFFFF  }
0xc3: {  	_ =	shalt  }
tec
execute0_lowered:
.L_overlay_start_1:
0x0: {  	(tag) =	ssettag $0x1  }
0x1: {  	s2 =	rddreg [dreg:$0x0]  }
0x2: {  	s11 =	rddreg [dreg:$0x1]  }
0x3: {  	s4 =	srdreg.scid;
	s0 =	stileid.u32  }
0x4: {  	s3 =	simm.s32 $0x0;
	s13 =	simm.s32 $0x1000;
	s14 =	simm.s32 $0x7A1400  }
0x5: {  	s15 =	simm.s32 $0x4000;
	s16 =	simm.s32 $0x1;
	s17 =	simm.s32 $0x8000  }
0x6: {  	s18 =	simm.s32 $0x2;
	s19 =	simm.s32 $0xC000;
	s20 =	simm.s32 $0x3  }
0x7: {  	s21 =	simm.s32 $0x4;
	s23 =	simm.s32 $0x10000;
	s24 =	simm.s32 $0x5  }
0x8: {  	s25 =	simm.s32 $0x0;
	s5 =	sand.u32 $0x1, s4;
	s30 =	sshll.u32 s0, $0x1  }
0x9: {  	[smem:$0x7FF] =	sst s3;
	s31 =	sadd.s32 $0xF4200, s2;
	s4 =	sor.u32 s5, s30  }
.Ltmp0:
0xa: {  	_ =	strace $0x80000047;
	s7 =	ssub.s32 $0x2, s5;
	(pc) =	sbr.rel .LBB2_1-.Ltmp0, $4  }
0xb: {  	s5 =	sadd.s32 $0xA00, s11;
	[dreg:$0x3] =	wrdreg s31;
	s11 =	sadd.s32 $0x3D1200, s11  }
0xc: {  	v0 =	vlaneseq.u32;
	s6 =	sshll.u32 s4, $0x9;
	s8 =	sshrl.u32 s7, $0x1;
	s9 =	sor.u32 $0x60, s4  }
0xd: {  	v2 =	vand.u32 $0x7, v0;
	v1 =	vmul.u32 $0x200, v0;
	v3 =	vmul.u32 $0x21, v0;
	p0 =	sne.s32 s4, $0x0;
	s6 =	sadd.s32 s2, s6;
	s12 =	ssub.s32 s7, s8  }
0xe: {  	v4 =	vmul.u32 $0x20, v0;
	v5 =	vmul.u32 $0x80, v0;
	v2 =	vmul.u32 $0x80, v2;
	s8 =	sor.u32 $0x40, s4;
	s7 =	sadd.s32 $0x4000, s6;
	s12 =	smax.u32 s12, $0x1  }
.LBB2_8:
0xf: {  	_ =	swait.ge [sflag:s20], $0x4000  }
.Ltmp1:
0x10: {  	[sflag:s20] =	ssyncset.done $0x0;
	(pc) =	sbr.rel @!p0 .LBB2_9-.Ltmp1, $4  }
0x11: {  	[sflag:s20] =	ssyncadd.s32 $0xFFFFC000  }
0x12: {  	_ =	swait.ge [sflag:s21], $0x4000  }
0x13: {  	[sflag:s21] =	ssyncset.done $0x0  }
0x14: {  	[sflag:s21] =	ssyncadd.s32 $0xFFFFC000  }
.LBB2_12:
0x15: {  	s25 =	sadd.s32 $0x1, s25  }
0x16: {  	p1 =	sne.s32 s25, s12  }
.Ltmp2:
0x17: {  	_ = 	snop;
	(pc) =	sbr.rel @!p1 .LBB2_13-.Ltmp2, $1  }
0x18: {  	_ =	sdelay $0x3  }
.LBB2_1:
0x19: {  	[tilespmem:s3], [sflag:$0x1] =	stream.strided.gather [hbm4b:s6+s13], $0x4000, s14, s13, $0x38;
	[tilespmem:$0x11000] =	vst v63  }
0x1a: {  	s26 =	simm.s32 $0x0  }
0x1b: {  	[tilespmem:s15], [sflag:$0x2] =	stream.strided.gather [hbm4b:s7+s13], $0x4000, s14, s13, $0x38;
	[tilespmem:$0x11000] =	vst v63  }
.LBB2_2:
0x1c: {  	s30 =	simm.s32 $0x0;
	s29 =	simm.s32 $0x0  }
0x1d: {  	s28 =	sand.u32 $0x10, s30;
	v6 =	vmov s29  }
0x1e: {  	v8 =	vor.u32 s29, v0;
	v7 =	vmov s28;
	v9 =	vshll.u32 v6, $0x3  }
0x1f: {  	v6 =	vand.u32 $0x7F, v8;
	v10 =	vshll.u32 v7, $0x9;
	v7 =	vand.u32 $0xC00, v9  }
0x20: {  	v8 =	vor.u32 v1, v10;
	v9 =	vor.u32 v7, v6  }
0x21: {  	_ =	swait.ge [sflag:s16], $0x4000;
	v8 =	vand.u32 $0x3000, v8;
	v9 =	vor.u32 v2, v9  }
0x22: {  	p1 =	seq.s32 s26, $0x0;
	[sflag:s16] =	ssyncset.done $0x0;
	s29 =	sor.u32 $0x1, s28;
	v8 =	vor.u32 v8, v9  }
0x23: {  	s31 =	simm.s32 @!p1 $0x3;
	[sflag:s16] =	ssyncadd.s32 $0xFFFFC000;
	v10 =	vadd.s32 s29, v0  }
0x24: {  	_ =	swait.ge @!p1 [sflag:s31], $0x4000;
	v11 =	vshll.u32 v10, $0x9;
	v12 =	vshll.u32 v10, $0x7  }
0x25: {  	[sflag:s31] =	ssyncset.done @!p1 $0x0;
	s29 =	simm.s32 $0x0;
	v11 =	vand.u32 $0x3000, v11;
	v12 =	vand.u32 $0x380, v12  }
0x26: {  	[sflag:s31] =	ssyncadd.s32 @!p1 $0xFFFFC000;
	s10 =	sor.u32 s28, s29;
	v11 =	vor.u32 v11, v12  }
0x27: {  	v12 =	vor.u32 s10, v3;
	v11 =	vor.u32 v7, v11;
	v8 =	vld.idx.msk [tilespmem:v8+s3+$0x0], $0xffff  }
0x28: {  	s22 =	sor.u32 $0x2, s28;
	v11 =	vor.u32 v6, v11  }
0x29: {  	v13 =	vadd.s32 s22, v0  }
0x2a: {  	v14 =	vshll.u32 v13, $0x9;
	v15 =	vshll.u32 v13, $0x7  }
0x2b: {  	v14 =	vand.u32 $0x3000, v14;
	v15 =	vand.u32 $0x380, v15  }
0x2c: {  	v10 =	vand.u32 $0x1F, v10;
	[tilespmem:v12+s17+$0x0] =	vst.idx.msk $0xffff, v8;
	v8 =	vor.u32 s29, v4;
	v12 =	vor.u32 v14, v15  }
0x2d: {  	v11 =	vld.idx.msk [tilespmem:v11+s3+$0x0], $0xffff;
	v10 =	vor.u32 v10, v8;
	v12 =	vor.u32 v7, v12  }
0x2e: {  	s29 =	sor.u32 $0x3, s28;
	v12 =	vor.u32 v6, v12  }
0x2f: {  	v14 =	vadd.s32 s29, v0  }
0x30: {  	v15 =	vshll.u32 v14, $0x9;
	v16 =	vshll.u32 v14, $0x7  }
0x31: {  	v15 =	vand.u32 $0x3000, v15;
	v16 =	vand.u32 $0x380, v16  }
0x32: {  	[tilespmem:v10+s17+$0x0] =	vst.idx.msk $0xffff, v11;
	v10 =	vand.u32 $0x1F, v13;
	v11 =	vor.u32 v15, v16  }
0x33: {  	v12 =	vld.idx.msk [tilespmem:v12+s3+$0x0], $0xffff;
	v10 =	vor.u32 v10, v8;
	v11 =	vor.u32 v7, v11  }
0x34: {  	s29 =	sor.u32 $0x4, s28;
	v11 =	vor.u32 v6, v11  }
0x35: {  	v13 =	vadd.s32 s29, v0  }
0x36: {  	v15 =	vshll.u32 v13, $0x9;
	v60 =	vshll.u32 v13, $0x7  }
0x37: {  	v15 =	vand.u32 $0x3000, v15;
	v16 =	vand.u32 $0x380, v60  }
0x38: {  	[tilespmem:v10+s17+$0x0] =	vst.idx.msk $0xffff, v12;
	v10 =	vand.u32 $0x1F, v14;
	v12 =	vor.u32 v15, v16  }
0x39: {  	v11 =	vld.idx.msk [tilespmem:v11+s3+$0x0], $0xffff;
	v10 =	vor.u32 v10, v8;
	v12 =	vor.u32 v7, v12  }
0x3a: {  	s29 =	sor.u32 $0x5, s28;
	v12 =	vor.u32 v6, v12  }
0x3b: {  	v14 =	vadd.s32 s29, v0  }
0x3c: {  	v15 =	vshll.u32 v14, $0x9;
	v61 =	vshll.u32 v14, $0x7  }
0x3d: {  	v15 =	vand.u32 $0x3000, v15;
	v16 =	vand.u32 $0x380, v61  }
0x3e: {  	[tilespmem:v10+s17+$0x0] =	vst.idx.msk $0xffff, v11;
	v10 =	vand.u32 $0x1F, v13;
	v11 =	vor.u32 v15, v16  }
0x3f: {  	v12 =	vld.idx.msk [tilespmem:v12+s3+$0x0], $0xffff;
	v10 =	vor.u32 v10, v8;
	v11 =	vor.u32 v7, v11  }
0x40: {  	s29 =	sor.u32 $0x6, s28;
	v11 =	vor.u32 v6, v11  }
0x41: {  	v13 =	vadd.s32 s29, v0  }
0x42: {  	v15 =	vshll.u32 v13, $0x9;
	v62 =	vshll.u32 v13, $0x7  }
0x43: {  	v15 =	vand.u32 $0x3000, v15;
	v16 =	vand.u32 $0x380, v62  }
0x44: {  	[tilespmem:v10+s17+$0x0] =	vst.idx.msk $0xffff, v12;
	v10 =	vand.u32 $0x1F, v14;
	v12 =	vor.u32 v15, v16  }
0x45: {  	v11 =	vld.idx.msk [tilespmem:v11+s3+$0x0], $0xffff;
	v10 =	vor.u32 v10, v8;
	v12 =	vor.u32 v7, v12  }
0x46: {  	s29 =	sor.u32 $0x7, s28;
	v12 =	vor.u32 v6, v12  }
0x47: {  	v14 =	vadd.s32 s29, v0  }
0x48: {  	v15 =	vshll.u32 v14, $0x9;
	v63 =	vshll.u32 v14, $0x7  }
0x49: {  	v15 =	vand.u32 $0x3000, v15;
	v16 =	vand.u32 $0x380, v63  }
0x4a: {  	[tilespmem:v10+s17+$0x0] =	vst.idx.msk $0xffff, v11;
	v10 =	vand.u32 $0x1F, v13;
	v11 =	vor.u32 v15, v16  }
0x4b: {  	v12 =	vld.idx.msk [tilespmem:v12+s3+$0x0], $0xffff;
	v10 =	vor.u32 v10, v8;
	v11 =	vor.u32 v7, v11  }
0x4c: {  	v11 =	vor.u32 v6, v11;
	_ =	sdelay $0x1  }
0x4d: {  	s29 =	sor.u32 $0x8, s28  }
0x4e: {  	v13 =	vadd.s32 s29, v0  }
0x4f: {  	[tilespmem:v10+s17+$0x0] =	vst.idx.msk $0xffff, v12;
	v10 =	vand.u32 $0x1F, v14;
	v12 =	vshll.u32 v13, $0x9  }
0x50: {  	v11 =	vld.idx.msk [tilespmem:v11+s3+$0x0], $0xffff;
	v10 =	vor.u32 v10, v8;
	v12 =	vand.u32 $0x3000, v12  }
0x51: {  	s29 =	sor.u32 $0x9, s28;
	v9 =	vor.u32 v12, v9  }
0x52: {  	v12 =	vadd.s32 s29, v0  }
0x53: {  	v14 =	vshll.u32 v12, $0x9;
	v15 =	vshll.u32 v12, $0x7  }
0x54: {  	v14 =	vand.u32 $0x3000, v14;
	v15 =	vand.u32 $0x380, v15  }
0x55: {  	[tilespmem:v10+s17+$0x0] =	vst.idx.msk $0xffff, v11;
	v10 =	vand.u32 $0x1F, v13;
	v11 =	vor.u32 v14, v15  }
0x56: {  	v9 =	vld.idx.msk [tilespmem:v9+s3+$0x0], $0xffff;
	v10 =	vor.u32 v10, v8;
	v11 =	vor.u32 v7, v11  }
0x57: {  	s29 =	sor.u32 $0xA, s28;
	v11 =	vor.u32 v6, v11  }
0x58: {  	v13 =	vadd.s32 s29, v0  }
0x59: {  	v14 =	vshll.u32 v13, $0x9;
	v15 =	vshll.u32 v13, $0x7  }
0x5a: {  	v14 =	vand.u32 $0x3000, v14;
	v15 =	vand.u32 $0x380, v15  }
0x5b: {  	[tilespmem:v10+s17+$0x0] =	vst.idx.msk $0xffff, v9;
	v9 =	vand.u32 $0x1F, v12;
	v10 =	vor.u32 v14, v15  }
0x5c: {  	v11 =	vld.idx.msk [tilespmem:v11+s3+$0x0], $0xffff;
	v9 =	vor.u32 v9, v8;
	v10 =	vor.u32 v7, v10  }
0x5d: {  	s29 =	sor.u32 $0xB, s28;
	v10 =	vor.u32 v6, v10  }
0x5e: {  	v12 =	vadd.s32 s29, v0  }
0x5f: {  	v14 =	vshll.u32 v12, $0x9;
	v15 =	vshll.u32 v12, $0x7  }
0x60: {  	v14 =	vand.u32 $0x3000, v14;
	v15 =	vand.u32 $0x380, v15  }
0x61: {  	[tilespmem:v9+s17+$0x0] =	vst.idx.msk $0xffff, v11;
	v9 =	vand.u32 $0x1F, v13;
	v11 =	vor.u32 v14, v15  }
0x62: {  	v10 =	vld.idx.msk [tilespmem:v10+s3+$0x0], $0xffff;
	v9 =	vor.u32 v9, v8;
	v11 =	vor.u32 v7, v11  }
0x63: {  	s29 =	sor.u32 $0xC, s28;
	v11 =	vor.u32 v6, v11  }
0x64: {  	v13 =	vadd.s32 s29, v0  }
0x65: {  	v14 =	vshll.u32 v13, $0x9;
	v15 =	vshll.u32 v13, $0x7  }
0x66: {  	v14 =	vand.u32 $0x3000, v14;
	v15 =	vand.u32 $0x380, v15  }
0x67: {  	[tilespmem:v9+s17+$0x0] =	vst.idx.msk $0xffff, v10;
	v9 =	vand.u32 $0x1F, v12;
	v10 =	vor.u32 v14, v15  }
0x68: {  	v11 =	vld.idx.msk [tilespmem:v11+s3+$0x0], $0xffff;
	v9 =	vor.u32 v9, v8;
	v10 =	vor.u32 v7, v10  }
0x69: {  	s29 =	sor.u32 $0xD, s28;
	v10 =	vor.u32 v6, v10  }
0x6a: {  	v12 =	vadd.s32 s29, v0  }
0x6b: {  	v14 =	vshll.u32 v12, $0x9;
	v15 =	vshll.u32 v12, $0x7  }
0x6c: {  	v14 =	vand.u32 $0x3000, v14;
	v15 =	vand.u32 $0x380, v15  }
0x6d: {  	[tilespmem:v9+s17+$0x0] =	vst.idx.msk $0xffff, v11;
	v9 =	vand.u32 $0x1F, v13;
	v11 =	vor.u32 v14, v15  }
0x6e: {  	v10 =	vld.idx.msk [tilespmem:v10+s3+$0x0], $0xffff;
	v9 =	vor.u32 v9, v8;
	v11 =	vor.u32 v7, v11  }
0x6f: {  	s29 =	sor.u32 $0xE, s28;
	v11 =	vor.u32 v6, v11  }
0x70: {  	v13 =	vadd.s32 s29, v0  }
0x71: {  	v14 =	vshll.u32 v13, $0x9;
	v15 =	vshll.u32 v13, $0x7  }
0x72: {  	v14 =	vand.u32 $0x3000, v14;
	v15 =	vand.u32 $0x380, v15  }
0x73: {  	[tilespmem:v9+s17+$0x0] =	vst.idx.msk $0xffff, v10;
	v9 =	vand.u32 $0x1F, v12;
	v10 =	vor.u32 v14, v15  }
0x74: {  	v11 =	vld.idx.msk [tilespmem:v11+s3+$0x0], $0xffff;
	v12 =	vor.u32 v9, v8;
	v9 =	vor.u32 v7, v10  }
0x75: {  	v10 =	vor.u32 v6, v9  }
0x76: {  	s28 =	sor.u32 $0xF, s28  }
0x77: {  	v9 =	vadd.s32 s28, v0  }
0x78: {  	v14 =	vshll.u32 v9, $0x9;
	v15 =	vshll.u32 v9, $0x7  }
0x79: {  	s28 =	sshll.u32 s26, $0x6;
	[tilespmem:v12+s17+$0x0] =	vst.idx.msk $0xffff, v11;
	v12 =	vand.u32 $0x3000, v14;
	v14 =	vand.u32 $0x380, v15  }
0x7a: {  	s29 =	sor.u32 s4, s28;
	v11 =	vand.u32 $0x1F, v13;
	v10 =	vld.idx.msk [tilespmem:v10+s3+$0x0], $0xffff;
	v12 =	vor.u32 v12, v14  }
.LBB2_3:
0x7b: {  	s30 =	sadd.s32 $0x10, s30;
	v11 =	vor.u32 v11, v8;
	v7 =	vor.u32 v7, v12  }
0x7c: {  	s0 =	sshrl.u32 s30, $0x5;
	p2 =	slt.u32 s30, $0x3F0;
	v12 =	vor.u32 v6, v7  }
0x7d: {  	s1 =	sshll.u32 s0, $0x4  }
0x7e: {  	s31 =	sand.u32 $0x10, s30;
	v6 =	vmov s1  }
0x7f: {  	v7 =	vmov s31;
	v13 =	vor.u32 s1, v0;
	v14 =	vshll.u32 v6, $0x3  }
0x80: {  	v15 =	vshll.u32 v7, $0x9;
	v6 =	vand.u32 $0x7F, v13;
	v7 =	vand.u32 $0xC00, v14;
	[tilespmem:v11+s17+$0x0] =	vst.idx.msk $0xffff, v10  }
0x81: {  	v13 =	vand.u32 $0x1F, v9;
	v10 =	vor.u32 v1, v15;
	v11 =	vor.u32 v7, v6;
	v12 =	vld.idx.msk [tilespmem:v12+s3+$0x0], $0xffff  }
0x82: {  	v8 =	vor.u32 v13, v8;
	v10 =	vand.u32 $0x3000, v10;
	v9 =	vor.u32 v2, v11  }
0x83: {  	v10 =	vor.u32 v10, v9  }
0x84: {  	s1 =	sor.u32 $0x1, s31  }
0x85: {  	v11 =	vadd.s32 s1, v0  }
0x86: {  	v13 =	vshll.u32 v11, $0x9;
	v14 =	vshll.u32 v11, $0x7  }
0x87: {  	s0 =	sshll.u32 s0, $0x9;
	v13 =	vand.u32 $0x3000, v13;
	v14 =	vand.u32 $0x380, v14;
	[tilespmem:v8+s17+$0x0] =	vst.idx.msk $0xffff, v12  }
0x88: {  	s1 =	sor.u32 s31, s0;
	v8 =	vld.idx.msk [tilespmem:v10+s3+$0x0], $0xffff;
	v10 =	vor.u32 v13, v14  }
0x89: {  	v12 =	vor.u32 s1, v3;
	v10 =	vor.u32 v7, v10  }
0x8a: {  	v10 =	vor.u32 v6, v10  }
0x8b: {  	s1 =	sor.u32 $0x2, s31  }
0x8c: {  	v13 =	vadd.s32 s1, v0  }
0x8d: {  	v14 =	vshll.u32 v13, $0x9;
	v15 =	vshll.u32 v13, $0x7  }
0x8e: {  	[tilespmem:v12+s17+$0x0] =	vst.idx.msk $0xffff, v8;
	v12 =	vand.u32 $0x3000, v14;
	v14 =	vand.u32 $0x380, v15  }
0x8f: {  	v11 =	vand.u32 $0x1F, v11;
	v8 =	vor.u32 s0, v4;
	v10 =	vld.idx.msk [tilespmem:v10+s3+$0x0], $0xffff;
	v12 =	vor.u32 v12, v14  }
0x90: {  	v11 =	vor.u32 v11, v8;
	v12 =	vor.u32 v7, v12  }
0x91: {  	v12 =	vor.u32 v6, v12  }
0x92: {  	s0 =	sor.u32 $0x3, s31  }
0x93: {  	v14 =	vadd.s32 s0, v0  }
0x94: {  	v15 =	vshll.u32 v14, $0x9;
	v16 =	vshll.u32 v14, $0x7  }
0x95: {  	[tilespmem:v11+s17+$0x0] =	vst.idx.msk $0xffff, v10;
	v10 =	vand.u32 $0x3000, v15;
	v11 =	vand.u32 $0x380, v16  }
0x96: {  	v13 =	vand.u32 $0x1F, v13;
	v12 =	vld.idx.msk [tilespmem:v12+s3+$0x0], $0xffff;
	v10 =	vor.u32 v10, v11  }
0x97: {  	v11 =	vor.u32 v13, v8;
	v10 =	vor.u32 v7, v10  }
0x98: {  	v10 =	vor.u32 v6, v10  }
0x99: {  	s0 =	sor.u32 $0x4, s31  }
0x9a: {  	v13 =	vadd.s32 s0, v0  }
0x9b: {  	v15 =	vshll.u32 v13, $0x9;
	v16 =	vshll.u32 v13, $0x7  }
0x9c: {  	[tilespmem:v11+s17+$0x0] =	vst.idx.msk $0xffff, v12;
	v11 =	vand.u32 $0x3000, v15;
	v12 =	vand.u32 $0x380, v16  }
0x9d: {  	v14 =	vand.u32 $0x1F, v14;
	v10 =	vld.idx.msk [tilespmem:v10+s3+$0x0], $0xffff;
	v11 =	vor.u32 v11, v12  }
0x9e: {  	v12 =	vor.u32 v14, v8;
	v11 =	vor.u32 v7, v11  }
0x9f: {  	v11 =	vor.u32 v6, v11  }
0xa0: {  	s0 =	sor.u32 $0x5, s31  }
0xa1: {  	v14 =	vadd.s32 s0, v0  }
0xa2: {  	v15 =	vshll.u32 v14, $0x9;
	v16 =	vshll.u32 v14, $0x7  }
0xa3: {  	[tilespmem:v12+s17+$0x0] =	vst.idx.msk $0xffff, v10;
	v10 =	vand.u32 $0x3000, v15;
	v12 =	vand.u32 $0x380, v16  }
0xa4: {  	v13 =	vand.u32 $0x1F, v13;
	v11 =	vld.idx.msk [tilespmem:v11+s3+$0x0], $0xffff;
	v10 =	vor.u32 v10, v12  }
0xa5: {  	v12 =	vor.u32 v13, v8;
	v10 =	vor.u32 v7, v10  }
0xa6: {  	v10 =	vor.u32 v6, v10  }
0xa7: {  	s0 =	sor.u32 $0x6, s31  }
0xa8: {  	v13 =	vadd.s32 s0, v0  }
0xa9: {  	v15 =	vshll.u32 v13, $0x9;
	v16 =	vshll.u32 v13, $0x7  }
0xaa: {  	[tilespmem:v12+s17+$0x0] =	vst.idx.msk $0xffff, v11;
	v11 =	vand.u32 $0x3000, v15;
	v12 =	vand.u32 $0x380, v16  }
0xab: {  	v14 =	vand.u32 $0x1F, v14;
	v10 =	vld.idx.msk [tilespmem:v10+s3+$0x0], $0xffff;
	v11 =	vor.u32 v11, v12  }
0xac: {  	v12 =	vor.u32 v14, v8;
	v11 =	vor.u32 v7, v11  }
0xad: {  	v11 =	vor.u32 v6, v11  }
0xae: {  	s0 =	sor.u32 $0x7, s31  }
0xaf: {  	v14 =	vadd.s32 s0, v0  }
0xb0: {  	v15 =	vshll.u32 v14, $0x9;
	v16 =	vshll.u32 v14, $0x7  }
0xb1: {  	[tilespmem:v12+s17+$0x0] =	vst.idx.msk $0xffff, v10;
	v10 =	vand.u32 $0x3000, v15;
	v12 =	vand.u32 $0x380, v16  }
0xb2: {  	v13 =	vand.u32 $0x1F, v13;
	v11 =	vld.idx.msk [tilespmem:v11+s3+$0x0], $0xffff;
	v10 =	vor.u32 v10, v12  }
0xb3: {  	v12 =	vor.u32 v13, v8;
	v10 =	vor.u32 v7, v10  }
0xb4: {  	v10 =	vor.u32 v6, v10;
	_ =	sdelay $0x2  }
0xb5: {  	s0 =	sor.u32 $0x8, s31  }
0xb6: {  	[tilespmem:v12+s17+$0x0] =	vst.idx.msk $0xffff, v11;
	v11 =	vadd.s32 s0, v0  }
0xb7: {  	v12 =	vand.u32 $0x1F, v14;
	v10 =	vld.idx.msk [tilespmem:v10+s3+$0x0], $0xffff;
	v13 =	vshll.u32 v11, $0x9  }
0xb8: {  	v12 =	vor.u32 v12, v8;
	v13 =	vand.u32 $0x3000, v13  }
0xb9: {  	v9 =	vor.u32 v13, v9  }
0xba: {  	s0 =	sor.u32 $0x9, s31  }
0xbb: {  	v13 =	vadd.s32 s0, v0  }
0xbc: {  	v14 =	vshll.u32 v13, $0x9;
	v15 =	vshll.u32 v13, $0x7  }
0xbd: {  	[tilespmem:v12+s17+$0x0] =	vst.idx.msk $0xffff, v10;
	v10 =	vand.u32 $0x3000, v14;
	v12 =	vand.u32 $0x380, v15  }
0xbe: {  	v11 =	vand.u32 $0x1F, v11;
	v9 =	vld.idx.msk [tilespmem:v9+s3+$0x0], $0xffff;
	v10 =	vor.u32 v10, v12  }
0xbf: {  	v11 =	vor.u32 v11, v8;
	v10 =	vor.u32 v7, v10  }
0xc0: {  	v10 =	vor.u32 v6, v10  }
0xc1: {  	s0 =	sor.u32 $0xA, s31  }
0xc2: {  	v12 =	vadd.s32 s0, v0  }
0xc3: {  	v14 =	vshll.u32 v12, $0x9;
	v15 =	vshll.u32 v12, $0x7  }
0xc4: {  	[tilespmem:v11+s17+$0x0] =	vst.idx.msk $0xffff, v9;
	v9 =	vand.u32 $0x3000, v14;
	v11 =	vand.u32 $0x380, v15  }
0xc5: {  	v13 =	vand.u32 $0x1F, v13;
	v10 =	vld.idx.msk [tilespmem:v10+s3+$0x0], $0xffff;
	v9 =	vor.u32 v9, v11  }
0xc6: {  	v11 =	vor.u32 v13, v8;
	v9 =	vor.u32 v7, v9  }
0xc7: {  	v9 =	vor.u32 v6, v9  }
0xc8: {  	s0 =	sor.u32 $0xB, s31  }
0xc9: {  	v13 =	vadd.s32 s0, v0  }
0xca: {  	v14 =	vshll.u32 v13, $0x9;
	v15 =	vshll.u32 v13, $0x7  }
0xcb: {  	[tilespmem:v11+s17+$0x0] =	vst.idx.msk $0xffff, v10;
	v10 =	vand.u32 $0x3000, v14;
	v11 =	vand.u32 $0x380, v15  }
0xcc: {  	v12 =	vand.u32 $0x1F, v12;
	v9 =	vld.idx.msk [tilespmem:v9+s3+$0x0], $0xffff;
	v10 =	vor.u32 v10, v11  }
0xcd: {  	v11 =	vor.u32 v12, v8;
	v10 =	vor.u32 v7, v10  }
0xce: {  	v10 =	vor.u32 v6, v10  }
0xcf: {  	s0 =	sor.u32 $0xC, s31  }
0xd0: {  	v12 =	vadd.s32 s0, v0  }
0xd1: {  	v14 =	vshll.u32 v12, $0x9;
	v15 =	vshll.u32 v12, $0x7  }
0xd2: {  	[tilespmem:v11+s17+$0x0] =	vst.idx.msk $0xffff, v9;
	v9 =	vand.u32 $0x3000, v14;
	v11 =	vand.u32 $0x380, v15  }
0xd3: {  	v13 =	vand.u32 $0x1F, v13;
	v10 =	vld.idx.msk [tilespmem:v10+s3+$0x0], $0xffff;
	v9 =	vor.u32 v9, v11  }
0xd4: {  	v11 =	vor.u32 v13, v8;
	v9 =	vor.u32 v7, v9  }
0xd5: {  	v9 =	vor.u32 v6, v9  }
0xd6: {  	s0 =	sor.u32 $0xD, s31  }
0xd7: {  	v13 =	vadd.s32 s0, v0  }
0xd8: {  	v14 =	vshll.u32 v13, $0x9;
	v15 =	vshll.u32 v13, $0x7  }
0xd9: {  	[tilespmem:v11+s17+$0x0] =	vst.idx.msk $0xffff, v10;
	v10 =	vand.u32 $0x3000, v14;
	v11 =	vand.u32 $0x380, v15  }
0xda: {  	v12 =	vand.u32 $0x1F, v12;
	v9 =	vld.idx.msk [tilespmem:v9+s3+$0x0], $0xffff;
	v10 =	vor.u32 v10, v11  }
0xdb: {  	v11 =	vor.u32 v12, v8;
	v10 =	vor.u32 v7, v10  }
0xdc: {  	v10 =	vor.u32 v6, v10  }
0xdd: {  	s0 =	sor.u32 $0xE, s31  }
0xde: {  	v12 =	vadd.s32 s0, v0  }
0xdf: {  	v14 =	vshll.u32 v12, $0x9;
	v15 =	vshll.u32 v12, $0x7  }
0xe0: {  	[tilespmem:v11+s17+$0x0] =	vst.idx.msk $0xffff, v9;
	v9 =	vand.u32 $0x3000, v14;
	v11 =	vand.u32 $0x380, v15  }
0xe1: {  	v13 =	vand.u32 $0x1F, v13;
	v10 =	vld.idx.msk [tilespmem:v10+s3+$0x0], $0xffff;
	v9 =	vor.u32 v9, v11  }
0xe2: {  	v11 =	vor.u32 v13, v8;
	v9 =	vor.u32 v7, v9  }
0xe3: {  	v13 =	vor.u32 v6, v9  }
.Ltmp3:
0xe4: {  	s0 =	sor.u32 $0xF, s31;
	(pc) =	sbr.rel @p2 .LBB2_3-.Ltmp3, $4  }
0xe5: {  	v9 =	vadd.s32 s0, v0  }
0xe6: {  	v14 =	vshll.u32 v9, $0x9;
	v15 =	vshll.u32 v9, $0x7  }
0xe7: {  	v14 =	vand.u32 $0x3000, v14;
	v15 =	vand.u32 $0x380, v15;
	[tilespmem:v11+s17+$0x0] =	vst.idx.msk $0xffff, v10  }
0xe8: {  	v11 =	vand.u32 $0x1F, v12;
	v12 =	vor.u32 v14, v15;
	v10 =	vld.idx.msk [tilespmem:v13+s3+$0x0], $0xffff  }
0xe9: {  	v11 =	vor.u32 v11, v8;
	v7 =	vor.u32 v7, v12  }
0xea: {  	v6 =	vor.u32 v6, v7;
	_ =	sdelay $0x3  }
0xeb: {  	v7 =	vand.u32 $0x1F, v9;
	[tilespmem:v11+s17+$0x0] =	vst.idx.msk $0xffff, v10  }
0xec: {  	v7 =	vor.u32 v7, v8;
	v6 =	vld.idx.msk [tilespmem:v6+s3+$0x0], $0xffff;
	_ =	sdelay $0x3  }
0xed: {  	s0 =	sshll.u32 s29, $0xB  }
0xee: {  	p2 =	seq.s32 s26, $0x1E;
	s0 =	sadd.s32 s5, s0;
	[tilespmem:v7+s17+$0x0] =	vst.idx.msk $0xffff, v6  }
0xef: {  	[hbm4b:s0+s3] =	stream.linear.scatter [tilespmem:s17], [sflag:$0x3], $0x4000, $0x38;
	[tilespmem:$0x11000] =	vst v63  }
0xf0: {  	s30 =	simm.s32 $0x0;
	s1 =	simm.s32 $0x0;
	s0 =	sadd.s32 @!p2 s8, s28  }
0xf1: {  	s31 =	sand.u32 $0x10, s30;
	v6 =	vmov s1;
	s0 =	smin.u32 @!p2 s0, $0x7A0  }
0xf2: {  	s22 =	simm.s32 @!p2 $0x7A1400;
	v8 =	vor.u32 s1, v0;
	v7 =	vmov s31;
	v9 =	vshll.u32 v6, $0x3;
	s0 =	sshll.u32 @!p2 s0, $0x9  }
0xf3: {  	s10 =	simm.s32 @!p2 $0x0;
	s1 =	simm.s32 @!p2 $0x1000;
	v10 =	vshll.u32 v7, $0x9;
	v6 =	vand.u32 $0x7F, v8;
	v7 =	vand.u32 $0xC00, v9;
	s0 =	sadd.s32 @!p2 s2, s0  }
0xf4: {  	v8 =	vor.u32 v1, v10;
	v9 =	vor.u32 v7, v6;
	[tilespmem:s10], [sflag:$0x1] =	stream.strided.gather @!p2 [hbm4b:s0+s1], $0x4000, s22, s1, $0x38;
	[tilespmem:$0x11000] =	vst v63  }
0xf5: {  	v8 =	vand.u32 $0x3000, v8;
	v9 =	vor.u32 v2, v9;
	_ =	swait.ge [sflag:s18], $0x4000  }
0xf6: {  	v8 =	vor.u32 v8, v9;
	s10 =	sor.u32 $0x1, s31;
	[sflag:s18] =	ssyncset.done $0x0  }
0xf7: {  	s1 =	simm.s32 @!p1 $0x4;
	v10 =	vadd.s32 s10, v0;
	[sflag:s18] =	ssyncadd.s32 $0xFFFFC000  }
0xf8: {  	v11 =	vshll.u32 v10, $0x9;
	v12 =	vshll.u32 v10, $0x7;
	_ =	swait.ge @!p1 [sflag:s1], $0x4000  }
0xf9: {  	s0 =	simm.s32 $0x0;
	v11 =	vand.u32 $0x3000, v11;
	v12 =	vand.u32 $0x380, v12;
	[sflag:s1] =	ssyncset.done @!p1 $0x0  }
0xfa: {  	s22 =	sor.u32 s31, s0;
	v11 =	vor.u32 v11, v12;
	[sflag:s1] =	ssyncadd.s32 @!p1 $0xFFFFC000  }
0xfb: {  	v12 =	vor.u32 s22, v3;
	v11 =	vor.u32 v7, v11;
	v8 =	vld.idx.msk [tilespmem:v8+s15+$0x0], $0xffff  }
0xfc: {  	s10 =	sor.u32 $0x2, s31;
	v11 =	vor.u32 v6, v11  }
0xfd: {  	v13 =	vadd.s32 s10, v0  }
0xfe: {  	v14 =	vshll.u32 v13, $0x9;
	v15 =	vshll.u32 v13, $0x7  }
0xff: {  	v14 =	vand.u32 $0x3000, v14;
	v15 =	vand.u32 $0x380, v15  }
0x100: {  	v10 =	vand.u32 $0x1F, v10;
	[tilespmem:v12+s19+$0x0] =	vst.idx.msk $0xffff, v8;
	v8 =	vor.u32 s0, v4;
	v12 =	vor.u32 v14, v15  }
0x101: {  	v11 =	vld.idx.msk [tilespmem:v11+s15+$0x0], $0xffff;
	v10 =	vor.u32 v10, v8;
	v12 =	vor.u32 v7, v12  }
0x102: {  	s22 =	sor.u32 $0x3, s31;
	v12 =	vor.u32 v6, v12  }
0x103: {  	v14 =	vadd.s32 s22, v0  }
0x104: {  	v15 =	vshll.u32 v14, $0x9;
	v16 =	vshll.u32 v14, $0x7  }
0x105: {  	v15 =	vand.u32 $0x3000, v15;
	v16 =	vand.u32 $0x380, v16  }
0x106: {  	[tilespmem:v10+s19+$0x0] =	vst.idx.msk $0xffff, v11;
	v10 =	vand.u32 $0x1F, v13;
	v11 =	vor.u32 v15, v16  }
0x107: {  	v12 =	vld.idx.msk [tilespmem:v12+s15+$0x0], $0xffff;
	v10 =	vor.u32 v10, v8;
	v11 =	vor.u32 v7, v11  }
0x108: {  	s1 =	sor.u32 $0x4, s31;
	v11 =	vor.u32 v6, v11  }
0x109: {  	v13 =	vadd.s32 s1, v0  }
0x10a: {  	v15 =	vshll.u32 v13, $0x9;
	v60 =	vshll.u32 v13, $0x7  }
0x10b: {  	v15 =	vand.u32 $0x3000, v15;
	v16 =	vand.u32 $0x380, v60  }
0x10c: {  	[tilespmem:v10+s19+$0x0] =	vst.idx.msk $0xffff, v12;
	v10 =	vand.u32 $0x1F, v14;
	v12 =	vor.u32 v15, v16  }
0x10d: {  	v11 =	vld.idx.msk [tilespmem:v11+s15+$0x0], $0xffff;
	v10 =	vor.u32 v10, v8;
	v12 =	vor.u32 v7, v12  }
0x10e: {  	s10 =	sor.u32 $0x5, s31;
	v12 =	vor.u32 v6, v12  }
0x10f: {  	v14 =	vadd.s32 s10, v0  }
0x110: {  	v15 =	vshll.u32 v14, $0x9;
	v61 =	vshll.u32 v14, $0x7  }
0x111: {  	v15 =	vand.u32 $0x3000, v15;
	v16 =	vand.u32 $0x380, v61  }
0x112: {  	[tilespmem:v10+s19+$0x0] =	vst.idx.msk $0xffff, v11;
	v10 =	vand.u32 $0x1F, v13;
	v11 =	vor.u32 v15, v16  }
0x113: {  	v12 =	vld.idx.msk [tilespmem:v12+s15+$0x0], $0xffff;
	v10 =	vor.u32 v10, v8;
	v11 =	vor.u32 v7, v11  }
0x114: {  	s22 =	sor.u32 $0x6, s31;
	v11 =	vor.u32 v6, v11  }
0x115: {  	v13 =	vadd.s32 s22, v0  }
0x116: {  	v15 =	vshll.u32 v13, $0x9;
	v62 =	vshll.u32 v13, $0x7  }
0x117: {  	v15 =	vand.u32 $0x3000, v15;
	v16 =	vand.u32 $0x380, v62  }
0x118: {  	[tilespmem:v10+s19+$0x0] =	vst.idx.msk $0xffff, v12;
	v10 =	vand.u32 $0x1F, v14;
	v12 =	vor.u32 v15, v16  }
0x119: {  	v11 =	vld.idx.msk [tilespmem:v11+s15+$0x0], $0xffff;
	v10 =	vor.u32 v10, v8;
	v12 =	vor.u32 v7, v12  }
0x11a: {  	s1 =	sor.u32 $0x7, s31;
	v12 =	vor.u32 v6, v12  }
0x11b: {  	v14 =	vadd.s32 s1, v0  }
0x11c: {  	v15 =	vshll.u32 v14, $0x9;
	v63 =	vshll.u32 v14, $0x7  }
0x11d: {  	v15 =	vand.u32 $0x3000, v15;
	v16 =	vand.u32 $0x380, v63  }
0x11e: {  	[tilespmem:v10+s19+$0x0] =	vst.idx.msk $0xffff, v11;
	v10 =	vand.u32 $0x1F, v13;
	v11 =	vor.u32 v15, v16  }
0x11f: {  	v12 =	vld.idx.msk [tilespmem:v12+s15+$0x0], $0xffff;
	v10 =	vor.u32 v10, v8;
	v11 =	vor.u32 v7, v11  }
0x120: {  	v11 =	vor.u32 v6, v11;
	_ =	sdelay $0x1  }
0x121: {  	s10 =	sor.u32 $0x8, s31  }
0x122: {  	v13 =	vadd.s32 s10, v0  }
0x123: {  	[tilespmem:v10+s19+$0x0] =	vst.idx.msk $0xffff, v12;
	v10 =	vand.u32 $0x1F, v14;
	v12 =	vshll.u32 v13, $0x9  }
0x124: {  	v11 =	vld.idx.msk [tilespmem:v11+s15+$0x0], $0xffff;
	v10 =	vor.u32 v10, v8;
	v12 =	vand.u32 $0x3000, v12  }
0x125: {  	s22 =	sor.u32 $0x9, s31;
	v9 =	vor.u32 v12, v9  }
0x126: {  	v12 =	vadd.s32 s22, v0  }
0x127: {  	v14 =	vshll.u32 v12, $0x9;
	v15 =	vshll.u32 v12, $0x7  }
0x128: {  	v14 =	vand.u32 $0x3000, v14;
	v15 =	vand.u32 $0x380, v15  }
0x129: {  	[tilespmem:v10+s19+$0x0] =	vst.idx.msk $0xffff, v11;
	v10 =	vand.u32 $0x1F, v13;
	v11 =	vor.u32 v14, v15  }
0x12a: {  	v9 =	vld.idx.msk [tilespmem:v9+s15+$0x0], $0xffff;
	v10 =	vor.u32 v10, v8;
	v11 =	vor.u32 v7, v11  }
0x12b: {  	s1 =	sor.u32 $0xA, s31;
	v11 =	vor.u32 v6, v11  }
0x12c: {  	v13 =	vadd.s32 s1, v0  }
0x12d: {  	v14 =	vshll.u32 v13, $0x9;
	v15 =	vshll.u32 v13, $0x7  }
0x12e: {  	v14 =	vand.u32 $0x3000, v14;
	v15 =	vand.u32 $0x380, v15  }
0x12f: {  	[tilespmem:v10+s19+$0x0] =	vst.idx.msk $0xffff, v9;
	v9 =	vand.u32 $0x1F, v12;
	v10 =	vor.u32 v14, v15  }
0x130: {  	v11 =	vld.idx.msk [tilespmem:v11+s15+$0x0], $0xffff;
	v9 =	vor.u32 v9, v8;
	v10 =	vor.u32 v7, v10  }
0x131: {  	s10 =	sor.u32 $0xB, s31;
	v10 =	vor.u32 v6, v10  }
0x132: {  	v12 =	vadd.s32 s10, v0  }
0x133: {  	v14 =	vshll.u32 v12, $0x9;
	v15 =	vshll.u32 v12, $0x7  }
0x134: {  	v14 =	vand.u32 $0x3000, v14;
	v15 =	vand.u32 $0x380, v15  }
0x135: {  	[tilespmem:v9+s19+$0x0] =	vst.idx.msk $0xffff, v11;
	v9 =	vand.u32 $0x1F, v13;
	v11 =	vor.u32 v14, v15  }
0x136: {  	v10 =	vld.idx.msk [tilespmem:v10+s15+$0x0], $0xffff;
	v9 =	vor.u32 v9, v8;
	v11 =	vor.u32 v7, v11  }
0x137: {  	s22 =	sor.u32 $0xC, s31;
	v11 =	vor.u32 v6, v11  }
0x138: {  	v13 =	vadd.s32 s22, v0  }
0x139: {  	v14 =	vshll.u32 v13, $0x9;
	v15 =	vshll.u32 v13, $0x7  }
0x13a: {  	v14 =	vand.u32 $0x3000, v14;
	v15 =	vand.u32 $0x380, v15  }
0x13b: {  	[tilespmem:v9+s19+$0x0] =	vst.idx.msk $0xffff, v10;
	v9 =	vand.u32 $0x1F, v12;
	v10 =	vor.u32 v14, v15  }
0x13c: {  	v11 =	vld.idx.msk [tilespmem:v11+s15+$0x0], $0xffff;
	v9 =	vor.u32 v9, v8;
	v10 =	vor.u32 v7, v10  }
0x13d: {  	s1 =	sor.u32 $0xD, s31;
	v10 =	vor.u32 v6, v10  }
0x13e: {  	v12 =	vadd.s32 s1, v0  }
0x13f: {  	v14 =	vshll.u32 v12, $0x9;
	v15 =	vshll.u32 v12, $0x7  }
0x140: {  	v14 =	vand.u32 $0x3000, v14;
	v15 =	vand.u32 $0x380, v15  }
0x141: {  	[tilespmem:v9+s19+$0x0] =	vst.idx.msk $0xffff, v11;
	v9 =	vand.u32 $0x1F, v13;
	v11 =	vor.u32 v14, v15  }
0x142: {  	v10 =	vld.idx.msk [tilespmem:v10+s15+$0x0], $0xffff;
	v9 =	vor.u32 v9, v8;
	v11 =	vor.u32 v7, v11  }
0x143: {  	s10 =	sor.u32 $0xE, s31;
	v11 =	vor.u32 v6, v11  }
0x144: {  	v13 =	vadd.s32 s10, v0  }
0x145: {  	v14 =	vshll.u32 v13, $0x9;
	v15 =	vshll.u32 v13, $0x7  }
0x146: {  	v14 =	vand.u32 $0x3000, v14;
	v15 =	vand.u32 $0x380, v15  }
0x147: {  	[tilespmem:v9+s19+$0x0] =	vst.idx.msk $0xffff, v10;
	v9 =	vand.u32 $0x1F, v12;
	v10 =	vor.u32 v14, v15  }
0x148: {  	v11 =	vld.idx.msk [tilespmem:v11+s15+$0x0], $0xffff;
	v12 =	vor.u32 v9, v8;
	v9 =	vor.u32 v7, v10  }
0x149: {  	v10 =	vor.u32 v6, v9  }
0x14a: {  	s22 =	sor.u32 $0xF, s31  }
0x14b: {  	v9 =	vadd.s32 s22, v0  }
0x14c: {  	v14 =	vshll.u32 v9, $0x9;
	v15 =	vshll.u32 v9, $0x7  }
0x14d: {  	s31 =	sor.u32 $0x20, s29;
	[tilespmem:v12+s19+$0x0] =	vst.idx.msk $0xffff, v11;
	v12 =	vand.u32 $0x3000, v14;
	v14 =	vand.u32 $0x380, v15  }
0x14e: {  	s29 =	smin.u32 s31, $0x7A0;
	v11 =	vand.u32 $0x1F, v13;
	v10 =	vld.idx.msk [tilespmem:v10+s15+$0x0], $0xffff;
	v12 =	vor.u32 v12, v14  }
.LBB2_5:
0x14f: {  	s30 =	sadd.s32 $0x10, s30;
	v11 =	vor.u32 v11, v8;
	v7 =	vor.u32 v7, v12  }
0x150: {  	s0 =	sshrl.u32 s30, $0x5;
	p1 =	slt.u32 s30, $0x3F0;
	v12 =	vor.u32 v6, v7  }
0x151: {  	s1 =	sshll.u32 s0, $0x4  }
0x152: {  	s31 =	sand.u32 $0x10, s30;
	v6 =	vmov s1  }
0x153: {  	v7 =	vmov s31;
	v13 =	vor.u32 s1, v0;
	v14 =	vshll.u32 v6, $0x3  }
0x154: {  	v15 =	vshll.u32 v7, $0x9;
	v6 =	vand.u32 $0x7F, v13;
	v7 =	vand.u32 $0xC00, v14;
	[tilespmem:v11+s19+$0x0] =	vst.idx.msk $0xffff, v10  }
0x155: {  	v13 =	vand.u32 $0x1F, v9;
	v10 =	vor.u32 v1, v15;
	v11 =	vor.u32 v7, v6;
	v12 =	vld.idx.msk [tilespmem:v12+s15+$0x0], $0xffff  }
0x156: {  	v8 =	vor.u32 v13, v8;
	v10 =	vand.u32 $0x3000, v10;
	v9 =	vor.u32 v2, v11  }
0x157: {  	v10 =	vor.u32 v10, v9  }
0x158: {  	s1 =	sor.u32 $0x1, s31  }
0x159: {  	v11 =	vadd.s32 s1, v0  }
0x15a: {  	v13 =	vshll.u32 v11, $0x9;
	v14 =	vshll.u32 v11, $0x7  }
0x15b: {  	s0 =	sshll.u32 s0, $0x9;
	v13 =	vand.u32 $0x3000, v13;
	v14 =	vand.u32 $0x380, v14;
	[tilespmem:v8+s19+$0x0] =	vst.idx.msk $0xffff, v12  }
0x15c: {  	s1 =	sor.u32 s31, s0;
	v8 =	vld.idx.msk [tilespmem:v10+s15+$0x0], $0xffff;
	v10 =	vor.u32 v13, v14  }
0x15d: {  	v12 =	vor.u32 s1, v3;
	v10 =	vor.u32 v7, v10  }
0x15e: {  	v10 =	vor.u32 v6, v10  }
0x15f: {  	s1 =	sor.u32 $0x2, s31  }
0x160: {  	v13 =	vadd.s32 s1, v0  }
0x161: {  	v14 =	vshll.u32 v13, $0x9;
	v15 =	vshll.u32 v13, $0x7  }
0x162: {  	[tilespmem:v12+s19+$0x0] =	vst.idx.msk $0xffff, v8;
	v12 =	vand.u32 $0x3000, v14;
	v14 =	vand.u32 $0x380, v15  }
0x163: {  	v11 =	vand.u32 $0x1F, v11;
	v8 =	vor.u32 s0, v4;
	v10 =	vld.idx.msk [tilespmem:v10+s15+$0x0], $0xffff;
	v12 =	vor.u32 v12, v14  }
0x164: {  	v11 =	vor.u32 v11, v8;
	v12 =	vor.u32 v7, v12  }
0x165: {  	v12 =	vor.u32 v6, v12  }
0x166: {  	s0 =	sor.u32 $0x3, s31  }
0x167: {  	v14 =	vadd.s32 s0, v0  }
0x168: {  	v15 =	vshll.u32 v14, $0x9;
	v16 =	vshll.u32 v14, $0x7  }
0x169: {  	[tilespmem:v11+s19+$0x0] =	vst.idx.msk $0xffff, v10;
	v10 =	vand.u32 $0x3000, v15;
	v11 =	vand.u32 $0x380, v16  }
0x16a: {  	v13 =	vand.u32 $0x1F, v13;
	v12 =	vld.idx.msk [tilespmem:v12+s15+$0x0], $0xffff;
	v10 =	vor.u32 v10, v11  }
0x16b: {  	v11 =	vor.u32 v13, v8;
	v10 =	vor.u32 v7, v10  }
0x16c: {  	v10 =	vor.u32 v6, v10  }
0x16d: {  	s0 =	sor.u32 $0x4, s31  }
0x16e: {  	v13 =	vadd.s32 s0, v0  }
0x16f: {  	v15 =	vshll.u32 v13, $0x9;
	v16 =	vshll.u32 v13, $0x7  }
0x170: {  	[tilespmem:v11+s19+$0x0] =	vst.idx.msk $0xffff, v12;
	v11 =	vand.u32 $0x3000, v15;
	v12 =	vand.u32 $0x380, v16  }
0x171: {  	v14 =	vand.u32 $0x1F, v14;
	v10 =	vld.idx.msk [tilespmem:v10+s15+$0x0], $0xffff;
	v11 =	vor.u32 v11, v12  }
0x172: {  	v12 =	vor.u32 v14, v8;
	v11 =	vor.u32 v7, v11  }
0x173: {  	v11 =	vor.u32 v6, v11  }
0x174: {  	s0 =	sor.u32 $0x5, s31  }
0x175: {  	v14 =	vadd.s32 s0, v0  }
0x176: {  	v15 =	vshll.u32 v14, $0x9;
	v16 =	vshll.u32 v14, $0x7  }
0x177: {  	[tilespmem:v12+s19+$0x0] =	vst.idx.msk $0xffff, v10;
	v10 =	vand.u32 $0x3000, v15;
	v12 =	vand.u32 $0x380, v16  }
0x178: {  	v13 =	vand.u32 $0x1F, v13;
	v11 =	vld.idx.msk [tilespmem:v11+s15+$0x0], $0xffff;
	v10 =	vor.u32 v10, v12  }
0x179: {  	v12 =	vor.u32 v13, v8;
	v10 =	vor.u32 v7, v10  }
0x17a: {  	v10 =	vor.u32 v6, v10  }
0x17b: {  	s0 =	sor.u32 $0x6, s31  }
0x17c: {  	v13 =	vadd.s32 s0, v0  }
0x17d: {  	v15 =	vshll.u32 v13, $0x9;
	v16 =	vshll.u32 v13, $0x7  }
0x17e: {  	[tilespmem:v12+s19+$0x0] =	vst.idx.msk $0xffff, v11;
	v11 =	vand.u32 $0x3000, v15;
	v12 =	vand.u32 $0x380, v16  }
0x17f: {  	v14 =	vand.u32 $0x1F, v14;
	v10 =	vld.idx.msk [tilespmem:v10+s15+$0x0], $0xffff;
	v11 =	vor.u32 v11, v12  }
0x180: {  	v12 =	vor.u32 v14, v8;
	v11 =	vor.u32 v7, v11  }
0x181: {  	v11 =	vor.u32 v6, v11  }
0x182: {  	s0 =	sor.u32 $0x7, s31  }
0x183: {  	v14 =	vadd.s32 s0, v0  }
0x184: {  	v15 =	vshll.u32 v14, $0x9;
	v16 =	vshll.u32 v14, $0x7  }
0x185: {  	[tilespmem:v12+s19+$0x0] =	vst.idx.msk $0xffff, v10;
	v10 =	vand.u32 $0x3000, v15;
	v12 =	vand.u32 $0x380, v16  }
0x186: {  	v13 =	vand.u32 $0x1F, v13;
	v11 =	vld.idx.msk [tilespmem:v11+s15+$0x0], $0xffff;
	v10 =	vor.u32 v10, v12  }
0x187: {  	v12 =	vor.u32 v13, v8;
	v10 =	vor.u32 v7, v10  }
0x188: {  	v10 =	vor.u32 v6, v10;
	_ =	sdelay $0x2  }
0x189: {  	s0 =	sor.u32 $0x8, s31  }
0x18a: {  	[tilespmem:v12+s19+$0x0] =	vst.idx.msk $0xffff, v11;
	v11 =	vadd.s32 s0, v0  }
0x18b: {  	v12 =	vand.u32 $0x1F, v14;
	v10 =	vld.idx.msk [tilespmem:v10+s15+$0x0], $0xffff;
	v13 =	vshll.u32 v11, $0x9  }
0x18c: {  	v12 =	vor.u32 v12, v8;
	v13 =	vand.u32 $0x3000, v13  }
0x18d: {  	v9 =	vor.u32 v13, v9  }
0x18e: {  	s0 =	sor.u32 $0x9, s31  }
0x18f: {  	v13 =	vadd.s32 s0, v0  }
0x190: {  	v14 =	vshll.u32 v13, $0x9;
	v15 =	vshll.u32 v13, $0x7  }
0x191: {  	[tilespmem:v12+s19+$0x0] =	vst.idx.msk $0xffff, v10;
	v10 =	vand.u32 $0x3000, v14;
	v12 =	vand.u32 $0x380, v15  }
0x192: {  	v11 =	vand.u32 $0x1F, v11;
	v9 =	vld.idx.msk [tilespmem:v9+s15+$0x0], $0xffff;
	v10 =	vor.u32 v10, v12  }
0x193: {  	v11 =	vor.u32 v11, v8;
	v10 =	vor.u32 v7, v10  }
0x194: {  	v10 =	vor.u32 v6, v10  }
0x195: {  	s0 =	sor.u32 $0xA, s31  }
0x196: {  	v12 =	vadd.s32 s0, v0  }
0x197: {  	v14 =	vshll.u32 v12, $0x9;
	v15 =	vshll.u32 v12, $0x7  }
0x198: {  	[tilespmem:v11+s19+$0x0] =	vst.idx.msk $0xffff, v9;
	v9 =	vand.u32 $0x3000, v14;
	v11 =	vand.u32 $0x380, v15  }
0x199: {  	v13 =	vand.u32 $0x1F, v13;
	v10 =	vld.idx.msk [tilespmem:v10+s15+$0x0], $0xffff;
	v9 =	vor.u32 v9, v11  }
0x19a: {  	v11 =	vor.u32 v13, v8;
	v9 =	vor.u32 v7, v9  }
0x19b: {  	v9 =	vor.u32 v6, v9  }
0x19c: {  	s0 =	sor.u32 $0xB, s31  }
0x19d: {  	v13 =	vadd.s32 s0, v0  }
0x19e: {  	v14 =	vshll.u32 v13, $0x9;
	v15 =	vshll.u32 v13, $0x7  }
0x19f: {  	[tilespmem:v11+s19+$0x0] =	vst.idx.msk $0xffff, v10;
	v10 =	vand.u32 $0x3000, v14;
	v11 =	vand.u32 $0x380, v15  }
0x1a0: {  	v12 =	vand.u32 $0x1F, v12;
	v9 =	vld.idx.msk [tilespmem:v9+s15+$0x0], $0xffff;
	v10 =	vor.u32 v10, v11  }
0x1a1: {  	v11 =	vor.u32 v12, v8;
	v10 =	vor.u32 v7, v10  }
0x1a2: {  	v10 =	vor.u32 v6, v10  }
0x1a3: {  	s0 =	sor.u32 $0xC, s31  }
0x1a4: {  	v12 =	vadd.s32 s0, v0  }
0x1a5: {  	v14 =	vshll.u32 v12, $0x9;
	v15 =	vshll.u32 v12, $0x7  }
0x1a6: {  	[tilespmem:v11+s19+$0x0] =	vst.idx.msk $0xffff, v9;
	v9 =	vand.u32 $0x3000, v14;
	v11 =	vand.u32 $0x380, v15  }
0x1a7: {  	v13 =	vand.u32 $0x1F, v13;
	v10 =	vld.idx.msk [tilespmem:v10+s15+$0x0], $0xffff;
	v9 =	vor.u32 v9, v11  }
0x1a8: {  	v11 =	vor.u32 v13, v8;
	v9 =	vor.u32 v7, v9  }
0x1a9: {  	v9 =	vor.u32 v6, v9  }
0x1aa: {  	s0 =	sor.u32 $0xD, s31  }
0x1ab: {  	v13 =	vadd.s32 s0, v0  }
0x1ac: {  	v14 =	vshll.u32 v13, $0x9;
	v15 =	vshll.u32 v13, $0x7  }
0x1ad: {  	[tilespmem:v11+s19+$0x0] =	vst.idx.msk $0xffff, v10;
	v10 =	vand.u32 $0x3000, v14;
	v11 =	vand.u32 $0x380, v15  }
0x1ae: {  	v12 =	vand.u32 $0x1F, v12;
	v9 =	vld.idx.msk [tilespmem:v9+s15+$0x0], $0xffff;
	v10 =	vor.u32 v10, v11  }
0x1af: {  	v11 =	vor.u32 v12, v8;
	v10 =	vor.u32 v7, v10  }
0x1b0: {  	v10 =	vor.u32 v6, v10  }
0x1b1: {  	s0 =	sor.u32 $0xE, s31  }
0x1b2: {  	v12 =	vadd.s32 s0, v0  }
0x1b3: {  	v14 =	vshll.u32 v12, $0x9;
	v15 =	vshll.u32 v12, $0x7  }
0x1b4: {  	[tilespmem:v11+s19+$0x0] =	vst.idx.msk $0xffff, v9;
	v9 =	vand.u32 $0x3000, v14;
	v11 =	vand.u32 $0x380, v15  }
0x1b5: {  	v13 =	vand.u32 $0x1F, v13;
	v10 =	vld.idx.msk [tilespmem:v10+s15+$0x0], $0xffff;
	v9 =	vor.u32 v9, v11  }
0x1b6: {  	v11 =	vor.u32 v13, v8;
	v9 =	vor.u32 v7, v9  }
0x1b7: {  	v13 =	vor.u32 v6, v9  }
.Ltmp4:
0x1b8: {  	s0 =	sor.u32 $0xF, s31;
	(pc) =	sbr.rel @p1 .LBB2_5-.Ltmp4, $4  }
0x1b9: {  	v9 =	vadd.s32 s0, v0  }
0x1ba: {  	v14 =	vshll.u32 v9, $0x9;
	v15 =	vshll.u32 v9, $0x7  }
0x1bb: {  	v14 =	vand.u32 $0x3000, v14;
	v15 =	vand.u32 $0x380, v15;
	[tilespmem:v11+s19+$0x0] =	vst.idx.msk $0xffff, v10  }
0x1bc: {  	v11 =	vand.u32 $0x1F, v12;
	v12 =	vor.u32 v14, v15;
	v10 =	vld.idx.msk [tilespmem:v13+s15+$0x0], $0xffff  }
0x1bd: {  	v11 =	vor.u32 v11, v8;
	v7 =	vor.u32 v7, v12  }
0x1be: {  	v6 =	vor.u32 v6, v7;
	_ =	sdelay $0x3  }
0x1bf: {  	v7 =	vand.u32 $0x1F, v9;
	[tilespmem:v11+s19+$0x0] =	vst.idx.msk $0xffff, v10  }
0x1c0: {  	v7 =	vor.u32 v7, v8;
	v6 =	vld.idx.msk [tilespmem:v6+s15+$0x0], $0xffff;
	_ =	sdelay $0x1  }
.Ltmp5:
0x1c1: {  	_ = 	snop;
	(pc) =	sbr.rel @p2 .LBB2_8-.Ltmp5, $4  }
0x1c2: {  	_ = 	snop  }
0x1c3: {  	s0 =	sshll.u32 s29, $0xB  }
0x1c4: {  	s0 =	sadd.s32 s5, s0;
	[tilespmem:v7+s19+$0x0] =	vst.idx.msk $0xffff, v6  }
0x1c5: {  	[hbm4b:s0+s3] =	stream.linear.scatter [tilespmem:s19], [sflag:$0x4], $0x4000, $0x38;
	[tilespmem:$0x11000] =	vst v63  }
.Ltmp6:
0x1c6: {  	s0 =	sadd.s32 s9, s28;
	(pc) =	sbr.rel .LBB2_2-.Ltmp6, $4  }
0x1c7: {  	s0 =	smin.u32 s0, $0x7A0  }
0x1c8: {  	s0 =	sshll.u32 s0, $0x9  }
0x1c9: {  	s26 =	sadd.s32 $0x1, s26;
	s0 =	sadd.s32 s2, s0  }
0x1ca: {  	[tilespmem:s15], [sflag:$0x2] =	stream.strided.gather [hbm4b:s0+s13], $0x4000, s14, s13, $0x38;
	[tilespmem:$0x11000] =	vst v63  }
.LBB2_9:
0x1cb: {  	s26 =	simm.s32 $0x0  }
0x1cc: {  	s28 =	sand.u32 $0x10, s26  }
0x1cd: {  	v6 =	vmov s28  }
0x1ce: {  	s0 =	simm.s32 $0x0;
	v6 =	vshll.u32 v6, $0x7  }
0x1cf: {  	v7 =	vor.u32 s0, v0;
	v6 =	vor.u32 v5, v6  }
0x1d0: {  	s31 =	rddreg [dreg:$0x3];
	s1 =	simm.s32 $0x400;
	v6 =	vadd.s32 v7, v6  }
0x1d1: {  	[tilespmem:s23], [sflag:$0x5] =	stream.strided.gather [hbm4b:s31+s1], $0x1000, s14, s1, $0x38;
	[tilespmem:$0x11000] =	vst v63  }
0x1d2: {  	_ =	swait.ge [sflag:s24], $0x1000;
	s10 =	sor.u32 $0x1, s28  }
0x1d3: {  	s22 =	simm.s32 $0x0;
	[sflag:s24] =	ssyncset.done $0x0;
	v8 =	vadd.s32 s10, v0  }
0x1d4: {  	s29 =	sor.u32 s28, s22;
	[sflag:s24] =	ssyncadd.s32 $0xFFFFF000;
	v8 =	vand.u32 $0x1F, v8  }
0x1d5: {  	v9 =	vor.u32 s29, v3;
	v10 =	vshll.u32 v8, $0x7;
	v6 =	vld.idx.msk [tilespmem:v6+s23+$0x0], $0xffff  }
0x1d6: {  	v10 =	vadd.s32 v7, v10;
	_ =	sdelay $0x1  }
0x1d7: {  	s30 =	sor.u32 $0x2, s28  }
0x1d8: {  	v11 =	vadd.s32 s30, v0  }
0x1d9: {  	[tilespmem:v9+s17+$0x0] =	vst.idx.msk $0xffff, v6;
	v6 =	vor.u32 s22, v4;
	v9 =	vand.u32 $0x1F, v11  }
0x1da: {  	v10 =	vld.idx.msk [tilespmem:v10+s23+$0x0], $0xffff;
	v8 =	vor.u32 v8, v6;
	v11 =	vshll.u32 v9, $0x7  }
0x1db: {  	v11 =	vadd.s32 v7, v11;
	_ =	sdelay $0x1  }
0x1dc: {  	s31 =	sor.u32 $0x3, s28  }
0x1dd: {  	v12 =	vadd.s32 s31, v0  }
0x1de: {  	[tilespmem:v8+s17+$0x0] =	vst.idx.msk $0xffff, v10;
	v8 =	vand.u32 $0x1F, v12  }
0x1df: {  	v9 =	vor.u32 v9, v6;
	v10 =	vld.idx.msk [tilespmem:v11+s23+$0x0], $0xffff;
	v11 =	vshll.u32 v8, $0x7  }
0x1e0: {  	v11 =	vadd.s32 v7, v11;
	_ =	sdelay $0x1  }
0x1e1: {  	s1 =	sor.u32 $0x4, s28  }
0x1e2: {  	v52 =	vadd.s32 s1, v0  }
0x1e3: {  	[tilespmem:v9+s17+$0x0] =	vst.idx.msk $0xffff, v10;
	v9 =	vand.u32 $0x1F, v52  }
0x1e4: {  	v8 =	vor.u32 v8, v6;
	v10 =	vld.idx.msk [tilespmem:v11+s23+$0x0], $0xffff;
	v11 =	vshll.u32 v9, $0x7  }
0x1e5: {  	v11 =	vadd.s32 v7, v11;
	_ =	sdelay $0x1  }
0x1e6: {  	s10 =	sor.u32 $0x5, s28  }
0x1e7: {  	v53 =	vadd.s32 s10, v0  }
0x1e8: {  	[tilespmem:v8+s17+$0x0] =	vst.idx.msk $0xffff, v10;
	v8 =	vand.u32 $0x1F, v53  }
0x1e9: {  	v9 =	vor.u32 v9, v6;
	v10 =	vld.idx.msk [tilespmem:v11+s23+$0x0], $0xffff;
	v11 =	vshll.u32 v8, $0x7  }
0x1ea: {  	v11 =	vadd.s32 v7, v11;
	_ =	sdelay $0x1  }
0x1eb: {  	s22 =	sor.u32 $0x6, s28  }
0x1ec: {  	v54 =	vadd.s32 s22, v0  }
0x1ed: {  	[tilespmem:v9+s17+$0x0] =	vst.idx.msk $0xffff, v10;
	v9 =	vand.u32 $0x1F, v54  }
0x1ee: {  	v8 =	vor.u32 v8, v6;
	v10 =	vld.idx.msk [tilespmem:v11+s23+$0x0], $0xffff;
	v11 =	vshll.u32 v9, $0x7  }
0x1ef: {  	v11 =	vadd.s32 v7, v11;
	_ =	sdelay $0x1  }
0x1f0: {  	s29 =	sor.u32 $0x7, s28  }
0x1f1: {  	v55 =	vadd.s32 s29, v0  }
0x1f2: {  	[tilespmem:v8+s17+$0x0] =	vst.idx.msk $0xffff, v10;
	v8 =	vand.u32 $0x1F, v55  }
0x1f3: {  	v9 =	vor.u32 v9, v6;
	v10 =	vld.idx.msk [tilespmem:v11+s23+$0x0], $0xffff;
	v11 =	vshll.u32 v8, $0x7  }
0x1f4: {  	v11 =	vadd.s32 v7, v11;
	_ =	sdelay $0x1  }
0x1f5: {  	s30 =	sor.u32 $0x8, s28  }
0x1f6: {  	v56 =	vadd.s32 s30, v0  }
0x1f7: {  	[tilespmem:v9+s17+$0x0] =	vst.idx.msk $0xffff, v10;
	v9 =	vand.u32 $0x1F, v56  }
0x1f8: {  	v8 =	vor.u32 v8, v6;
	v10 =	vld.idx.msk [tilespmem:v11+s23+$0x0], $0xffff;
	v11 =	vshll.u32 v9, $0x7  }
0x1f9: {  	v11 =	vadd.s32 v7, v11;
	_ =	sdelay $0x1  }
0x1fa: {  	s31 =	sor.u32 $0x9, s28  }
0x1fb: {  	v57 =	vadd.s32 s31, v0  }
0x1fc: {  	[tilespmem:v8+s17+$0x0] =	vst.idx.msk $0xffff, v10;
	v8 =	vand.u32 $0x1F, v57  }
0x1fd: {  	v9 =	vor.u32 v9, v6;
	v10 =	vld.idx.msk [tilespmem:v11+s23+$0x0], $0xffff;
	v11 =	vshll.u32 v8, $0x7  }
0x1fe: {  	v11 =	vadd.s32 v7, v11;
	_ =	sdelay $0x1  }
0x1ff: {  	s1 =	sor.u32 $0xA, s28  }
0x200: {  	v58 =	vadd.s32 s1, v0  }
0x201: {  	[tilespmem:v9+s17+$0x0] =	vst.idx.msk $0xffff, v10;
	v9 =	vand.u32 $0x1F, v58  }
0x202: {  	v8 =	vor.u32 v8, v6;
	v10 =	vld.idx.msk [tilespmem:v11+s23+$0x0], $0xffff;
	v11 =	vshll.u32 v9, $0x7  }
0x203: {  	v11 =	vadd.s32 v7, v11;
	_ =	sdelay $0x1  }
0x204: {  	s10 =	sor.u32 $0xB, s28  }
0x205: {  	v59 =	vadd.s32 s10, v0  }
0x206: {  	[tilespmem:v8+s17+$0x0] =	vst.idx.msk $0xffff, v10;
	v8 =	vand.u32 $0x1F, v59  }
0x207: {  	v9 =	vor.u32 v9, v6;
	v10 =	vld.idx.msk [tilespmem:v11+s23+$0x0], $0xffff;
	v11 =	vshll.u32 v8, $0x7  }
0x208: {  	v11 =	vadd.s32 v7, v11;
	_ =	sdelay $0x1  }
0x209: {  	s22 =	sor.u32 $0xC, s28  }
0x20a: {  	v60 =	vadd.s32 s22, v0  }
0x20b: {  	[tilespmem:v9+s17+$0x0] =	vst.idx.msk $0xffff, v10;
	v9 =	vand.u32 $0x1F, v60  }
0x20c: {  	v8 =	vor.u32 v8, v6;
	v10 =	vld.idx.msk [tilespmem:v11+s23+$0x0], $0xffff;
	v11 =	vshll.u32 v9, $0x7  }
0x20d: {  	v11 =	vadd.s32 v7, v11;
	_ =	sdelay $0x1  }
0x20e: {  	s29 =	sor.u32 $0xD, s28  }
0x20f: {  	v61 =	vadd.s32 s29, v0  }
0x210: {  	[tilespmem:v8+s17+$0x0] =	vst.idx.msk $0xffff, v10;
	v8 =	vand.u32 $0x1F, v61  }
0x211: {  	v9 =	vor.u32 v9, v6;
	v10 =	vld.idx.msk [tilespmem:v11+s23+$0x0], $0xffff;
	v11 =	vshll.u32 v8, $0x7  }
0x212: {  	v11 =	vadd.s32 v7, v11;
	_ =	sdelay $0x1  }
0x213: {  	s30 =	sor.u32 $0xE, s28  }
0x214: {  	v62 =	vadd.s32 s30, v0  }
0x215: {  	[tilespmem:v9+s17+$0x0] =	vst.idx.msk $0xffff, v10;
	v10 =	vand.u32 $0x1F, v62  }
0x216: {  	v9 =	vld.idx.msk [tilespmem:v11+s23+$0x0], $0xffff;
	v11 =	vor.u32 v8, v6;
	v8 =	vshll.u32 v10, $0x7  }
0x217: {  	v63 =	vadd.s32 v7, v8;
	_ =	sdelay $0x1  }
0x218: {  	s31 =	sor.u32 $0xF, s28  }
0x219: {  	v8 =	vadd.s32 s31, v0  }
0x21a: {  	v8 =	vand.u32 $0x1F, v8;
	[tilespmem:v11+s17+$0x0] =	vst.idx.msk $0xffff, v9  }
0x21b: {  	v10 =	vor.u32 v10, v6;
	v11 =	vshll.u32 v8, $0x7;
	v9 =	vld.idx.msk [tilespmem:v63+s23+$0x0], $0xffff  }
0x21c: {  	v7 =	vadd.s32 v7, v11  }
.LBB2_10:
0x21d: {  	_ = 	snop  }
0x21e: {  	s26 =	sadd.s32 $0x10, s26  }
0x21f: {  	s28 =	sand.u32 $0x10, s26;
	p1 =	slt.u32 s26, $0x70  }
0x220: {  	s0 =	sshrl.u32 s26, $0x5;
	v11 =	vmov s28;
	[tilespmem:v10+s17+$0x0] =	vst.idx.msk $0xffff, v9  }
0x221: {  	s1 =	sshll.u32 s0, $0x4;
	v9 =	vshll.u32 v11, $0x7;
	v10 =	vld.idx.msk [tilespmem:v7+s23+$0x0], $0xffff  }
0x222: {  	v6 =	vor.u32 v8, v6;
	v7 =	vor.u32 s1, v0;
	v9 =	vor.u32 v5, v9  }
0x223: {  	v8 =	vadd.s32 v7, v9;
	_ =	sdelay $0x2  }
0x224: {  	s1 =	sor.u32 $0x1, s28  }
0x225: {  	s0 =	sshll.u32 s0, $0x9;
	v9 =	vadd.s32 s1, v0;
	[tilespmem:v6+s17+$0x0] =	vst.idx.msk $0xffff, v10  }
0x226: {  	s1 =	sor.u32 s28, s0;
	v6 =	vld.idx.msk [tilespmem:v8+s23+$0x0], $0xffff;
	v8 =	vand.u32 $0x1F, v9  }
0x227: {  	v9 =	vor.u32 s1, v3;
	v10 =	vshll.u32 v8, $0x7  }
0x228: {  	v10 =	vadd.s32 v7, v10;
	_ =	sdelay $0x2  }
0x229: {  	s1 =	sor.u32 $0x2, s28  }
0x22a: {  	[tilespmem:v9+s17+$0x0] =	vst.idx.msk $0xffff, v6;
	v9 =	vadd.s32 s1, v0  }
0x22b: {  	v6 =	vor.u32 s0, v4;
	v10 =	vld.idx.msk [tilespmem:v10+s23+$0x0], $0xffff;
	v9 =	vand.u32 $0x1F, v9  }
0x22c: {  	v8 =	vor.u32 v8, v6;
	v11 =	vshll.u32 v9, $0x7  }
0x22d: {  	v11 =	vadd.s32 v7, v11;
	_ =	sdelay $0x2  }
0x22e: {  	s0 =	sor.u32 $0x3, s28  }
0x22f: {  	[tilespmem:v8+s17+$0x0] =	vst.idx.msk $0xffff, v10;
	v8 =	vadd.s32 s0, v0  }
0x230: {  	v10 =	vld.idx.msk [tilespmem:v11+s23+$0x0], $0xffff;
	v8 =	vand.u32 $0x1F, v8  }
0x231: {  	v9 =	vor.u32 v9, v6;
	v11 =	vshll.u32 v8, $0x7  }
0x232: {  	v11 =	vadd.s32 v7, v11;
	_ =	sdelay $0x2  }
0x233: {  	s0 =	sor.u32 $0x4, s28  }
0x234: {  	[tilespmem:v9+s17+$0x0] =	vst.idx.msk $0xffff, v10;
	v9 =	vadd.s32 s0, v0  }
0x235: {  	v10 =	vld.idx.msk [tilespmem:v11+s23+$0x0], $0xffff;
	v9 =	vand.u32 $0x1F, v9  }
0x236: {  	v8 =	vor.u32 v8, v6;
	v11 =	vshll.u32 v9, $0x7  }
0x237: {  	v11 =	vadd.s32 v7, v11;
	_ =	sdelay $0x2  }
0x238: {  	s0 =	sor.u32 $0x5, s28  }
0x239: {  	[tilespmem:v8+s17+$0x0] =	vst.idx.msk $0xffff, v10;
	v8 =	vadd.s32 s0, v0  }
0x23a: {  	v10 =	vld.idx.msk [tilespmem:v11+s23+$0x0], $0xffff;
	v8 =	vand.u32 $0x1F, v8  }
0x23b: {  	v9 =	vor.u32 v9, v6;
	v11 =	vshll.u32 v8, $0x7  }
0x23c: {  	v11 =	vadd.s32 v7, v11;
	_ =	sdelay $0x2  }
0x23d: {  	s0 =	sor.u32 $0x6, s28  }
0x23e: {  	[tilespmem:v9+s17+$0x0] =	vst.idx.msk $0xffff, v10;
	v9 =	vadd.s32 s0, v0  }
0x23f: {  	v10 =	vld.idx.msk [tilespmem:v11+s23+$0x0], $0xffff;
	v9 =	vand.u32 $0x1F, v9  }
0x240: {  	v8 =	vor.u32 v8, v6;
	v11 =	vshll.u32 v9, $0x7  }
0x241: {  	v11 =	vadd.s32 v7, v11;
	_ =	sdelay $0x2  }
0x242: {  	s0 =	sor.u32 $0x7, s28  }
0x243: {  	[tilespmem:v8+s17+$0x0] =	vst.idx.msk $0xffff, v10;
	v8 =	vadd.s32 s0, v0  }
0x244: {  	v10 =	vld.idx.msk [tilespmem:v11+s23+$0x0], $0xffff;
	v8 =	vand.u32 $0x1F, v8  }
0x245: {  	v9 =	vor.u32 v9, v6;
	v11 =	vshll.u32 v8, $0x7  }
0x246: {  	v11 =	vadd.s32 v7, v11;
	_ =	sdelay $0x2  }
0x247: {  	s0 =	sor.u32 $0x8, s28  }
0x248: {  	[tilespmem:v9+s17+$0x0] =	vst.idx.msk $0xffff, v10;
	v9 =	vadd.s32 s0, v0  }
0x249: {  	v10 =	vld.idx.msk [tilespmem:v11+s23+$0x0], $0xffff;
	v9 =	vand.u32 $0x1F, v9  }
0x24a: {  	v8 =	vor.u32 v8, v6;
	v11 =	vshll.u32 v9, $0x7  }
0x24b: {  	v11 =	vadd.s32 v7, v11;
	_ =	sdelay $0x2  }
0x24c: {  	s0 =	sor.u32 $0x9, s28  }
0x24d: {  	[tilespmem:v8+s17+$0x0] =	vst.idx.msk $0xffff, v10;
	v8 =	vadd.s32 s0, v0  }
0x24e: {  	v10 =	vld.idx.msk [tilespmem:v11+s23+$0x0], $0xffff;
	v8 =	vand.u32 $0x1F, v8  }
0x24f: {  	v9 =	vor.u32 v9, v6;
	v11 =	vshll.u32 v8, $0x7  }
0x250: {  	v11 =	vadd.s32 v7, v11;
	_ =	sdelay $0x2  }
0x251: {  	s0 =	sor.u32 $0xA, s28  }
0x252: {  	[tilespmem:v9+s17+$0x0] =	vst.idx.msk $0xffff, v10;
	v9 =	vadd.s32 s0, v0  }
0x253: {  	v10 =	vld.idx.msk [tilespmem:v11+s23+$0x0], $0xffff;
	v9 =	vand.u32 $0x1F, v9  }
0x254: {  	v8 =	vor.u32 v8, v6;
	v11 =	vshll.u32 v9, $0x7  }
0x255: {  	v11 =	vadd.s32 v7, v11;
	_ =	sdelay $0x2  }
0x256: {  	s0 =	sor.u32 $0xB, s28  }
0x257: {  	[tilespmem:v8+s17+$0x0] =	vst.idx.msk $0xffff, v10;
	v8 =	vadd.s32 s0, v0  }
0x258: {  	v10 =	vld.idx.msk [tilespmem:v11+s23+$0x0], $0xffff;
	v8 =	vand.u32 $0x1F, v8  }
0x259: {  	v9 =	vor.u32 v9, v6;
	v11 =	vshll.u32 v8, $0x7  }
0x25a: {  	v11 =	vadd.s32 v7, v11;
	_ =	sdelay $0x2  }
0x25b: {  	s0 =	sor.u32 $0xC, s28  }
0x25c: {  	[tilespmem:v9+s17+$0x0] =	vst.idx.msk $0xffff, v10;
	v9 =	vadd.s32 s0, v0  }
0x25d: {  	v10 =	vld.idx.msk [tilespmem:v11+s23+$0x0], $0xffff;
	v9 =	vand.u32 $0x1F, v9  }
0x25e: {  	v8 =	vor.u32 v8, v6;
	v11 =	vshll.u32 v9, $0x7  }
0x25f: {  	v11 =	vadd.s32 v7, v11;
	_ =	sdelay $0x2  }
0x260: {  	s0 =	sor.u32 $0xD, s28  }
0x261: {  	[tilespmem:v8+s17+$0x0] =	vst.idx.msk $0xffff, v10;
	v8 =	vadd.s32 s0, v0  }
0x262: {  	v10 =	vld.idx.msk [tilespmem:v11+s23+$0x0], $0xffff;
	v8 =	vand.u32 $0x1F, v8  }
0x263: {  	v9 =	vor.u32 v9, v6;
	v11 =	vshll.u32 v8, $0x7  }
0x264: {  	v11 =	vadd.s32 v7, v11;
	_ =	sdelay $0x2  }
0x265: {  	s0 =	sor.u32 $0xE, s28  }
0x266: {  	[tilespmem:v9+s17+$0x0] =	vst.idx.msk $0xffff, v10;
	v9 =	vadd.s32 s0, v0  }
0x267: {  	v10 =	vld.idx.msk [tilespmem:v11+s23+$0x0], $0xffff;
	v11 =	vand.u32 $0x1F, v9  }
0x268: {  	v8 =	vor.u32 v8, v6;
	v9 =	vshll.u32 v11, $0x7  }
0x269: {  	v9 =	vadd.s32 v7, v9;
	_ =	sdelay $0x2  }
.Ltmp7:
0x26a: {  	s0 =	sor.u32 $0xF, s28;
	(pc) =	sbr.rel @p1 .LBB2_10-.Ltmp7, $4  }
0x26b: {  	[tilespmem:v8+s17+$0x0] =	vst.idx.msk $0xffff, v10;
	v8 =	vadd.s32 s0, v0  }
0x26c: {  	v9 =	vld.idx.msk [tilespmem:v9+s23+$0x0], $0xffff;
	v8 =	vand.u32 $0x1F, v8  }
0x26d: {  	v10 =	vor.u32 v11, v6;
	v11 =	vshll.u32 v8, $0x7  }
0x26e: {  	v7 =	vadd.s32 v7, v11  }
0x26f: {  	_ =	sdelay $0x3  }
0x270: {  	[tilespmem:v10+s17+$0x0] =	vst.idx.msk $0xffff, v9  }
0x271: {  	v6 =	vor.u32 v8, v6;
	v7 =	vld.idx.msk [tilespmem:v7+s23+$0x0], $0xffff;
	_ =	sdelay $0x4  }
.Ltmp8:
0x272: {  	[tilespmem:v6+s17+$0x0] =	vst.idx.msk $0xffff, v7;
	(pc) =	sbr.rel .LBB2_12-.Ltmp8, $4  }
0x273: {  	[hbm4b:s11+s3] =	stream.linear.scatter [tilespmem:s17], [sflag:$0x5], $0x800, $0x38;
	[tilespmem:$0x11000] =	vst v63  }
0x274: {  	_ =	swait.ge [sflag:s24], $0x800  }
0x275: {  	[sflag:s24] =	ssyncset.done $0x0  }
0x276: {  	[sflag:s24] =	ssyncadd.s32 $0xFFFFF800  }
.LBB2_13:
0x277: {  	_ =	sfence.sel $0x180000  }
0x278: {  	[bflag:$0x0] =	sbarrier.arrive $0xFFFF  }
0x279: {  	_ =	strace $0x90000047  }
0x27a: {  	s0 =	stileid.u32;
	[bflag:$0x2] =	sbarrier.arrive $0xFFFF  }
0x27b: {  	p0 =	sne.s32 s0, $0x0;
	s0 =	rddreg [dreg:$0x2]  }
0x27c: {  	s0 =	sadd.s32 @!p0 $0x100000, s0  }
0x27d: {  	[sflag:s0] =	ssyncadd.tile.s32 @!p0 $0x1;
	_ =	shalt  }
.Lfunc_end2:
_tile_overlayer_lowered:
.L_overlay_start_2:
0x27e: {  	(tag) =	ssettag $0x2  }
0x27f: {  	s0 =	rddreg [dreg:$0x0];
	s2 =	stileid.u32  }
0x280: {  	s1 =	rddreg [dreg:$0x1];
	p0 =	sne.s32 s2, $0x0  }
0x281: {  	s3 =	rddreg [dreg:$0x2];
	[bflag:$0x3] =	sbarrier.arrive $0xFFFF;
	s2 =	simm.s32 @!p0 $0x1C05  }
0x282: {  	[timem:s3], [sflag:s2] =	dma.local @!p0 [hbm:s0], s1  }
0x283: {  	s0 =	simm.s32 @!p0 $0x5  }
0x284: {  	_ =	swait.ge @!p0 [sflag:s0], s1  }
0x285: {  	s1 =	ssub.s32 @!p0 $0x0, s1;
	[sflag:s0] =	ssyncset.done @!p0 $0x0  }
0x286: {  	[sflag:s0] =	ssyncadd.s32 @!p0 s1  }
0x287: {  	[bflag:$0x3] =	sbarrier.arrive $0xFFFF  }
0x288: {  	_ =	shalt  }

// kernel: kernel.7.cloned.1.call-start
scs
__scs_entry_jumppad:
0x0: {  	(pc) =	sbr.rel $0x88, $3  }
0x1: {  	(tag) =	ssettag $0x0;
	lr =	simm.s32 $0x1  }
0x2: {  	[smem:$0x3F9F] =	sst lr;
	_ =	strace $0xD0000000  }
0x3: {  	_ = 	snop  }
0x4: {  	_ = 	snop  }
0x5: {  	_ = 	snop  }
0x6: {  	_ = 	snop  }
0x7: {  	_ = 	snop  }
__scs_overlays_trampoline_lowered:
0x8: {  	[smem:$0x3FAE] =	sst s0  }
0x9: {  	[smem:$0x3FAF] =	sst s1  }
0xa: {  	[smem:$0x3FB0] =	sst s2  }
0xb: {  	[smem:$0x3FB1] =	sst s3  }
0xc: {  	[smem:$0x3FB2] =	sst s4  }
0xd: {  	[smem:$0x3FB3] =	sst s5  }
0xe: {  	[smem:$0x3FB4] =	sst s6  }
0xf: {  	[smem:$0x3FB5] =	sst s7  }
0x10: {  	[smem:$0x3FB6] =	sst s8  }
0x11: {  	[smem:$0x3FB7] =	sst s9;
	s0 =	simm.s32 @!p0 $0x0  }
0x12: {  	s1 =	sld [smem:$0x3F9D];
	s0 =	simm.s32 @p0 $0x1  }
0x13: {  	[smem:$0x3FB8] =	sst s0;
	s0 =	simm.s32 @!p1 $0x0  }
0x14: {  	s2 =	sld [smem:$0x3F9C];
	s0 =	simm.s32 @p1 $0x1  }
0x15: {  	[smem:$0x3FB9] =	sst s0;
	s0 =	simm.s32 @!p2 $0x0  }
0x16: {  	s3 =	sld [smem:$0x3FDB];
	s0 =	simm.s32 @p2 $0x1  }
0x17: {  	s4 =	simm.s32 $0x1BF5;
	[smem:$0x3FBB] =	sst s0  }
0x18: {  	s0 =	sld [smem:$0x3F9E];
	_ =	swait.ge [sflag:s4], $0x0  }
0x19: {  	s7 =	sld [smem:$0x3F9F]  }
0x1a: {  	s8 =	sadd.s32 $0xFFFFE003, lr  }
0x1b: {  	s9 =	sadd.s32 $0xFFFFFEF7, lr;
	s5 =	simm.s32 $0xFFFFFFFF;
	p2 =	slt.u32 s8, $0xFFFFF086  }
0x1c: {  	p1 =	slt.u32 s9, $0xF7A;
	s5 =	simm.s32 @!p2 $0x0  }
0x1d: {  	s5 =	simm.s32 @p1 $0x1;
	p0 =	seq.s32 s7, s2  }
0x1e: {  	s7 =	smul.u32 @!p0 $0xF7A, s2;
	p2 =	seq.s32 @!p0 s5, $0x0  }
0x1f: {  	s9 =	smul.u32 $0xF7A, s1;
	s8 =	simm.s32 @!p0 $0x1BF5;
	p2 =	por !p2, p0  }
0x20: {  	[sflag:s8] =	ssyncset.s32 @!p0 $0xFFFFF086;
	s6 =	sadd.s32 @!p0 s3, s7;
	s7 =	simm.s32 @!p0 $0x108  }
0x21: {  	s3 =	sadd.s32 s3, s9;
	s6 =	sadd.s32 @!p0 $0x88, s6;
	s7 =	simm.s32 @p2 $0x1082  }
0x22: {  	[simem:s7], [sflag:s8] =	dma.local @!p0 [hbm:s6], $0xF7A  }
0x23: {  	s9 =	sor.u32 $0xD0000000, s2;
	s6 =	simm.s32 $0x108;
	_ =	swait.ge @!p0 [sflag:s8], $0x0  }
0x24: {  	s3 =	sadd.s32 $0x88, s3;
	s6 =	simm.s32 @!p1 $0x1082;
	[sflag:s4] =	ssyncset.s32 $0xFFFFF086  }
0x25: {  	[simem:s6], [sflag:s4] =	dma.local [hbm:s3], $0xF7A  }
0x26: {  	[smem:$0x3F9F] =	sst s1;
	(tag) =	ssettag s2;
	_ =	strace s9  }
0x27: {  	s1 =	sld [smem:$0x3FAF]  }
0x28: {  	s2 =	sld [smem:$0x3FB0]  }
0x29: {  	s4 =	sld [smem:$0x3FB2]  }
0x2a: {  	p0 =	seq.s32 s5, $0x0;
	s5 =	sld [smem:$0x3FB3]  }
0x2b: {  	s6 =	sld [smem:$0x3FB4]  }
0x2c: {  	s7 =	sld [smem:$0x3FB5]  }
0x2d: {  	s3 =	simm.s32 $0x108;
	s8 =	sld [smem:$0x3FB6]  }
0x2e: {  	s3 =	simm.s32 @!p0 $0x1082;
	s9 =	sld [smem:$0x3FB7]  }
0x2f: {  	lr =	sadd.s32 s0, s3;
	s0 =	sld [smem:$0x3FAE]  }
0x30: {  	s3 =	sld [smem:$0x3FB1]  }
0x31: {  	[smem:$0x3FBA] =	sst s10  }
0x32: {  	s10 =	sld [smem:$0x3FB8];
	_ =	sdelay $0x3  }
0x33: {  	p0 =	seq.s32 s10, $0x1;
	s10 =	sld [smem:$0x3FBA];
	_ =	sdelay $0x3  }
0x34: {  	[smem:$0x3FBA] =	sst s10  }
0x35: {  	s10 =	sld [smem:$0x3FB9];
	_ =	sdelay $0x3  }
0x36: {  	p1 =	seq.s32 s10, $0x1;
	s10 =	sld [smem:$0x3FBA];
	_ =	sdelay $0x3  }
0x37: {  	[smem:$0x3FBA] =	sst s10  }
0x38: {  	s10 =	sld [smem:$0x3FBB]  }
0x39: {  	_ = 	snop;
	(pc) =	sbr.ind lr, $3  }
0x3a: {  	_ = 	snop  }
0x3b: {  	_ = 	snop  }
0x3c: {  	p2 =	seq.s32 s10, $0x1;
	s10 =	sld [smem:$0x3FBA]  }
0x3d: {  	_ =	shalt  }
0x3e: {  	_ =	shalt  }
0x3f: {  	_ =	shalt  }
0x40: {  	_ =	shalt  }
0x41: {  	_ =	shalt  }
0x42: {  	_ =	shalt  }
0x43: {  	_ =	shalt  }
0x44: {  	_ =	shalt  }
0x45: {  	_ =	shalt  }
0x46: {  	_ =	shalt  }
0x47: {  	_ =	shalt  }
0x48: {  	_ =	shalt  }
0x49: {  	_ =	shalt  }
0x4a: {  	_ =	shalt  }
0x4b: {  	_ =	shalt  }
0x4c: {  	_ =	shalt  }
0x4d: {  	_ =	shalt  }
0x4e: {  	_ =	shalt  }
0x4f: {  	_ =	shalt  }
0x50: {  	_ =	shalt  }
0x51: {  	_ =	shalt  }
0x52: {  	_ =	shalt  }
0x53: {  	_ =	shalt  }
0x54: {  	_ =	shalt  }
0x55: {  	_ =	shalt  }
0x56: {  	_ =	shalt  }
0x57: {  	_ =	shalt  }
0x58: {  	_ =	shalt  }
0x59: {  	_ =	shalt  }
0x5a: {  	_ =	shalt  }
0x5b: {  	_ =	shalt  }
0x5c: {  	_ =	shalt  }
0x5d: {  	_ =	shalt  }
0x5e: {  	_ =	shalt  }
0x5f: {  	_ =	shalt  }
0x60: {  	_ =	shalt  }
0x61: {  	_ =	shalt  }
0x62: {  	_ =	shalt  }
0x63: {  	_ =	shalt  }
0x64: {  	_ =	shalt  }
0x65: {  	_ =	shalt  }
0x66: {  	_ =	shalt  }
0x67: {  	_ =	shalt  }
0x68: {  	_ =	shalt  }
0x69: {  	_ =	shalt  }
0x6a: {  	_ =	shalt  }
0x6b: {  	_ =	shalt  }
0x6c: {  	_ =	shalt  }
0x6d: {  	_ =	shalt  }
0x6e: {  	_ =	shalt  }
0x6f: {  	_ =	shalt  }
0x70: {  	_ =	shalt  }
0x71: {  	_ =	shalt  }
0x72: {  	_ =	shalt  }
0x73: {  	_ =	shalt  }
0x74: {  	_ =	shalt  }
0x75: {  	_ =	shalt  }
0x76: {  	_ =	shalt  }
0x77: {  	_ =	shalt  }
0x78: {  	_ =	shalt  }
0x79: {  	_ =	shalt  }
0x7a: {  	_ =	shalt  }
0x7b: {  	_ =	shalt  }
0x7c: {  	_ =	shalt  }
0x7d: {  	_ =	shalt  }
0x7e: {  	_ =	shalt  }
0x7f: {  	_ =	shalt  }
0x80: {  	_ =	shalt  }
0x81: {  	_ =	shalt  }
0x82: {  	_ =	shalt  }
0x83: {  	_ =	shalt  }
0x84: {  	_ =	shalt  }
0x85: {  	_ =	shalt  }
0x86: {  	_ =	shalt  }
0x87: {  	_ =	shalt  }
.Lfunc_end0:
.L_simem_size_0:
called_computation.1_lowered:
.L_overlay_start_0:
0x88: {  	s2 =	sld [smem:$0x3FD9]  }
0x89: {  	s3 =	sld [smem:$0x3FFE];
	_ =	sdelay $0x1  }
0x8a: {  	s1 =	srdreg.scid  }
0x8b: {  	s0 =	sand.u32 $0x1, s1  }
0x8c: {  	s17 =	sshll.u32 s0, $0xA;
	s2 =	sadd.s32 s3, s2  }
0x8d: {  	s2 =	sadd.s32 s2, s17  }
0x8e: {  	[smem:$0x3FC6] =	sst s2  }
0x8f: {  	_ = 	snop  }
0x90: {  	s2 =	sld [smem:$0x3FD0];
	(tm) =	ssettm $0x1  }
0x91: {  	s18 =	sld [smem:$0x3FFB];
	_ =	sdelay $0x3  }
0x92: {  	_ =	strace s18  }
0x93: {  	s3 =	sld [smem:$0x3FFC];
	_ =	sdelay $0x3  }
0x94: {  	_ =	strace s3  }
0x95: {  	s3 =	sld [smem:$0x3FFD];
	_ =	sdelay $0x3  }
0x96: {  	_ =	strace s3  }
0x97: {  	_ =	strace $0x8FFFFFFF  }
0x98: {  	s19 =	sld [smem:$0x3FDB];
	_ =	sdelay $0x1  }
0x99: {  	s4 =	simm.s32 $_scs_section_size  }
0x9a: {  	s5 =	simm.s32 $_size__tile_overlayer_lowered;
	s6 =	simm.s32 $_tile_overlayer_lowered  }
0x9b: {  	s22 =	simm.s32 $0x1BFF;
	s21 =	sshll.u32 s6, $0x1;
	s3 =	sadd.s32 s4, s19  }
0x9c: {  	s7 =	simm.s32 $0x0;
	s20 =	sshll.u32 s5, $0x1;
	s5 =	sadd.s32 s21, s3  }
0x9d: {  	[timem:s7], [sflag:s22] =	dma.local [hbm:s5], s20  }
0x9e: {  	_ =	swait.ge [sflag:s22], s20  }
0x9f: {  	s4 =	ssub.s32 $0x0, s20;
	[sflag:s22] =	ssyncset.done $0x0  }
0xa0: {  	[sflag:s22] =	ssyncadd.s32 s4;
	_ =	sdelay $0x1  }
0xa1: {  	s23 =	simm.s32 $0x1B8B  }
0xa2: {  	_ =	swait.ge [sflag:s23], $0x1  }
0xa3: {  	[sflag:s23] =	ssyncset.done $0x0  }
0xa4: {  	s25 =	simm.s32 $0x1B8E;
	s24 =	sld [smem:$0x3FFE];
	[sflag:s23] =	ssyncadd.s32 $0xFFFFFFFF  }
0xa5: {  	s26 =	simm.s32 $execute0_lowered;
	[smem:$0x3FD2] =	sst s25  }
0xa6: {  	s5 =	sshll.u32 s26, $0x1;
	_ =	strace $0x80000049;
	[dreg:$0x1] =	wrdreg $0xFFFFFFFF  }
0xa7: {  	s28 =	simm.s32 $_size_execute0_lowered;
	s3 =	sadd.s32 s3, s5;
	[dreg:$0x0] =	wrdreg $0x0  }
0xa8: {  	s5 =	sshll.u32 s28, $0x1;
	[dreg:$0x2] =	wrdreg s3  }
0xa9: {  	[dreg:$0x3] =	wrdreg s5  }
0xaa: {  	[dreg:$0x4] =	wrdreg $0xC0  }
0xab: {  	_ =	task [dreg:s7], $0x5FFFF  }
0xac: {  	[dreg:$0x1] =	wrdreg $0xFFFFFFFF  }
0xad: {  	[dreg:$0x0] =	wrdreg $0x60  }
0xae: {  	[dreg:$0x2] =	wrdreg s24  }
0xaf: {  	[dreg:$0x3] =	wrdreg s2  }
0xb0: {  	[dreg:$0x4] =	wrdreg $0x9  }
0xb1: {  	_ =	task.clear_ibuf [dreg:s7], $0x5FFFF;
	_ =	strace $0x90000049  }
0xb2: {  	s29 =	simm.s32 $0x9;
	_ =	strace $0x8000004B  }
0xb3: {  	_ =	swait.ge [sflag:s29], $0x1  }
0xb4: {  	[sflag:s29] =	ssyncadd.s32 $0xFFFFFFFF  }
0xb5: {  	_ =	strace $0x9000004B  }
0xb6: {  	_ =	sfence  }
0xb7: {  	s30 =	sld [smem:$0x0];
	_ =	sdelay $0x2  }
0xb8: {  	s31 =	sshll.u32 s1, $0xD;
	s1 =	sshrl.u32 s1, $0x2  }
0xb9: {  	s3 =	sand.u32 $0x4000, s31;
	s1 =	sadd.s32 s1, s30  }
0xba: {  	s0 =	sor.u32 s3, s0;
	s1 =	sshll.u32 s1, $0x11  }
0xbb: {  	s0 =	sor.u32 s1, s0  }
0xbc: {  	s0 =	sadd.s32 $0x8F2B, s0  }
0xbd: {  	[sflag:s0] =	ssyncadd.remote.s32 $0x1  }
0xbe: {  	_ =	sfence.sel $0xFFFF  }
0xbf: {  	[dreg:$0x0] =	wrdreg $0xFFFFFFFF;
	(pc) =	sbr.abs _section_cstart, $3  }
0xc0: {  	[dreg:$0x1] =	wrdreg $0xFFFFFFFF  }
0xc1: {  	_ =	task.clear_ibuf [dreg:s7], $0x2FFFF;
	_ =	strace $0x9FFFFFFF  }
0xc2: {  	(tm) =	ssettm $0x7FFFFFFF  }
0xc3: {  	_ =	shalt  }
tec
execute0_lowered:
.L_overlay_start_1:
0x0: {  	(tag) =	ssettag $0x1  }
0x1: {  	v0 =	vimm.s32 $0x38F;
	vm0 =	vcmask $0x300  }
0x2: {  	s0 =	rddreg [dreg:$0x0];
	vm14 =	vcmask $0x704;
	v0 =	vsel vm0, $0x0, v0  }
0x3: {  	s1 =	srdreg.scid;
	s2 =	stileid.u32;
	vm15 =	vcmask $0xB08;
	v0 =	vsel vm14, $0x81, v0  }
0x4: {  	s13 =	rddreg [dreg:$0x1];
	s3 =	simm.s32 $0x0;
	vm4 =	vcmask $0xF0C;
	s15 =	simm.s32 $0x200;
	v0 =	vsel vm15, $0x102, v0  }
0x5: {  	vm5 =	vcmask $0x1310;
	s18 =	simm.s32 $0x3400;
	s19 =	simm.s32 $0x7400;
	s20 =	simm.s32 $0x1;
	v0 =	vsel vm4, $0x183, v0  }
0x6: {  	vm6 =	vcmask $0x1714;
	s21 =	simm.s32 $0xB400;
	s24 =	simm.s32 $0xE400;
	s28 =	simm.s32 $0xF400;
	v0 =	vsel vm5, $0x204, v0  }
0x7: {  	vm7 =	vcmask $0x1B18;
	s29 =	simm.s32 $0x10400;
	s30 =	simm.s32 $0x11400;
	s31 =	simm.s32 $0x12400;
	v0 =	vsel vm6, $0x285, v0  }
0x8: {  	vm8 =	vcmask $0x1F1C;
	s1 =	sand.u32 $0x1, s1;
	s2 =	sshll.u32 s2, $0x1;
	[smem:$0x7FF] =	sst s3;
	v0 =	vsel vm7, $0x306, v0  }
0x9: {  	vm9 =	vcmask $0x2320;
	s7 =	sadd.s32 $0x4000, s13;
	s8 =	sadd.s32 $0x8000, s13;
	s9 =	sadd.s32 $0xC000, s13;
	v0 =	vsel vm8, $0x387, v0  }
0xa: {  	vm10 =	vcmask $0x2724;
	s10 =	sadd.s32 $0x10000, s13;
	s11 =	sadd.s32 $0x14000, s13;
	s12 =	sadd.s32 $0x18000, s13;
	v0 =	vsel vm9, $0x8, v0  }
0xb: {  	vm11 =	vcmask $0x2B28;
	s13 =	sadd.s32 $0x1C000, s13;
	s2 =	sor.u32 s1, s2;
	s1 =	ssub.s32 $0x2, s1;
	v0 =	vsel vm10, $0x89, v0  }
.Ltmp0:
0xc: {  	vm12 =	vcmask $0x2F2C;
	_ =	strace $0x8000004A;
	s4 =	sshll.u32 s2, $0x6;
	v0 =	vsel vm11, $0x10A, v0;
	(pc) =	sbr.rel .LBB2_1-.Ltmp0, $4  }
0xd: {  	vm13 =	vcmask $0x3330;
	s6 =	sshrl.u32 s1, $0x1;
	s5 =	sadd.s32 s4, s0;
	s4 =	sadd.s32 $0xA00, s0;
	v0 =	vsel vm12, $0x18B, v0  }
0xe: {  	vm14 =	vcmask $0x3734;
	s25 =	ssub.s32 s1, s6;
	s6 =	sshll.u32 s2, $0x9;
	s26 =	sadd.s32 $0x3D1400, s5;
	v1 =	vsel vm13, $0x20C, v0  }
0xf: {  	vm15 =	vcmask $0x3B38;
	s1 =	simm.s32 $0x0;
	s0 =	smax.u32 s25, $0x1;
	[dreg:$0x3] =	wrdreg s26;
	v0 =	vlaneseq.u32;
	v3 =	vsel vm14, $0x28D, v1  }
0x10: {  	s25 =	simm.s32 $0x2;
	[dreg:$0x4] =	wrdreg s0;
	s26 =	simm.s32 $0x4;
	v1 =	vmul.u32 $0x20, v0;
	v2 =	vand.u32 $0x7, v0;
	v3 =	vsel vm15, $0x30E, v3  }
.LBB2_12:
0x11: {  	s0 =	simm.s32 $0x3  }
0x12: {  	_ =	swait.ge [sflag:s0], $0x1000  }
0x13: {  	[sflag:s0] =	ssyncset.done $0x0  }
0x14: {  	[sflag:s0] =	ssyncadd.s32 $0xFFFFF000  }
0x15: {  	_ =	swait.ge [sflag:s0], $0x1000  }
0x16: {  	[sflag:s0] =	ssyncset.done $0x0  }
0x17: {  	[sflag:s0] =	ssyncadd.s32 $0xFFFFF000  }
0x18: {  	_ =	swait.ge [sflag:s0], $0x1000  }
0x19: {  	[sflag:s0] =	ssyncset.done $0x0  }
0x1a: {  	[sflag:s0] =	ssyncadd.s32 $0xFFFFF000  }
0x1b: {  	_ =	swait.ge [sflag:s0], $0x1000  }
0x1c: {  	[sflag:s0] =	ssyncset.done $0x0  }
0x1d: {  	[sflag:s0] =	ssyncadd.s32 $0xFFFFF000  }
0x1e: {  	_ =	swait.ge [sflag:s26], $0x1000  }
0x1f: {  	[sflag:s26] =	ssyncset.done $0x0  }
0x20: {  	[sflag:s26] =	ssyncadd.s32 $0xFFFFF000  }
0x21: {  	_ =	swait.ge [sflag:s26], $0x1000  }
0x22: {  	[sflag:s26] =	ssyncset.done $0x0  }
0x23: {  	[sflag:s26] =	ssyncadd.s32 $0xFFFFF000  }
0x24: {  	_ =	swait.ge [sflag:s26], $0x1000  }
0x25: {  	[sflag:s26] =	ssyncset.done $0x0  }
0x26: {  	[sflag:s26] =	ssyncadd.s32 $0xFFFFF000  }
0x27: {  	_ =	swait.ge [sflag:s26], $0x1000  }
0x28: {  	s1 =	rddreg [dreg:$0x5]  }
0x29: {  	s23 =	rddreg [dreg:$0x4];
	s1 =	sadd.s32 $0x1, s1  }
0x2a: {  	p0 =	sne.s32 s1, s23  }
.Ltmp1:
0x2b: {  	_ = 	snop;
	(pc) =	sbr.rel @!p0 .LBB2_13-.Ltmp1, $3  }
0x2c: {  	_ =	sdelay $0x1  }
0x2d: {  	[sflag:s26] =	ssyncset.done $0x0  }
0x2e: {  	[sflag:s26] =	ssyncadd.s32 $0xFFFFF000  }
.LBB2_1:
0x2f: {  	[dreg:$0x5] =	wrdreg s1  }
0x30: {  	s0 =	rddreg [dreg:$0x3];
	s22 =	simm.s32 $0x4000;
	s23 =	simm.s32 $0x5  }
0x31: {  	[tilespmem:s3], [sflag:$0x5] =	stream.strided.gather [hbm4b:s0+s15], $0x3400, s22, s15, $0x38;
	[tilespmem:$0x13400] =	vst v63  }
0x32: {  	_ =	swait.ge [sflag:s23], $0x3400  }
0x33: {  	[sflag:s23] =	ssyncset.done $0x0  }
0x34: {  	[sflag:s23] =	ssyncadd.s32 $0xFFFFCC00  }
0x35: {  	[tilespmem:s18], [sflag:$0x1] =	stream.indirect.gather [hbm4b:s4+s15], $0x20, s3, s15, $0xb8;
	[tilespmem:$0x13400] =	vst v63  }
0x36: {  	s16 =	simm.s32 $0x0  }
0x37: {  	[tilespmem:s19], [sflag:$0x2] =	stream.indirect.gather [hbm4b:s4+s15], $0x20, s15, s15, $0xb8;
	[tilespmem:$0x13400] =	vst v63  }
.LBB2_2:
0x38: {  	_ =	swait.ge [sflag:s20], $0x4000  }
0x39: {  	p0 =	seq.s32 s16, $0x0;
	[sflag:s20] =	ssyncset.done $0x0  }
0x3a: {  	s1 =	simm.s32 @!p0 $0x3;
	[sflag:s20] =	ssyncadd.s32 $0xFFFFC000  }
0x3b: {  	_ =	swait.ge @!p0 [sflag:s1], $0x1000  }
0x3c: {  	s14 =	simm.s32 $0x0;
	[sflag:s1] =	ssyncset.done @!p0 $0x0  }
0x3d: {  	s0 =	sand.u32 $0x1F0, s14;
	[sflag:s1] =	ssyncadd.s32 @!p0 $0xFFFFF000  }
0x3e: {  	s17 =	simm.s32 $0x0;
	v4 =	vmov s0;
	_ =	swait.ge @!p0 [sflag:s1], $0x1000  }
0x3f: {  	s0 =	sand.u32 $0x10, s17;
	v4 =	vshll.u32 v4, $0x5;
	[sflag:s1] =	ssyncset.done @!p0 $0x0  }
0x40: {  	v6 =	vor.u32 s0, v0;
	v5 =	vor.u32 v1, v4;
	[sflag:s1] =	ssyncadd.s32 @!p0 $0xFFFFF000  }
0x41: {  	v4 =	vand.u32 $0x18, v6;
	v7 =	vor.u32 v2, v5;
	_ =	swait.ge @!p0 [sflag:s1], $0x1000  }
0x42: {  	v4 =	vor.u32 v4, v7;
	[sflag:s1] =	ssyncset.done @!p0 $0x0  }
0x43: {  	[sflag:s1] =	ssyncadd.s32 @!p0 $0xFFFFF000  }
0x44: {  	s2 =	sand.u32 $0xC00, s14;
	s5 =	sand.u32 $0x70, s14;
	_ =	swait.ge @!p0 [sflag:s1], $0x1000  }
0x45: {  	s2 =	sor.u32 s5, s2;
	s22 =	sor.u32 $0x1, s0;
	v6 =	vshll.u32 v6, $0x9;
	[sflag:s1] =	ssyncset.done @!p0 $0x0  }
0x46: {  	v8 =	vor.u32 s2, v3;
	v9 =	vadd.s32 s22, v0;
	v6 =	vand.u32 $0x3000, v6;
	[sflag:s1] =	ssyncadd.s32 @!p0 $0xFFFFF000  }
0x47: {  	v10 =	vand.u32 $0x1F, v9;
	v6 =	vor.u32 v6, v8;
	v4 =	vld.idx.msk [tilespmem:v4+s18+$0x0], $0xffff  }
0x48: {  	v10 =	vor.u32 v10, v5;
	_ =	sdelay $0x1  }
0x49: {  	v11 =	vshll.u32 v9, $0x9;
	v9 =	vshll.u32 v9, $0x7  }
0x4a: {  	s23 =	sor.u32 $0x2, s0;
	v11 =	vand.u32 $0x3000, v11;
	v9 =	vand.u32 $0x380, v9  }
0x4b: {  	[tilespmem:v6+s21+$0x0] =	vst.idx.msk $0xffff, v4;
	v4 =	vor.u32 s2, v0;
	v6 =	vor.u32 v11, v9;
	v9 =	vadd.s32 s23, v0  }
0x4c: {  	v10 =	vld.idx.msk [tilespmem:v10+s18+$0x0], $0xffff;
	v6 =	vor.u32 v4, v6;
	v11 =	vand.u32 $0x1F, v9  }
0x4d: {  	v11 =	vor.u32 v11, v5;
	_ =	sdelay $0x1  }
0x4e: {  	v12 =	vshll.u32 v9, $0x9;
	v9 =	vshll.u32 v9, $0x7  }
0x4f: {  	s2 =	sor.u32 $0x3, s0;
	v12 =	vand.u32 $0x3000, v12;
	v9 =	vand.u32 $0x380, v9  }
0x50: {  	[tilespmem:v6+s21+$0x0] =	vst.idx.msk $0xffff, v10;
	v6 =	vor.u32 v12, v9;
	v9 =	vadd.s32 s2, v0  }
0x51: {  	v10 =	vld.idx.msk [tilespmem:v11+s18+$0x0], $0xffff;
	v6 =	vor.u32 v4, v6;
	v11 =	vand.u32 $0x1F, v9  }
0x52: {  	v11 =	vor.u32 v11, v5;
	_ =	sdelay $0x1  }
0x53: {  	v59 =	vshll.u32 v9, $0x9;
	v9 =	vshll.u32 v9, $0x7  }
0x54: {  	s5 =	sor.u32 $0x4, s0;
	v12 =	vand.u32 $0x3000, v59;
	v9 =	vand.u32 $0x380, v9  }
0x55: {  	[tilespmem:v6+s21+$0x0] =	vst.idx.msk $0xffff, v10;
	v6 =	vor.u32 v12, v9;
	v9 =	vadd.s32 s5, v0  }
0x56: {  	v10 =	vld.idx.msk [tilespmem:v11+s18+$0x0], $0xffff;
	v6 =	vor.u32 v4, v6;
	v11 =	vand.u32 $0x1F, v9  }
0x57: {  	v11 =	vor.u32 v11, v5;
	_ =	sdelay $0x1  }
0x58: {  	v60 =	vshll.u32 v9, $0x9;
	v9 =	vshll.u32 v9, $0x7  }
0x59: {  	s22 =	sor.u32 $0x5, s0;
	v12 =	vand.u32 $0x3000, v60;
	v9 =	vand.u32 $0x380, v9  }
0x5a: {  	[tilespmem:v6+s21+$0x0] =	vst.idx.msk $0xffff, v10;
	v6 =	vor.u32 v12, v9;
	v9 =	vadd.s32 s22, v0  }
0x5b: {  	v10 =	vld.idx.msk [tilespmem:v11+s18+$0x0], $0xffff;
	v6 =	vor.u32 v4, v6;
	v11 =	vand.u32 $0x1F, v9  }
0x5c: {  	v11 =	vor.u32 v11, v5;
	_ =	sdelay $0x1  }
0x5d: {  	v61 =	vshll.u32 v9, $0x9;
	v9 =	vshll.u32 v9, $0x7  }
0x5e: {  	s23 =	sor.u32 $0x6, s0;
	v12 =	vand.u32 $0x3000, v61;
	v9 =	vand.u32 $0x380, v9  }
0x5f: {  	[tilespmem:v6+s21+$0x0] =	vst.idx.msk $0xffff, v10;
	v6 =	vor.u32 v12, v9;
	v9 =	vadd.s32 s23, v0  }
0x60: {  	v10 =	vld.idx.msk [tilespmem:v11+s18+$0x0], $0xffff;
	v6 =	vor.u32 v4, v6;
	v11 =	vand.u32 $0x1F, v9  }
0x61: {  	v11 =	vor.u32 v11, v5;
	_ =	sdelay $0x1  }
0x62: {  	v62 =	vshll.u32 v9, $0x9;
	v9 =	vshll.u32 v9, $0x7  }
0x63: {  	s2 =	sor.u32 $0x7, s0;
	v12 =	vand.u32 $0x3000, v62;
	v9 =	vand.u32 $0x380, v9  }
0x64: {  	[tilespmem:v6+s21+$0x0] =	vst.idx.msk $0xffff, v10;
	v6 =	vor.u32 v12, v9;
	v9 =	vadd.s32 s2, v0  }
0x65: {  	v10 =	vld.idx.msk [tilespmem:v11+s18+$0x0], $0xffff;
	v6 =	vor.u32 v4, v6;
	v11 =	vand.u32 $0x1F, v9  }
0x66: {  	v11 =	vor.u32 v11, v5;
	_ =	sdelay $0x1  }
0x67: {  	v63 =	vshll.u32 v9, $0x9;
	v9 =	vshll.u32 v9, $0x7  }
0x68: {  	s5 =	sor.u32 $0x8, s0;
	v12 =	vand.u32 $0x3000, v63;
	v9 =	vand.u32 $0x380, v9  }
0x69: {  	[tilespmem:v6+s21+$0x0] =	vst.idx.msk $0xffff, v10;
	v6 =	vor.u32 v12, v9;
	v9 =	vadd.s32 s5, v0  }
0x6a: {  	v10 =	vld.idx.msk [tilespmem:v11+s18+$0x0], $0xffff;
	v6 =	vor.u32 v4, v6;
	v11 =	vand.u32 $0x18, v9  }
0x6b: {  	v7 =	vor.u32 v11, v7;
	_ =	sdelay $0x2  }
0x6c: {  	s22 =	sor.u32 $0x9, s0;
	v9 =	vshll.u32 v9, $0x9  }
0x6d: {  	[tilespmem:v6+s21+$0x0] =	vst.idx.msk $0xffff, v10;
	v6 =	vand.u32 $0x3000, v9;
	v9 =	vadd.s32 s22, v0  }
0x6e: {  	v7 =	vld.idx.msk [tilespmem:v7+s18+$0x0], $0xffff;
	v6 =	vor.u32 v6, v8;
	v8 =	vand.u32 $0x1F, v9  }
0x6f: {  	v8 =	vor.u32 v8, v5;
	_ =	sdelay $0x1  }
0x70: {  	v10 =	vshll.u32 v9, $0x9;
	v9 =	vshll.u32 v9, $0x7  }
0x71: {  	s23 =	sor.u32 $0xA, s0;
	v10 =	vand.u32 $0x3000, v10;
	v9 =	vand.u32 $0x380, v9  }
0x72: {  	[tilespmem:v6+s21+$0x0] =	vst.idx.msk $0xffff, v7;
	v6 =	vor.u32 v10, v9;
	v7 =	vadd.s32 s23, v0  }
0x73: {  	v8 =	vld.idx.msk [tilespmem:v8+s18+$0x0], $0xffff;
	v6 =	vor.u32 v4, v6;
	v9 =	vand.u32 $0x1F, v7  }
0x74: {  	v9 =	vor.u32 v9, v5;
	_ =	sdelay $0x1  }
0x75: {  	v10 =	vshll.u32 v7, $0x9;
	v7 =	vshll.u32 v7, $0x7  }
0x76: {  	s2 =	sor.u32 $0xB, s0;
	v10 =	vand.u32 $0x3000, v10;
	v7 =	vand.u32 $0x380, v7  }
0x77: {  	[tilespmem:v6+s21+$0x0] =	vst.idx.msk $0xffff, v8;
	v6 =	vor.u32 v10, v7;
	v7 =	vadd.s32 s2, v0  }
0x78: {  	v8 =	vld.idx.msk [tilespmem:v9+s18+$0x0], $0xffff;
	v6 =	vor.u32 v4, v6;
	v9 =	vand.u32 $0x1F, v7  }
0x79: {  	v9 =	vor.u32 v9, v5;
	_ =	sdelay $0x1  }
0x7a: {  	v10 =	vshll.u32 v7, $0x9;
	v7 =	vshll.u32 v7, $0x7  }
0x7b: {  	s5 =	sor.u32 $0xC, s0;
	v10 =	vand.u32 $0x3000, v10;
	v7 =	vand.u32 $0x380, v7  }
0x7c: {  	[tilespmem:v6+s21+$0x0] =	vst.idx.msk $0xffff, v8;
	v6 =	vor.u32 v10, v7;
	v7 =	vadd.s32 s5, v0  }
0x7d: {  	v8 =	vld.idx.msk [tilespmem:v9+s18+$0x0], $0xffff;
	v6 =	vor.u32 v4, v6;
	v9 =	vand.u32 $0x1F, v7  }
0x7e: {  	v9 =	vor.u32 v9, v5;
	_ =	sdelay $0x1  }
0x7f: {  	v10 =	vshll.u32 v7, $0x9;
	v7 =	vshll.u32 v7, $0x7  }
0x80: {  	s22 =	sor.u32 $0xD, s0;
	v10 =	vand.u32 $0x3000, v10;
	v7 =	vand.u32 $0x380, v7  }
0x81: {  	[tilespmem:v6+s21+$0x0] =	vst.idx.msk $0xffff, v8;
	v6 =	vor.u32 v10, v7;
	v7 =	vadd.s32 s22, v0  }
0x82: {  	v8 =	vld.idx.msk [tilespmem:v9+s18+$0x0], $0xffff;
	v6 =	vor.u32 v4, v6;
	v9 =	vand.u32 $0x1F, v7  }
0x83: {  	v9 =	vor.u32 v9, v5;
	_ =	sdelay $0x1  }
0x84: {  	v10 =	vshll.u32 v7, $0x9;
	v7 =	vshll.u32 v7, $0x7  }
0x85: {  	s23 =	sor.u32 $0xE, s0;
	v10 =	vand.u32 $0x3000, v10;
	v7 =	vand.u32 $0x380, v7  }
0x86: {  	[tilespmem:v6+s21+$0x0] =	vst.idx.msk $0xffff, v8;
	v6 =	vor.u32 v10, v7;
	v7 =	vadd.s32 s23, v0  }
0x87: {  	v9 =	vld.idx.msk [tilespmem:v9+s18+$0x0], $0xffff;
	v6 =	vor.u32 v4, v6;
	v8 =	vand.u32 $0x1F, v7  }
0x88: {  	v10 =	vor.u32 v8, v5;
	_ =	sdelay $0x1  }
0x89: {  	v8 =	vshll.u32 v7, $0x9;
	v7 =	vshll.u32 v7, $0x7  }
0x8a: {  	s0 =	sor.u32 $0xF, s0;
	v11 =	vand.u32 $0x3000, v8;
	v7 =	vand.u32 $0x380, v7  }
0x8b: {  	v8 =	vadd.s32 s0, v0;
	v7 =	vor.u32 v11, v7;
	[tilespmem:v6+s21+$0x0] =	vst.idx.msk $0xffff, v9  }
0x8c: {  	v11 =	vand.u32 $0x1F, v8;
	v9 =	vor.u32 v4, v7;
	v6 =	vld.idx.msk [tilespmem:v10+s18+$0x0], $0xffff  }
0x8d: {  	v7 =	vor.u32 v11, v5  }
0x8e: {  	s1 =	simm.s32 $0x8;
	s5 =	sshll.u32 s16, $0xC  }
.LBB2_3:
0x8f: {  	s0 =	sand.u32 $0x1F0, s1  }
0x90: {  	s17 =	sadd.s32 $0x10, s17;
	v10 =	vshll.u32 v8, $0x9;
	v8 =	vshll.u32 v8, $0x7;
	v5 =	vmov s0  }
0x91: {  	s0 =	sand.u32 $0x10, s17;
	p1 =	slt.u32 s17, $0x3F0;
	v8 =	vand.u32 $0x380, v8;
	v5 =	vshll.u32 v5, $0x5;
	[tilespmem:v9+s21+$0x0] =	vst.idx.msk $0xffff, v6;
	v6 =	vand.u32 $0x3000, v10  }
0x92: {  	v9 =	vor.u32 s0, v0;
	v5 =	vor.u32 v1, v5;
	v7 =	vld.idx.msk [tilespmem:v7+s18+$0x0], $0xffff;
	v8 =	vor.u32 v6, v8  }
0x93: {  	v10 =	vand.u32 $0x18, v9;
	v6 =	vor.u32 v2, v5;
	v4 =	vor.u32 v4, v8  }
0x94: {  	v8 =	vor.u32 v10, v6;
	_ =	sdelay $0x1  }
0x95: {  	s14 =	sadd.s32 $0x40, s14  }
0x96: {  	s22 =	sand.u32 $0x70, s1;
	s2 =	sand.u32 $0xC00, s14  }
0x97: {  	s2 =	sor.u32 s22, s2;
	s22 =	sor.u32 $0x1, s0;
	v9 =	vshll.u32 v9, $0x9;
	[tilespmem:v4+s21+$0x0] =	vst.idx.msk $0xffff, v7  }
0x98: {  	v7 =	vor.u32 s2, v3;
	v4 =	vld.idx.msk [tilespmem:v8+s18+$0x0], $0xffff;
	v8 =	vand.u32 $0x3000, v9;
	v9 =	vadd.s32 s22, v0  }
0x99: {  	v8 =	vor.u32 v8, v7;
	v10 =	vand.u32 $0x1F, v9  }
0x9a: {  	v10 =	vor.u32 v10, v5;
	_ =	sdelay $0x2  }
0x9b: {  	v11 =	vshll.u32 v9, $0x9;
	v9 =	vshll.u32 v9, $0x7  }
0x9c: {  	s22 =	sor.u32 $0x2, s0;
	v9 =	vand.u32 $0x380, v9;
	[tilespmem:v8+s21+$0x0] =	vst.idx.msk $0xffff, v4;
	v8 =	vand.u32 $0x3000, v11  }
0x9d: {  	v4 =	vor.u32 s2, v0;
	v10 =	vld.idx.msk [tilespmem:v10+s18+$0x0], $0xffff;
	v8 =	vor.u32 v8, v9;
	v9 =	vadd.s32 s22, v0  }
0x9e: {  	v8 =	vor.u32 v4, v8;
	v11 =	vand.u32 $0x1F, v9  }
0x9f: {  	v11 =	vor.u32 v11, v5;
	_ =	sdelay $0x2  }
0xa0: {  	v12 =	vshll.u32 v9, $0x9;
	v9 =	vshll.u32 v9, $0x7  }
0xa1: {  	s2 =	sor.u32 $0x3, s0;
	v9 =	vand.u32 $0x380, v9;
	[tilespmem:v8+s21+$0x0] =	vst.idx.msk $0xffff, v10;
	v8 =	vand.u32 $0x3000, v12  }
0xa2: {  	v10 =	vld.idx.msk [tilespmem:v11+s18+$0x0], $0xffff;
	v8 =	vor.u32 v8, v9;
	v9 =	vadd.s32 s2, v0  }
0xa3: {  	v8 =	vor.u32 v4, v8;
	v11 =	vand.u32 $0x1F, v9  }
0xa4: {  	v11 =	vor.u32 v11, v5;
	_ =	sdelay $0x2  }
0xa5: {  	v12 =	vshll.u32 v9, $0x9;
	v9 =	vshll.u32 v9, $0x7  }
0xa6: {  	s2 =	sor.u32 $0x4, s0;
	v9 =	vand.u32 $0x380, v9;
	[tilespmem:v8+s21+$0x0] =	vst.idx.msk $0xffff, v10;
	v8 =	vand.u32 $0x3000, v12  }
0xa7: {  	v10 =	vld.idx.msk [tilespmem:v11+s18+$0x0], $0xffff;
	v8 =	vor.u32 v8, v9;
	v9 =	vadd.s32 s2, v0  }
0xa8: {  	v8 =	vor.u32 v4, v8;
	v11 =	vand.u32 $0x1F, v9  }
0xa9: {  	v11 =	vor.u32 v11, v5;
	_ =	sdelay $0x2  }
0xaa: {  	v12 =	vshll.u32 v9, $0x9;
	v9 =	vshll.u32 v9, $0x7  }
0xab: {  	s2 =	sor.u32 $0x5, s0;
	v9 =	vand.u32 $0x380, v9;
	[tilespmem:v8+s21+$0x0] =	vst.idx.msk $0xffff, v10;
	v8 =	vand.u32 $0x3000, v12  }
0xac: {  	v10 =	vld.idx.msk [tilespmem:v11+s18+$0x0], $0xffff;
	v8 =	vor.u32 v8, v9;
	v9 =	vadd.s32 s2, v0  }
0xad: {  	v8 =	vor.u32 v4, v8;
	v11 =	vand.u32 $0x1F, v9  }
0xae: {  	v11 =	vor.u32 v11, v5;
	_ =	sdelay $0x2  }
0xaf: {  	v12 =	vshll.u32 v9, $0x9;
	v9 =	vshll.u32 v9, $0x7  }
0xb0: {  	s2 =	sor.u32 $0x6, s0;
	v9 =	vand.u32 $0x380, v9;
	[tilespmem:v8+s21+$0x0] =	vst.idx.msk $0xffff, v10;
	v8 =	vand.u32 $0x3000, v12  }
0xb1: {  	v10 =	vld.idx.msk [tilespmem:v11+s18+$0x0], $0xffff;
	v8 =	vor.u32 v8, v9;
	v9 =	vadd.s32 s2, v0  }
0xb2: {  	v8 =	vor.u32 v4, v8;
	v11 =	vand.u32 $0x1F, v9  }
0xb3: {  	v11 =	vor.u32 v11, v5;
	_ =	sdelay $0x2  }
0xb4: {  	v12 =	vshll.u32 v9, $0x9;
	v9 =	vshll.u32 v9, $0x7  }
0xb5: {  	s2 =	sor.u32 $0x7, s0;
	v9 =	vand.u32 $0x380, v9;
	[tilespmem:v8+s21+$0x0] =	vst.idx.msk $0xffff, v10;
	v8 =	vand.u32 $0x3000, v12  }
0xb6: {  	v10 =	vld.idx.msk [tilespmem:v11+s18+$0x0], $0xffff;
	v8 =	vor.u32 v8, v9;
	v9 =	vadd.s32 s2, v0  }
0xb7: {  	v8 =	vor.u32 v4, v8;
	v11 =	vand.u32 $0x1F, v9  }
0xb8: {  	v11 =	vor.u32 v11, v5;
	_ =	sdelay $0x2  }
0xb9: {  	v12 =	vshll.u32 v9, $0x9;
	v9 =	vshll.u32 v9, $0x7  }
0xba: {  	s2 =	sor.u32 $0x8, s0;
	v9 =	vand.u32 $0x380, v9;
	[tilespmem:v8+s21+$0x0] =	vst.idx.msk $0xffff, v10;
	v8 =	vand.u32 $0x3000, v12  }
0xbb: {  	v10 =	vld.idx.msk [tilespmem:v11+s18+$0x0], $0xffff;
	v8 =	vor.u32 v8, v9;
	v9 =	vadd.s32 s2, v0  }
0xbc: {  	v8 =	vor.u32 v4, v8;
	v11 =	vand.u32 $0x18, v9  }
0xbd: {  	v6 =	vor.u32 v11, v6;
	_ =	sdelay $0x3  }
0xbe: {  	s2 =	sor.u32 $0x9, s0;
	[tilespmem:v8+s21+$0x0] =	vst.idx.msk $0xffff, v10;
	v8 =	vshll.u32 v9, $0x9  }
0xbf: {  	v9 =	vadd.s32 s2, v0;
	v6 =	vld.idx.msk [tilespmem:v6+s18+$0x0], $0xffff;
	v8 =	vand.u32 $0x3000, v8  }
0xc0: {  	v7 =	vor.u32 v8, v7;
	v8 =	vand.u32 $0x1F, v9  }
0xc1: {  	v8 =	vor.u32 v8, v5;
	_ =	sdelay $0x2  }
0xc2: {  	v10 =	vshll.u32 v9, $0x9;
	v9 =	vshll.u32 v9, $0x7  }
0xc3: {  	s2 =	sor.u32 $0xA, s0;
	[tilespmem:v7+s21+$0x0] =	vst.idx.msk $0xffff, v6;
	v6 =	vand.u32 $0x3000, v10;
	v7 =	vand.u32 $0x380, v9  }
0xc4: {  	v8 =	vld.idx.msk [tilespmem:v8+s18+$0x0], $0xffff;
	v6 =	vor.u32 v6, v7;
	v7 =	vadd.s32 s2, v0  }
0xc5: {  	v6 =	vor.u32 v4, v6;
	v9 =	vand.u32 $0x1F, v7  }
0xc6: {  	v9 =	vor.u32 v9, v5;
	_ =	sdelay $0x2  }
0xc7: {  	v10 =	vshll.u32 v7, $0x9;
	v7 =	vshll.u32 v7, $0x7  }
0xc8: {  	s2 =	sor.u32 $0xB, s0;
	v7 =	vand.u32 $0x380, v7;
	[tilespmem:v6+s21+$0x0] =	vst.idx.msk $0xffff, v8;
	v6 =	vand.u32 $0x3000, v10  }
0xc9: {  	v8 =	vld.idx.msk [tilespmem:v9+s18+$0x0], $0xffff;
	v6 =	vor.u32 v6, v7;
	v7 =	vadd.s32 s2, v0  }
0xca: {  	v6 =	vor.u32 v4, v6;
	v9 =	vand.u32 $0x1F, v7  }
0xcb: {  	v9 =	vor.u32 v9, v5;
	_ =	sdelay $0x2  }
0xcc: {  	v10 =	vshll.u32 v7, $0x9;
	v7 =	vshll.u32 v7, $0x7  }
0xcd: {  	s2 =	sor.u32 $0xC, s0;
	v7 =	vand.u32 $0x380, v7;
	[tilespmem:v6+s21+$0x0] =	vst.idx.msk $0xffff, v8;
	v6 =	vand.u32 $0x3000, v10  }
0xce: {  	v8 =	vld.idx.msk [tilespmem:v9+s18+$0x0], $0xffff;
	v6 =	vor.u32 v6, v7;
	v7 =	vadd.s32 s2, v0  }
0xcf: {  	v6 =	vor.u32 v4, v6;
	v9 =	vand.u32 $0x1F, v7  }
0xd0: {  	v9 =	vor.u32 v9, v5;
	_ =	sdelay $0x2  }
0xd1: {  	v10 =	vshll.u32 v7, $0x9;
	v7 =	vshll.u32 v7, $0x7  }
0xd2: {  	s2 =	sor.u32 $0xD, s0;
	v7 =	vand.u32 $0x380, v7;
	[tilespmem:v6+s21+$0x0] =	vst.idx.msk $0xffff, v8;
	v6 =	vand.u32 $0x3000, v10  }
0xd3: {  	v8 =	vld.idx.msk [tilespmem:v9+s18+$0x0], $0xffff;
	v6 =	vor.u32 v6, v7;
	v7 =	vadd.s32 s2, v0  }
0xd4: {  	v6 =	vor.u32 v4, v6;
	v9 =	vand.u32 $0x1F, v7  }
0xd5: {  	v9 =	vor.u32 v9, v5;
	_ =	sdelay $0x2  }
0xd6: {  	v10 =	vshll.u32 v7, $0x9;
	v7 =	vshll.u32 v7, $0x7  }
0xd7: {  	s2 =	sor.u32 $0xE, s0;
	v7 =	vand.u32 $0x380, v7;
	[tilespmem:v6+s21+$0x0] =	vst.idx.msk $0xffff, v8;
	v6 =	vand.u32 $0x3000, v10  }
0xd8: {  	v8 =	vld.idx.msk [tilespmem:v9+s18+$0x0], $0xffff;
	v6 =	vor.u32 v6, v7;
	v7 =	vadd.s32 s2, v0  }
0xd9: {  	v6 =	vor.u32 v4, v6;
	v9 =	vand.u32 $0x1F, v7  }
0xda: {  	v9 =	vor.u32 v9, v5;
	_ =	sdelay $0x2  }
0xdb: {  	v10 =	vshll.u32 v7, $0x9;
	v7 =	vshll.u32 v7, $0x7  }
.Ltmp2:
0xdc: {  	s0 =	sor.u32 $0xF, s0;
	v7 =	vand.u32 $0x380, v7;
	[tilespmem:v6+s21+$0x0] =	vst.idx.msk $0xffff, v8;
	v8 =	vand.u32 $0x3000, v10;
	(pc) =	sbr.rel @p1 .LBB2_3-.Ltmp2, $4  }
0xdd: {  	v6 =	vld.idx.msk [tilespmem:v9+s18+$0x0], $0xffff;
	v7 =	vor.u32 v8, v7;
	v8 =	vadd.s32 s0, v0  }
0xde: {  	v9 =	vor.u32 v4, v7;
	v7 =	vand.u32 $0x1F, v8  }
0xdf: {  	v7 =	vor.u32 v7, v5  }
0xe0: {  	s1 =	sadd.s32 $0x8, s1  }
0xe1: {  	_ =	sdelay $0x1  }
0xe2: {  	v5 =	vshll.u32 v8, $0x9;
	v63 =	vshll.u32 v8, $0x7  }
0xe3: {  	v5 =	vand.u32 $0x3000, v5;
	v8 =	vand.u32 $0x380, v63  }
0xe4: {  	[tilespmem:v9+s21+$0x0] =	vst.idx.msk $0xffff, v6;
	v5 =	vor.u32 v5, v8  }
0xe5: {  	v6 =	vld.idx.msk [tilespmem:v7+s18+$0x0], $0xffff;
	v4 =	vor.u32 v4, v5;
	_ =	sdelay $0x2  }
0xe6: {  	s0 =	sshll.u32 s16, $0x11  }
0xe7: {  	s1 =	rddreg [dreg:$0x1];
	s14 =	sor.u32 s6, s0  }
0xe8: {  	s0 =	sadd.s32 s1, s14;
	[tilespmem:v4+s21+$0x0] =	vst.idx.msk $0xffff, v6  }
0xe9: {  	[hbm4b:s0+s3] =	stream.linear.scatter [tilespmem:s21], [sflag:$0x3], $0x1000, $0x38;
	[tilespmem:$0x13400] =	vst v63  }
0xea: {  	p1 =	sne.s32 s16, $0xC;
	s2 =	sadd.s32 s14, s7;
	s1 =	simm.s32 $0xC400  }
0xeb: {  	[hbm4b:s2+s3] =	stream.linear.scatter [tilespmem:s1], [sflag:$0x3], $0x1000, $0x38;
	[tilespmem:$0x13400] =	vst v63  }
.Ltmp3:
0xec: {  	_ = 	snop;
	(pc) =	sbr.rel @p1 .LBB2_6-.Ltmp3, $4  }
0xed: {  	s22 =	simm.s32 $0xD400;
	s17 =	sadd.s32 s14, s8  }
0xee: {  	[hbm4b:s17+s3] =	stream.linear.scatter [tilespmem:s22], [sflag:$0x3], $0x1000, $0x38;
	[tilespmem:$0x13400] =	vst v63  }
0xef: {  	s23 =	sadd.s32 s14, s9  }
0xf0: {  	[hbm4b:s23+s3] =	stream.linear.scatter [tilespmem:s24], [sflag:$0x3], $0x1000, $0x38;
	[tilespmem:$0x13400] =	vst v63  }
.Ltmp4:
0xf1: {  	(pc) =	sbr.rel .LBB2_7-.Ltmp4, $4  }
0xf2: {  	_ = 	snop  }
0xf3: {  	_ =	swait.ge [sflag:s25], $0x4000  }
0xf4: {  	[sflag:s25] =	ssyncset.done $0x0  }
0xf5: {  	[sflag:s25] =	ssyncadd.s32 $0xFFFFC000  }
.LBB2_6:
0xf6: {  	s0 =	sshrl.u32 s5, $0x2  }
.Ltmp5:
0xf7: {  	s0 =	sadd.s32 $0x400, s0;
	(pc) =	sbr.rel @p0 .LBB2_8-.Ltmp5, $4  }
0xf8: {  	[tilespmem:s18], [sflag:$0x1] =	stream.indirect.gather [hbm4b:s4+s15], $0x20, s0, s15, $0xb8;
	[tilespmem:$0x13400] =	vst v63  }
0xf9: {  	_ =	swait.ge [sflag:s25], $0x4000  }
0xfa: {  	[sflag:s25] =	ssyncset.done $0x0  }
0xfb: {  	[sflag:s25] =	ssyncadd.s32 $0xFFFFC000  }
.LBB2_7:
0xfc: {  	_ =	swait.ge [sflag:s26], $0x1000  }
0xfd: {  	[sflag:s26] =	ssyncset.done $0x0  }
0xfe: {  	[sflag:s26] =	ssyncadd.s32 $0xFFFFF000  }
0xff: {  	_ =	swait.ge [sflag:s26], $0x1000  }
0x100: {  	[sflag:s26] =	ssyncset.done $0x0  }
0x101: {  	[sflag:s26] =	ssyncadd.s32 $0xFFFFF000  }
0x102: {  	_ =	swait.ge [sflag:s26], $0x1000  }
0x103: {  	[sflag:s26] =	ssyncset.done $0x0  }
0x104: {  	[sflag:s26] =	ssyncadd.s32 $0xFFFFF000  }
0x105: {  	_ =	swait.ge [sflag:s26], $0x1000  }
0x106: {  	[sflag:s26] =	ssyncset.done $0x0  }
0x107: {  	[sflag:s26] =	ssyncadd.s32 $0xFFFFF000  }
.LBB2_8:
0x108: {  	s17 =	simm.s32 $0x0  }
0x109: {  	s0 =	sand.u32 $0x1F0, s17  }
0x10a: {  	s1 =	simm.s32 $0x0;
	v4 =	vmov s0  }
0x10b: {  	s0 =	sand.u32 $0x10, s1;
	v4 =	vshll.u32 v4, $0x5  }
0x10c: {  	v6 =	vor.u32 s0, v0;
	v5 =	vor.u32 v1, v4  }
0x10d: {  	v4 =	vand.u32 $0x18, v6;
	v7 =	vor.u32 v2, v5  }
0x10e: {  	v4 =	vor.u32 v4, v7;
	_ =	sdelay $0x1  }
0x10f: {  	s2 =	sand.u32 $0xC00, s17;
	s22 =	sand.u32 $0x70, s17  }
0x110: {  	s2 =	sor.u32 s22, s2;
	s23 =	sor.u32 $0x1, s0;
	v6 =	vshll.u32 v6, $0x9  }
0x111: {  	v8 =	vor.u32 s2, v3;
	v9 =	vadd.s32 s23, v0;
	v6 =	vand.u32 $0x3000, v6  }
0x112: {  	v10 =	vand.u32 $0x1F, v9;
	v6 =	vor.u32 v6, v8;
	v4 =	vld.idx.msk [tilespmem:v4+s19+$0x0], $0xffff  }
0x113: {  	v10 =	vor.u32 v10, v5;
	_ =	sdelay $0x1  }
0x114: {  	v11 =	vshll.u32 v9, $0x9;
	v9 =	vshll.u32 v9, $0x7  }
0x115: {  	s23 =	sor.u32 $0x2, s0;
	v11 =	vand.u32 $0x3000, v11;
	v9 =	vand.u32 $0x380, v9  }
0x116: {  	[tilespmem:v6+s28+$0x0] =	vst.idx.msk $0xffff, v4;
	v4 =	vor.u32 s2, v0;
	v6 =	vor.u32 v11, v9;
	v9 =	vadd.s32 s23, v0  }
0x117: {  	v10 =	vld.idx.msk [tilespmem:v10+s19+$0x0], $0xffff;
	v6 =	vor.u32 v4, v6;
	v11 =	vand.u32 $0x1F, v9  }
0x118: {  	v11 =	vor.u32 v11, v5;
	_ =	sdelay $0x1  }
0x119: {  	v12 =	vshll.u32 v9, $0x9;
	v9 =	vshll.u32 v9, $0x7  }
0x11a: {  	s22 =	sor.u32 $0x3, s0;
	v12 =	vand.u32 $0x3000, v12;
	v9 =	vand.u32 $0x380, v9  }
0x11b: {  	[tilespmem:v6+s28+$0x0] =	vst.idx.msk $0xffff, v10;
	v6 =	vor.u32 v12, v9;
	v9 =	vadd.s32 s22, v0  }
0x11c: {  	v10 =	vld.idx.msk [tilespmem:v11+s19+$0x0], $0xffff;
	v6 =	vor.u32 v4, v6;
	v11 =	vand.u32 $0x1F, v9  }
0x11d: {  	v11 =	vor.u32 v11, v5;
	_ =	sdelay $0x1  }
0x11e: {  	v59 =	vshll.u32 v9, $0x9;
	v9 =	vshll.u32 v9, $0x7  }
0x11f: {  	s23 =	sor.u32 $0x4, s0;
	v12 =	vand.u32 $0x3000, v59;
	v9 =	vand.u32 $0x380, v9  }
0x120: {  	[tilespmem:v6+s28+$0x0] =	vst.idx.msk $0xffff, v10;
	v6 =	vor.u32 v12, v9;
	v9 =	vadd.s32 s23, v0  }
0x121: {  	v10 =	vld.idx.msk [tilespmem:v11+s19+$0x0], $0xffff;
	v6 =	vor.u32 v4, v6;
	v11 =	vand.u32 $0x1F, v9  }
0x122: {  	v11 =	vor.u32 v11, v5;
	_ =	sdelay $0x1  }
0x123: {  	v60 =	vshll.u32 v9, $0x9;
	v9 =	vshll.u32 v9, $0x7  }
0x124: {  	s22 =	sor.u32 $0x5, s0;
	v12 =	vand.u32 $0x3000, v60;
	v9 =	vand.u32 $0x380, v9  }
0x125: {  	[tilespmem:v6+s28+$0x0] =	vst.idx.msk $0xffff, v10;
	v6 =	vor.u32 v12, v9;
	v9 =	vadd.s32 s22, v0  }
0x126: {  	v10 =	vld.idx.msk [tilespmem:v11+s19+$0x0], $0xffff;
	v6 =	vor.u32 v4, v6;
	v11 =	vand.u32 $0x1F, v9  }
0x127: {  	v11 =	vor.u32 v11, v5;
	_ =	sdelay $0x1  }
0x128: {  	v61 =	vshll.u32 v9, $0x9;
	v9 =	vshll.u32 v9, $0x7  }
0x129: {  	s23 =	sor.u32 $0x6, s0;
	v12 =	vand.u32 $0x3000, v61;
	v9 =	vand.u32 $0x380, v9  }
0x12a: {  	[tilespmem:v6+s28+$0x0] =	vst.idx.msk $0xffff, v10;
	v6 =	vor.u32 v12, v9;
	v9 =	vadd.s32 s23, v0  }
0x12b: {  	v10 =	vld.idx.msk [tilespmem:v11+s19+$0x0], $0xffff;
	v6 =	vor.u32 v4, v6;
	v11 =	vand.u32 $0x1F, v9  }
0x12c: {  	v11 =	vor.u32 v11, v5;
	_ =	sdelay $0x1  }
0x12d: {  	v62 =	vshll.u32 v9, $0x9;
	v9 =	vshll.u32 v9, $0x7  }
0x12e: {  	s22 =	sor.u32 $0x7, s0;
	v12 =	vand.u32 $0x3000, v62;
	v9 =	vand.u32 $0x380, v9  }
0x12f: {  	[tilespmem:v6+s28+$0x0] =	vst.idx.msk $0xffff, v10;
	v6 =	vor.u32 v12, v9;
	v9 =	vadd.s32 s22, v0  }
0x130: {  	v10 =	vld.idx.msk [tilespmem:v11+s19+$0x0], $0xffff;
	v6 =	vor.u32 v4, v6;
	v11 =	vand.u32 $0x1F, v9  }
0x131: {  	v11 =	vor.u32 v11, v5;
	_ =	sdelay $0x1  }
0x132: {  	v63 =	vshll.u32 v9, $0x9;
	v9 =	vshll.u32 v9, $0x7  }
0x133: {  	s23 =	sor.u32 $0x8, s0;
	v12 =	vand.u32 $0x3000, v63;
	v9 =	vand.u32 $0x380, v9  }
0x134: {  	[tilespmem:v6+s28+$0x0] =	vst.idx.msk $0xffff, v10;
	v6 =	vor.u32 v12, v9;
	v9 =	vadd.s32 s23, v0  }
0x135: {  	v10 =	vld.idx.msk [tilespmem:v11+s19+$0x0], $0xffff;
	v6 =	vor.u32 v4, v6;
	v11 =	vand.u32 $0x18, v9  }
0x136: {  	v7 =	vor.u32 v11, v7;
	_ =	sdelay $0x2  }
0x137: {  	s22 =	sor.u32 $0x9, s0;
	v9 =	vshll.u32 v9, $0x9  }
0x138: {  	[tilespmem:v6+s28+$0x0] =	vst.idx.msk $0xffff, v10;
	v6 =	vand.u32 $0x3000, v9;
	v9 =	vadd.s32 s22, v0  }
0x139: {  	v7 =	vld.idx.msk [tilespmem:v7+s19+$0x0], $0xffff;
	v6 =	vor.u32 v6, v8;
	v8 =	vand.u32 $0x1F, v9  }
0x13a: {  	v8 =	vor.u32 v8, v5;
	_ =	sdelay $0x1  }
0x13b: {  	v10 =	vshll.u32 v9, $0x9;
	v9 =	vshll.u32 v9, $0x7  }
0x13c: {  	s23 =	sor.u32 $0xA, s0;
	v10 =	vand.u32 $0x3000, v10;
	v9 =	vand.u32 $0x380, v9  }
0x13d: {  	[tilespmem:v6+s28+$0x0] =	vst.idx.msk $0xffff, v7;
	v6 =	vor.u32 v10, v9;
	v7 =	vadd.s32 s23, v0  }
0x13e: {  	v8 =	vld.idx.msk [tilespmem:v8+s19+$0x0], $0xffff;
	v6 =	vor.u32 v4, v6;
	v9 =	vand.u32 $0x1F, v7  }
0x13f: {  	v9 =	vor.u32 v9, v5;
	_ =	sdelay $0x1  }
0x140: {  	v10 =	vshll.u32 v7, $0x9;
	v7 =	vshll.u32 v7, $0x7  }
0x141: {  	s22 =	sor.u32 $0xB, s0;
	v10 =	vand.u32 $0x3000, v10;
	v7 =	vand.u32 $0x380, v7  }
0x142: {  	[tilespmem:v6+s28+$0x0] =	vst.idx.msk $0xffff, v8;
	v6 =	vor.u32 v10, v7;
	v7 =	vadd.s32 s22, v0  }
0x143: {  	v8 =	vld.idx.msk [tilespmem:v9+s19+$0x0], $0xffff;
	v6 =	vor.u32 v4, v6;
	v9 =	vand.u32 $0x1F, v7  }
0x144: {  	v9 =	vor.u32 v9, v5;
	_ =	sdelay $0x1  }
0x145: {  	v10 =	vshll.u32 v7, $0x9;
	v7 =	vshll.u32 v7, $0x7  }
0x146: {  	s23 =	sor.u32 $0xC, s0;
	v10 =	vand.u32 $0x3000, v10;
	v7 =	vand.u32 $0x380, v7  }
0x147: {  	[tilespmem:v6+s28+$0x0] =	vst.idx.msk $0xffff, v8;
	v6 =	vor.u32 v10, v7;
	v7 =	vadd.s32 s23, v0  }
0x148: {  	v8 =	vld.idx.msk [tilespmem:v9+s19+$0x0], $0xffff;
	v6 =	vor.u32 v4, v6;
	v9 =	vand.u32 $0x1F, v7  }
0x149: {  	v9 =	vor.u32 v9, v5;
	_ =	sdelay $0x1  }
0x14a: {  	v10 =	vshll.u32 v7, $0x9;
	v7 =	vshll.u32 v7, $0x7  }
0x14b: {  	s22 =	sor.u32 $0xD, s0;
	v10 =	vand.u32 $0x3000, v10;
	v7 =	vand.u32 $0x380, v7  }
0x14c: {  	[tilespmem:v6+s28+$0x0] =	vst.idx.msk $0xffff, v8;
	v6 =	vor.u32 v10, v7;
	v7 =	vadd.s32 s22, v0  }
0x14d: {  	v8 =	vld.idx.msk [tilespmem:v9+s19+$0x0], $0xffff;
	v6 =	vor.u32 v4, v6;
	v9 =	vand.u32 $0x1F, v7  }
0x14e: {  	v9 =	vor.u32 v9, v5;
	_ =	sdelay $0x1  }
0x14f: {  	v10 =	vshll.u32 v7, $0x9;
	v7 =	vshll.u32 v7, $0x7  }
0x150: {  	s23 =	sor.u32 $0xE, s0;
	v10 =	vand.u32 $0x3000, v10;
	v7 =	vand.u32 $0x380, v7  }
0x151: {  	[tilespmem:v6+s28+$0x0] =	vst.idx.msk $0xffff, v8;
	v6 =	vor.u32 v10, v7;
	v7 =	vadd.s32 s23, v0  }
0x152: {  	v8 =	vld.idx.msk [tilespmem:v9+s19+$0x0], $0xffff;
	v6 =	vor.u32 v4, v6;
	v9 =	vand.u32 $0x1F, v7  }
0x153: {  	v10 =	vor.u32 v9, v5;
	_ =	sdelay $0x1  }
0x154: {  	v9 =	vshll.u32 v7, $0x9;
	v7 =	vshll.u32 v7, $0x7  }
0x155: {  	s0 =	sor.u32 $0xF, s0;
	v11 =	vand.u32 $0x3000, v9;
	v7 =	vand.u32 $0x380, v7  }
0x156: {  	v9 =	vadd.s32 s0, v0;
	v7 =	vor.u32 v11, v7;
	[tilespmem:v6+s28+$0x0] =	vst.idx.msk $0xffff, v8  }
0x157: {  	v11 =	vand.u32 $0x1F, v9;
	v8 =	vor.u32 v4, v7;
	v6 =	vld.idx.msk [tilespmem:v10+s19+$0x0], $0xffff  }
0x158: {  	v7 =	vor.u32 v11, v5  }
0x159: {  	s0 =	simm.s32 $0x8  }
.LBB2_9:
0x15a: {  	s2 =	sand.u32 $0x1F0, s0  }
0x15b: {  	s1 =	sadd.s32 $0x10, s1;
	v10 =	vshll.u32 v9, $0x9;
	v9 =	vshll.u32 v9, $0x7;
	v5 =	vmov s2  }
0x15c: {  	s2 =	sand.u32 $0x10, s1;
	p0 =	slt.u32 s1, $0x3F0;
	v5 =	vshll.u32 v5, $0x5;
	[tilespmem:v8+s28+$0x0] =	vst.idx.msk $0xffff, v6;
	v6 =	vand.u32 $0x3000, v10;
	v8 =	vand.u32 $0x380, v9  }
0x15d: {  	v9 =	vor.u32 s2, v0;
	v5 =	vor.u32 v1, v5;
	v7 =	vld.idx.msk [tilespmem:v7+s19+$0x0], $0xffff;
	v8 =	vor.u32 v6, v8  }
0x15e: {  	v10 =	vand.u32 $0x18, v9;
	v6 =	vor.u32 v2, v5;
	v4 =	vor.u32 v4, v8  }
0x15f: {  	v8 =	vor.u32 v10, v6;
	_ =	sdelay $0x1  }
0x160: {  	s17 =	sadd.s32 $0x40, s17  }
0x161: {  	s23 =	sand.u32 $0x70, s0;
	s22 =	sand.u32 $0xC00, s17  }
0x162: {  	s22 =	sor.u32 s23, s22;
	s23 =	sor.u32 $0x1, s2;
	v9 =	vshll.u32 v9, $0x9;
	[tilespmem:v4+s28+$0x0] =	vst.idx.msk $0xffff, v7  }
0x163: {  	v7 =	vor.u32 s22, v3;
	v4 =	vld.idx.msk [tilespmem:v8+s19+$0x0], $0xffff;
	v8 =	vand.u32 $0x3000, v9;
	v9 =	vadd.s32 s23, v0  }
0x164: {  	v8 =	vor.u32 v8, v7;
	v10 =	vand.u32 $0x1F, v9  }
0x165: {  	v10 =	vor.u32 v10, v5;
	_ =	sdelay $0x2  }
0x166: {  	v11 =	vshll.u32 v9, $0x9;
	v9 =	vshll.u32 v9, $0x7  }
0x167: {  	s23 =	sor.u32 $0x2, s2;
	v9 =	vand.u32 $0x380, v9;
	[tilespmem:v8+s28+$0x0] =	vst.idx.msk $0xffff, v4;
	v8 =	vand.u32 $0x3000, v11  }
0x168: {  	v4 =	vor.u32 s22, v0;
	v10 =	vld.idx.msk [tilespmem:v10+s19+$0x0], $0xffff;
	v8 =	vor.u32 v8, v9;
	v9 =	vadd.s32 s23, v0  }
0x169: {  	v8 =	vor.u32 v4, v8;
	v11 =	vand.u32 $0x1F, v9  }
0x16a: {  	v11 =	vor.u32 v11, v5;
	_ =	sdelay $0x2  }
0x16b: {  	v12 =	vshll.u32 v9, $0x9;
	v9 =	vshll.u32 v9, $0x7  }
0x16c: {  	s22 =	sor.u32 $0x3, s2;
	v9 =	vand.u32 $0x380, v9;
	[tilespmem:v8+s28+$0x0] =	vst.idx.msk $0xffff, v10;
	v8 =	vand.u32 $0x3000, v12  }
0x16d: {  	v10 =	vld.idx.msk [tilespmem:v11+s19+$0x0], $0xffff;
	v8 =	vor.u32 v8, v9;
	v9 =	vadd.s32 s22, v0  }
0x16e: {  	v8 =	vor.u32 v4, v8;
	v11 =	vand.u32 $0x1F, v9  }
0x16f: {  	v11 =	vor.u32 v11, v5;
	_ =	sdelay $0x2  }
0x170: {  	v12 =	vshll.u32 v9, $0x9;
	v9 =	vshll.u32 v9, $0x7  }
0x171: {  	s22 =	sor.u32 $0x4, s2;
	v9 =	vand.u32 $0x380, v9;
	[tilespmem:v8+s28+$0x0] =	vst.idx.msk $0xffff, v10;
	v8 =	vand.u32 $0x3000, v12  }
0x172: {  	v10 =	vld.idx.msk [tilespmem:v11+s19+$0x0], $0xffff;
	v8 =	vor.u32 v8, v9;
	v9 =	vadd.s32 s22, v0  }
0x173: {  	v8 =	vor.u32 v4, v8;
	v11 =	vand.u32 $0x1F, v9  }
0x174: {  	v11 =	vor.u32 v11, v5;
	_ =	sdelay $0x2  }
0x175: {  	v12 =	vshll.u32 v9, $0x9;
	v9 =	vshll.u32 v9, $0x7  }
0x176: {  	s22 =	sor.u32 $0x5, s2;
	v9 =	vand.u32 $0x380, v9;
	[tilespmem:v8+s28+$0x0] =	vst.idx.msk $0xffff, v10;
	v8 =	vand.u32 $0x3000, v12  }
0x177: {  	v10 =	vld.idx.msk [tilespmem:v11+s19+$0x0], $0xffff;
	v8 =	vor.u32 v8, v9;
	v9 =	vadd.s32 s22, v0  }
0x178: {  	v8 =	vor.u32 v4, v8;
	v11 =	vand.u32 $0x1F, v9  }
0x179: {  	v11 =	vor.u32 v11, v5;
	_ =	sdelay $0x2  }
0x17a: {  	v12 =	vshll.u32 v9, $0x9;
	v9 =	vshll.u32 v9, $0x7  }
0x17b: {  	s22 =	sor.u32 $0x6, s2;
	v9 =	vand.u32 $0x380, v9;
	[tilespmem:v8+s28+$0x0] =	vst.idx.msk $0xffff, v10;
	v8 =	vand.u32 $0x3000, v12  }
0x17c: {  	v10 =	vld.idx.msk [tilespmem:v11+s19+$0x0], $0xffff;
	v8 =	vor.u32 v8, v9;
	v9 =	vadd.s32 s22, v0  }
0x17d: {  	v8 =	vor.u32 v4, v8;
	v11 =	vand.u32 $0x1F, v9  }
0x17e: {  	v11 =	vor.u32 v11, v5;
	_ =	sdelay $0x2  }
0x17f: {  	v12 =	vshll.u32 v9, $0x9;
	v9 =	vshll.u32 v9, $0x7  }
0x180: {  	s22 =	sor.u32 $0x7, s2;
	v9 =	vand.u32 $0x380, v9;
	[tilespmem:v8+s28+$0x0] =	vst.idx.msk $0xffff, v10;
	v8 =	vand.u32 $0x3000, v12  }
0x181: {  	v10 =	vld.idx.msk [tilespmem:v11+s19+$0x0], $0xffff;
	v8 =	vor.u32 v8, v9;
	v9 =	vadd.s32 s22, v0  }
0x182: {  	v8 =	vor.u32 v4, v8;
	v11 =	vand.u32 $0x1F, v9  }
0x183: {  	v11 =	vor.u32 v11, v5;
	_ =	sdelay $0x2  }
0x184: {  	v12 =	vshll.u32 v9, $0x9;
	v9 =	vshll.u32 v9, $0x7  }
0x185: {  	s22 =	sor.u32 $0x8, s2;
	v9 =	vand.u32 $0x380, v9;
	[tilespmem:v8+s28+$0x0] =	vst.idx.msk $0xffff, v10;
	v8 =	vand.u32 $0x3000, v12  }
0x186: {  	v10 =	vld.idx.msk [tilespmem:v11+s19+$0x0], $0xffff;
	v8 =	vor.u32 v8, v9;
	v9 =	vadd.s32 s22, v0  }
0x187: {  	v8 =	vor.u32 v4, v8;
	v11 =	vand.u32 $0x18, v9  }
0x188: {  	v6 =	vor.u32 v11, v6;
	_ =	sdelay $0x3  }
0x189: {  	s22 =	sor.u32 $0x9, s2;
	[tilespmem:v8+s28+$0x0] =	vst.idx.msk $0xffff, v10;
	v8 =	vshll.u32 v9, $0x9  }
0x18a: {  	v9 =	vadd.s32 s22, v0;
	v6 =	vld.idx.msk [tilespmem:v6+s19+$0x0], $0xffff;
	v8 =	vand.u32 $0x3000, v8  }
0x18b: {  	v7 =	vor.u32 v8, v7;
	v8 =	vand.u32 $0x1F, v9  }
0x18c: {  	v8 =	vor.u32 v8, v5;
	_ =	sdelay $0x2  }
0x18d: {  	v10 =	vshll.u32 v9, $0x9;
	v9 =	vshll.u32 v9, $0x7  }
0x18e: {  	s22 =	sor.u32 $0xA, s2;
	[tilespmem:v7+s28+$0x0] =	vst.idx.msk $0xffff, v6;
	v6 =	vand.u32 $0x3000, v10;
	v7 =	vand.u32 $0x380, v9  }
0x18f: {  	v8 =	vld.idx.msk [tilespmem:v8+s19+$0x0], $0xffff;
	v6 =	vor.u32 v6, v7;
	v7 =	vadd.s32 s22, v0  }
0x190: {  	v6 =	vor.u32 v4, v6;
	v9 =	vand.u32 $0x1F, v7  }
0x191: {  	v9 =	vor.u32 v9, v5;
	_ =	sdelay $0x2  }
0x192: {  	v10 =	vshll.u32 v7, $0x9;
	v7 =	vshll.u32 v7, $0x7  }
0x193: {  	s22 =	sor.u32 $0xB, s2;
	v7 =	vand.u32 $0x380, v7;
	[tilespmem:v6+s28+$0x0] =	vst.idx.msk $0xffff, v8;
	v6 =	vand.u32 $0x3000, v10  }
0x194: {  	v8 =	vld.idx.msk [tilespmem:v9+s19+$0x0], $0xffff;
	v6 =	vor.u32 v6, v7;
	v7 =	vadd.s32 s22, v0  }
0x195: {  	v6 =	vor.u32 v4, v6;
	v9 =	vand.u32 $0x1F, v7  }
0x196: {  	v9 =	vor.u32 v9, v5;
	_ =	sdelay $0x2  }
0x197: {  	v10 =	vshll.u32 v7, $0x9;
	v7 =	vshll.u32 v7, $0x7  }
0x198: {  	s22 =	sor.u32 $0xC, s2;
	v7 =	vand.u32 $0x380, v7;
	[tilespmem:v6+s28+$0x0] =	vst.idx.msk $0xffff, v8;
	v6 =	vand.u32 $0x3000, v10  }
0x199: {  	v8 =	vld.idx.msk [tilespmem:v9+s19+$0x0], $0xffff;
	v6 =	vor.u32 v6, v7;
	v7 =	vadd.s32 s22, v0  }
0x19a: {  	v6 =	vor.u32 v4, v6;
	v9 =	vand.u32 $0x1F, v7  }
0x19b: {  	v9 =	vor.u32 v9, v5;
	_ =	sdelay $0x2  }
0x19c: {  	v10 =	vshll.u32 v7, $0x9;
	v7 =	vshll.u32 v7, $0x7  }
0x19d: {  	s22 =	sor.u32 $0xD, s2;
	v7 =	vand.u32 $0x380, v7;
	[tilespmem:v6+s28+$0x0] =	vst.idx.msk $0xffff, v8;
	v6 =	vand.u32 $0x3000, v10  }
0x19e: {  	v8 =	vld.idx.msk [tilespmem:v9+s19+$0x0], $0xffff;
	v6 =	vor.u32 v6, v7;
	v7 =	vadd.s32 s22, v0  }
0x19f: {  	v6 =	vor.u32 v4, v6;
	v9 =	vand.u32 $0x1F, v7  }
0x1a0: {  	v9 =	vor.u32 v9, v5;
	_ =	sdelay $0x2  }
0x1a1: {  	v10 =	vshll.u32 v7, $0x9;
	v7 =	vshll.u32 v7, $0x7  }
0x1a2: {  	s22 =	sor.u32 $0xE, s2;
	v7 =	vand.u32 $0x380, v7;
	[tilespmem:v6+s28+$0x0] =	vst.idx.msk $0xffff, v8;
	v6 =	vand.u32 $0x3000, v10  }
0x1a3: {  	v8 =	vld.idx.msk [tilespmem:v9+s19+$0x0], $0xffff;
	v6 =	vor.u32 v6, v7;
	v7 =	vadd.s32 s22, v0  }
0x1a4: {  	v6 =	vor.u32 v4, v6;
	v9 =	vand.u32 $0x1F, v7  }
0x1a5: {  	v9 =	vor.u32 v9, v5;
	_ =	sdelay $0x2  }
0x1a6: {  	v10 =	vshll.u32 v7, $0x9;
	v7 =	vshll.u32 v7, $0x7  }
.Ltmp6:
0x1a7: {  	s2 =	sor.u32 $0xF, s2;
	v7 =	vand.u32 $0x380, v7;
	[tilespmem:v6+s28+$0x0] =	vst.idx.msk $0xffff, v8;
	v8 =	vand.u32 $0x3000, v10;
	(pc) =	sbr.rel @p0 .LBB2_9-.Ltmp6, $4  }
0x1a8: {  	v6 =	vld.idx.msk [tilespmem:v9+s19+$0x0], $0xffff;
	v7 =	vor.u32 v8, v7;
	v9 =	vadd.s32 s2, v0  }
0x1a9: {  	v8 =	vor.u32 v4, v7;
	v7 =	vand.u32 $0x1F, v9  }
0x1aa: {  	v7 =	vor.u32 v7, v5  }
0x1ab: {  	s0 =	sadd.s32 $0x8, s0  }
0x1ac: {  	_ =	sdelay $0x1  }
0x1ad: {  	v5 =	vshll.u32 v9, $0x9;
	v63 =	vshll.u32 v9, $0x7  }
0x1ae: {  	v5 =	vand.u32 $0x3000, v5;
	v9 =	vand.u32 $0x380, v63  }
0x1af: {  	[tilespmem:v8+s28+$0x0] =	vst.idx.msk $0xffff, v6;
	v5 =	vor.u32 v5, v9  }
0x1b0: {  	v6 =	vld.idx.msk [tilespmem:v7+s19+$0x0], $0xffff;
	v4 =	vor.u32 v4, v5;
	_ =	sdelay $0x4  }
0x1b1: {  	s0 =	sadd.s32 s14, s10;
	[tilespmem:v4+s28+$0x0] =	vst.idx.msk $0xffff, v6  }
0x1b2: {  	[hbm4b:s0+s3] =	stream.linear.scatter [tilespmem:s28], [sflag:$0x4], $0x1000, $0x38;
	[tilespmem:$0x13400] =	vst v63  }
0x1b3: {  	s17 =	sadd.s32 s14, s11;
	p0 =	seq.s32 s16, $0xC  }
0x1b4: {  	[hbm4b:s17+s3] =	stream.linear.scatter [tilespmem:s29], [sflag:$0x4], $0x1000, $0x38;
	[tilespmem:$0x13400] =	vst v63  }
.Ltmp7:
0x1b5: {  	_ = 	snop;
	(pc) =	sbr.rel @p0 .LBB2_12-.Ltmp7, $4  }
0x1b6: {  	s22 =	sadd.s32 s14, s12  }
0x1b7: {  	[hbm4b:s22+s3] =	stream.linear.scatter [tilespmem:s30], [sflag:$0x4], $0x1000, $0x38;
	[tilespmem:$0x13400] =	vst v63  }
0x1b8: {  	s23 =	sadd.s32 s14, s13  }
0x1b9: {  	[hbm4b:s23+s3] =	stream.linear.scatter [tilespmem:s31], [sflag:$0x4], $0x1000, $0x38;
	[tilespmem:$0x13400] =	vst v63  }
.Ltmp8:
0x1ba: {  	(pc) =	sbr.rel .LBB2_2-.Ltmp8, $4  }
0x1bb: {  	_ = 	snop  }
0x1bc: {  	s0 =	sshrl.u32 s5, $0x2  }
0x1bd: {  	s16 =	sadd.s32 $0x1, s16;
	s0 =	sadd.s32 $0x600, s0  }
0x1be: {  	[tilespmem:s19], [sflag:$0x2] =	stream.indirect.gather [hbm4b:s4+s15], $0x20, s0, s15, $0xb8;
	[tilespmem:$0x13400] =	vst v63  }
.LBB2_13:
0x1bf: {  	_ =	sfence.sel $0x180000  }
0x1c0: {  	[bflag:$0x0] =	sbarrier.arrive $0xFFFF  }
0x1c1: {  	_ =	strace $0x9000004A  }
0x1c2: {  	s0 =	stileid.u32;
	[bflag:$0x2] =	sbarrier.arrive $0xFFFF  }
0x1c3: {  	p0 =	sne.s32 s0, $0x0;
	s0 =	rddreg [dreg:$0x2]  }
0x1c4: {  	s0 =	sadd.s32 @!p0 $0x100000, s0  }
0x1c5: {  	[sflag:s0] =	ssyncadd.tile.s32 @!p0 $0x1;
	_ =	shalt  }
.Lfunc_end2:
_tile_overlayer_lowered:
.L_overlay_start_2:
0x1c6: {  	(tag) =	ssettag $0x2  }
0x1c7: {  	s0 =	rddreg [dreg:$0x0];
	s2 =	stileid.u32  }
0x1c8: {  	s1 =	rddreg [dreg:$0x1];
	p0 =	sne.s32 s2, $0x0  }
0x1c9: {  	s3 =	rddreg [dreg:$0x2];
	[bflag:$0x3] =	sbarrier.arrive $0xFFFF;
	s2 =	simm.s32 @!p0 $0x1C05  }
0x1ca: {  	[timem:s3], [sflag:s2] =	dma.local @!p0 [hbm:s0], s1  }
0x1cb: {  	s0 =	simm.s32 @!p0 $0x5  }
0x1cc: {  	_ =	swait.ge @!p0 [sflag:s0], s1  }
0x1cd: {  	s1 =	ssub.s32 @!p0 $0x0, s1;
	[sflag:s0] =	ssyncset.done @!p0 $0x0  }
0x1ce: {  	[sflag:s0] =	ssyncadd.s32 @!p0 s1  }
0x1cf: {  	[bflag:$0x3] =	sbarrier.arrive $0xFFFF  }
0x1d0: {  	_ =	shalt  }

</sc_bundles>
